<compile_context>
chip_gen: v7x
topology: tpu7x:2x2x1
jax: 0.10.2.dev20260603
libtpu: 0.0.44.dev20260713+nightly
codegen_flags: <defaults>
</compile_context>

<pallas_src>
import functools

import jax
import jax.numpy as jnp
from jax import lax
from jax.experimental import pallas as pl
from jax.experimental.pallas import tpu as pltpu
from jax.experimental.pallas import tpu_sc as plsc

_N = 10000
_E = 320000
_B = 8
_DIN = 1792
_H = 128
_H3 = 384

_NACC = 10240
_NSUB = 16
_NCORE = 2
_EPW = 10240
_EPAD = _EPW * _NSUB * _NCORE
_K = 80
_NCH = _EPW // _K
_NQUAD = _NCH // 4
_RPS = _NACC // _NSUB
_RCH = 80
_NRC = _RPS // _RCH

_BN = 2048
_G = 5


def _build_agg():
    mesh = plsc.VectorSubcoreMesh(core_axis_name="c", subcore_axis_name="s")

    @functools.partial(
        pl.kernel,
        mesh=mesh,
        out_type=[
            jax.ShapeDtypeStruct((_NACC, _H), jnp.float32),
            jax.ShapeDtypeStruct((_NACC, _H), jnp.float32),
        ],
        scratch_types=[
            pltpu.VMEM((4, 1, _K), jnp.int32),
            pltpu.VMEM((4, 1, _K), jnp.int32),
            pltpu.VMEM((_K, _H), jnp.float32),
            pltpu.VMEM((_K, _H), jnp.float32),
            pltpu.VMEM((_K, _H), jnp.float32),
            pltpu.VMEM((_K, _H), jnp.float32),
            pltpu.VMEM_SHARED((_NACC, _H), jnp.float32),
            pltpu.SemaphoreType.DMA,
            pltpu.SemaphoreType.DMA,
            pltpu.SemaphoreType.DMA,
            pltpu.SemaphoreType.DMA,
            pltpu.SemaphoreType.DMA,
            pltpu.SemaphoreType.DMA,
            pltpu.SemaphoreType.DMA,
            pltpu.SemaphoreType.DMA,
        ],
    )
    def agg(h_hbm, src_hbm, dst_hbm, out0_hbm, out1_hbm,
            si, di, rowsa, rowsb, rowsc, rowsd, acc_sh,
            semi0, semi1, semi2, semi3, semg0, semg1, semg2, semg3):
        cid = lax.axis_index("c")
        sid = lax.axis_index("s")
        wid = cid * _NSUB + sid
        base = wid * _NCH
        rows = (rowsa, rowsb, rowsc, rowsd)
        semi = (semi0, semi1, semi2, semi3)
        semg = (semg0, semg1, semg2, semg3)

        def _ichunk(c, q):
            pltpu.async_copy(src_hbm.at[pl.ds(base + c, 1)], si.at[q], semi[q])
            pltpu.async_copy(dst_hbm.at[pl.ds(base + c, 1)], di.at[q], semi[q])

        def _iwait(c, q):
            pltpu.make_async_copy(src_hbm.at[pl.ds(base + c, 1)], si.at[q],
                                  semi[q]).wait()
            pltpu.make_async_copy(dst_hbm.at[pl.ds(base + c, 1)], di.at[q],
                                  semi[q]).wait()

        def _gstart(c, q):
            pltpu.async_copy(h_hbm.at[si.at[q, 0]], rows[q], semg[q])

        def _gwait(c, q):
            pltpu.make_async_copy(h_hbm.at[si.at[q, 0]], rows[q], semg[q]).wait()

        for u in range(4):
            _ichunk(u, u)

        def _zrow(r, carry):
            for cc in range(_H // 16):
                rowsd[r, pl.ds(cc * 16, 16)] = jnp.zeros((16,), jnp.float32)
            return carry

        lax.fori_loop(0, _RCH, _zrow, 0)
        for j in range(_NRC):
            pltpu.sync_copy(rowsd, acc_sh.at[pl.ds(sid * _RPS + j * _RCH, _RCH)])
        plsc.subcore_barrier()

        for u in range(3):
            _iwait(u, u)
            _gstart(u, u)

        def _quad(p, carry):
            for u in range(4):
                j = 4 * p + u
                q = u
                q3 = (u + 3) % 4
                _gwait(j, q)
                pltpu.sync_copy(rows[q], acc_sh.at[di.at[q, 0]], add=True)

                @pl.when(j + 4 < _NCH)
                def _():
                    _ichunk(j + 4, q)

                @pl.when(j + 3 < _NCH)
                def _():
                    _iwait(j + 3, q3)
                    _gstart(j + 3, q3)

            return carry

        lax.fori_loop(0, _NQUAD, _quad, 0)
        plsc.subcore_barrier()

        for j in range(_NRC):
            r0 = sid * _RPS + j * _RCH
            pltpu.sync_copy(acc_sh.at[pl.ds(r0, _RCH)], rowsd)

            @pl.when(cid == 0)
            def _():
                pltpu.sync_copy(rowsd, out0_hbm.at[pl.ds(r0, _RCH)])

            @pl.when(cid == 1)
            def _():
                pltpu.sync_copy(rowsd, out1_hbm.at[pl.ds(r0, _RCH)])

    return agg


_agg_cache = []


def _get_agg():
    if not _agg_cache:
        _agg_cache.append(_build_agg())
    return _agg_cache[0]



def _fc_body(x_r, w_r, b_r, o_r):
    o_r[...] = jnp.maximum(
        jnp.dot(x_r[...], w_r[...], preferred_element_type=jnp.float32) + b_r[...],
        0.0)


def _fc_call(x, W, b):
    return pl.pallas_call(
        _fc_body,
        grid=(_G,),
        in_specs=[
            pl.BlockSpec((_BN, _DIN), lambda i: (i, 0)),
            pl.BlockSpec((_DIN, _H), lambda i: (0, 0)),
            pl.BlockSpec((1, _H), lambda i: (0, 0)),
        ],
        out_specs=pl.BlockSpec((_BN, _H), lambda i: (i, 0)),
        out_shape=jax.ShapeDtypeStruct((_N, _H), jnp.float32),
    )(x, W, b)


def _gin_body(h_r, a0_r, a1_r, w1_r, b1_r, w2_r, b2_r, o_r):
    z = h_r[...] + a0_r[...] + a1_r[...]
    t = jnp.maximum(
        jnp.dot(z, w1_r[...], preferred_element_type=jnp.float32,
                precision=lax.Precision.HIGHEST) + b1_r[...], 0.0)
    o_r[...] = jnp.maximum(
        jnp.dot(t, w2_r[...], preferred_element_type=jnp.float32,
                precision=lax.Precision.HIGHEST) + b2_r[...], 0.0)


def _gin_call(h, a0, a1, W1, b1, W2, b2):
    return pl.pallas_call(
        _gin_body,
        grid=(_G,),
        in_specs=[
            pl.BlockSpec((_BN, _H), lambda i: (i, 0)),
            pl.BlockSpec((_BN, _H), lambda i: (i, 0)),
            pl.BlockSpec((_BN, _H), lambda i: (i, 0)),
            pl.BlockSpec((_H, _H), lambda i: (0, 0)),
            pl.BlockSpec((1, _H), lambda i: (0, 0)),
            pl.BlockSpec((_H, _H), lambda i: (0, 0)),
            pl.BlockSpec((1, _H), lambda i: (0, 0)),
        ],
        out_specs=pl.BlockSpec((_BN, _H), lambda i: (i, 0)),
        out_shape=jax.ShapeDtypeStruct((_N, _H), jnp.float32),
    )(h, a0, a1, W1, b1, W2, b2)


def _att_body(h0_r, h1_r, h2_r, bt_r, wa_r, ba_r, wb_r, bb_r, wc_r, bc_r,
              a_out_r, m_out_r):
    i = pl.program_id(0)
    hp = jnp.concatenate([h0_r[...], h1_r[...], h2_r[...]], axis=1)
    a = jnp.tanh(jnp.dot(hp, wa_r[...], preferred_element_type=jnp.float32,
                         precision=lax.Precision.HIGHEST) + ba_r[...])
    g = jax.nn.sigmoid(jnp.dot(hp, wb_r[...], preferred_element_type=jnp.float32,
                               precision=lax.Precision.HIGHEST) + bb_r[...])
    A = jnp.dot(a * g, wc_r[...], preferred_element_type=jnp.float32,
                precision=lax.Precision.HIGHEST) + bc_r[...]
    a_out_r[...] = A
    rows = lax.broadcasted_iota(jnp.int32, (_BN, 1), 0) + i * _BN
    valid = rows < _N
    seg = lax.broadcasted_iota(jnp.int32, (_BN, _B), 1)
    mask = (bt_r[...] == seg) & valid
    vals = jnp.where(mask, A, -jnp.inf)
    blkmax = jnp.max(vals, axis=0, keepdims=True)

    @pl.when(i == 0)
    def _():
        m_out_r[...] = jnp.full((1, _B), -jnp.inf, jnp.float32)

    m_out_r[...] = jnp.maximum(m_out_r[...], blkmax)


def _att_call(h0, h1, h2, batch2, Wa, ba, Wb, bb, Wc, bc):
    return pl.pallas_call(
        _att_body,
        grid=(_G,),
        in_specs=[
            pl.BlockSpec((_BN, _H), lambda i: (i, 0)),
            pl.BlockSpec((_BN, _H), lambda i: (i, 0)),
            pl.BlockSpec((_BN, _H), lambda i: (i, 0)),
            pl.BlockSpec((_BN, 1), lambda i: (i, 0)),
            pl.BlockSpec((_H3, _H3), lambda i: (0, 0)),
            pl.BlockSpec((1, _H3), lambda i: (0, 0)),
            pl.BlockSpec((_H3, _H3), lambda i: (0, 0)),
            pl.BlockSpec((1, _H3), lambda i: (0, 0)),
            pl.BlockSpec((_H3, 1), lambda i: (0, 0)),
            pl.BlockSpec((1, 1), lambda i: (0, 0)),
        ],
        out_specs=[
            pl.BlockSpec((_BN, 1), lambda i: (i, 0)),
            pl.BlockSpec((1, _B), lambda i: (0, 0)),
        ],
        out_shape=[
            jax.ShapeDtypeStruct((_N, 1), jnp.float32),
            jax.ShapeDtypeStruct((1, _B), jnp.float32),
        ],
    )(h0, h1, h2, batch2, Wa, ba, Wb, bb, Wc, bc)


def _pool_body(h0_r, h1_r, h2_r, bt_r, a_r, m_r, wr_r, br_r, wk_r, bk_r,
               o_r, u_acc, s_acc):
    i = pl.program_id(0)

    @pl.when(i == 0)
    def _():
        u_acc[...] = jnp.zeros((_B, _H3), jnp.float32)
        s_acc[...] = jnp.zeros((_B, 1), jnp.float32)

    rows = lax.broadcasted_iota(jnp.int32, (_BN, 1), 0) + i * _BN
    valid = rows < _N
    hp = jnp.concatenate([h0_r[...], h1_r[...], h2_r[...]], axis=1)
    hp = jnp.where(valid, hp, 0.0)
    seg = lax.broadcasted_iota(jnp.int32, (_BN, _B), 1)
    mask = (bt_r[...] == seg) & valid
    e = jnp.where(mask, jnp.exp(a_r[...] - m_r[...]), 0.0)
    u_acc[...] += lax.dot_general(
        e, hp, (((0,), (0,)), ((), ())), preferred_element_type=jnp.float32, precision=lax.Precision.HIGHEST)
    s_acc[...] += lax.dot_general(
        e, jnp.ones((_BN, 1), jnp.float32), (((0,), (0,)), ((), ())),
        preferred_element_type=jnp.float32, precision=lax.Precision.HIGHEST)

    @pl.when(i == _G - 1)
    def _():
        s = s_acc[...]
        s_safe = jnp.where(s > 0.0, s, 1.0)
        pooled = u_acc[...] / s_safe
        hr = jnp.maximum(
            jnp.dot(pooled, wr_r[...], preferred_element_type=jnp.float32, precision=lax.Precision.HIGHEST)
            + br_r[...], 0.0)
        o_r[...] = (jnp.dot(hr, wk_r[...], preferred_element_type=jnp.float32, precision=lax.Precision.HIGHEST)
                    + bk_r[...])


def _pool_call(h0, h1, h2, batch2, A, m, Wr, br, Wk, bk):
    return pl.pallas_call(
        _pool_body,
        grid=(_G,),
        in_specs=[
            pl.BlockSpec((_BN, _H), lambda i: (i, 0)),
            pl.BlockSpec((_BN, _H), lambda i: (i, 0)),
            pl.BlockSpec((_BN, _H), lambda i: (i, 0)),
            pl.BlockSpec((_BN, 1), lambda i: (i, 0)),
            pl.BlockSpec((_BN, 1), lambda i: (i, 0)),
            pl.BlockSpec((1, _B), lambda i: (0, 0)),
            pl.BlockSpec((_H3, _H3), lambda i: (0, 0)),
            pl.BlockSpec((1, _H3), lambda i: (0, 0)),
            pl.BlockSpec((_H3, 1), lambda i: (0, 0)),
            pl.BlockSpec((1, 1), lambda i: (0, 0)),
        ],
        out_specs=pl.BlockSpec((_B, 1), lambda i: (0, 0)),
        out_shape=jax.ShapeDtypeStruct((_B, 1), jnp.float32),
        scratch_shapes=[
            pltpu.VMEM((_B, _H3), jnp.float32),
            pltpu.VMEM((_B, 1), jnp.float32),
        ],
    )(h0, h1, h2, batch2, A, m, Wr, br, Wk, bk)


def kernel(x, W_fc, b_fc, W1a, b1a, W1b, b1b, W2a, b2a, W2b, b2b,
           Wa, ba, Wb, bb, Wc, bc, Wr, br, Wk, bk, edge_index, batch):
    src = edge_index[0]
    dst = edge_index[1]
    pad = _EPAD - _E
    pi = jnp.arange(pad, dtype=jnp.int32)
    src_p = jnp.concatenate([src, pi % _N]).reshape(_EPAD // _K, _K)
    dst_p = jnp.concatenate([dst, _N + pi % (_NACC - _N)]).reshape(_EPAD // _K, _K)
    batch2 = batch.reshape(_N, 1)

    agg = _get_agg()
    h0 = _fc_call(x, W_fc, b_fc.reshape(1, _H))
    a00, a01 = agg(h0, src_p, dst_p)
    h1 = _gin_call(h0, a00, a01, W1a, b1a.reshape(1, _H), W1b, b1b.reshape(1, _H))
    a10, a11 = agg(h1, src_p, dst_p)
    h2 = _gin_call(h1, a10, a11, W2a, b2a.reshape(1, _H), W2b, b2b.reshape(1, _H))

    A, m = _att_call(h0, h1, h2, batch2,
                     Wa, ba.reshape(1, _H3), Wb, bb.reshape(1, _H3),
                     Wc, bc.reshape(1, 1))
    out = _pool_call(h0, h1, h2, batch2, A, m,
                     Wr, br.reshape(1, _H3), Wk, bk.reshape(1, 1))
    return out.reshape(-1)

# --- scband reference (transcript-rebuilt; emitter-appended) ---
"""Pipeline reference for scband-deep-graph-conv-surv-68642167325076 (READ-ONLY COPY).

The authoritative reference and input builder live on the scoring server;
editing this copy changes nothing except your own understanding.
"""

import jax, jax.numpy as jnp
import numpy as np

N = 10000
E = 320000
B = 8
D_IN = 1792
H = 128
H3 = 3 * H


def _lin(key, fin, fout):
    kw, kb = jax.random.split(key)
    W = jax.random.normal(kw, (fin, fout), dtype=jnp.float32) / np.sqrt(fin)
    b = jax.random.normal(kb, (fout,), dtype=jnp.float32) * 0.01
    return W, b


def setup_inputs(seed: int = 0):
    key = jax.random.key(seed)
    ks = jax.random.split(key, 16)
    x = jax.random.normal(ks[0], (N, D_IN), dtype=jnp.float32)
    edge_index = jax.random.randint(ks[1], (2, E), 0, N, dtype=jnp.int32)
    batch = jnp.sort(jax.random.randint(ks[2], (N,), 0, B, dtype=jnp.int32))
    W_fc, b_fc = _lin(ks[3], D_IN, H)
    W1a, b1a = _lin(ks[4], H, H)
    W1b, b1b = _lin(ks[5], H, H)
    W2a, b2a = _lin(ks[6], H, H)
    W2b, b2b = _lin(ks[7], H, H)
    Wa, ba = _lin(ks[8], H3, H3)
    Wb, bb = _lin(ks[9], H3, H3)
    Wc, bc = _lin(ks[10], H3, 1)
    Wr, br = _lin(ks[11], H3, H3)
    Wk, bk = _lin(ks[12], H3, 1)
    return {"x": x, "W_fc": W_fc, "b_fc": b_fc, "W1a": W1a, "b1a": b1a, "W1b": W1b, "b1b": b1b, "W2a": W2a, "b2a": b2a, "W2b": W2b, "b2b": b2b, "Wa": Wa, "ba": ba, "Wb": Wb, "bb": bb, "Wc": Wc, "bc": bc, "Wr": Wr, "br": br, "Wk": Wk, "bk": bk, "edge_index": edge_index, "batch": batch}


def reference(x, W_fc, b_fc, W1a, b1a, W1b, b1b, W2a, b2a, W2b, b2b, Wa, ba, Wb, bb, Wc, bc, Wr, br, Wk, bk, edge_index, batch):
    src = edge_index[0]
    dst = edge_index[1]

    def gin(h, W1, b1, W2, b2):
        # GINConv (eps=0): nn((1+eps)*x + sum_{j in N(i)} x_j)
        aggr = jnp.zeros_like(h).at[dst].add(h[src])
        z = h + aggr
        return jax.nn.relu(z @ W1 + b1) @ W2 + b2

    # fc (dropout is identity in eval; node drop mask is all-ones since dropout_rate=0)
    h0 = jax.nn.relu(x @ W_fc + b_fc)
    h1 = jax.nn.relu(gin(h0, W1a, b1a, W1b, b1b))
    h2 = jax.nn.relu(gin(h1, W2a, b2a, W2b, b2b))
    hp = jnp.concatenate([h0, h1, h2], axis=1)  # [N, 3H]

    # gated attention head
    a = jnp.tanh(hp @ Wa + ba)
    g = jax.nn.sigmoid(hp @ Wb + bb)
    A = (a * g) @ Wc + bc  # [N, 1]
    logits = A.reshape(-1)

    # segment softmax over graphs in the batch
    m = jax.ops.segment_max(logits, batch, num_segments=B)
    e = jnp.exp(logits - m[batch])
    s = jax.ops.segment_sum(e, batch, num_segments=B)
    w = e / s[batch]

    # attention-weighted scatter_add pooling
    pooled = jax.ops.segment_sum(hp * w[:, None], batch, num_segments=B)  # [B, 3H]

    hr = jax.nn.relu(pooled @ Wr + br)
    out = (hr @ Wk + bk).reshape(-1)  # [B]
    return out

if __name__ == "__main__":
    import jax
    _d = setup_inputs()
    print(jax.jit(kernel)(*tuple(_d.values())))

</pallas_src>

<mosaic_0001>
#map = affine_map<(d0, d1) -> (0, 0)>
module attributes {stable_mosaic.version = 14 : i64} {
  func.func @agg(%arg0: i32, %arg1: i32, %arg2: memref<10000x128xf32, #tpu.memory_space<hbm>>, %arg3: memref<4096x80xi32, #tpu.memory_space<hbm>>, %arg4: memref<4096x80xi32, #tpu.memory_space<hbm>>, %arg5: memref<10240x128xf32, #tpu.memory_space<hbm>>, %arg6: memref<10240x128xf32, #tpu.memory_space<hbm>>, %arg7: memref<4x1x80xi32, #tpu.memory_space<vmem>>, %arg8: memref<4x1x80xi32, #tpu.memory_space<vmem>>, %arg9: memref<80x128xf32, #tpu.memory_space<vmem>>, %arg10: memref<80x128xf32, #tpu.memory_space<vmem>>, %arg11: memref<80x128xf32, #tpu.memory_space<vmem>>, %arg12: memref<80x128xf32, #tpu.memory_space<vmem>>, %arg13: memref<10240x128xf32, #tpu.memory_space<vmem_shared>>, %arg14: memref<!tpu.dma_semaphore, #tpu.memory_space<semaphore_mem>>, %arg15: memref<!tpu.dma_semaphore, #tpu.memory_space<semaphore_mem>>, %arg16: memref<!tpu.dma_semaphore, #tpu.memory_space<semaphore_mem>>, %arg17: memref<!tpu.dma_semaphore, #tpu.memory_space<semaphore_mem>>, %arg18: memref<!tpu.dma_semaphore, #tpu.memory_space<semaphore_mem>>, %arg19: memref<!tpu.dma_semaphore, #tpu.memory_space<semaphore_mem>>, %arg20: memref<!tpu.dma_semaphore, #tpu.memory_space<semaphore_mem>>, %arg21: memref<!tpu.dma_semaphore, #tpu.memory_space<semaphore_mem>>) attributes {dimension_semantics = [#tpu.dimension_semantics<core_parallel>, #tpu.dimension_semantics<subcore_parallel>], iteration_bounds = array<i64: 2, 16>, scalar_prefetch = 0 : i64, scratch_operands = 15 : i64, tpu.core_type = #tpu.core_type<sc_vector_subcore>, window_params = [{transform_indices = #map}, {transform_indices = #map}, {transform_indices = #map}, {transform_indices = #map}, {transform_indices = #map}]} {
    %mul3A = arith.constant 16 : i32
    %mul3A_0 = arith.muli %arg0, %mul3A : i32
    %add3A = arith.addi %mul3A_0, %arg1 : i32
    %mul3A_1 = arith.constant 128 : i32
    %mul3A_2 = arith.muli %add3A, %mul3A_1 : i32
    %add3A_3 = arith.constant 0 : i32
    %add3A_4 = arith.addi %mul3A_2, %add3A_3 : i32
    %dma_start3A = arith.constant 0 : i32
    %dma_start3A_5 = arith.constant 0 : i32
    %dma_start3A_6 = arith.constant 0 : i32
    %dma_start3A_7 = tpu.memref_slice %arg7[%dma_start3A, %dma_start3A_5, %dma_start3A_6] : memref<4x1x80xi32, #tpu.memory_space<vmem>> -> memref<1x1x80xi32, #tpu.memory_space<vmem>>
    %dma_start3A_8 = tpu.memref_squeeze %dma_start3A_7 : memref<1x1x80xi32, #tpu.memory_space<vmem>> -> memref<1x80xi32, #tpu.memory_space<vmem>>
    %dma_start3A_9 = arith.constant 0 : i32
    %dma_start3A_10 = tpu.memref_slice %arg3[%add3A_4, %dma_start3A_9] : memref<4096x80xi32, #tpu.memory_space<hbm>> -> memref<1x80xi32, #tpu.memory_space<hbm>>
    %dma_start3A_11 = arith.constant 0 : i32
    %dma_start3A_12 = arith.constant 0 : i32
    %dma_start3A_13 = tpu.memref_slice %arg7[%dma_start3A, %dma_start3A_11, %dma_start3A_12] : memref<4x1x80xi32, #tpu.memory_space<vmem>> -> memref<1x1x80xi32, #tpu.memory_space<vmem>>
    %dma_start3A_14 = tpu.memref_squeeze %dma_start3A_13 : memref<1x1x80xi32, #tpu.memory_space<vmem>> -> memref<1x80xi32, #tpu.memory_space<vmem>>
    %dma_start3A_15 = arith.constant 0 : i32
    %dma_start3A_16 = tpu.memref_slice %arg3[%add3A_4, %dma_start3A_15] : memref<4096x80xi32, #tpu.memory_space<hbm>> -> memref<1x80xi32, #tpu.memory_space<hbm>>
    tpu.enqueue_dma source(%dma_start3A_16 : memref<1x80xi32, #tpu.memory_space<hbm>>) target(%dma_start3A_14 : memref<1x80xi32, #tpu.memory_space<vmem>>) target_semaphore(%arg14 : memref<!tpu.dma_semaphore, #tpu.memory_space<semaphore_mem>>)
    %add3A_17 = arith.constant 0 : i32
    %add3A_18 = arith.addi %mul3A_2, %add3A_17 : i32
    %dma_start3A_19 = arith.constant 0 : i32
    %dma_start3A_20 = arith.constant 0 : i32
    %dma_start3A_21 = arith.constant 0 : i32
    %dma_start3A_22 = tpu.memref_slice %arg8[%dma_start3A_19, %dma_start3A_20, %dma_start3A_21] : memref<4x1x80xi32, #tpu.memory_space<vmem>> -> memref<1x1x80xi32, #tpu.memory_space<vmem>>
    %dma_start3A_23 = tpu.memref_squeeze %dma_start3A_22 : memref<1x1x80xi32, #tpu.memory_space<vmem>> -> memref<1x80xi32, #tpu.memory_space<vmem>>
    %dma_start3A_24 = arith.constant 0 : i32
    %dma_start3A_25 = tpu.memref_slice %arg4[%add3A_18, %dma_start3A_24] : memref<4096x80xi32, #tpu.memory_space<hbm>> -> memref<1x80xi32, #tpu.memory_space<hbm>>
    %dma_start3A_26 = arith.constant 0 : i32
    %dma_start3A_27 = arith.constant 0 : i32
    %dma_start3A_28 = tpu.memref_slice %arg8[%dma_start3A_19, %dma_start3A_26, %dma_start3A_27] : memref<4x1x80xi32, #tpu.memory_space<vmem>> -> memref<1x1x80xi32, #tpu.memory_space<vmem>>
    %dma_start3A_29 = tpu.memref_squeeze %dma_start3A_28 : memref<1x1x80xi32, #tpu.memory_space<vmem>> -> memref<1x80xi32, #tpu.memory_space<vmem>>
    %dma_start3A_30 = arith.constant 0 : i32
    %dma_start3A_31 = tpu.memref_slice %arg4[%add3A_18, %dma_start3A_30] : memref<4096x80xi32, #tpu.memory_space<hbm>> -> memref<1x80xi32, #tpu.memory_space<hbm>>
    tpu.enqueue_dma source(%dma_start3A_31 : memref<1x80xi32, #tpu.memory_space<hbm>>) target(%dma_start3A_29 : memref<1x80xi32, #tpu.memory_space<vmem>>) target_semaphore(%arg14 : memref<!tpu.dma_semaphore, #tpu.memory_space<semaphore_mem>>)
    %add3A_32 = arith.constant 1 : i32
    %add3A_33 = arith.addi %mul3A_2, %add3A_32 : i32
    %dma_start3A_34 = arith.constant 1 : i32
    %dma_start3A_35 = arith.constant 0 : i32
    %dma_start3A_36 = arith.constant 0 : i32
    %dma_start3A_37 = tpu.memref_slice %arg7[%dma_start3A_34, %dma_start3A_35, %dma_start3A_36] : memref<4x1x80xi32, #tpu.memory_space<vmem>> -> memref<1x1x80xi32, #tpu.memory_space<vmem>>
    %dma_start3A_38 = tpu.memref_squeeze %dma_start3A_37 : memref<1x1x80xi32, #tpu.memory_space<vmem>> -> memref<1x80xi32, #tpu.memory_space<vmem>>
    %dma_start3A_39 = arith.constant 0 : i32
    %dma_start3A_40 = tpu.memref_slice %arg3[%add3A_33, %dma_start3A_39] : memref<4096x80xi32, #tpu.memory_space<hbm>> -> memref<1x80xi32, #tpu.memory_space<hbm>>
    %dma_start3A_41 = arith.constant 0 : i32
    %dma_start3A_42 = arith.constant 0 : i32
    %dma_start3A_43 = tpu.memref_slice %arg7[%dma_start3A_34, %dma_start3A_41, %dma_start3A_42] : memref<4x1x80xi32, #tpu.memory_space<vmem>> -> memref<1x1x80xi32, #tpu.memory_space<vmem>>
    %dma_start3A_44 = tpu.memref_squeeze %dma_start3A_43 : memref<1x1x80xi32, #tpu.memory_space<vmem>> -> memref<1x80xi32, #tpu.memory_space<vmem>>
    %dma_start3A_45 = arith.constant 0 : i32
    %dma_start3A_46 = tpu.memref_slice %arg3[%add3A_33, %dma_start3A_45] : memref<4096x80xi32, #tpu.memory_space<hbm>> -> memref<1x80xi32, #tpu.memory_space<hbm>>
    tpu.enqueue_dma source(%dma_start3A_46 : memref<1x80xi32, #tpu.memory_space<hbm>>) target(%dma_start3A_44 : memref<1x80xi32, #tpu.memory_space<vmem>>) target_semaphore(%arg15 : memref<!tpu.dma_semaphore, #tpu.memory_space<semaphore_mem>>)
    %add3A_47 = arith.constant 1 : i32
    %add3A_48 = arith.addi %mul3A_2, %add3A_47 : i32
    %dma_start3A_49 = arith.constant 1 : i32
    %dma_start3A_50 = arith.constant 0 : i32
    %dma_start3A_51 = arith.constant 0 : i32
    %dma_start3A_52 = tpu.memref_slice %arg8[%dma_start3A_49, %dma_start3A_50, %dma_start3A_51] : memref<4x1x80xi32, #tpu.memory_space<vmem>> -> memref<1x1x80xi32, #tpu.memory_space<vmem>>
    %dma_start3A_53 = tpu.memref_squeeze %dma_start3A_52 : memref<1x1x80xi32, #tpu.memory_space<vmem>> -> memref<1x80xi32, #tpu.memory_space<vmem>>
    %dma_start3A_54 = arith.constant 0 : i32
    %dma_start3A_55 = tpu.memref_slice %arg4[%add3A_48, %dma_start3A_54] : memref<4096x80xi32, #tpu.memory_space<hbm>> -> memref<1x80xi32, #tpu.memory_space<hbm>>
    %dma_start3A_56 = arith.constant 0 : i32
    %dma_start3A_57 = arith.constant 0 : i32
    %dma_start3A_58 = tpu.memref_slice %arg8[%dma_start3A_49, %dma_start3A_56, %dma_start3A_57] : memref<4x1x80xi32, #tpu.memory_space<vmem>> -> memref<1x1x80xi32, #tpu.memory_space<vmem>>
    %dma_start3A_59 = tpu.memref_squeeze %dma_start3A_58 : memref<1x1x80xi32, #tpu.memory_space<vmem>> -> memref<1x80xi32, #tpu.memory_space<vmem>>
    %dma_start3A_60 = arith.constant 0 : i32
    %dma_start3A_61 = tpu.memref_slice %arg4[%add3A_48, %dma_start3A_60] : memref<4096x80xi32, #tpu.memory_space<hbm>> -> memref<1x80xi32, #tpu.memory_space<hbm>>
    tpu.enqueue_dma source(%dma_start3A_61 : memref<1x80xi32, #tpu.memory_space<hbm>>) target(%dma_start3A_59 : memref<1x80xi32, #tpu.memory_space<vmem>>) target_semaphore(%arg15 : memref<!tpu.dma_semaphore, #tpu.memory_space<semaphore_mem>>)
    %add3A_62 = arith.constant 2 : i32
    %add3A_63 = arith.addi %mul3A_2, %add3A_62 : i32
    %dma_start3A_64 = arith.constant 2 : i32
    %dma_start3A_65 = arith.constant 0 : i32
    %dma_start3A_66 = arith.constant 0 : i32
    %dma_start3A_67 = tpu.memref_slice %arg7[%dma_start3A_64, %dma_start3A_65, %dma_start3A_66] : memref<4x1x80xi32, #tpu.memory_space<vmem>> -> memref<1x1x80xi32, #tpu.memory_space<vmem>>
    %dma_start3A_68 = tpu.memref_squeeze %dma_start3A_67 : memref<1x1x80xi32, #tpu.memory_space<vmem>> -> memref<1x80xi32, #tpu.memory_space<vmem>>
    %dma_start3A_69 = arith.constant 0 : i32
    %dma_start3A_70 = tpu.memref_slice %arg3[%add3A_63, %dma_start3A_69] : memref<4096x80xi32, #tpu.memory_space<hbm>> -> memref<1x80xi32, #tpu.memory_space<hbm>>
    %dma_start3A_71 = arith.constant 0 : i32
    %dma_start3A_72 = arith.constant 0 : i32
    %dma_start3A_73 = tpu.memref_slice %arg7[%dma_start3A_64, %dma_start3A_71, %dma_start3A_72] : memref<4x1x80xi32, #tpu.memory_space<vmem>> -> memref<1x1x80xi32, #tpu.memory_space<vmem>>
    %dma_start3A_74 = tpu.memref_squeeze %dma_start3A_73 : memref<1x1x80xi32, #tpu.memory_space<vmem>> -> memref<1x80xi32, #tpu.memory_space<vmem>>
    %dma_start3A_75 = arith.constant 0 : i32
    %dma_start3A_76 = tpu.memref_slice %arg3[%add3A_63, %dma_start3A_75] : memref<4096x80xi32, #tpu.memory_space<hbm>> -> memref<1x80xi32, #tpu.memory_space<hbm>>
    tpu.enqueue_dma source(%dma_start3A_76 : memref<1x80xi32, #tpu.memory_space<hbm>>) target(%dma_start3A_74 : memref<1x80xi32, #tpu.memory_space<vmem>>) target_semaphore(%arg16 : memref<!tpu.dma_semaphore, #tpu.memory_space<semaphore_mem>>)
    %add3A_77 = arith.constant 2 : i32
    %add3A_78 = arith.addi %mul3A_2, %add3A_77 : i32
    %dma_start3A_79 = arith.constant 2 : i32
    %dma_start3A_80 = arith.constant 0 : i32
    %dma_start3A_81 = arith.constant 0 : i32
    %dma_start3A_82 = tpu.memref_slice %arg8[%dma_start3A_79, %dma_start3A_80, %dma_start3A_81] : memref<4x1x80xi32, #tpu.memory_space<vmem>> -> memref<1x1x80xi32, #tpu.memory_space<vmem>>
    %dma_start3A_83 = tpu.memref_squeeze %dma_start3A_82 : memref<1x1x80xi32, #tpu.memory_space<vmem>> -> memref<1x80xi32, #tpu.memory_space<vmem>>
    %dma_start3A_84 = arith.constant 0 : i32
    %dma_start3A_85 = tpu.memref_slice %arg4[%add3A_78, %dma_start3A_84] : memref<4096x80xi32, #tpu.memory_space<hbm>> -> memref<1x80xi32, #tpu.memory_space<hbm>>
    %dma_start3A_86 = arith.constant 0 : i32
    %dma_start3A_87 = arith.constant 0 : i32
    %dma_start3A_88 = tpu.memref_slice %arg8[%dma_start3A_79, %dma_start3A_86, %dma_start3A_87] : memref<4x1x80xi32, #tpu.memory_space<vmem>> -> memref<1x1x80xi32, #tpu.memory_space<vmem>>
    %dma_start3A_89 = tpu.memref_squeeze %dma_start3A_88 : memref<1x1x80xi32, #tpu.memory_space<vmem>> -> memref<1x80xi32, #tpu.memory_space<vmem>>
    %dma_start3A_90 = arith.constant 0 : i32
    %dma_start3A_91 = tpu.memref_slice %arg4[%add3A_78, %dma_start3A_90] : memref<4096x80xi32, #tpu.memory_space<hbm>> -> memref<1x80xi32, #tpu.memory_space<hbm>>
    tpu.enqueue_dma source(%dma_start3A_91 : memref<1x80xi32, #tpu.memory_space<hbm>>) target(%dma_start3A_89 : memref<1x80xi32, #tpu.memory_space<vmem>>) target_semaphore(%arg16 : memref<!tpu.dma_semaphore, #tpu.memory_space<semaphore_mem>>)
    %add3A_92 = arith.constant 3 : i32
    %add3A_93 = arith.addi %mul3A_2, %add3A_92 : i32
    %dma_start3A_94 = arith.constant 3 : i32
    %dma_start3A_95 = arith.constant 0 : i32
    %dma_start3A_96 = arith.constant 0 : i32
    %dma_start3A_97 = tpu.memref_slice %arg7[%dma_start3A_94, %dma_start3A_95, %dma_start3A_96] : memref<4x1x80xi32, #tpu.memory_space<vmem>> -> memref<1x1x80xi32, #tpu.memory_space<vmem>>
    %dma_start3A_98 = tpu.memref_squeeze %dma_start3A_97 : memref<1x1x80xi32, #tpu.memory_space<vmem>> -> memref<1x80xi32, #tpu.memory_space<vmem>>
    %dma_start3A_99 = arith.constant 0 : i32
    %dma_start3A_100 = tpu.memref_slice %arg3[%add3A_93, %dma_start3A_99] : memref<4096x80xi32, #tpu.memory_space<hbm>> -> memref<1x80xi32, #tpu.memory_space<hbm>>
    %dma_start3A_101 = arith.constant 0 : i32
    %dma_start3A_102 = arith.constant 0 : i32
    %dma_start3A_103 = tpu.memref_slice %arg7[%dma_start3A_94, %dma_start3A_101, %dma_start3A_102] : memref<4x1x80xi32, #tpu.memory_space<vmem>> -> memref<1x1x80xi32, #tpu.memory_space<vmem>>
    %dma_start3A_104 = tpu.memref_squeeze %dma_start3A_103 : memref<1x1x80xi32, #tpu.memory_space<vmem>> -> memref<1x80xi32, #tpu.memory_space<vmem>>
    %dma_start3A_105 = arith.constant 0 : i32
    %dma_start3A_106 = tpu.memref_slice %arg3[%add3A_93, %dma_start3A_105] : memref<4096x80xi32, #tpu.memory_space<hbm>> -> memref<1x80xi32, #tpu.memory_space<hbm>>
    tpu.enqueue_dma source(%dma_start3A_106 : memref<1x80xi32, #tpu.memory_space<hbm>>) target(%dma_start3A_104 : memref<1x80xi32, #tpu.memory_space<vmem>>) target_semaphore(%arg17 : memref<!tpu.dma_semaphore, #tpu.memory_space<semaphore_mem>>)
    %add3A_107 = arith.constant 3 : i32
    %add3A_108 = arith.addi %mul3A_2, %add3A_107 : i32
    %dma_start3A_109 = arith.constant 3 : i32
    %dma_start3A_110 = arith.constant 0 : i32
    %dma_start3A_111 = arith.constant 0 : i32
    %dma_start3A_112 = tpu.memref_slice %arg8[%dma_start3A_109, %dma_start3A_110, %dma_start3A_111] : memref<4x1x80xi32, #tpu.memory_space<vmem>> -> memref<1x1x80xi32, #tpu.memory_space<vmem>>
    %dma_start3A_113 = tpu.memref_squeeze %dma_start3A_112 : memref<1x1x80xi32, #tpu.memory_space<vmem>> -> memref<1x80xi32, #tpu.memory_space<vmem>>
    %dma_start3A_114 = arith.constant 0 : i32
    %dma_start3A_115 = tpu.memref_slice %arg4[%add3A_108, %dma_start3A_114] : memref<4096x80xi32, #tpu.memory_space<hbm>> -> memref<1x80xi32, #tpu.memory_space<hbm>>
    %dma_start3A_116 = arith.constant 0 : i32
    %dma_start3A_117 = arith.constant 0 : i32
    %dma_start3A_118 = tpu.memref_slice %arg8[%dma_start3A_109, %dma_start3A_116, %dma_start3A_117] : memref<4x1x80xi32, #tpu.memory_space<vmem>> -> memref<1x1x80xi32, #tpu.memory_space<vmem>>
    %dma_start3A_119 = tpu.memref_squeeze %dma_start3A_118 : memref<1x1x80xi32, #tpu.memory_space<vmem>> -> memref<1x80xi32, #tpu.memory_space<vmem>>
    %dma_start3A_120 = arith.constant 0 : i32
    %dma_start3A_121 = tpu.memref_slice %arg4[%add3A_108, %dma_start3A_120] : memref<4096x80xi32, #tpu.memory_space<hbm>> -> memref<1x80xi32, #tpu.memory_space<hbm>>
    tpu.enqueue_dma source(%dma_start3A_121 : memref<1x80xi32, #tpu.memory_space<hbm>>) target(%dma_start3A_119 : memref<1x80xi32, #tpu.memory_space<vmem>>) target_semaphore(%arg17 : memref<!tpu.dma_semaphore, #tpu.memory_space<semaphore_mem>>)
    %scan3A = arith.constant 0 : i32
    %scan3A_122 = arith.constant 0 : i32
    %scan3A_123 = arith.constant 80 : i32
    %scan3A_124 = arith.addi %scan3A_122, %scan3A_123 : i32
    %scan3A_125 = arith.constant 1 : i32
    scf.for %scan3A_388 = %scan3A_122 to %scan3A_124 step %scan3A_125  : i32 {
      %broadcast_in_dim3A = arith.constant 0.000000e+00 : f32
      %broadcast_in_dim3A_389 = vector.broadcast %broadcast_in_dim3A : f32 to vector<16xf32>
      %swap3A = arith.index_cast %scan3A_388 : i32 to index
      %swap3A_390 = arith.constant 0 : index
      %swap3A_391 = tpu.vector_load %arg12[%swap3A, %swap3A_390] {strides = array<i32>} : memref<80x128xf32, #tpu.memory_space<vmem>>, vector<1x16xf32>,
      %swap3A_392 = vector.shape_cast %swap3A_391 : vector<1x16xf32> to vector<16xf32>
      %swap3A_393 = vector.shape_cast %broadcast_in_dim3A_389 : vector<16xf32> to vector<1x16xf32>
      tpu.vector_store %arg12[%swap3A, %swap3A_390], %swap3A_393 {strides = array<i32>} : memref<80x128xf32, #tpu.memory_space<vmem>>, vector<1x16xf32>,
      %broadcast_in_dim3A_394 = arith.constant 0.000000e+00 : f32
      %broadcast_in_dim3A_395 = vector.broadcast %broadcast_in_dim3A_394 : f32 to vector<16xf32>
      %swap3A_396 = arith.index_cast %scan3A_388 : i32 to index
      %swap3A_397 = arith.constant 16 : index
      %swap3A_398 = tpu.vector_load %arg12[%swap3A_396, %swap3A_397] {strides = array<i32>} : memref<80x128xf32, #tpu.memory_space<vmem>>, vector<1x16xf32>,
      %swap3A_399 = vector.shape_cast %swap3A_398 : vector<1x16xf32> to vector<16xf32>
      %swap3A_400 = vector.shape_cast %broadcast_in_dim3A_395 : vector<16xf32> to vector<1x16xf32>
      tpu.vector_store %arg12[%swap3A_396, %swap3A_397], %swap3A_400 {strides = array<i32>} : memref<80x128xf32, #tpu.memory_space<vmem>>, vector<1x16xf32>,
      %broadcast_in_dim3A_401 = arith.constant 0.000000e+00 : f32
      %broadcast_in_dim3A_402 = vector.broadcast %broadcast_in_dim3A_401 : f32 to vector<16xf32>
      %swap3A_403 = arith.index_cast %scan3A_388 : i32 to index
      %swap3A_404 = arith.constant 32 : index
      %swap3A_405 = tpu.vector_load %arg12[%swap3A_403, %swap3A_404] {strides = array<i32>} : memref<80x128xf32, #tpu.memory_space<vmem>>, vector<1x16xf32>,
      %swap3A_406 = vector.shape_cast %swap3A_405 : vector<1x16xf32> to vector<16xf32>
      %swap3A_407 = vector.shape_cast %broadcast_in_dim3A_402 : vector<16xf32> to vector<1x16xf32>
      tpu.vector_store %arg12[%swap3A_403, %swap3A_404], %swap3A_407 {strides = array<i32>} : memref<80x128xf32, #tpu.memory_space<vmem>>, vector<1x16xf32>,
      %broadcast_in_dim3A_408 = arith.constant 0.000000e+00 : f32
      %broadcast_in_dim3A_409 = vector.broadcast %broadcast_in_dim3A_408 : f32 to vector<16xf32>
      %swap3A_410 = arith.index_cast %scan3A_388 : i32 to index
      %swap3A_411 = arith.constant 48 : index
      %swap3A_412 = tpu.vector_load %arg12[%swap3A_410, %swap3A_411] {strides = array<i32>} : memref<80x128xf32, #tpu.memory_space<vmem>>, vector<1x16xf32>,
      %swap3A_413 = vector.shape_cast %swap3A_412 : vector<1x16xf32> to vector<16xf32>
      %swap3A_414 = vector.shape_cast %broadcast_in_dim3A_409 : vector<16xf32> to vector<1x16xf32>
      tpu.vector_store %arg12[%swap3A_410, %swap3A_411], %swap3A_414 {strides = array<i32>} : memref<80x128xf32, #tpu.memory_space<vmem>>, vector<1x16xf32>,
      %broadcast_in_dim3A_415 = arith.constant 0.000000e+00 : f32
      %broadcast_in_dim3A_416 = vector.broadcast %broadcast_in_dim3A_415 : f32 to vector<16xf32>
      %swap3A_417 = arith.index_cast %scan3A_388 : i32 to index
      %swap3A_418 = arith.constant 64 : index
      %swap3A_419 = tpu.vector_load %arg12[%swap3A_417, %swap3A_418] {strides = array<i32>} : memref<80x128xf32, #tpu.memory_space<vmem>>, vector<1x16xf32>,
      %swap3A_420 = vector.shape_cast %swap3A_419 : vector<1x16xf32> to vector<16xf32>
      %swap3A_421 = vector.shape_cast %broadcast_in_dim3A_416 : vector<16xf32> to vector<1x16xf32>
      tpu.vector_store %arg12[%swap3A_417, %swap3A_418], %swap3A_421 {strides = array<i32>} : memref<80x128xf32, #tpu.memory_space<vmem>>, vector<1x16xf32>,
      %broadcast_in_dim3A_422 = arith.constant 0.000000e+00 : f32
      %broadcast_in_dim3A_423 = vector.broadcast %broadcast_in_dim3A_422 : f32 to vector<16xf32>
      %swap3A_424 = arith.index_cast %scan3A_388 : i32 to index
      %swap3A_425 = arith.constant 80 : index
      %swap3A_426 = tpu.vector_load %arg12[%swap3A_424, %swap3A_425] {strides = array<i32>} : memref<80x128xf32, #tpu.memory_space<vmem>>, vector<1x16xf32>,
      %swap3A_427 = vector.shape_cast %swap3A_426 : vector<1x16xf32> to vector<16xf32>
      %swap3A_428 = vector.shape_cast %broadcast_in_dim3A_423 : vector<16xf32> to vector<1x16xf32>
      tpu.vector_store %arg12[%swap3A_424, %swap3A_425], %swap3A_428 {strides = array<i32>} : memref<80x128xf32, #tpu.memory_space<vmem>>, vector<1x16xf32>,
      %broadcast_in_dim3A_429 = arith.constant 0.000000e+00 : f32
      %broadcast_in_dim3A_430 = vector.broadcast %broadcast_in_dim3A_429 : f32 to vector<16xf32>
      %swap3A_431 = arith.index_cast %scan3A_388 : i32 to index
      %swap3A_432 = arith.constant 96 : index
      %swap3A_433 = tpu.vector_load %arg12[%swap3A_431, %swap3A_432] {strides = array<i32>} : memref<80x128xf32, #tpu.memory_space<vmem>>, vector<1x16xf32>,
      %swap3A_434 = vector.shape_cast %swap3A_433 : vector<1x16xf32> to vector<16xf32>
      %swap3A_435 = vector.shape_cast %broadcast_in_dim3A_430 : vector<16xf32> to vector<1x16xf32>
      tpu.vector_store %arg12[%swap3A_431, %swap3A_432], %swap3A_435 {strides = array<i32>} : memref<80x128xf32, #tpu.memory_space<vmem>>, vector<1x16xf32>,
      %broadcast_in_dim3A_436 = arith.constant 0.000000e+00 : f32
      %broadcast_in_dim3A_437 = vector.broadcast %broadcast_in_dim3A_436 : f32 to vector<16xf32>
      %swap3A_438 = arith.index_cast %scan3A_388 : i32 to index
      %swap3A_439 = arith.constant 112 : index
      %swap3A_440 = tpu.vector_load %arg12[%swap3A_438, %swap3A_439] {strides = array<i32>} : memref<80x128xf32, #tpu.memory_space<vmem>>, vector<1x16xf32>,
      %swap3A_441 = vector.shape_cast %swap3A_440 : vector<1x16xf32> to vector<16xf32>
      %swap3A_442 = vector.shape_cast %broadcast_in_dim3A_437 : vector<16xf32> to vector<1x16xf32>
      tpu.vector_store %arg12[%swap3A_438, %swap3A_439], %swap3A_442 {strides = array<i32>} : memref<80x128xf32, #tpu.memory_space<vmem>>, vector<1x16xf32>,
    }
    %scan3A_126 = arith.constant 80 : i32
    %mul3A_127 = arith.constant 640 : i32
    %mul3A_128 = arith.muli %arg1, %mul3A_127 : i32
    %add3A_129 = arith.constant 0 : i32
    %add3A_130 = arith.addi %mul3A_128, %add3A_129 : i32
    "tpu.region"() ({
      %run_scoped3A = tpu.sem_alloc : memref<!tpu.dma_semaphore, #tpu.memory_space<semaphore_mem>>
      %dma_start3A_388 = arith.constant 0 : i32
      %dma_start3A_389 = tpu.memref_slice %arg13[%add3A_130, %dma_start3A_388] : memref<10240x128xf32, #tpu.memory_space<vmem_shared>> -> memref<80x128xf32, #tpu.memory_space<vmem_shared>>
      %dma_start3A_390 = arith.constant 0 : i32
      %dma_start3A_391 = tpu.memref_slice %arg13[%add3A_130, %dma_start3A_390] : memref<10240x128xf32, #tpu.memory_space<vmem_shared>> -> memref<80x128xf32, #tpu.memory_space<vmem_shared>>
      tpu.enqueue_dma source(%arg12 : memref<80x128xf32, #tpu.memory_space<vmem>>) target(%dma_start3A_391 : memref<80x128xf32, #tpu.memory_space<vmem_shared>>) target_semaphore(%run_scoped3A : memref<!tpu.dma_semaphore, #tpu.memory_space<semaphore_mem>>)
      %dma_wait3A_392 = arith.constant 0 : i32
      %dma_wait3A_393 = tpu.memref_slice %arg13[%add3A_130, %dma_wait3A_392] : memref<10240x128xf32, #tpu.memory_space<vmem_shared>> -> memref<80x128xf32, #tpu.memory_space<vmem_shared>>
      %dma_wait3A_394 = arith.constant 0 : i32
      %dma_wait3A_395 = tpu.memref_slice %arg13[%add3A_130, %dma_wait3A_394] : memref<10240x128xf32, #tpu.memory_space<vmem_shared>> -> memref<80x128xf32, #tpu.memory_space<vmem_shared>>
      tpu.wait_dma2 semaphore(%run_scoped3A : memref<!tpu.dma_semaphore, #tpu.memory_space<semaphore_mem>>) src(%arg12 : memref<80x128xf32, #tpu.memory_space<vmem>>) dst(%dma_wait3A_395 : memref<80x128xf32, #tpu.memory_space<vmem_shared>>)
      tpu.yield
    }) : () -> ()
    %mul3A_131 = arith.constant 640 : i32
    %mul3A_132 = arith.muli %arg1, %mul3A_131 : i32
    %add3A_133 = arith.constant 80 : i32
    %add3A_134 = arith.addi %mul3A_132, %add3A_133 : i32
    "tpu.region"() ({
      %run_scoped3A = tpu.sem_alloc : memref<!tpu.dma_semaphore, #tpu.memory_space<semaphore_mem>>
      %dma_start3A_388 = arith.constant 0 : i32
      %dma_start3A_389 = tpu.memref_slice %arg13[%add3A_134, %dma_start3A_388] : memref<10240x128xf32, #tpu.memory_space<vmem_shared>> -> memref<80x128xf32, #tpu.memory_space<vmem_shared>>
      %dma_start3A_390 = arith.constant 0 : i32
      %dma_start3A_391 = tpu.memref_slice %arg13[%add3A_134, %dma_start3A_390] : memref<10240x128xf32, #tpu.memory_space<vmem_shared>> -> memref<80x128xf32, #tpu.memory_space<vmem_shared>>
      tpu.enqueue_dma source(%arg12 : memref<80x128xf32, #tpu.memory_space<vmem>>) target(%dma_start3A_391 : memref<80x128xf32, #tpu.memory_space<vmem_shared>>) target_semaphore(%run_scoped3A : memref<!tpu.dma_semaphore, #tpu.memory_space<semaphore_mem>>)
      %dma_wait3A_392 = arith.constant 0 : i32
      %dma_wait3A_393 = tpu.memref_slice %arg13[%add3A_134, %dma_wait3A_392] : memref<10240x128xf32, #tpu.memory_space<vmem_shared>> -> memref<80x128xf32, #tpu.memory_space<vmem_shared>>
      %dma_wait3A_394 = arith.constant 0 : i32
      %dma_wait3A_395 = tpu.memref_slice %arg13[%add3A_134, %dma_wait3A_394] : memref<10240x128xf32, #tpu.memory_space<vmem_shared>> -> memref<80x128xf32, #tpu.memory_space<vmem_shared>>
      tpu.wait_dma2 semaphore(%run_scoped3A : memref<!tpu.dma_semaphore, #tpu.memory_space<semaphore_mem>>) src(%arg12 : memref<80x128xf32, #tpu.memory_space<vmem>>) dst(%dma_wait3A_395 : memref<80x128xf32, #tpu.memory_space<vmem_shared>>)
      tpu.yield
    }) : () -> ()
    %mul3A_135 = arith.constant 640 : i32
    %mul3A_136 = arith.muli %arg1, %mul3A_135 : i32
    %add3A_137 = arith.constant 160 : i32
    %add3A_138 = arith.addi %mul3A_136, %add3A_137 : i32
    "tpu.region"() ({
      %run_scoped3A = tpu.sem_alloc : memref<!tpu.dma_semaphore, #tpu.memory_space<semaphore_mem>>
      %dma_start3A_388 = arith.constant 0 : i32
      %dma_start3A_389 = tpu.memref_slice %arg13[%add3A_138, %dma_start3A_388] : memref<10240x128xf32, #tpu.memory_space<vmem_shared>> -> memref<80x128xf32, #tpu.memory_space<vmem_shared>>
      %dma_start3A_390 = arith.constant 0 : i32
      %dma_start3A_391 = tpu.memref_slice %arg13[%add3A_138, %dma_start3A_390] : memref<10240x128xf32, #tpu.memory_space<vmem_shared>> -> memref<80x128xf32, #tpu.memory_space<vmem_shared>>
      tpu.enqueue_dma source(%arg12 : memref<80x128xf32, #tpu.memory_space<vmem>>) target(%dma_start3A_391 : memref<80x128xf32, #tpu.memory_space<vmem_shared>>) target_semaphore(%run_scoped3A : memref<!tpu.dma_semaphore, #tpu.memory_space<semaphore_mem>>)
      %dma_wait3A_392 = arith.constant 0 : i32
      %dma_wait3A_393 = tpu.memref_slice %arg13[%add3A_138, %dma_wait3A_392] : memref<10240x128xf32, #tpu.memory_space<vmem_shared>> -> memref<80x128xf32, #tpu.memory_space<vmem_shared>>
      %dma_wait3A_394 = arith.constant 0 : i32
      %dma_wait3A_395 = tpu.memref_slice %arg13[%add3A_138, %dma_wait3A_394] : memref<10240x128xf32, #tpu.memory_space<vmem_shared>> -> memref<80x128xf32, #tpu.memory_space<vmem_shared>>
      tpu.wait_dma2 semaphore(%run_scoped3A : memref<!tpu.dma_semaphore, #tpu.memory_space<semaphore_mem>>) src(%arg12 : memref<80x128xf32, #tpu.memory_space<vmem>>) dst(%dma_wait3A_395 : memref<80x128xf32, #tpu.memory_space<vmem_shared>>)
      tpu.yield
    }) : () -> ()
    %mul3A_139 = arith.constant 640 : i32
    %mul3A_140 = arith.muli %arg1, %mul3A_139 : i32
    %add3A_141 = arith.constant 240 : i32
    %add3A_142 = arith.addi %mul3A_140, %add3A_141 : i32
    "tpu.region"() ({
      %run_scoped3A = tpu.sem_alloc : memref<!tpu.dma_semaphore, #tpu.memory_space<semaphore_mem>>
      %dma_start3A_388 = arith.constant 0 : i32
      %dma_start3A_389 = tpu.memref_slice %arg13[%add3A_142, %dma_start3A_388] : memref<10240x128xf32, #tpu.memory_space<vmem_shared>> -> memref<80x128xf32, #tpu.memory_space<vmem_shared>>
      %dma_start3A_390 = arith.constant 0 : i32
      %dma_start3A_391 = tpu.memref_slice %arg13[%add3A_142, %dma_start3A_390] : memref<10240x128xf32, #tpu.memory_space<vmem_shared>> -> memref<80x128xf32, #tpu.memory_space<vmem_shared>>
      tpu.enqueue_dma source(%arg12 : memref<80x128xf32, #tpu.memory_space<vmem>>) target(%dma_start3A_391 : memref<80x128xf32, #tpu.memory_space<vmem_shared>>) target_semaphore(%run_scoped3A : memref<!tpu.dma_semaphore, #tpu.memory_space<semaphore_mem>>)
      %dma_wait3A_392 = arith.constant 0 : i32
      %dma_wait3A_393 = tpu.memref_slice %arg13[%add3A_142, %dma_wait3A_392] : memref<10240x128xf32, #tpu.memory_space<vmem_shared>> -> memref<80x128xf32, #tpu.memory_space<vmem_shared>>
      %dma_wait3A_394 = arith.constant 0 : i32
      %dma_wait3A_395 = tpu.memref_slice %arg13[%add3A_142, %dma_wait3A_394] : memref<10240x128xf32, #tpu.memory_space<vmem_shared>> -> memref<80x128xf32, #tpu.memory_space<vmem_shared>>
      tpu.wait_dma2 semaphore(%run_scoped3A : memref<!tpu.dma_semaphore, #tpu.memory_space<semaphore_mem>>) src(%arg12 : memref<80x128xf32, #tpu.memory_space<vmem>>) dst(%dma_wait3A_395 : memref<80x128xf32, #tpu.memory_space<vmem_shared>>)
      tpu.yield
    }) : () -> ()
    %mul3A_143 = arith.constant 640 : i32
    %mul3A_144 = arith.muli %arg1, %mul3A_143 : i32
    %add3A_145 = arith.constant 320 : i32
    %add3A_146 = arith.addi %mul3A_144, %add3A_145 : i32
    "tpu.region"() ({
      %run_scoped3A = tpu.sem_alloc : memref<!tpu.dma_semaphore, #tpu.memory_space<semaphore_mem>>
      %dma_start3A_388 = arith.constant 0 : i32
      %dma_start3A_389 = tpu.memref_slice %arg13[%add3A_146, %dma_start3A_388] : memref<10240x128xf32, #tpu.memory_space<vmem_shared>> -> memref<80x128xf32, #tpu.memory_space<vmem_shared>>
      %dma_start3A_390 = arith.constant 0 : i32
      %dma_start3A_391 = tpu.memref_slice %arg13[%add3A_146, %dma_start3A_390] : memref<10240x128xf32, #tpu.memory_space<vmem_shared>> -> memref<80x128xf32, #tpu.memory_space<vmem_shared>>
      tpu.enqueue_dma source(%arg12 : memref<80x128xf32, #tpu.memory_space<vmem>>) target(%dma_start3A_391 : memref<80x128xf32, #tpu.memory_space<vmem_shared>>) target_semaphore(%run_scoped3A : memref<!tpu.dma_semaphore, #tpu.memory_space<semaphore_mem>>)
      %dma_wait3A_392 = arith.constant 0 : i32
      %dma_wait3A_393 = tpu.memref_slice %arg13[%add3A_146, %dma_wait3A_392] : memref<10240x128xf32, #tpu.memory_space<vmem_shared>> -> memref<80x128xf32, #tpu.memory_space<vmem_shared>>
      %dma_wait3A_394 = arith.constant 0 : i32
      %dma_wait3A_395 = tpu.memref_slice %arg13[%add3A_146, %dma_wait3A_394] : memref<10240x128xf32, #tpu.memory_space<vmem_shared>> -> memref<80x128xf32, #tpu.memory_space<vmem_shared>>
      tpu.wait_dma2 semaphore(%run_scoped3A : memref<!tpu.dma_semaphore, #tpu.memory_space<semaphore_mem>>) src(%arg12 : memref<80x128xf32, #tpu.memory_space<vmem>>) dst(%dma_wait3A_395 : memref<80x128xf32, #tpu.memory_space<vmem_shared>>)
      tpu.yield
    }) : () -> ()
    %mul3A_147 = arith.constant 640 : i32
    %mul3A_148 = arith.muli %arg1, %mul3A_147 : i32
    %add3A_149 = arith.constant 400 : i32
    %add3A_150 = arith.addi %mul3A_148, %add3A_149 : i32
    "tpu.region"() ({
      %run_scoped3A = tpu.sem_alloc : memref<!tpu.dma_semaphore, #tpu.memory_space<semaphore_mem>>
      %dma_start3A_388 = arith.constant 0 : i32
      %dma_start3A_389 = tpu.memref_slice %arg13[%add3A_150, %dma_start3A_388] : memref<10240x128xf32, #tpu.memory_space<vmem_shared>> -> memref<80x128xf32, #tpu.memory_space<vmem_shared>>
      %dma_start3A_390 = arith.constant 0 : i32
      %dma_start3A_391 = tpu.memref_slice %arg13[%add3A_150, %dma_start3A_390] : memref<10240x128xf32, #tpu.memory_space<vmem_shared>> -> memref<80x128xf32, #tpu.memory_space<vmem_shared>>
      tpu.enqueue_dma source(%arg12 : memref<80x128xf32, #tpu.memory_space<vmem>>) target(%dma_start3A_391 : memref<80x128xf32, #tpu.memory_space<vmem_shared>>) target_semaphore(%run_scoped3A : memref<!tpu.dma_semaphore, #tpu.memory_space<semaphore_mem>>)
      %dma_wait3A_392 = arith.constant 0 : i32
      %dma_wait3A_393 = tpu.memref_slice %arg13[%add3A_150, %dma_wait3A_392] : memref<10240x128xf32, #tpu.memory_space<vmem_shared>> -> memref<80x128xf32, #tpu.memory_space<vmem_shared>>
      %dma_wait3A_394 = arith.constant 0 : i32
      %dma_wait3A_395 = tpu.memref_slice %arg13[%add3A_150, %dma_wait3A_394] : memref<10240x128xf32, #tpu.memory_space<vmem_shared>> -> memref<80x128xf32, #tpu.memory_space<vmem_shared>>
      tpu.wait_dma2 semaphore(%run_scoped3A : memref<!tpu.dma_semaphore, #tpu.memory_space<semaphore_mem>>) src(%arg12 : memref<80x128xf32, #tpu.memory_space<vmem>>) dst(%dma_wait3A_395 : memref<80x128xf32, #tpu.memory_space<vmem_shared>>)
      tpu.yield
    }) : () -> ()
    %mul3A_151 = arith.constant 640 : i32
    %mul3A_152 = arith.muli %arg1, %mul3A_151 : i32
    %add3A_153 = arith.constant 480 : i32
    %add3A_154 = arith.addi %mul3A_152, %add3A_153 : i32
    "tpu.region"() ({
      %run_scoped3A = tpu.sem_alloc : memref<!tpu.dma_semaphore, #tpu.memory_space<semaphore_mem>>
      %dma_start3A_388 = arith.constant 0 : i32
      %dma_start3A_389 = tpu.memref_slice %arg13[%add3A_154, %dma_start3A_388] : memref<10240x128xf32, #tpu.memory_space<vmem_shared>> -> memref<80x128xf32, #tpu.memory_space<vmem_shared>>
      %dma_start3A_390 = arith.constant 0 : i32
      %dma_start3A_391 = tpu.memref_slice %arg13[%add3A_154, %dma_start3A_390] : memref<10240x128xf32, #tpu.memory_space<vmem_shared>> -> memref<80x128xf32, #tpu.memory_space<vmem_shared>>
      tpu.enqueue_dma source(%arg12 : memref<80x128xf32, #tpu.memory_space<vmem>>) target(%dma_start3A_391 : memref<80x128xf32, #tpu.memory_space<vmem_shared>>) target_semaphore(%run_scoped3A : memref<!tpu.dma_semaphore, #tpu.memory_space<semaphore_mem>>)
      %dma_wait3A_392 = arith.constant 0 : i32
      %dma_wait3A_393 = tpu.memref_slice %arg13[%add3A_154, %dma_wait3A_392] : memref<10240x128xf32, #tpu.memory_space<vmem_shared>> -> memref<80x128xf32, #tpu.memory_space<vmem_shared>>
      %dma_wait3A_394 = arith.constant 0 : i32
      %dma_wait3A_395 = tpu.memref_slice %arg13[%add3A_154, %dma_wait3A_394] : memref<10240x128xf32, #tpu.memory_space<vmem_shared>> -> memref<80x128xf32, #tpu.memory_space<vmem_shared>>
      tpu.wait_dma2 semaphore(%run_scoped3A : memref<!tpu.dma_semaphore, #tpu.memory_space<semaphore_mem>>) src(%arg12 : memref<80x128xf32, #tpu.memory_space<vmem>>) dst(%dma_wait3A_395 : memref<80x128xf32, #tpu.memory_space<vmem_shared>>)
      tpu.yield
    }) : () -> ()
    %mul3A_155 = arith.constant 640 : i32
    %mul3A_156 = arith.muli %arg1, %mul3A_155 : i32
    %add3A_157 = arith.constant 560 : i32
    %add3A_158 = arith.addi %mul3A_156, %add3A_157 : i32
    "tpu.region"() ({
      %run_scoped3A = tpu.sem_alloc : memref<!tpu.dma_semaphore, #tpu.memory_space<semaphore_mem>>
      %dma_start3A_388 = arith.constant 0 : i32
      %dma_start3A_389 = tpu.memref_slice %arg13[%add3A_158, %dma_start3A_388] : memref<10240x128xf32, #tpu.memory_space<vmem_shared>> -> memref<80x128xf32, #tpu.memory_space<vmem_shared>>
      %dma_start3A_390 = arith.constant 0 : i32
      %dma_start3A_391 = tpu.memref_slice %arg13[%add3A_158, %dma_start3A_390] : memref<10240x128xf32, #tpu.memory_space<vmem_shared>> -> memref<80x128xf32, #tpu.memory_space<vmem_shared>>
      tpu.enqueue_dma source(%arg12 : memref<80x128xf32, #tpu.memory_space<vmem>>) target(%dma_start3A_391 : memref<80x128xf32, #tpu.memory_space<vmem_shared>>) target_semaphore(%run_scoped3A : memref<!tpu.dma_semaphore, #tpu.memory_space<semaphore_mem>>)
      %dma_wait3A_392 = arith.constant 0 : i32
      %dma_wait3A_393 = tpu.memref_slice %arg13[%add3A_158, %dma_wait3A_392] : memref<10240x128xf32, #tpu.memory_space<vmem_shared>> -> memref<80x128xf32, #tpu.memory_space<vmem_shared>>
      %dma_wait3A_394 = arith.constant 0 : i32
      %dma_wait3A_395 = tpu.memref_slice %arg13[%add3A_158, %dma_wait3A_394] : memref<10240x128xf32, #tpu.memory_space<vmem_shared>> -> memref<80x128xf32, #tpu.memory_space<vmem_shared>>
      tpu.wait_dma2 semaphore(%run_scoped3A : memref<!tpu.dma_semaphore, #tpu.memory_space<semaphore_mem>>) src(%arg12 : memref<80x128xf32, #tpu.memory_space<vmem>>) dst(%dma_wait3A_395 : memref<80x128xf32, #tpu.memory_space<vmem_shared>>)
      tpu.yield
    }) : () -> ()
    %barrier3A = arith.constant 0 : index
    tpu.barrier barrier_id(%barrier3A)
    %add3A_159 = arith.constant 0 : i32
    %add3A_160 = arith.addi %mul3A_2, %add3A_159 : i32
    %dma_wait3A = arith.constant 0 : i32
    %dma_wait3A_161 = arith.constant 0 : i32
    %dma_wait3A_162 = arith.constant 0 : i32
    %dma_wait3A_163 = tpu.memref_slice %arg7[%dma_wait3A, %dma_wait3A_161, %dma_wait3A_162] : memref<4x1x80xi32, #tpu.memory_space<vmem>> -> memref<1x1x80xi32, #tpu.memory_space<vmem>>
    %dma_wait3A_164 = tpu.memref_squeeze %dma_wait3A_163 : memref<1x1x80xi32, #tpu.memory_space<vmem>> -> memref<1x80xi32, #tpu.memory_space<vmem>>
    %dma_wait3A_165 = arith.constant 0 : i32
    %dma_wait3A_166 = tpu.memref_slice %arg3[%add3A_160, %dma_wait3A_165] : memref<4096x80xi32, #tpu.memory_space<hbm>> -> memref<1x80xi32, #tpu.memory_space<hbm>>
    %dma_wait3A_167 = arith.constant 0 : i32
    %dma_wait3A_168 = arith.constant 0 : i32
    %dma_wait3A_169 = tpu.memref_slice %arg7[%dma_wait3A, %dma_wait3A_167, %dma_wait3A_168] : memref<4x1x80xi32, #tpu.memory_space<vmem>> -> memref<1x1x80xi32, #tpu.memory_space<vmem>>
    %dma_wait3A_170 = tpu.memref_squeeze %dma_wait3A_169 : memref<1x1x80xi32, #tpu.memory_space<vmem>> -> memref<1x80xi32, #tpu.memory_space<vmem>>
    %dma_wait3A_171 = arith.constant 0 : i32
    %dma_wait3A_172 = tpu.memref_slice %arg3[%add3A_160, %dma_wait3A_171] : memref<4096x80xi32, #tpu.memory_space<hbm>> -> memref<1x80xi32, #tpu.memory_space<hbm>>
    tpu.wait_dma2 semaphore(%arg14 : memref<!tpu.dma_semaphore, #tpu.memory_space<semaphore_mem>>) src(%dma_wait3A_172 : memref<1x80xi32, #tpu.memory_space<hbm>>) dst(%dma_wait3A_170 : memref<1x80xi32, #tpu.memory_space<vmem>>)
    %add3A_173 = arith.constant 0 : i32
    %add3A_174 = arith.addi %mul3A_2, %add3A_173 : i32
    %dma_wait3A_175 = arith.constant 0 : i32
    %dma_wait3A_176 = arith.constant 0 : i32
    %dma_wait3A_177 = arith.constant 0 : i32
    %dma_wait3A_178 = tpu.memref_slice %arg8[%dma_wait3A_175, %dma_wait3A_176, %dma_wait3A_177] : memref<4x1x80xi32, #tpu.memory_space<vmem>> -> memref<1x1x80xi32, #tpu.memory_space<vmem>>
    %dma_wait3A_179 = tpu.memref_squeeze %dma_wait3A_178 : memref<1x1x80xi32, #tpu.memory_space<vmem>> -> memref<1x80xi32, #tpu.memory_space<vmem>>
    %dma_wait3A_180 = arith.constant 0 : i32
    %dma_wait3A_181 = tpu.memref_slice %arg4[%add3A_174, %dma_wait3A_180] : memref<4096x80xi32, #tpu.memory_space<hbm>> -> memref<1x80xi32, #tpu.memory_space<hbm>>
    %dma_wait3A_182 = arith.constant 0 : i32
    %dma_wait3A_183 = arith.constant 0 : i32
    %dma_wait3A_184 = tpu.memref_slice %arg8[%dma_wait3A_175, %dma_wait3A_182, %dma_wait3A_183] : memref<4x1x80xi32, #tpu.memory_space<vmem>> -> memref<1x1x80xi32, #tpu.memory_space<vmem>>
    %dma_wait3A_185 = tpu.memref_squeeze %dma_wait3A_184 : memref<1x1x80xi32, #tpu.memory_space<vmem>> -> memref<1x80xi32, #tpu.memory_space<vmem>>
    %dma_wait3A_186 = arith.constant 0 : i32
    %dma_wait3A_187 = tpu.memref_slice %arg4[%add3A_174, %dma_wait3A_186] : memref<4096x80xi32, #tpu.memory_space<hbm>> -> memref<1x80xi32, #tpu.memory_space<hbm>>
    tpu.wait_dma2 semaphore(%arg14 : memref<!tpu.dma_semaphore, #tpu.memory_space<semaphore_mem>>) src(%dma_wait3A_187 : memref<1x80xi32, #tpu.memory_space<hbm>>) dst(%dma_wait3A_185 : memref<1x80xi32, #tpu.memory_space<vmem>>)
    %dma_start3A_188 = arith.constant 0 : i32
    %dma_start3A_189 = arith.constant 0 : i32
    %dma_start3A_190 = arith.constant 0 : i32
    %dma_start3A_191 = tpu.memref_slice %arg7[%dma_start3A_188, %dma_start3A_189, %dma_start3A_190] : memref<4x1x80xi32, #tpu.memory_space<vmem>> -> memref<1x1x80xi32, #tpu.memory_space<vmem>>
    %dma_start3A_192 = tpu.memref_squeeze %dma_start3A_191 : memref<1x1x80xi32, #tpu.memory_space<vmem>> -> memref<80xi32, #tpu.memory_space<vmem>>
    %dma_start3A_193 = arith.constant 0 : i32
    %dma_start3A_194 = arith.constant 0 : i32
    %dma_start3A_195 = tpu.memref_slice %arg2[%dma_start3A_193, %dma_start3A_194] : memref<10000x128xf32, #tpu.memory_space<hbm>> -> memref<10000x128xf32, #tpu.memory_space<hbm>>
    tpu.enqueue_indirect_dma source(%dma_start3A_195 : memref<10000x128xf32, #tpu.memory_space<hbm>>) target(%arg9 : memref<80x128xf32, #tpu.memory_space<vmem>>) offsets(%dma_start3A_192 : memref<80xi32, #tpu.memory_space<vmem>>) semaphore(%arg18 : memref<!tpu.dma_semaphore, #tpu.memory_space<semaphore_mem>>)
    %add3A_196 = arith.constant 1 : i32
    %add3A_197 = arith.addi %mul3A_2, %add3A_196 : i32
    %dma_wait3A_198 = arith.constant 1 : i32
    %dma_wait3A_199 = arith.constant 0 : i32
    %dma_wait3A_200 = arith.constant 0 : i32
    %dma_wait3A_201 = tpu.memref_slice %arg7[%dma_wait3A_198, %dma_wait3A_199, %dma_wait3A_200] : memref<4x1x80xi32, #tpu.memory_space<vmem>> -> memref<1x1x80xi32, #tpu.memory_space<vmem>>
    %dma_wait3A_202 = tpu.memref_squeeze %dma_wait3A_201 : memref<1x1x80xi32, #tpu.memory_space<vmem>> -> memref<1x80xi32, #tpu.memory_space<vmem>>
    %dma_wait3A_203 = arith.constant 0 : i32
    %dma_wait3A_204 = tpu.memref_slice %arg3[%add3A_197, %dma_wait3A_203] : memref<4096x80xi32, #tpu.memory_space<hbm>> -> memref<1x80xi32, #tpu.memory_space<hbm>>
    %dma_wait3A_205 = arith.constant 0 : i32
    %dma_wait3A_206 = arith.constant 0 : i32
    %dma_wait3A_207 = tpu.memref_slice %arg7[%dma_wait3A_198, %dma_wait3A_205, %dma_wait3A_206] : memref<4x1x80xi32, #tpu.memory_space<vmem>> -> memref<1x1x80xi32, #tpu.memory_space<vmem>>
    %dma_wait3A_208 = tpu.memref_squeeze %dma_wait3A_207 : memref<1x1x80xi32, #tpu.memory_space<vmem>> -> memref<1x80xi32, #tpu.memory_space<vmem>>
    %dma_wait3A_209 = arith.constant 0 : i32
    %dma_wait3A_210 = tpu.memref_slice %arg3[%add3A_197, %dma_wait3A_209] : memref<4096x80xi32, #tpu.memory_space<hbm>> -> memref<1x80xi32, #tpu.memory_space<hbm>>
    tpu.wait_dma2 semaphore(%arg15 : memref<!tpu.dma_semaphore, #tpu.memory_space<semaphore_mem>>) src(%dma_wait3A_210 : memref<1x80xi32, #tpu.memory_space<hbm>>) dst(%dma_wait3A_208 : memref<1x80xi32, #tpu.memory_space<vmem>>)
    %add3A_211 = arith.constant 1 : i32
    %add3A_212 = arith.addi %mul3A_2, %add3A_211 : i32
    %dma_wait3A_213 = arith.constant 1 : i32
    %dma_wait3A_214 = arith.constant 0 : i32
    %dma_wait3A_215 = arith.constant 0 : i32
    %dma_wait3A_216 = tpu.memref_slice %arg8[%dma_wait3A_213, %dma_wait3A_214, %dma_wait3A_215] : memref<4x1x80xi32, #tpu.memory_space<vmem>> -> memref<1x1x80xi32, #tpu.memory_space<vmem>>
    %dma_wait3A_217 = tpu.memref_squeeze %dma_wait3A_216 : memref<1x1x80xi32, #tpu.memory_space<vmem>> -> memref<1x80xi32, #tpu.memory_space<vmem>>
    %dma_wait3A_218 = arith.constant 0 : i32
    %dma_wait3A_219 = tpu.memref_slice %arg4[%add3A_212, %dma_wait3A_218] : memref<4096x80xi32, #tpu.memory_space<hbm>> -> memref<1x80xi32, #tpu.memory_space<hbm>>
    %dma_wait3A_220 = arith.constant 0 : i32
    %dma_wait3A_221 = arith.constant 0 : i32
    %dma_wait3A_222 = tpu.memref_slice %arg8[%dma_wait3A_213, %dma_wait3A_220, %dma_wait3A_221] : memref<4x1x80xi32, #tpu.memory_space<vmem>> -> memref<1x1x80xi32, #tpu.memory_space<vmem>>
    %dma_wait3A_223 = tpu.memref_squeeze %dma_wait3A_222 : memref<1x1x80xi32, #tpu.memory_space<vmem>> -> memref<1x80xi32, #tpu.memory_space<vmem>>
    %dma_wait3A_224 = arith.constant 0 : i32
    %dma_wait3A_225 = tpu.memref_slice %arg4[%add3A_212, %dma_wait3A_224] : memref<4096x80xi32, #tpu.memory_space<hbm>> -> memref<1x80xi32, #tpu.memory_space<hbm>>
    tpu.wait_dma2 semaphore(%arg15 : memref<!tpu.dma_semaphore, #tpu.memory_space<semaphore_mem>>) src(%dma_wait3A_225 : memref<1x80xi32, #tpu.memory_space<hbm>>) dst(%dma_wait3A_223 : memref<1x80xi32, #tpu.memory_space<vmem>>)
    %dma_start3A_226 = arith.constant 1 : i32
    %dma_start3A_227 = arith.constant 0 : i32
    %dma_start3A_228 = arith.constant 0 : i32
    %dma_start3A_229 = tpu.memref_slice %arg7[%dma_start3A_226, %dma_start3A_227, %dma_start3A_228] : memref<4x1x80xi32, #tpu.memory_space<vmem>> -> memref<1x1x80xi32, #tpu.memory_space<vmem>>
    %dma_start3A_230 = tpu.memref_squeeze %dma_start3A_229 : memref<1x1x80xi32, #tpu.memory_space<vmem>> -> memref<80xi32, #tpu.memory_space<vmem>>
    %dma_start3A_231 = arith.constant 0 : i32
    %dma_start3A_232 = arith.constant 0 : i32
    %dma_start3A_233 = tpu.memref_slice %arg2[%dma_start3A_231, %dma_start3A_232] : memref<10000x128xf32, #tpu.memory_space<hbm>> -> memref<10000x128xf32, #tpu.memory_space<hbm>>
    tpu.enqueue_indirect_dma source(%dma_start3A_233 : memref<10000x128xf32, #tpu.memory_space<hbm>>) target(%arg10 : memref<80x128xf32, #tpu.memory_space<vmem>>) offsets(%dma_start3A_230 : memref<80xi32, #tpu.memory_space<vmem>>) semaphore(%arg19 : memref<!tpu.dma_semaphore, #tpu.memory_space<semaphore_mem>>)
    %add3A_234 = arith.constant 2 : i32
    %add3A_235 = arith.addi %mul3A_2, %add3A_234 : i32
    %dma_wait3A_236 = arith.constant 2 : i32
    %dma_wait3A_237 = arith.constant 0 : i32
    %dma_wait3A_238 = arith.constant 0 : i32
    %dma_wait3A_239 = tpu.memref_slice %arg7[%dma_wait3A_236, %dma_wait3A_237, %dma_wait3A_238] : memref<4x1x80xi32, #tpu.memory_space<vmem>> -> memref<1x1x80xi32, #tpu.memory_space<vmem>>
    %dma_wait3A_240 = tpu.memref_squeeze %dma_wait3A_239 : memref<1x1x80xi32, #tpu.memory_space<vmem>> -> memref<1x80xi32, #tpu.memory_space<vmem>>
    %dma_wait3A_241 = arith.constant 0 : i32
    %dma_wait3A_242 = tpu.memref_slice %arg3[%add3A_235, %dma_wait3A_241] : memref<4096x80xi32, #tpu.memory_space<hbm>> -> memref<1x80xi32, #tpu.memory_space<hbm>>
    %dma_wait3A_243 = arith.constant 0 : i32
    %dma_wait3A_244 = arith.constant 0 : i32
    %dma_wait3A_245 = tpu.memref_slice %arg7[%dma_wait3A_236, %dma_wait3A_243, %dma_wait3A_244] : memref<4x1x80xi32, #tpu.memory_space<vmem>> -> memref<1x1x80xi32, #tpu.memory_space<vmem>>
    %dma_wait3A_246 = tpu.memref_squeeze %dma_wait3A_245 : memref<1x1x80xi32, #tpu.memory_space<vmem>> -> memref<1x80xi32, #tpu.memory_space<vmem>>
    %dma_wait3A_247 = arith.constant 0 : i32
    %dma_wait3A_248 = tpu.memref_slice %arg3[%add3A_235, %dma_wait3A_247] : memref<4096x80xi32, #tpu.memory_space<hbm>> -> memref<1x80xi32, #tpu.memory_space<hbm>>
    tpu.wait_dma2 semaphore(%arg16 : memref<!tpu.dma_semaphore, #tpu.memory_space<semaphore_mem>>) src(%dma_wait3A_248 : memref<1x80xi32, #tpu.memory_space<hbm>>) dst(%dma_wait3A_246 : memref<1x80xi32, #tpu.memory_space<vmem>>)
    %add3A_249 = arith.constant 2 : i32
    %add3A_250 = arith.addi %mul3A_2, %add3A_249 : i32
    %dma_wait3A_251 = arith.constant 2 : i32
    %dma_wait3A_252 = arith.constant 0 : i32
    %dma_wait3A_253 = arith.constant 0 : i32
    %dma_wait3A_254 = tpu.memref_slice %arg8[%dma_wait3A_251, %dma_wait3A_252, %dma_wait3A_253] : memref<4x1x80xi32, #tpu.memory_space<vmem>> -> memref<1x1x80xi32, #tpu.memory_space<vmem>>
    %dma_wait3A_255 = tpu.memref_squeeze %dma_wait3A_254 : memref<1x1x80xi32, #tpu.memory_space<vmem>> -> memref<1x80xi32, #tpu.memory_space<vmem>>
    %dma_wait3A_256 = arith.constant 0 : i32
    %dma_wait3A_257 = tpu.memref_slice %arg4[%add3A_250, %dma_wait3A_256] : memref<4096x80xi32, #tpu.memory_space<hbm>> -> memref<1x80xi32, #tpu.memory_space<hbm>>
    %dma_wait3A_258 = arith.constant 0 : i32
    %dma_wait3A_259 = arith.constant 0 : i32
    %dma_wait3A_260 = tpu.memref_slice %arg8[%dma_wait3A_251, %dma_wait3A_258, %dma_wait3A_259] : memref<4x1x80xi32, #tpu.memory_space<vmem>> -> memref<1x1x80xi32, #tpu.memory_space<vmem>>
    %dma_wait3A_261 = tpu.memref_squeeze %dma_wait3A_260 : memref<1x1x80xi32, #tpu.memory_space<vmem>> -> memref<1x80xi32, #tpu.memory_space<vmem>>
    %dma_wait3A_262 = arith.constant 0 : i32
    %dma_wait3A_263 = tpu.memref_slice %arg4[%add3A_250, %dma_wait3A_262] : memref<4096x80xi32, #tpu.memory_space<hbm>> -> memref<1x80xi32, #tpu.memory_space<hbm>>
    tpu.wait_dma2 semaphore(%arg16 : memref<!tpu.dma_semaphore, #tpu.memory_space<semaphore_mem>>) src(%dma_wait3A_263 : memref<1x80xi32, #tpu.memory_space<hbm>>) dst(%dma_wait3A_261 : memref<1x80xi32, #tpu.memory_space<vmem>>)
    %dma_start3A_264 = arith.constant 2 : i32
    %dma_start3A_265 = arith.constant 0 : i32
    %dma_start3A_266 = arith.constant 0 : i32
    %dma_start3A_267 = tpu.memref_slice %arg7[%dma_start3A_264, %dma_start3A_265, %dma_start3A_266] : memref<4x1x80xi32, #tpu.memory_space<vmem>> -> memref<1x1x80xi32, #tpu.memory_space<vmem>>
    %dma_start3A_268 = tpu.memref_squeeze %dma_start3A_267 : memref<1x1x80xi32, #tpu.memory_space<vmem>> -> memref<80xi32, #tpu.memory_space<vmem>>
    %dma_start3A_269 = arith.constant 0 : i32
    %dma_start3A_270 = arith.constant 0 : i32
    %dma_start3A_271 = tpu.memref_slice %arg2[%dma_start3A_269, %dma_start3A_270] : memref<10000x128xf32, #tpu.memory_space<hbm>> -> memref<10000x128xf32, #tpu.memory_space<hbm>>
    tpu.enqueue_indirect_dma source(%dma_start3A_271 : memref<10000x128xf32, #tpu.memory_space<hbm>>) target(%arg11 : memref<80x128xf32, #tpu.memory_space<vmem>>) offsets(%dma_start3A_268 : memref<80xi32, #tpu.memory_space<vmem>>) semaphore(%arg20 : memref<!tpu.dma_semaphore, #tpu.memory_space<semaphore_mem>>)
    %scan3A_272 = arith.constant 0 : i32
    %scan3A_273 = arith.constant 0 : i32
    %scan3A_274 = arith.constant 32 : i32
    %scan3A_275 = arith.addi %scan3A_273, %scan3A_274 : i32
    %scan3A_276 = arith.constant 1 : i32
    scf.for %scan3A_388 = %scan3A_273 to %scan3A_275 step %scan3A_276  : i32 {
      %mul3A_389 = arith.constant 4 : i32
      %mul3A_390 = arith.muli %mul3A_389, %scan3A_388 : i32
      %add3A_391 = arith.constant 0 : i32
      %add3A_392 = arith.addi %mul3A_390, %add3A_391 : i32
      %dma_wait3A_393 = arith.constant 0 : i32
      %dma_wait3A_394 = arith.constant 0 : i32
      %dma_wait3A_395 = arith.constant 0 : i32
      %dma_wait3A_396 = tpu.memref_slice %arg7[%dma_wait3A_393, %dma_wait3A_394, %dma_wait3A_395] : memref<4x1x80xi32, #tpu.memory_space<vmem>> -> memref<1x1x80xi32, #tpu.memory_space<vmem>>
      %dma_wait3A_397 = tpu.memref_squeeze %dma_wait3A_396 : memref<1x1x80xi32, #tpu.memory_space<vmem>> -> memref<80xi32, #tpu.memory_space<vmem>>
      %dma_wait3A_398 = arith.constant 0 : i32
      %dma_wait3A_399 = arith.constant 0 : i32
      %dma_wait3A_400 = tpu.memref_slice %arg2[%dma_wait3A_398, %dma_wait3A_399] : memref<10000x128xf32, #tpu.memory_space<hbm>> -> memref<10000x128xf32, #tpu.memory_space<hbm>>
      tpu.wait_indirect_dma semaphore(%arg18 : memref<!tpu.dma_semaphore, #tpu.memory_space<semaphore_mem>>) src(%dma_wait3A_400 : memref<10000x128xf32, #tpu.memory_space<hbm>>) dst(%arg9 : memref<80x128xf32, #tpu.memory_space<vmem>>)
      %run_scoped3A = arith.constant 0 : i32
      %run_scoped3A_401 = arith.constant 0 : i32
      "tpu.region"() ({
        %run_scoped3A_499 = tpu.sem_alloc : memref<!tpu.dma_semaphore, #tpu.memory_space<semaphore_mem>>
        %dma_start3A_500 = arith.constant 0 : i32
        %dma_start3A_501 = tpu.memref_slice %arg8[%run_scoped3A, %run_scoped3A_401, %dma_start3A_500] : memref<4x1x80xi32, #tpu.memory_space<vmem>> -> memref<1x1x80xi32, #tpu.memory_space<vmem>>
        %dma_start3A_502 = tpu.memref_squeeze %dma_start3A_501 : memref<1x1x80xi32, #tpu.memory_space<vmem>> -> memref<80xi32, #tpu.memory_space<vmem>>
        %dma_start3A_503 = arith.constant 0 : i32
        %dma_start3A_504 = arith.constant 0 : i32
        %dma_start3A_505 = tpu.memref_slice %arg13[%dma_start3A_503, %dma_start3A_504] : memref<10240x128xf32, #tpu.memory_space<vmem_shared>> -> memref<10240x128xf32, #tpu.memory_space<vmem_shared>>
        tpu.enqueue_indirect_dma source(%arg9 : memref<80x128xf32, #tpu.memory_space<vmem>>) target(%dma_start3A_505 : memref<10240x128xf32, #tpu.memory_space<vmem_shared>>) offsets(%dma_start3A_502 : memref<80xi32, #tpu.memory_space<vmem>>) semaphore(%run_scoped3A_499 : memref<!tpu.dma_semaphore, #tpu.memory_space<semaphore_mem>>) {add = true}
        %dma_wait3A_506 = arith.constant 0 : i32
        %dma_wait3A_507 = tpu.memref_slice %arg8[%run_scoped3A, %run_scoped3A_401, %dma_wait3A_506] : memref<4x1x80xi32, #tpu.memory_space<vmem>> -> memref<1x1x80xi32, #tpu.memory_space<vmem>>
        %dma_wait3A_508 = tpu.memref_squeeze %dma_wait3A_507 : memref<1x1x80xi32, #tpu.memory_space<vmem>> -> memref<80xi32, #tpu.memory_space<vmem>>
        %dma_wait3A_509 = arith.constant 0 : i32
        %dma_wait3A_510 = arith.constant 0 : i32
        %dma_wait3A_511 = tpu.memref_slice %arg13[%dma_wait3A_509, %dma_wait3A_510] : memref<10240x128xf32, #tpu.memory_space<vmem_shared>> -> memref<10240x128xf32, #tpu.memory_space<vmem_shared>>
        tpu.wait_indirect_dma semaphore(%run_scoped3A_499 : memref<!tpu.dma_semaphore, #tpu.memory_space<semaphore_mem>>) src(%arg9 : memref<80x128xf32, #tpu.memory_space<vmem>>) dst(%dma_wait3A_511 : memref<10240x128xf32, #tpu.memory_space<vmem_shared>>)
        tpu.yield
      }) : () -> ()
      %add3A_402 = arith.constant 4 : i32
      %add3A_403 = arith.addi %add3A_392, %add3A_402 : i32
      %lt3A = arith.constant 128 : i32
      %lt3A_404 = arith.cmpi slt, %add3A_403, %lt3A : i32
      %convert_element_type3A_405 = arith.extui %lt3A_404 : i1 to i32
      %cond3A_406 = arith.constant 0 : i32
      %cond3A_407 = arith.cmpi ne, %convert_element_type3A_405, %cond3A_406 : i32
      scf.if %cond3A_407 {
        %add3A_499 = arith.constant 4 : i32
        %add3A_500 = arith.addi %add3A_392, %add3A_499 : i32
        %add3A_501 = arith.addi %mul3A_2, %add3A_500 : i32
        %dma_start3A_502 = arith.constant 0 : i32
        %dma_start3A_503 = arith.constant 0 : i32
        %dma_start3A_504 = arith.constant 0 : i32
        %dma_start3A_505 = tpu.memref_slice %arg7[%dma_start3A_502, %dma_start3A_503, %dma_start3A_504] : memref<4x1x80xi32, #tpu.memory_space<vmem>> -> memref<1x1x80xi32, #tpu.memory_space<vmem>>
        %dma_start3A_506 = tpu.memref_squeeze %dma_start3A_505 : memref<1x1x80xi32, #tpu.memory_space<vmem>> -> memref<1x80xi32, #tpu.memory_space<vmem>>
        %dma_start3A_507 = arith.constant 0 : i32
        %dma_start3A_508 = tpu.memref_slice %arg3[%add3A_501, %dma_start3A_507] : memref<4096x80xi32, #tpu.memory_space<hbm>> -> memref<1x80xi32, #tpu.memory_space<hbm>>
        %dma_start3A_509 = arith.constant 0 : i32
        %dma_start3A_510 = arith.constant 0 : i32
        %dma_start3A_511 = tpu.memref_slice %arg7[%dma_start3A_502, %dma_start3A_509, %dma_start3A_510] : memref<4x1x80xi32, #tpu.memory_space<vmem>> -> memref<1x1x80xi32, #tpu.memory_space<vmem>>
        %dma_start3A_512 = tpu.memref_squeeze %dma_start3A_511 : memref<1x1x80xi32, #tpu.memory_space<vmem>> -> memref<1x80xi32, #tpu.memory_space<vmem>>
        %dma_start3A_513 = arith.constant 0 : i32
        %dma_start3A_514 = tpu.memref_slice %arg3[%add3A_501, %dma_start3A_513] : memref<4096x80xi32, #tpu.memory_space<hbm>> -> memref<1x80xi32, #tpu.memory_space<hbm>>
        tpu.enqueue_dma source(%dma_start3A_514 : memref<1x80xi32, #tpu.memory_space<hbm>>) target(%dma_start3A_512 : memref<1x80xi32, #tpu.memory_space<vmem>>) target_semaphore(%arg14 : memref<!tpu.dma_semaphore, #tpu.memory_space<semaphore_mem>>)
        %add3A_515 = arith.addi %mul3A_2, %add3A_500 : i32
        %dma_start3A_516 = arith.constant 0 : i32
        %dma_start3A_517 = arith.constant 0 : i32
        %dma_start3A_518 = arith.constant 0 : i32
        %dma_start3A_519 = tpu.memref_slice %arg8[%dma_start3A_516, %dma_start3A_517, %dma_start3A_518] : memref<4x1x80xi32, #tpu.memory_space<vmem>> -> memref<1x1x80xi32, #tpu.memory_space<vmem>>
        %dma_start3A_520 = tpu.memref_squeeze %dma_start3A_519 : memref<1x1x80xi32, #tpu.memory_space<vmem>> -> memref<1x80xi32, #tpu.memory_space<vmem>>
        %dma_start3A_521 = arith.constant 0 : i32
        %dma_start3A_522 = tpu.memref_slice %arg4[%add3A_515, %dma_start3A_521] : memref<4096x80xi32, #tpu.memory_space<hbm>> -> memref<1x80xi32, #tpu.memory_space<hbm>>
        %dma_start3A_523 = arith.constant 0 : i32
        %dma_start3A_524 = arith.constant 0 : i32
        %dma_start3A_525 = tpu.memref_slice %arg8[%dma_start3A_516, %dma_start3A_523, %dma_start3A_524] : memref<4x1x80xi32, #tpu.memory_space<vmem>> -> memref<1x1x80xi32, #tpu.memory_space<vmem>>
        %dma_start3A_526 = tpu.memref_squeeze %dma_start3A_525 : memref<1x1x80xi32, #tpu.memory_space<vmem>> -> memref<1x80xi32, #tpu.memory_space<vmem>>
        %dma_start3A_527 = arith.constant 0 : i32
        %dma_start3A_528 = tpu.memref_slice %arg4[%add3A_515, %dma_start3A_527] : memref<4096x80xi32, #tpu.memory_space<hbm>> -> memref<1x80xi32, #tpu.memory_space<hbm>>
        tpu.enqueue_dma source(%dma_start3A_528 : memref<1x80xi32, #tpu.memory_space<hbm>>) target(%dma_start3A_526 : memref<1x80xi32, #tpu.memory_space<vmem>>) target_semaphore(%arg14 : memref<!tpu.dma_semaphore, #tpu.memory_space<semaphore_mem>>)
      } else {
      }
      %add3A_408 = arith.constant 3 : i32
      %add3A_409 = arith.addi %add3A_392, %add3A_408 : i32
      %lt3A_410 = arith.constant 128 : i32
      %lt3A_411 = arith.cmpi slt, %add3A_409, %lt3A_410 : i32
      %convert_element_type3A_412 = arith.extui %lt3A_411 : i1 to i32
      %cond3A_413 = arith.constant 0 : i32
      %cond3A_414 = arith.cmpi ne, %convert_element_type3A_412, %cond3A_413 : i32
      scf.if %cond3A_414 {
        %add3A_499 = arith.constant 3 : i32
        %add3A_500 = arith.addi %add3A_392, %add3A_499 : i32
        %add3A_501 = arith.addi %mul3A_2, %add3A_500 : i32
        %dma_wait3A_502 = arith.constant 3 : i32
        %dma_wait3A_503 = arith.constant 0 : i32
        %dma_wait3A_504 = arith.constant 0 : i32
        %dma_wait3A_505 = tpu.memref_slice %arg7[%dma_wait3A_502, %dma_wait3A_503, %dma_wait3A_504] : memref<4x1x80xi32, #tpu.memory_space<vmem>> -> memref<1x1x80xi32, #tpu.memory_space<vmem>>
        %dma_wait3A_506 = tpu.memref_squeeze %dma_wait3A_505 : memref<1x1x80xi32, #tpu.memory_space<vmem>> -> memref<1x80xi32, #tpu.memory_space<vmem>>
        %dma_wait3A_507 = arith.constant 0 : i32
        %dma_wait3A_508 = tpu.memref_slice %arg3[%add3A_501, %dma_wait3A_507] : memref<4096x80xi32, #tpu.memory_space<hbm>> -> memref<1x80xi32, #tpu.memory_space<hbm>>
        %dma_wait3A_509 = arith.constant 0 : i32
        %dma_wait3A_510 = arith.constant 0 : i32
        %dma_wait3A_511 = tpu.memref_slice %arg7[%dma_wait3A_502, %dma_wait3A_509, %dma_wait3A_510] : memref<4x1x80xi32, #tpu.memory_space<vmem>> -> memref<1x1x80xi32, #tpu.memory_space<vmem>>
        %dma_wait3A_512 = tpu.memref_squeeze %dma_wait3A_511 : memref<1x1x80xi32, #tpu.memory_space<vmem>> -> memref<1x80xi32, #tpu.memory_space<vmem>>
        %dma_wait3A_513 = arith.constant 0 : i32
        %dma_wait3A_514 = tpu.memref_slice %arg3[%add3A_501, %dma_wait3A_513] : memref<4096x80xi32, #tpu.memory_space<hbm>> -> memref<1x80xi32, #tpu.memory_space<hbm>>
        tpu.wait_dma2 semaphore(%arg17 : memref<!tpu.dma_semaphore, #tpu.memory_space<semaphore_mem>>) src(%dma_wait3A_514 : memref<1x80xi32, #tpu.memory_space<hbm>>) dst(%dma_wait3A_512 : memref<1x80xi32, #tpu.memory_space<vmem>>)
        %add3A_515 = arith.addi %mul3A_2, %add3A_500 : i32
        %dma_wait3A_516 = arith.constant 3 : i32
        %dma_wait3A_517 = arith.constant 0 : i32
        %dma_wait3A_518 = arith.constant 0 : i32
        %dma_wait3A_519 = tpu.memref_slice %arg8[%dma_wait3A_516, %dma_wait3A_517, %dma_wait3A_518] : memref<4x1x80xi32, #tpu.memory_space<vmem>> -> memref<1x1x80xi32, #tpu.memory_space<vmem>>
        %dma_wait3A_520 = tpu.memref_squeeze %dma_wait3A_519 : memref<1x1x80xi32, #tpu.memory_space<vmem>> -> memref<1x80xi32, #tpu.memory_space<vmem>>
        %dma_wait3A_521 = arith.constant 0 : i32
        %dma_wait3A_522 = tpu.memref_slice %arg4[%add3A_515, %dma_wait3A_521] : memref<4096x80xi32, #tpu.memory_space<hbm>> -> memref<1x80xi32, #tpu.memory_space<hbm>>
        %dma_wait3A_523 = arith.constant 0 : i32
        %dma_wait3A_524 = arith.constant 0 : i32
        %dma_wait3A_525 = tpu.memref_slice %arg8[%dma_wait3A_516, %dma_wait3A_523, %dma_wait3A_524] : memref<4x1x80xi32, #tpu.memory_space<vmem>> -> memref<1x1x80xi32, #tpu.memory_space<vmem>>
        %dma_wait3A_526 = tpu.memref_squeeze %dma_wait3A_525 : memref<1x1x80xi32, #tpu.memory_space<vmem>> -> memref<1x80xi32, #tpu.memory_space<vmem>>
        %dma_wait3A_527 = arith.constant 0 : i32
        %dma_wait3A_528 = tpu.memref_slice %arg4[%add3A_515, %dma_wait3A_527] : memref<4096x80xi32, #tpu.memory_space<hbm>> -> memref<1x80xi32, #tpu.memory_space<hbm>>
        tpu.wait_dma2 semaphore(%arg17 : memref<!tpu.dma_semaphore, #tpu.memory_space<semaphore_mem>>) src(%dma_wait3A_528 : memref<1x80xi32, #tpu.memory_space<hbm>>) dst(%dma_wait3A_526 : memref<1x80xi32, #tpu.memory_space<vmem>>)
        %add3A_529 = arith.constant 3 : i32
        %add3A_530 = arith.addi %add3A_392, %add3A_529 : i32
        %dma_start3A_531 = arith.constant 3 : i32
        %dma_start3A_532 = arith.constant 0 : i32
        %dma_start3A_533 = arith.constant 0 : i32
        %dma_start3A_534 = tpu.memref_slice %arg7[%dma_start3A_531, %dma_start3A_532, %dma_start3A_533] : memref<4x1x80xi32, #tpu.memory_space<vmem>> -> memref<1x1x80xi32, #tpu.memory_space<vmem>>
        %dma_start3A_535 = tpu.memref_squeeze %dma_start3A_534 : memref<1x1x80xi32, #tpu.memory_space<vmem>> -> memref<80xi32, #tpu.memory_space<vmem>>
        %dma_start3A_536 = arith.constant 0 : i32
        %dma_start3A_537 = arith.constant 0 : i32
        %dma_start3A_538 = tpu.memref_slice %arg2[%dma_start3A_536, %dma_start3A_537] : memref<10000x128xf32, #tpu.memory_space<hbm>> -> memref<10000x128xf32, #tpu.memory_space<hbm>>
        tpu.enqueue_indirect_dma source(%dma_start3A_538 : memref<10000x128xf32, #tpu.memory_space<hbm>>) target(%arg12 : memref<80x128xf32, #tpu.memory_space<vmem>>) offsets(%dma_start3A_535 : memref<80xi32, #tpu.memory_space<vmem>>) semaphore(%arg21 : memref<!tpu.dma_semaphore, #tpu.memory_space<semaphore_mem>>)
      } else {
      }
      %mul3A_415 = arith.constant 4 : i32
      %mul3A_416 = arith.muli %mul3A_415, %scan3A_388 : i32
      %add3A_417 = arith.constant 1 : i32
      %add3A_418 = arith.addi %mul3A_416, %add3A_417 : i32
      %dma_wait3A_419 = arith.constant 1 : i32
      %dma_wait3A_420 = arith.constant 0 : i32
      %dma_wait3A_421 = arith.constant 0 : i32
      %dma_wait3A_422 = tpu.memref_slice %arg7[%dma_wait3A_419, %dma_wait3A_420, %dma_wait3A_421] : memref<4x1x80xi32, #tpu.memory_space<vmem>> -> memref<1x1x80xi32, #tpu.memory_space<vmem>>
      %dma_wait3A_423 = tpu.memref_squeeze %dma_wait3A_422 : memref<1x1x80xi32, #tpu.memory_space<vmem>> -> memref<80xi32, #tpu.memory_space<vmem>>
      %dma_wait3A_424 = arith.constant 0 : i32
      %dma_wait3A_425 = arith.constant 0 : i32
      %dma_wait3A_426 = tpu.memref_slice %arg2[%dma_wait3A_424, %dma_wait3A_425] : memref<10000x128xf32, #tpu.memory_space<hbm>> -> memref<10000x128xf32, #tpu.memory_space<hbm>>
      tpu.wait_indirect_dma semaphore(%arg19 : memref<!tpu.dma_semaphore, #tpu.memory_space<semaphore_mem>>) src(%dma_wait3A_426 : memref<10000x128xf32, #tpu.memory_space<hbm>>) dst(%arg10 : memref<80x128xf32, #tpu.memory_space<vmem>>)
      %run_scoped3A_427 = arith.constant 1 : i32
      %run_scoped3A_428 = arith.constant 0 : i32
      "tpu.region"() ({
        %run_scoped3A_499 = tpu.sem_alloc : memref<!tpu.dma_semaphore, #tpu.memory_space<semaphore_mem>>
        %dma_start3A_500 = arith.constant 0 : i32
        %dma_start3A_501 = tpu.memref_slice %arg8[%run_scoped3A_427, %run_scoped3A_428, %dma_start3A_500] : memref<4x1x80xi32, #tpu.memory_space<vmem>> -> memref<1x1x80xi32, #tpu.memory_space<vmem>>
        %dma_start3A_502 = tpu.memref_squeeze %dma_start3A_501 : memref<1x1x80xi32, #tpu.memory_space<vmem>> -> memref<80xi32, #tpu.memory_space<vmem>>
        %dma_start3A_503 = arith.constant 0 : i32
        %dma_start3A_504 = arith.constant 0 : i32
        %dma_start3A_505 = tpu.memref_slice %arg13[%dma_start3A_503, %dma_start3A_504] : memref<10240x128xf32, #tpu.memory_space<vmem_shared>> -> memref<10240x128xf32, #tpu.memory_space<vmem_shared>>
        tpu.enqueue_indirect_dma source(%arg10 : memref<80x128xf32, #tpu.memory_space<vmem>>) target(%dma_start3A_505 : memref<10240x128xf32, #tpu.memory_space<vmem_shared>>) offsets(%dma_start3A_502 : memref<80xi32, #tpu.memory_space<vmem>>) semaphore(%run_scoped3A_499 : memref<!tpu.dma_semaphore, #tpu.memory_space<semaphore_mem>>) {add = true}
        %dma_wait3A_506 = arith.constant 0 : i32
        %dma_wait3A_507 = tpu.memref_slice %arg8[%run_scoped3A_427, %run_scoped3A_428, %dma_wait3A_506] : memref<4x1x80xi32, #tpu.memory_space<vmem>> -> memref<1x1x80xi32, #tpu.memory_space<vmem>>
        %dma_wait3A_508 = tpu.memref_squeeze %dma_wait3A_507 : memref<1x1x80xi32, #tpu.memory_space<vmem>> -> memref<80xi32, #tpu.memory_space<vmem>>
        %dma_wait3A_509 = arith.constant 0 : i32
        %dma_wait3A_510 = arith.constant 0 : i32
        %dma_wait3A_511 = tpu.memref_slice %arg13[%dma_wait3A_509, %dma_wait3A_510] : memref<10240x128xf32, #tpu.memory_space<vmem_shared>> -> memref<10240x128xf32, #tpu.memory_space<vmem_shared>>
        tpu.wait_indirect_dma semaphore(%run_scoped3A_499 : memref<!tpu.dma_semaphore, #tpu.memory_space<semaphore_mem>>) src(%arg10 : memref<80x128xf32, #tpu.memory_space<vmem>>) dst(%dma_wait3A_511 : memref<10240x128xf32, #tpu.memory_space<vmem_shared>>)
        tpu.yield
      }) : () -> ()
      %add3A_429 = arith.constant 4 : i32
      %add3A_430 = arith.addi %add3A_418, %add3A_429 : i32
      %lt3A_431 = arith.constant 128 : i32
      %lt3A_432 = arith.cmpi slt, %add3A_430, %lt3A_431 : i32
      %convert_element_type3A_433 = arith.extui %lt3A_432 : i1 to i32
      %cond3A_434 = arith.constant 0 : i32
      %cond3A_435 = arith.cmpi ne, %convert_element_type3A_433, %cond3A_434 : i32
      scf.if %cond3A_435 {
        %add3A_499 = arith.constant 4 : i32
        %add3A_500 = arith.addi %add3A_418, %add3A_499 : i32
        %add3A_501 = arith.addi %mul3A_2, %add3A_500 : i32
        %dma_start3A_502 = arith.constant 1 : i32
        %dma_start3A_503 = arith.constant 0 : i32
        %dma_start3A_504 = arith.constant 0 : i32
        %dma_start3A_505 = tpu.memref_slice %arg7[%dma_start3A_502, %dma_start3A_503, %dma_start3A_504] : memref<4x1x80xi32, #tpu.memory_space<vmem>> -> memref<1x1x80xi32, #tpu.memory_space<vmem>>
        %dma_start3A_506 = tpu.memref_squeeze %dma_start3A_505 : memref<1x1x80xi32, #tpu.memory_space<vmem>> -> memref<1x80xi32, #tpu.memory_space<vmem>>
        %dma_start3A_507 = arith.constant 0 : i32
        %dma_start3A_508 = tpu.memref_slice %arg3[%add3A_501, %dma_start3A_507] : memref<4096x80xi32, #tpu.memory_space<hbm>> -> memref<1x80xi32, #tpu.memory_space<hbm>>
        %dma_start3A_509 = arith.constant 0 : i32
        %dma_start3A_510 = arith.constant 0 : i32
        %dma_start3A_511 = tpu.memref_slice %arg7[%dma_start3A_502, %dma_start3A_509, %dma_start3A_510] : memref<4x1x80xi32, #tpu.memory_space<vmem>> -> memref<1x1x80xi32, #tpu.memory_space<vmem>>
        %dma_start3A_512 = tpu.memref_squeeze %dma_start3A_511 : memref<1x1x80xi32, #tpu.memory_space<vmem>> -> memref<1x80xi32, #tpu.memory_space<vmem>>
        %dma_start3A_513 = arith.constant 0 : i32
        %dma_start3A_514 = tpu.memref_slice %arg3[%add3A_501, %dma_start3A_513] : memref<4096x80xi32, #tpu.memory_space<hbm>> -> memref<1x80xi32, #tpu.memory_space<hbm>>
        tpu.enqueue_dma source(%dma_start3A_514 : memref<1x80xi32, #tpu.memory_space<hbm>>) target(%dma_start3A_512 : memref<1x80xi32, #tpu.memory_space<vmem>>) target_semaphore(%arg15 : memref<!tpu.dma_semaphore, #tpu.memory_space<semaphore_mem>>)
        %add3A_515 = arith.addi %mul3A_2, %add3A_500 : i32
        %dma_start3A_516 = arith.constant 1 : i32
        %dma_start3A_517 = arith.constant 0 : i32
        %dma_start3A_518 = arith.constant 0 : i32
        %dma_start3A_519 = tpu.memref_slice %arg8[%dma_start3A_516, %dma_start3A_517, %dma_start3A_518] : memref<4x1x80xi32, #tpu.memory_space<vmem>> -> memref<1x1x80xi32, #tpu.memory_space<vmem>>
        %dma_start3A_520 = tpu.memref_squeeze %dma_start3A_519 : memref<1x1x80xi32, #tpu.memory_space<vmem>> -> memref<1x80xi32, #tpu.memory_space<vmem>>
        %dma_start3A_521 = arith.constant 0 : i32
        %dma_start3A_522 = tpu.memref_slice %arg4[%add3A_515, %dma_start3A_521] : memref<4096x80xi32, #tpu.memory_space<hbm>> -> memref<1x80xi32, #tpu.memory_space<hbm>>
        %dma_start3A_523 = arith.constant 0 : i32
        %dma_start3A_524 = arith.constant 0 : i32
        %dma_start3A_525 = tpu.memref_slice %arg8[%dma_start3A_516, %dma_start3A_523, %dma_start3A_524] : memref<4x1x80xi32, #tpu.memory_space<vmem>> -> memref<1x1x80xi32, #tpu.memory_space<vmem>>
        %dma_start3A_526 = tpu.memref_squeeze %dma_start3A_525 : memref<1x1x80xi32, #tpu.memory_space<vmem>> -> memref<1x80xi32, #tpu.memory_space<vmem>>
        %dma_start3A_527 = arith.constant 0 : i32
        %dma_start3A_528 = tpu.memref_slice %arg4[%add3A_515, %dma_start3A_527] : memref<4096x80xi32, #tpu.memory_space<hbm>> -> memref<1x80xi32, #tpu.memory_space<hbm>>
        tpu.enqueue_dma source(%dma_start3A_528 : memref<1x80xi32, #tpu.memory_space<hbm>>) target(%dma_start3A_526 : memref<1x80xi32, #tpu.memory_space<vmem>>) target_semaphore(%arg15 : memref<!tpu.dma_semaphore, #tpu.memory_space<semaphore_mem>>)
      } else {
      }
      %add3A_436 = arith.constant 3 : i32
      %add3A_437 = arith.addi %add3A_418, %add3A_436 : i32
      %lt3A_438 = arith.constant 128 : i32
      %lt3A_439 = arith.cmpi slt, %add3A_437, %lt3A_438 : i32
      %convert_element_type3A_440 = arith.extui %lt3A_439 : i1 to i32
      %cond3A_441 = arith.constant 0 : i32
      %cond3A_442 = arith.cmpi ne, %convert_element_type3A_440, %cond3A_441 : i32
      scf.if %cond3A_442 {
        %add3A_499 = arith.constant 3 : i32
        %add3A_500 = arith.addi %add3A_418, %add3A_499 : i32
        %add3A_501 = arith.addi %mul3A_2, %add3A_500 : i32
        %dma_wait3A_502 = arith.constant 0 : i32
        %dma_wait3A_503 = arith.constant 0 : i32
        %dma_wait3A_504 = arith.constant 0 : i32
        %dma_wait3A_505 = tpu.memref_slice %arg7[%dma_wait3A_502, %dma_wait3A_503, %dma_wait3A_504] : memref<4x1x80xi32, #tpu.memory_space<vmem>> -> memref<1x1x80xi32, #tpu.memory_space<vmem>>
        %dma_wait3A_506 = tpu.memref_squeeze %dma_wait3A_505 : memref<1x1x80xi32, #tpu.memory_space<vmem>> -> memref<1x80xi32, #tpu.memory_space<vmem>>
        %dma_wait3A_507 = arith.constant 0 : i32
        %dma_wait3A_508 = tpu.memref_slice %arg3[%add3A_501, %dma_wait3A_507] : memref<4096x80xi32, #tpu.memory_space<hbm>> -> memref<1x80xi32, #tpu.memory_space<hbm>>
        %dma_wait3A_509 = arith.constant 0 : i32
        %dma_wait3A_510 = arith.constant 0 : i32
        %dma_wait3A_511 = tpu.memref_slice %arg7[%dma_wait3A_502, %dma_wait3A_509, %dma_wait3A_510] : memref<4x1x80xi32, #tpu.memory_space<vmem>> -> memref<1x1x80xi32, #tpu.memory_space<vmem>>
        %dma_wait3A_512 = tpu.memref_squeeze %dma_wait3A_511 : memref<1x1x80xi32, #tpu.memory_space<vmem>> -> memref<1x80xi32, #tpu.memory_space<vmem>>
        %dma_wait3A_513 = arith.constant 0 : i32
        %dma_wait3A_514 = tpu.memref_slice %arg3[%add3A_501, %dma_wait3A_513] : memref<4096x80xi32, #tpu.memory_space<hbm>> -> memref<1x80xi32, #tpu.memory_space<hbm>>
        tpu.wait_dma2 semaphore(%arg14 : memref<!tpu.dma_semaphore, #tpu.memory_space<semaphore_mem>>) src(%dma_wait3A_514 : memref<1x80xi32, #tpu.memory_space<hbm>>) dst(%dma_wait3A_512 : memref<1x80xi32, #tpu.memory_space<vmem>>)
        %add3A_515 = arith.addi %mul3A_2, %add3A_500 : i32
        %dma_wait3A_516 = arith.constant 0 : i32
        %dma_wait3A_517 = arith.constant 0 : i32
        %dma_wait3A_518 = arith.constant 0 : i32
        %dma_wait3A_519 = tpu.memref_slice %arg8[%dma_wait3A_516, %dma_wait3A_517, %dma_wait3A_518] : memref<4x1x80xi32, #tpu.memory_space<vmem>> -> memref<1x1x80xi32, #tpu.memory_space<vmem>>
        %dma_wait3A_520 = tpu.memref_squeeze %dma_wait3A_519 : memref<1x1x80xi32, #tpu.memory_space<vmem>> -> memref<1x80xi32, #tpu.memory_space<vmem>>
        %dma_wait3A_521 = arith.constant 0 : i32
        %dma_wait3A_522 = tpu.memref_slice %arg4[%add3A_515, %dma_wait3A_521] : memref<4096x80xi32, #tpu.memory_space<hbm>> -> memref<1x80xi32, #tpu.memory_space<hbm>>
        %dma_wait3A_523 = arith.constant 0 : i32
        %dma_wait3A_524 = arith.constant 0 : i32
        %dma_wait3A_525 = tpu.memref_slice %arg8[%dma_wait3A_516, %dma_wait3A_523, %dma_wait3A_524] : memref<4x1x80xi32, #tpu.memory_space<vmem>> -> memref<1x1x80xi32, #tpu.memory_space<vmem>>
        %dma_wait3A_526 = tpu.memref_squeeze %dma_wait3A_525 : memref<1x1x80xi32, #tpu.memory_space<vmem>> -> memref<1x80xi32, #tpu.memory_space<vmem>>
        %dma_wait3A_527 = arith.constant 0 : i32
        %dma_wait3A_528 = tpu.memref_slice %arg4[%add3A_515, %dma_wait3A_527] : memref<4096x80xi32, #tpu.memory_space<hbm>> -> memref<1x80xi32, #tpu.memory_space<hbm>>
        tpu.wait_dma2 semaphore(%arg14 : memref<!tpu.dma_semaphore, #tpu.memory_space<semaphore_mem>>) src(%dma_wait3A_528 : memref<1x80xi32, #tpu.memory_space<hbm>>) dst(%dma_wait3A_526 : memref<1x80xi32, #tpu.memory_space<vmem>>)
        %add3A_529 = arith.constant 3 : i32
        %add3A_530 = arith.addi %add3A_418, %add3A_529 : i32
        %dma_start3A_531 = arith.constant 0 : i32
        %dma_start3A_532 = arith.constant 0 : i32
        %dma_start3A_533 = arith.constant 0 : i32
        %dma_start3A_534 = tpu.memref_slice %arg7[%dma_start3A_531, %dma_start3A_532, %dma_start3A_533] : memref<4x1x80xi32, #tpu.memory_space<vmem>> -> memref<1x1x80xi32, #tpu.memory_space<vmem>>
        %dma_start3A_535 = tpu.memref_squeeze %dma_start3A_534 : memref<1x1x80xi32, #tpu.memory_space<vmem>> -> memref<80xi32, #tpu.memory_space<vmem>>
        %dma_start3A_536 = arith.constant 0 : i32
        %dma_start3A_537 = arith.constant 0 : i32
        %dma_start3A_538 = tpu.memref_slice %arg2[%dma_start3A_536, %dma_start3A_537] : memref<10000x128xf32, #tpu.memory_space<hbm>> -> memref<10000x128xf32, #tpu.memory_space<hbm>>
        tpu.enqueue_indirect_dma source(%dma_start3A_538 : memref<10000x128xf32, #tpu.memory_space<hbm>>) target(%arg9 : memref<80x128xf32, #tpu.memory_space<vmem>>) offsets(%dma_start3A_535 : memref<80xi32, #tpu.memory_space<vmem>>) semaphore(%arg18 : memref<!tpu.dma_semaphore, #tpu.memory_space<semaphore_mem>>)
      } else {
      }
      %mul3A_443 = arith.constant 4 : i32
      %mul3A_444 = arith.muli %mul3A_443, %scan3A_388 : i32
      %add3A_445 = arith.constant 2 : i32
      %add3A_446 = arith.addi %mul3A_444, %add3A_445 : i32
      %dma_wait3A_447 = arith.constant 2 : i32
      %dma_wait3A_448 = arith.constant 0 : i32
      %dma_wait3A_449 = arith.constant 0 : i32
      %dma_wait3A_450 = tpu.memref_slice %arg7[%dma_wait3A_447, %dma_wait3A_448, %dma_wait3A_449] : memref<4x1x80xi32, #tpu.memory_space<vmem>> -> memref<1x1x80xi32, #tpu.memory_space<vmem>>
      %dma_wait3A_451 = tpu.memref_squeeze %dma_wait3A_450 : memref<1x1x80xi32, #tpu.memory_space<vmem>> -> memref<80xi32, #tpu.memory_space<vmem>>
      %dma_wait3A_452 = arith.constant 0 : i32
      %dma_wait3A_453 = arith.constant 0 : i32
      %dma_wait3A_454 = tpu.memref_slice %arg2[%dma_wait3A_452, %dma_wait3A_453] : memref<10000x128xf32, #tpu.memory_space<hbm>> -> memref<10000x128xf32, #tpu.memory_space<hbm>>
      tpu.wait_indirect_dma semaphore(%arg20 : memref<!tpu.dma_semaphore, #tpu.memory_space<semaphore_mem>>) src(%dma_wait3A_454 : memref<10000x128xf32, #tpu.memory_space<hbm>>) dst(%arg11 : memref<80x128xf32, #tpu.memory_space<vmem>>)
      %run_scoped3A_455 = arith.constant 2 : i32
      %run_scoped3A_456 = arith.constant 0 : i32
      "tpu.region"() ({
        %run_scoped3A_499 = tpu.sem_alloc : memref<!tpu.dma_semaphore, #tpu.memory_space<semaphore_mem>>
        %dma_start3A_500 = arith.constant 0 : i32
        %dma_start3A_501 = tpu.memref_slice %arg8[%run_scoped3A_455, %run_scoped3A_456, %dma_start3A_500] : memref<4x1x80xi32, #tpu.memory_space<vmem>> -> memref<1x1x80xi32, #tpu.memory_space<vmem>>
        %dma_start3A_502 = tpu.memref_squeeze %dma_start3A_501 : memref<1x1x80xi32, #tpu.memory_space<vmem>> -> memref<80xi32, #tpu.memory_space<vmem>>
        %dma_start3A_503 = arith.constant 0 : i32
        %dma_start3A_504 = arith.constant 0 : i32
        %dma_start3A_505 = tpu.memref_slice %arg13[%dma_start3A_503, %dma_start3A_504] : memref<10240x128xf32, #tpu.memory_space<vmem_shared>> -> memref<10240x128xf32, #tpu.memory_space<vmem_shared>>
        tpu.enqueue_indirect_dma source(%arg11 : memref<80x128xf32, #tpu.memory_space<vmem>>) target(%dma_start3A_505 : memref<10240x128xf32, #tpu.memory_space<vmem_shared>>) offsets(%dma_start3A_502 : memref<80xi32, #tpu.memory_space<vmem>>) semaphore(%run_scoped3A_499 : memref<!tpu.dma_semaphore, #tpu.memory_space<semaphore_mem>>) {add = true}
        %dma_wait3A_506 = arith.constant 0 : i32
        %dma_wait3A_507 = tpu.memref_slice %arg8[%run_scoped3A_455, %run_scoped3A_456, %dma_wait3A_506] : memref<4x1x80xi32, #tpu.memory_space<vmem>> -> memref<1x1x80xi32, #tpu.memory_space<vmem>>
        %dma_wait3A_508 = tpu.memref_squeeze %dma_wait3A_507 : memref<1x1x80xi32, #tpu.memory_space<vmem>> -> memref<80xi32, #tpu.memory_space<vmem>>
        %dma_wait3A_509 = arith.constant 0 : i32
        %dma_wait3A_510 = arith.constant 0 : i32
        %dma_wait3A_511 = tpu.memref_slice %arg13[%dma_wait3A_509, %dma_wait3A_510] : memref<10240x128xf32, #tpu.memory_space<vmem_shared>> -> memref<10240x128xf32, #tpu.memory_space<vmem_shared>>
        tpu.wait_indirect_dma semaphore(%run_scoped3A_499 : memref<!tpu.dma_semaphore, #tpu.memory_space<semaphore_mem>>) src(%arg11 : memref<80x128xf32, #tpu.memory_space<vmem>>) dst(%dma_wait3A_511 : memref<10240x128xf32, #tpu.memory_space<vmem_shared>>)
        tpu.yield
      }) : () -> ()
      %add3A_457 = arith.constant 4 : i32
      %add3A_458 = arith.addi %add3A_446, %add3A_457 : i32
      %lt3A_459 = arith.constant 128 : i32
      %lt3A_460 = arith.cmpi slt, %add3A_458, %lt3A_459 : i32
      %convert_element_type3A_461 = arith.extui %lt3A_460 : i1 to i32
      %cond3A_462 = arith.constant 0 : i32
      %cond3A_463 = arith.cmpi ne, %convert_element_type3A_461, %cond3A_462 : i32
      scf.if %cond3A_463 {
        %add3A_499 = arith.constant 4 : i32
        %add3A_500 = arith.addi %add3A_446, %add3A_499 : i32
        %add3A_501 = arith.addi %mul3A_2, %add3A_500 : i32
        %dma_start3A_502 = arith.constant 2 : i32
        %dma_start3A_503 = arith.constant 0 : i32
        %dma_start3A_504 = arith.constant 0 : i32
        %dma_start3A_505 = tpu.memref_slice %arg7[%dma_start3A_502, %dma_start3A_503, %dma_start3A_504] : memref<4x1x80xi32, #tpu.memory_space<vmem>> -> memref<1x1x80xi32, #tpu.memory_space<vmem>>
        %dma_start3A_506 = tpu.memref_squeeze %dma_start3A_505 : memref<1x1x80xi32, #tpu.memory_space<vmem>> -> memref<1x80xi32, #tpu.memory_space<vmem>>
        %dma_start3A_507 = arith.constant 0 : i32
        %dma_start3A_508 = tpu.memref_slice %arg3[%add3A_501, %dma_start3A_507] : memref<4096x80xi32, #tpu.memory_space<hbm>> -> memref<1x80xi32, #tpu.memory_space<hbm>>
        %dma_start3A_509 = arith.constant 0 : i32
        %dma_start3A_510 = arith.constant 0 : i32
        %dma_start3A_511 = tpu.memref_slice %arg7[%dma_start3A_502, %dma_start3A_509, %dma_start3A_510] : memref<4x1x80xi32, #tpu.memory_space<vmem>> -> memref<1x1x80xi32, #tpu.memory_space<vmem>>
        %dma_start3A_512 = tpu.memref_squeeze %dma_start3A_511 : memref<1x1x80xi32, #tpu.memory_space<vmem>> -> memref<1x80xi32, #tpu.memory_space<vmem>>
        %dma_start3A_513 = arith.constant 0 : i32
        %dma_start3A_514 = tpu.memref_slice %arg3[%add3A_501, %dma_start3A_513] : memref<4096x80xi32, #tpu.memory_space<hbm>> -> memref<1x80xi32, #tpu.memory_space<hbm>>
        tpu.enqueue_dma source(%dma_start3A_514 : memref<1x80xi32, #tpu.memory_space<hbm>>) target(%dma_start3A_512 : memref<1x80xi32, #tpu.memory_space<vmem>>) target_semaphore(%arg16 : memref<!tpu.dma_semaphore, #tpu.memory_space<semaphore_mem>>)
        %add3A_515 = arith.addi %mul3A_2, %add3A_500 : i32
        %dma_start3A_516 = arith.constant 2 : i32
        %dma_start3A_517 = arith.constant 0 : i32
        %dma_start3A_518 = arith.constant 0 : i32
        %dma_start3A_519 = tpu.memref_slice %arg8[%dma_start3A_516, %dma_start3A_517, %dma_start3A_518] : memref<4x1x80xi32, #tpu.memory_space<vmem>> -> memref<1x1x80xi32, #tpu.memory_space<vmem>>
        %dma_start3A_520 = tpu.memref_squeeze %dma_start3A_519 : memref<1x1x80xi32, #tpu.memory_space<vmem>> -> memref<1x80xi32, #tpu.memory_space<vmem>>
        %dma_start3A_521 = arith.constant 0 : i32
        %dma_start3A_522 = tpu.memref_slice %arg4[%add3A_515, %dma_start3A_521] : memref<4096x80xi32, #tpu.memory_space<hbm>> -> memref<1x80xi32, #tpu.memory_space<hbm>>
        %dma_start3A_523 = arith.constant 0 : i32
        %dma_start3A_524 = arith.constant 0 : i32
        %dma_start3A_525 = tpu.memref_slice %arg8[%dma_start3A_516, %dma_start3A_523, %dma_start3A_524] : memref<4x1x80xi32, #tpu.memory_space<vmem>> -> memref<1x1x80xi32, #tpu.memory_space<vmem>>
        %dma_start3A_526 = tpu.memref_squeeze %dma_start3A_525 : memref<1x1x80xi32, #tpu.memory_space<vmem>> -> memref<1x80xi32, #tpu.memory_space<vmem>>
        %dma_start3A_527 = arith.constant 0 : i32
        %dma_start3A_528 = tpu.memref_slice %arg4[%add3A_515, %dma_start3A_527] : memref<4096x80xi32, #tpu.memory_space<hbm>> -> memref<1x80xi32, #tpu.memory_space<hbm>>
        tpu.enqueue_dma source(%dma_start3A_528 : memref<1x80xi32, #tpu.memory_space<hbm>>) target(%dma_start3A_526 : memref<1x80xi32, #tpu.memory_space<vmem>>) target_semaphore(%arg16 : memref<!tpu.dma_semaphore, #tpu.memory_space<semaphore_mem>>)
      } else {
      }
      %add3A_464 = arith.constant 3 : i32
      %add3A_465 = arith.addi %add3A_446, %add3A_464 : i32
      %lt3A_466 = arith.constant 128 : i32
      %lt3A_467 = arith.cmpi slt, %add3A_465, %lt3A_466 : i32
      %convert_element_type3A_468 = arith.extui %lt3A_467 : i1 to i32
      %cond3A_469 = arith.constant 0 : i32
      %cond3A_470 = arith.cmpi ne, %convert_element_type3A_468, %cond3A_469 : i32
      scf.if %cond3A_470 {
        %add3A_499 = arith.constant 3 : i32
        %add3A_500 = arith.addi %add3A_446, %add3A_499 : i32
        %add3A_501 = arith.addi %mul3A_2, %add3A_500 : i32
        %dma_wait3A_502 = arith.constant 1 : i32
        %dma_wait3A_503 = arith.constant 0 : i32
        %dma_wait3A_504 = arith.constant 0 : i32
        %dma_wait3A_505 = tpu.memref_slice %arg7[%dma_wait3A_502, %dma_wait3A_503, %dma_wait3A_504] : memref<4x1x80xi32, #tpu.memory_space<vmem>> -> memref<1x1x80xi32, #tpu.memory_space<vmem>>
        %dma_wait3A_506 = tpu.memref_squeeze %dma_wait3A_505 : memref<1x1x80xi32, #tpu.memory_space<vmem>> -> memref<1x80xi32, #tpu.memory_space<vmem>>
        %dma_wait3A_507 = arith.constant 0 : i32
        %dma_wait3A_508 = tpu.memref_slice %arg3[%add3A_501, %dma_wait3A_507] : memref<4096x80xi32, #tpu.memory_space<hbm>> -> memref<1x80xi32, #tpu.memory_space<hbm>>
        %dma_wait3A_509 = arith.constant 0 : i32
        %dma_wait3A_510 = arith.constant 0 : i32
        %dma_wait3A_511 = tpu.memref_slice %arg7[%dma_wait3A_502, %dma_wait3A_509, %dma_wait3A_510] : memref<4x1x80xi32, #tpu.memory_space<vmem>> -> memref<1x1x80xi32, #tpu.memory_space<vmem>>
        %dma_wait3A_512 = tpu.memref_squeeze %dma_wait3A_511 : memref<1x1x80xi32, #tpu.memory_space<vmem>> -> memref<1x80xi32, #tpu.memory_space<vmem>>
        %dma_wait3A_513 = arith.constant 0 : i32
        %dma_wait3A_514 = tpu.memref_slice %arg3[%add3A_501, %dma_wait3A_513] : memref<4096x80xi32, #tpu.memory_space<hbm>> -> memref<1x80xi32, #tpu.memory_space<hbm>>
        tpu.wait_dma2 semaphore(%arg15 : memref<!tpu.dma_semaphore, #tpu.memory_space<semaphore_mem>>) src(%dma_wait3A_514 : memref<1x80xi32, #tpu.memory_space<hbm>>) dst(%dma_wait3A_512 : memref<1x80xi32, #tpu.memory_space<vmem>>)
        %add3A_515 = arith.addi %mul3A_2, %add3A_500 : i32
        %dma_wait3A_516 = arith.constant 1 : i32
        %dma_wait3A_517 = arith.constant 0 : i32
        %dma_wait3A_518 = arith.constant 0 : i32
        %dma_wait3A_519 = tpu.memref_slice %arg8[%dma_wait3A_516, %dma_wait3A_517, %dma_wait3A_518] : memref<4x1x80xi32, #tpu.memory_space<vmem>> -> memref<1x1x80xi32, #tpu.memory_space<vmem>>
        %dma_wait3A_520 = tpu.memref_squeeze %dma_wait3A_519 : memref<1x1x80xi32, #tpu.memory_space<vmem>> -> memref<1x80xi32, #tpu.memory_space<vmem>>
        %dma_wait3A_521 = arith.constant 0 : i32
        %dma_wait3A_522 = tpu.memref_slice %arg4[%add3A_515, %dma_wait3A_521] : memref<4096x80xi32, #tpu.memory_space<hbm>> -> memref<1x80xi32, #tpu.memory_space<hbm>>
        %dma_wait3A_523 = arith.constant 0 : i32
        %dma_wait3A_524 = arith.constant 0 : i32
        %dma_wait3A_525 = tpu.memref_slice %arg8[%dma_wait3A_516, %dma_wait3A_523, %dma_wait3A_524] : memref<4x1x80xi32, #tpu.memory_space<vmem>> -> memref<1x1x80xi32, #tpu.memory_space<vmem>>
        %dma_wait3A_526 = tpu.memref_squeeze %dma_wait3A_525 : memref<1x1x80xi32, #tpu.memory_space<vmem>> -> memref<1x80xi32, #tpu.memory_space<vmem>>
        %dma_wait3A_527 = arith.constant 0 : i32
        %dma_wait3A_528 = tpu.memref_slice %arg4[%add3A_515, %dma_wait3A_527] : memref<4096x80xi32, #tpu.memory_space<hbm>> -> memref<1x80xi32, #tpu.memory_space<hbm>>
        tpu.wait_dma2 semaphore(%arg15 : memref<!tpu.dma_semaphore, #tpu.memory_space<semaphore_mem>>) src(%dma_wait3A_528 : memref<1x80xi32, #tpu.memory_space<hbm>>) dst(%dma_wait3A_526 : memref<1x80xi32, #tpu.memory_space<vmem>>)
        %add3A_529 = arith.constant 3 : i32
        %add3A_530 = arith.addi %add3A_446, %add3A_529 : i32
        %dma_start3A_531 = arith.constant 1 : i32
        %dma_start3A_532 = arith.constant 0 : i32
        %dma_start3A_533 = arith.constant 0 : i32
        %dma_start3A_534 = tpu.memref_slice %arg7[%dma_start3A_531, %dma_start3A_532, %dma_start3A_533] : memref<4x1x80xi32, #tpu.memory_space<vmem>> -> memref<1x1x80xi32, #tpu.memory_space<vmem>>
        %dma_start3A_535 = tpu.memref_squeeze %dma_start3A_534 : memref<1x1x80xi32, #tpu.memory_space<vmem>> -> memref<80xi32, #tpu.memory_space<vmem>>
        %dma_start3A_536 = arith.constant 0 : i32
        %dma_start3A_537 = arith.constant 0 : i32
        %dma_start3A_538 = tpu.memref_slice %arg2[%dma_start3A_536, %dma_start3A_537] : memref<10000x128xf32, #tpu.memory_space<hbm>> -> memref<10000x128xf32, #tpu.memory_space<hbm>>
        tpu.enqueue_indirect_dma source(%dma_start3A_538 : memref<10000x128xf32, #tpu.memory_space<hbm>>) target(%arg10 : memref<80x128xf32, #tpu.memory_space<vmem>>) offsets(%dma_start3A_535 : memref<80xi32, #tpu.memory_space<vmem>>) semaphore(%arg19 : memref<!tpu.dma_semaphore, #tpu.memory_space<semaphore_mem>>)
      } else {
      }
      %mul3A_471 = arith.constant 4 : i32
      %mul3A_472 = arith.muli %mul3A_471, %scan3A_388 : i32
      %add3A_473 = arith.constant 3 : i32
      %add3A_474 = arith.addi %mul3A_472, %add3A_473 : i32
      %dma_wait3A_475 = arith.constant 3 : i32
      %dma_wait3A_476 = arith.constant 0 : i32
      %dma_wait3A_477 = arith.constant 0 : i32
      %dma_wait3A_478 = tpu.memref_slice %arg7[%dma_wait3A_475, %dma_wait3A_476, %dma_wait3A_477] : memref<4x1x80xi32, #tpu.memory_space<vmem>> -> memref<1x1x80xi32, #tpu.memory_space<vmem>>
      %dma_wait3A_479 = tpu.memref_squeeze %dma_wait3A_478 : memref<1x1x80xi32, #tpu.memory_space<vmem>> -> memref<80xi32, #tpu.memory_space<vmem>>
      %dma_wait3A_480 = arith.constant 0 : i32
      %dma_wait3A_481 = arith.constant 0 : i32
      %dma_wait3A_482 = tpu.memref_slice %arg2[%dma_wait3A_480, %dma_wait3A_481] : memref<10000x128xf32, #tpu.memory_space<hbm>> -> memref<10000x128xf32, #tpu.memory_space<hbm>>
      tpu.wait_indirect_dma semaphore(%arg21 : memref<!tpu.dma_semaphore, #tpu.memory_space<semaphore_mem>>) src(%dma_wait3A_482 : memref<10000x128xf32, #tpu.memory_space<hbm>>) dst(%arg12 : memref<80x128xf32, #tpu.memory_space<vmem>>)
      %run_scoped3A_483 = arith.constant 3 : i32
      %run_scoped3A_484 = arith.constant 0 : i32
      "tpu.region"() ({
        %run_scoped3A_499 = tpu.sem_alloc : memref<!tpu.dma_semaphore, #tpu.memory_space<semaphore_mem>>
        %dma_start3A_500 = arith.constant 0 : i32
        %dma_start3A_501 = tpu.memref_slice %arg8[%run_scoped3A_483, %run_scoped3A_484, %dma_start3A_500] : memref<4x1x80xi32, #tpu.memory_space<vmem>> -> memref<1x1x80xi32, #tpu.memory_space<vmem>>
        %dma_start3A_502 = tpu.memref_squeeze %dma_start3A_501 : memref<1x1x80xi32, #tpu.memory_space<vmem>> -> memref<80xi32, #tpu.memory_space<vmem>>
        %dma_start3A_503 = arith.constant 0 : i32
        %dma_start3A_504 = arith.constant 0 : i32
        %dma_start3A_505 = tpu.memref_slice %arg13[%dma_start3A_503, %dma_start3A_504] : memref<10240x128xf32, #tpu.memory_space<vmem_shared>> -> memref<10240x128xf32, #tpu.memory_space<vmem_shared>>
        tpu.enqueue_indirect_dma source(%arg12 : memref<80x128xf32, #tpu.memory_space<vmem>>) target(%dma_start3A_505 : memref<10240x128xf32, #tpu.memory_space<vmem_shared>>) offsets(%dma_start3A_502 : memref<80xi32, #tpu.memory_space<vmem>>) semaphore(%run_scoped3A_499 : memref<!tpu.dma_semaphore, #tpu.memory_space<semaphore_mem>>) {add = true}
        %dma_wait3A_506 = arith.constant 0 : i32
        %dma_wait3A_507 = tpu.memref_slice %arg8[%run_scoped3A_483, %run_scoped3A_484, %dma_wait3A_506] : memref<4x1x80xi32, #tpu.memory_space<vmem>> -> memref<1x1x80xi32, #tpu.memory_space<vmem>>
        %dma_wait3A_508 = tpu.memref_squeeze %dma_wait3A_507 : memref<1x1x80xi32, #tpu.memory_space<vmem>> -> memref<80xi32, #tpu.memory_space<vmem>>
        %dma_wait3A_509 = arith.constant 0 : i32
        %dma_wait3A_510 = arith.constant 0 : i32
        %dma_wait3A_511 = tpu.memref_slice %arg13[%dma_wait3A_509, %dma_wait3A_510] : memref<10240x128xf32, #tpu.memory_space<vmem_shared>> -> memref<10240x128xf32, #tpu.memory_space<vmem_shared>>
        tpu.wait_indirect_dma semaphore(%run_scoped3A_499 : memref<!tpu.dma_semaphore, #tpu.memory_space<semaphore_mem>>) src(%arg12 : memref<80x128xf32, #tpu.memory_space<vmem>>) dst(%dma_wait3A_511 : memref<10240x128xf32, #tpu.memory_space<vmem_shared>>)
        tpu.yield
      }) : () -> ()
      %add3A_485 = arith.constant 4 : i32
      %add3A_486 = arith.addi %add3A_474, %add3A_485 : i32
      %lt3A_487 = arith.constant 128 : i32
      %lt3A_488 = arith.cmpi slt, %add3A_486, %lt3A_487 : i32
      %convert_element_type3A_489 = arith.extui %lt3A_488 : i1 to i32
      %cond3A_490 = arith.constant 0 : i32
      %cond3A_491 = arith.cmpi ne, %convert_element_type3A_489, %cond3A_490 : i32
      scf.if %cond3A_491 {
        %add3A_499 = arith.constant 4 : i32
        %add3A_500 = arith.addi %add3A_474, %add3A_499 : i32
        %add3A_501 = arith.addi %mul3A_2, %add3A_500 : i32
        %dma_start3A_502 = arith.constant 3 : i32
        %dma_start3A_503 = arith.constant 0 : i32
        %dma_start3A_504 = arith.constant 0 : i32
        %dma_start3A_505 = tpu.memref_slice %arg7[%dma_start3A_502, %dma_start3A_503, %dma_start3A_504] : memref<4x1x80xi32, #tpu.memory_space<vmem>> -> memref<1x1x80xi32, #tpu.memory_space<vmem>>
        %dma_start3A_506 = tpu.memref_squeeze %dma_start3A_505 : memref<1x1x80xi32, #tpu.memory_space<vmem>> -> memref<1x80xi32, #tpu.memory_space<vmem>>
        %dma_start3A_507 = arith.constant 0 : i32
        %dma_start3A_508 = tpu.memref_slice %arg3[%add3A_501, %dma_start3A_507] : memref<4096x80xi32, #tpu.memory_space<hbm>> -> memref<1x80xi32, #tpu.memory_space<hbm>>
        %dma_start3A_509 = arith.constant 0 : i32
        %dma_start3A_510 = arith.constant 0 : i32
        %dma_start3A_511 = tpu.memref_slice %arg7[%dma_start3A_502, %dma_start3A_509, %dma_start3A_510] : memref<4x1x80xi32, #tpu.memory_space<vmem>> -> memref<1x1x80xi32, #tpu.memory_space<vmem>>
        %dma_start3A_512 = tpu.memref_squeeze %dma_start3A_511 : memref<1x1x80xi32, #tpu.memory_space<vmem>> -> memref<1x80xi32, #tpu.memory_space<vmem>>
        %dma_start3A_513 = arith.constant 0 : i32
        %dma_start3A_514 = tpu.memref_slice %arg3[%add3A_501, %dma_start3A_513] : memref<4096x80xi32, #tpu.memory_space<hbm>> -> memref<1x80xi32, #tpu.memory_space<hbm>>
        tpu.enqueue_dma source(%dma_start3A_514 : memref<1x80xi32, #tpu.memory_space<hbm>>) target(%dma_start3A_512 : memref<1x80xi32, #tpu.memory_space<vmem>>) target_semaphore(%arg17 : memref<!tpu.dma_semaphore, #tpu.memory_space<semaphore_mem>>)
        %add3A_515 = arith.addi %mul3A_2, %add3A_500 : i32
        %dma_start3A_516 = arith.constant 3 : i32
        %dma_start3A_517 = arith.constant 0 : i32
        %dma_start3A_518 = arith.constant 0 : i32
        %dma_start3A_519 = tpu.memref_slice %arg8[%dma_start3A_516, %dma_start3A_517, %dma_start3A_518] : memref<4x1x80xi32, #tpu.memory_space<vmem>> -> memref<1x1x80xi32, #tpu.memory_space<vmem>>
        %dma_start3A_520 = tpu.memref_squeeze %dma_start3A_519 : memref<1x1x80xi32, #tpu.memory_space<vmem>> -> memref<1x80xi32, #tpu.memory_space<vmem>>
        %dma_start3A_521 = arith.constant 0 : i32
        %dma_start3A_522 = tpu.memref_slice %arg4[%add3A_515, %dma_start3A_521] : memref<4096x80xi32, #tpu.memory_space<hbm>> -> memref<1x80xi32, #tpu.memory_space<hbm>>
        %dma_start3A_523 = arith.constant 0 : i32
        %dma_start3A_524 = arith.constant 0 : i32
        %dma_start3A_525 = tpu.memref_slice %arg8[%dma_start3A_516, %dma_start3A_523, %dma_start3A_524] : memref<4x1x80xi32, #tpu.memory_space<vmem>> -> memref<1x1x80xi32, #tpu.memory_space<vmem>>
        %dma_start3A_526 = tpu.memref_squeeze %dma_start3A_525 : memref<1x1x80xi32, #tpu.memory_space<vmem>> -> memref<1x80xi32, #tpu.memory_space<vmem>>
        %dma_start3A_527 = arith.constant 0 : i32
        %dma_start3A_528 = tpu.memref_slice %arg4[%add3A_515, %dma_start3A_527] : memref<4096x80xi32, #tpu.memory_space<hbm>> -> memref<1x80xi32, #tpu.memory_space<hbm>>
        tpu.enqueue_dma source(%dma_start3A_528 : memref<1x80xi32, #tpu.memory_space<hbm>>) target(%dma_start3A_526 : memref<1x80xi32, #tpu.memory_space<vmem>>) target_semaphore(%arg17 : memref<!tpu.dma_semaphore, #tpu.memory_space<semaphore_mem>>)
      } else {
      }
      %add3A_492 = arith.constant 3 : i32
      %add3A_493 = arith.addi %add3A_474, %add3A_492 : i32
      %lt3A_494 = arith.constant 128 : i32
      %lt3A_495 = arith.cmpi slt, %add3A_493, %lt3A_494 : i32
      %convert_element_type3A_496 = arith.extui %lt3A_495 : i1 to i32
      %cond3A_497 = arith.constant 0 : i32
      %cond3A_498 = arith.cmpi ne, %convert_element_type3A_496, %cond3A_497 : i32
      scf.if %cond3A_498 {
        %add3A_499 = arith.constant 3 : i32
        %add3A_500 = arith.addi %add3A_474, %add3A_499 : i32
        %add3A_501 = arith.addi %mul3A_2, %add3A_500 : i32
        %dma_wait3A_502 = arith.constant 2 : i32
        %dma_wait3A_503 = arith.constant 0 : i32
        %dma_wait3A_504 = arith.constant 0 : i32
        %dma_wait3A_505 = tpu.memref_slice %arg7[%dma_wait3A_502, %dma_wait3A_503, %dma_wait3A_504] : memref<4x1x80xi32, #tpu.memory_space<vmem>> -> memref<1x1x80xi32, #tpu.memory_space<vmem>>
        %dma_wait3A_506 = tpu.memref_squeeze %dma_wait3A_505 : memref<1x1x80xi32, #tpu.memory_space<vmem>> -> memref<1x80xi32, #tpu.memory_space<vmem>>
        %dma_wait3A_507 = arith.constant 0 : i32
        %dma_wait3A_508 = tpu.memref_slice %arg3[%add3A_501, %dma_wait3A_507] : memref<4096x80xi32, #tpu.memory_space<hbm>> -> memref<1x80xi32, #tpu.memory_space<hbm>>
        %dma_wait3A_509 = arith.constant 0 : i32
        %dma_wait3A_510 = arith.constant 0 : i32
        %dma_wait3A_511 = tpu.memref_slice %arg7[%dma_wait3A_502, %dma_wait3A_509, %dma_wait3A_510] : memref<4x1x80xi32, #tpu.memory_space<vmem>> -> memref<1x1x80xi32, #tpu.memory_space<vmem>>
        %dma_wait3A_512 = tpu.memref_squeeze %dma_wait3A_511 : memref<1x1x80xi32, #tpu.memory_space<vmem>> -> memref<1x80xi32, #tpu.memory_space<vmem>>
        %dma_wait3A_513 = arith.constant 0 : i32
        %dma_wait3A_514 = tpu.memref_slice %arg3[%add3A_501, %dma_wait3A_513] : memref<4096x80xi32, #tpu.memory_space<hbm>> -> memref<1x80xi32, #tpu.memory_space<hbm>>
        tpu.wait_dma2 semaphore(%arg16 : memref<!tpu.dma_semaphore, #tpu.memory_space<semaphore_mem>>) src(%dma_wait3A_514 : memref<1x80xi32, #tpu.memory_space<hbm>>) dst(%dma_wait3A_512 : memref<1x80xi32, #tpu.memory_space<vmem>>)
        %add3A_515 = arith.addi %mul3A_2, %add3A_500 : i32
        %dma_wait3A_516 = arith.constant 2 : i32
        %dma_wait3A_517 = arith.constant 0 : i32
        %dma_wait3A_518 = arith.constant 0 : i32
        %dma_wait3A_519 = tpu.memref_slice %arg8[%dma_wait3A_516, %dma_wait3A_517, %dma_wait3A_518] : memref<4x1x80xi32, #tpu.memory_space<vmem>> -> memref<1x1x80xi32, #tpu.memory_space<vmem>>
        %dma_wait3A_520 = tpu.memref_squeeze %dma_wait3A_519 : memref<1x1x80xi32, #tpu.memory_space<vmem>> -> memref<1x80xi32, #tpu.memory_space<vmem>>
        %dma_wait3A_521 = arith.constant 0 : i32
        %dma_wait3A_522 = tpu.memref_slice %arg4[%add3A_515, %dma_wait3A_521] : memref<4096x80xi32, #tpu.memory_space<hbm>> -> memref<1x80xi32, #tpu.memory_space<hbm>>
        %dma_wait3A_523 = arith.constant 0 : i32
        %dma_wait3A_524 = arith.constant 0 : i32
        %dma_wait3A_525 = tpu.memref_slice %arg8[%dma_wait3A_516, %dma_wait3A_523, %dma_wait3A_524] : memref<4x1x80xi32, #tpu.memory_space<vmem>> -> memref<1x1x80xi32, #tpu.memory_space<vmem>>
        %dma_wait3A_526 = tpu.memref_squeeze %dma_wait3A_525 : memref<1x1x80xi32, #tpu.memory_space<vmem>> -> memref<1x80xi32, #tpu.memory_space<vmem>>
        %dma_wait3A_527 = arith.constant 0 : i32
        %dma_wait3A_528 = tpu.memref_slice %arg4[%add3A_515, %dma_wait3A_527] : memref<4096x80xi32, #tpu.memory_space<hbm>> -> memref<1x80xi32, #tpu.memory_space<hbm>>
        tpu.wait_dma2 semaphore(%arg16 : memref<!tpu.dma_semaphore, #tpu.memory_space<semaphore_mem>>) src(%dma_wait3A_528 : memref<1x80xi32, #tpu.memory_space<hbm>>) dst(%dma_wait3A_526 : memref<1x80xi32, #tpu.memory_space<vmem>>)
        %add3A_529 = arith.constant 3 : i32
        %add3A_530 = arith.addi %add3A_474, %add3A_529 : i32
        %dma_start3A_531 = arith.constant 2 : i32
        %dma_start3A_532 = arith.constant 0 : i32
        %dma_start3A_533 = arith.constant 0 : i32
        %dma_start3A_534 = tpu.memref_slice %arg7[%dma_start3A_531, %dma_start3A_532, %dma_start3A_533] : memref<4x1x80xi32, #tpu.memory_space<vmem>> -> memref<1x1x80xi32, #tpu.memory_space<vmem>>
        %dma_start3A_535 = tpu.memref_squeeze %dma_start3A_534 : memref<1x1x80xi32, #tpu.memory_space<vmem>> -> memref<80xi32, #tpu.memory_space<vmem>>
        %dma_start3A_536 = arith.constant 0 : i32
        %dma_start3A_537 = arith.constant 0 : i32
        %dma_start3A_538 = tpu.memref_slice %arg2[%dma_start3A_536, %dma_start3A_537] : memref<10000x128xf32, #tpu.memory_space<hbm>> -> memref<10000x128xf32, #tpu.memory_space<hbm>>
        tpu.enqueue_indirect_dma source(%dma_start3A_538 : memref<10000x128xf32, #tpu.memory_space<hbm>>) target(%arg11 : memref<80x128xf32, #tpu.memory_space<vmem>>) offsets(%dma_start3A_535 : memref<80xi32, #tpu.memory_space<vmem>>) semaphore(%arg20 : memref<!tpu.dma_semaphore, #tpu.memory_space<semaphore_mem>>)
      } else {
      }
    }
    %scan3A_277 = arith.constant 32 : i32
    %barrier3A_278 = arith.constant 0 : index
    tpu.barrier barrier_id(%barrier3A_278)
    %mul3A_279 = arith.constant 640 : i32
    %mul3A_280 = arith.muli %arg1, %mul3A_279 : i32
    %add3A_281 = arith.constant 0 : i32
    %add3A_282 = arith.addi %mul3A_280, %add3A_281 : i32
    "tpu.region"() ({
      %run_scoped3A = tpu.sem_alloc : memref<!tpu.dma_semaphore, #tpu.memory_space<semaphore_mem>>
      %dma_start3A_388 = arith.constant 0 : i32
      %dma_start3A_389 = tpu.memref_slice %arg13[%add3A_282, %dma_start3A_388] : memref<10240x128xf32, #tpu.memory_space<vmem_shared>> -> memref<80x128xf32, #tpu.memory_space<vmem_shared>>
      %dma_start3A_390 = arith.constant 0 : i32
      %dma_start3A_391 = tpu.memref_slice %arg13[%add3A_282, %dma_start3A_390] : memref<10240x128xf32, #tpu.memory_space<vmem_shared>> -> memref<80x128xf32, #tpu.memory_space<vmem_shared>>
      tpu.enqueue_dma source(%dma_start3A_391 : memref<80x128xf32, #tpu.memory_space<vmem_shared>>) target(%arg12 : memref<80x128xf32, #tpu.memory_space<vmem>>) target_semaphore(%run_scoped3A : memref<!tpu.dma_semaphore, #tpu.memory_space<semaphore_mem>>)
      %dma_wait3A_392 = arith.constant 0 : i32
      %dma_wait3A_393 = tpu.memref_slice %arg13[%add3A_282, %dma_wait3A_392] : memref<10240x128xf32, #tpu.memory_space<vmem_shared>> -> memref<80x128xf32, #tpu.memory_space<vmem_shared>>
      %dma_wait3A_394 = arith.constant 0 : i32
      %dma_wait3A_395 = tpu.memref_slice %arg13[%add3A_282, %dma_wait3A_394] : memref<10240x128xf32, #tpu.memory_space<vmem_shared>> -> memref<80x128xf32, #tpu.memory_space<vmem_shared>>
      tpu.wait_dma2 semaphore(%run_scoped3A : memref<!tpu.dma_semaphore, #tpu.memory_space<semaphore_mem>>) src(%dma_wait3A_395 : memref<80x128xf32, #tpu.memory_space<vmem_shared>>) dst(%arg12 : memref<80x128xf32, #tpu.memory_space<vmem>>)
      tpu.yield
    }) : () -> ()
    %eq3A = arith.constant 0 : i32
    %eq3A_283 = arith.cmpi eq, %arg0, %eq3A : i32
    %convert_element_type3A = arith.extui %eq3A_283 : i1 to i32
    %cond3A = arith.constant 0 : i32
    %cond3A_284 = arith.cmpi ne, %convert_element_type3A, %cond3A : i32
    scf.if %cond3A_284 {
      "tpu.region"() ({
        %run_scoped3A = tpu.sem_alloc : memref<!tpu.dma_semaphore, #tpu.memory_space<semaphore_mem>>
        %dma_start3A_388 = arith.constant 0 : i32
        %dma_start3A_389 = tpu.memref_slice %arg5[%add3A_282, %dma_start3A_388] : memref<10240x128xf32, #tpu.memory_space<hbm>> -> memref<80x128xf32, #tpu.memory_space<hbm>>
        %dma_start3A_390 = arith.constant 0 : i32
        %dma_start3A_391 = tpu.memref_slice %arg5[%add3A_282, %dma_start3A_390] : memref<10240x128xf32, #tpu.memory_space<hbm>> -> memref<80x128xf32, #tpu.memory_space<hbm>>
        tpu.enqueue_dma source(%arg12 : memref<80x128xf32, #tpu.memory_space<vmem>>) target(%dma_start3A_391 : memref<80x128xf32, #tpu.memory_space<hbm>>) target_semaphore(%run_scoped3A : memref<!tpu.dma_semaphore, #tpu.memory_space<semaphore_mem>>)
        %dma_wait3A_392 = arith.constant 0 : i32
        %dma_wait3A_393 = tpu.memref_slice %arg5[%add3A_282, %dma_wait3A_392] : memref<10240x128xf32, #tpu.memory_space<hbm>> -> memref<80x128xf32, #tpu.memory_space<hbm>>
        %dma_wait3A_394 = arith.constant 0 : i32
        %dma_wait3A_395 = tpu.memref_slice %arg5[%add3A_282, %dma_wait3A_394] : memref<10240x128xf32, #tpu.memory_space<hbm>> -> memref<80x128xf32, #tpu.memory_space<hbm>>
        tpu.wait_dma2 semaphore(%run_scoped3A : memref<!tpu.dma_semaphore, #tpu.memory_space<semaphore_mem>>) src(%arg12 : memref<80x128xf32, #tpu.memory_space<vmem>>) dst(%dma_wait3A_395 : memref<80x128xf32, #tpu.memory_space<hbm>>)
        tpu.yield
      }) : () -> ()
    } else {
    }
    %eq3A_285 = arith.constant 1 : i32
    %eq3A_286 = arith.cmpi eq, %arg0, %eq3A_285 : i32
    %convert_element_type3A_287 = arith.extui %eq3A_286 : i1 to i32
    %cond3A_288 = arith.constant 0 : i32
    %cond3A_289 = arith.cmpi ne, %convert_element_type3A_287, %cond3A_288 : i32
    scf.if %cond3A_289 {
      "tpu.region"() ({
        %run_scoped3A = tpu.sem_alloc : memref<!tpu.dma_semaphore, #tpu.memory_space<semaphore_mem>>
        %dma_start3A_388 = arith.constant 0 : i32
        %dma_start3A_389 = tpu.memref_slice %arg6[%add3A_282, %dma_start3A_388] : memref<10240x128xf32, #tpu.memory_space<hbm>> -> memref<80x128xf32, #tpu.memory_space<hbm>>
        %dma_start3A_390 = arith.constant 0 : i32
        %dma_start3A_391 = tpu.memref_slice %arg6[%add3A_282, %dma_start3A_390] : memref<10240x128xf32, #tpu.memory_space<hbm>> -> memref<80x128xf32, #tpu.memory_space<hbm>>
        tpu.enqueue_dma source(%arg12 : memref<80x128xf32, #tpu.memory_space<vmem>>) target(%dma_start3A_391 : memref<80x128xf32, #tpu.memory_space<hbm>>) target_semaphore(%run_scoped3A : memref<!tpu.dma_semaphore, #tpu.memory_space<semaphore_mem>>)
        %dma_wait3A_392 = arith.constant 0 : i32
        %dma_wait3A_393 = tpu.memref_slice %arg6[%add3A_282, %dma_wait3A_392] : memref<10240x128xf32, #tpu.memory_space<hbm>> -> memref<80x128xf32, #tpu.memory_space<hbm>>
        %dma_wait3A_394 = arith.constant 0 : i32
        %dma_wait3A_395 = tpu.memref_slice %arg6[%add3A_282, %dma_wait3A_394] : memref<10240x128xf32, #tpu.memory_space<hbm>> -> memref<80x128xf32, #tpu.memory_space<hbm>>
        tpu.wait_dma2 semaphore(%run_scoped3A : memref<!tpu.dma_semaphore, #tpu.memory_space<semaphore_mem>>) src(%arg12 : memref<80x128xf32, #tpu.memory_space<vmem>>) dst(%dma_wait3A_395 : memref<80x128xf32, #tpu.memory_space<hbm>>)
        tpu.yield
      }) : () -> ()
    } else {
    }
    %mul3A_290 = arith.constant 640 : i32
    %mul3A_291 = arith.muli %arg1, %mul3A_290 : i32
    %add3A_292 = arith.constant 80 : i32
    %add3A_293 = arith.addi %mul3A_291, %add3A_292 : i32
    "tpu.region"() ({
      %run_scoped3A = tpu.sem_alloc : memref<!tpu.dma_semaphore, #tpu.memory_space<semaphore_mem>>
      %dma_start3A_388 = arith.constant 0 : i32
      %dma_start3A_389 = tpu.memref_slice %arg13[%add3A_293, %dma_start3A_388] : memref<10240x128xf32, #tpu.memory_space<vmem_shared>> -> memref<80x128xf32, #tpu.memory_space<vmem_shared>>
      %dma_start3A_390 = arith.constant 0 : i32
      %dma_start3A_391 = tpu.memref_slice %arg13[%add3A_293, %dma_start3A_390] : memref<10240x128xf32, #tpu.memory_space<vmem_shared>> -> memref<80x128xf32, #tpu.memory_space<vmem_shared>>
      tpu.enqueue_dma source(%dma_start3A_391 : memref<80x128xf32, #tpu.memory_space<vmem_shared>>) target(%arg12 : memref<80x128xf32, #tpu.memory_space<vmem>>) target_semaphore(%run_scoped3A : memref<!tpu.dma_semaphore, #tpu.memory_space<semaphore_mem>>)
      %dma_wait3A_392 = arith.constant 0 : i32
      %dma_wait3A_393 = tpu.memref_slice %arg13[%add3A_293, %dma_wait3A_392] : memref<10240x128xf32, #tpu.memory_space<vmem_shared>> -> memref<80x128xf32, #tpu.memory_space<vmem_shared>>
      %dma_wait3A_394 = arith.constant 0 : i32
      %dma_wait3A_395 = tpu.memref_slice %arg13[%add3A_293, %dma_wait3A_394] : memref<10240x128xf32, #tpu.memory_space<vmem_shared>> -> memref<80x128xf32, #tpu.memory_space<vmem_shared>>
      tpu.wait_dma2 semaphore(%run_scoped3A : memref<!tpu.dma_semaphore, #tpu.memory_space<semaphore_mem>>) src(%dma_wait3A_395 : memref<80x128xf32, #tpu.memory_space<vmem_shared>>) dst(%arg12 : memref<80x128xf32, #tpu.memory_space<vmem>>)
      tpu.yield
    }) : () -> ()
    %eq3A_294 = arith.constant 0 : i32
    %eq3A_295 = arith.cmpi eq, %arg0, %eq3A_294 : i32
    %convert_element_type3A_296 = arith.extui %eq3A_295 : i1 to i32
    %cond3A_297 = arith.constant 0 : i32
    %cond3A_298 = arith.cmpi ne, %convert_element_type3A_296, %cond3A_297 : i32
    scf.if %cond3A_298 {
      "tpu.region"() ({
        %run_scoped3A = tpu.sem_alloc : memref<!tpu.dma_semaphore, #tpu.memory_space<semaphore_mem>>
        %dma_start3A_388 = arith.constant 0 : i32
        %dma_start3A_389 = tpu.memref_slice %arg5[%add3A_293, %dma_start3A_388] : memref<10240x128xf32, #tpu.memory_space<hbm>> -> memref<80x128xf32, #tpu.memory_space<hbm>>
        %dma_start3A_390 = arith.constant 0 : i32
        %dma_start3A_391 = tpu.memref_slice %arg5[%add3A_293, %dma_start3A_390] : memref<10240x128xf32, #tpu.memory_space<hbm>> -> memref<80x128xf32, #tpu.memory_space<hbm>>
        tpu.enqueue_dma source(%arg12 : memref<80x128xf32, #tpu.memory_space<vmem>>) target(%dma_start3A_391 : memref<80x128xf32, #tpu.memory_space<hbm>>) target_semaphore(%run_scoped3A : memref<!tpu.dma_semaphore, #tpu.memory_space<semaphore_mem>>)
        %dma_wait3A_392 = arith.constant 0 : i32
        %dma_wait3A_393 = tpu.memref_slice %arg5[%add3A_293, %dma_wait3A_392] : memref<10240x128xf32, #tpu.memory_space<hbm>> -> memref<80x128xf32, #tpu.memory_space<hbm>>
        %dma_wait3A_394 = arith.constant 0 : i32
        %dma_wait3A_395 = tpu.memref_slice %arg5[%add3A_293, %dma_wait3A_394] : memref<10240x128xf32, #tpu.memory_space<hbm>> -> memref<80x128xf32, #tpu.memory_space<hbm>>
        tpu.wait_dma2 semaphore(%run_scoped3A : memref<!tpu.dma_semaphore, #tpu.memory_space<semaphore_mem>>) src(%arg12 : memref<80x128xf32, #tpu.memory_space<vmem>>) dst(%dma_wait3A_395 : memref<80x128xf32, #tpu.memory_space<hbm>>)
        tpu.yield
      }) : () -> ()
    } else {
    }
    %eq3A_299 = arith.constant 1 : i32
    %eq3A_300 = arith.cmpi eq, %arg0, %eq3A_299 : i32
    %convert_element_type3A_301 = arith.extui %eq3A_300 : i1 to i32
    %cond3A_302 = arith.constant 0 : i32
    %cond3A_303 = arith.cmpi ne, %convert_element_type3A_301, %cond3A_302 : i32
    scf.if %cond3A_303 {
      "tpu.region"() ({
        %run_scoped3A = tpu.sem_alloc : memref<!tpu.dma_semaphore, #tpu.memory_space<semaphore_mem>>
        %dma_start3A_388 = arith.constant 0 : i32
        %dma_start3A_389 = tpu.memref_slice %arg6[%add3A_293, %dma_start3A_388] : memref<10240x128xf32, #tpu.memory_space<hbm>> -> memref<80x128xf32, #tpu.memory_space<hbm>>
        %dma_start3A_390 = arith.constant 0 : i32
        %dma_start3A_391 = tpu.memref_slice %arg6[%add3A_293, %dma_start3A_390] : memref<10240x128xf32, #tpu.memory_space<hbm>> -> memref<80x128xf32, #tpu.memory_space<hbm>>
        tpu.enqueue_dma source(%arg12 : memref<80x128xf32, #tpu.memory_space<vmem>>) target(%dma_start3A_391 : memref<80x128xf32, #tpu.memory_space<hbm>>) target_semaphore(%run_scoped3A : memref<!tpu.dma_semaphore, #tpu.memory_space<semaphore_mem>>)
        %dma_wait3A_392 = arith.constant 0 : i32
        %dma_wait3A_393 = tpu.memref_slice %arg6[%add3A_293, %dma_wait3A_392] : memref<10240x128xf32, #tpu.memory_space<hbm>> -> memref<80x128xf32, #tpu.memory_space<hbm>>
        %dma_wait3A_394 = arith.constant 0 : i32
        %dma_wait3A_395 = tpu.memref_slice %arg6[%add3A_293, %dma_wait3A_394] : memref<10240x128xf32, #tpu.memory_space<hbm>> -> memref<80x128xf32, #tpu.memory_space<hbm>>
        tpu.wait_dma2 semaphore(%run_scoped3A : memref<!tpu.dma_semaphore, #tpu.memory_space<semaphore_mem>>) src(%arg12 : memref<80x128xf32, #tpu.memory_space<vmem>>) dst(%dma_wait3A_395 : memref<80x128xf32, #tpu.memory_space<hbm>>)
        tpu.yield
      }) : () -> ()
    } else {
    }
    %mul3A_304 = arith.constant 640 : i32
    %mul3A_305 = arith.muli %arg1, %mul3A_304 : i32
    %add3A_306 = arith.constant 160 : i32
    %add3A_307 = arith.addi %mul3A_305, %add3A_306 : i32
    "tpu.region"() ({
      %run_scoped3A = tpu.sem_alloc : memref<!tpu.dma_semaphore, #tpu.memory_space<semaphore_mem>>
      %dma_start3A_388 = arith.constant 0 : i32
      %dma_start3A_389 = tpu.memref_slice %arg13[%add3A_307, %dma_start3A_388] : memref<10240x128xf32, #tpu.memory_space<vmem_shared>> -> memref<80x128xf32, #tpu.memory_space<vmem_shared>>
      %dma_start3A_390 = arith.constant 0 : i32
      %dma_start3A_391 = tpu.memref_slice %arg13[%add3A_307, %dma_start3A_390] : memref<10240x128xf32, #tpu.memory_space<vmem_shared>> -> memref<80x128xf32, #tpu.memory_space<vmem_shared>>
      tpu.enqueue_dma source(%dma_start3A_391 : memref<80x128xf32, #tpu.memory_space<vmem_shared>>) target(%arg12 : memref<80x128xf32, #tpu.memory_space<vmem>>) target_semaphore(%run_scoped3A : memref<!tpu.dma_semaphore, #tpu.memory_space<semaphore_mem>>)
      %dma_wait3A_392 = arith.constant 0 : i32
      %dma_wait3A_393 = tpu.memref_slice %arg13[%add3A_307, %dma_wait3A_392] : memref<10240x128xf32, #tpu.memory_space<vmem_shared>> -> memref<80x128xf32, #tpu.memory_space<vmem_shared>>
      %dma_wait3A_394 = arith.constant 0 : i32
      %dma_wait3A_395 = tpu.memref_slice %arg13[%add3A_307, %dma_wait3A_394] : memref<10240x128xf32, #tpu.memory_space<vmem_shared>> -> memref<80x128xf32, #tpu.memory_space<vmem_shared>>
      tpu.wait_dma2 semaphore(%run_scoped3A : memref<!tpu.dma_semaphore, #tpu.memory_space<semaphore_mem>>) src(%dma_wait3A_395 : memref<80x128xf32, #tpu.memory_space<vmem_shared>>) dst(%arg12 : memref<80x128xf32, #tpu.memory_space<vmem>>)
      tpu.yield
    }) : () -> ()
    %eq3A_308 = arith.constant 0 : i32
    %eq3A_309 = arith.cmpi eq, %arg0, %eq3A_308 : i32
    %convert_element_type3A_310 = arith.extui %eq3A_309 : i1 to i32
    %cond3A_311 = arith.constant 0 : i32
    %cond3A_312 = arith.cmpi ne, %convert_element_type3A_310, %cond3A_311 : i32
    scf.if %cond3A_312 {
      "tpu.region"() ({
        %run_scoped3A = tpu.sem_alloc : memref<!tpu.dma_semaphore, #tpu.memory_space<semaphore_mem>>
        %dma_start3A_388 = arith.constant 0 : i32
        %dma_start3A_389 = tpu.memref_slice %arg5[%add3A_307, %dma_start3A_388] : memref<10240x128xf32, #tpu.memory_space<hbm>> -> memref<80x128xf32, #tpu.memory_space<hbm>>
        %dma_start3A_390 = arith.constant 0 : i32
        %dma_start3A_391 = tpu.memref_slice %arg5[%add3A_307, %dma_start3A_390] : memref<10240x128xf32, #tpu.memory_space<hbm>> -> memref<80x128xf32, #tpu.memory_space<hbm>>
        tpu.enqueue_dma source(%arg12 : memref<80x128xf32, #tpu.memory_space<vmem>>) target(%dma_start3A_391 : memref<80x128xf32, #tpu.memory_space<hbm>>) target_semaphore(%run_scoped3A : memref<!tpu.dma_semaphore, #tpu.memory_space<semaphore_mem>>)
        %dma_wait3A_392 = arith.constant 0 : i32
        %dma_wait3A_393 = tpu.memref_slice %arg5[%add3A_307, %dma_wait3A_392] : memref<10240x128xf32, #tpu.memory_space<hbm>> -> memref<80x128xf32, #tpu.memory_space<hbm>>
        %dma_wait3A_394 = arith.constant 0 : i32
        %dma_wait3A_395 = tpu.memref_slice %arg5[%add3A_307, %dma_wait3A_394] : memref<10240x128xf32, #tpu.memory_space<hbm>> -> memref<80x128xf32, #tpu.memory_space<hbm>>
        tpu.wait_dma2 semaphore(%run_scoped3A : memref<!tpu.dma_semaphore, #tpu.memory_space<semaphore_mem>>) src(%arg12 : memref<80x128xf32, #tpu.memory_space<vmem>>) dst(%dma_wait3A_395 : memref<80x128xf32, #tpu.memory_space<hbm>>)
        tpu.yield
      }) : () -> ()
    } else {
    }
    %eq3A_313 = arith.constant 1 : i32
    %eq3A_314 = arith.cmpi eq, %arg0, %eq3A_313 : i32
    %convert_element_type3A_315 = arith.extui %eq3A_314 : i1 to i32
    %cond3A_316 = arith.constant 0 : i32
    %cond3A_317 = arith.cmpi ne, %convert_element_type3A_315, %cond3A_316 : i32
    scf.if %cond3A_317 {
      "tpu.region"() ({
        %run_scoped3A = tpu.sem_alloc : memref<!tpu.dma_semaphore, #tpu.memory_space<semaphore_mem>>
        %dma_start3A_388 = arith.constant 0 : i32
        %dma_start3A_389 = tpu.memref_slice %arg6[%add3A_307, %dma_start3A_388] : memref<10240x128xf32, #tpu.memory_space<hbm>> -> memref<80x128xf32, #tpu.memory_space<hbm>>
        %dma_start3A_390 = arith.constant 0 : i32
        %dma_start3A_391 = tpu.memref_slice %arg6[%add3A_307, %dma_start3A_390] : memref<10240x128xf32, #tpu.memory_space<hbm>> -> memref<80x128xf32, #tpu.memory_space<hbm>>
        tpu.enqueue_dma source(%arg12 : memref<80x128xf32, #tpu.memory_space<vmem>>) target(%dma_start3A_391 : memref<80x128xf32, #tpu.memory_space<hbm>>) target_semaphore(%run_scoped3A : memref<!tpu.dma_semaphore, #tpu.memory_space<semaphore_mem>>)
        %dma_wait3A_392 = arith.constant 0 : i32
        %dma_wait3A_393 = tpu.memref_slice %arg6[%add3A_307, %dma_wait3A_392] : memref<10240x128xf32, #tpu.memory_space<hbm>> -> memref<80x128xf32, #tpu.memory_space<hbm>>
        %dma_wait3A_394 = arith.constant 0 : i32
        %dma_wait3A_395 = tpu.memref_slice %arg6[%add3A_307, %dma_wait3A_394] : memref<10240x128xf32, #tpu.memory_space<hbm>> -> memref<80x128xf32, #tpu.memory_space<hbm>>
        tpu.wait_dma2 semaphore(%run_scoped3A : memref<!tpu.dma_semaphore, #tpu.memory_space<semaphore_mem>>) src(%arg12 : memref<80x128xf32, #tpu.memory_space<vmem>>) dst(%dma_wait3A_395 : memref<80x128xf32, #tpu.memory_space<hbm>>)
        tpu.yield
      }) : () -> ()
    } else {
    }
    %mul3A_318 = arith.constant 640 : i32
    %mul3A_319 = arith.muli %arg1, %mul3A_318 : i32
    %add3A_320 = arith.constant 240 : i32
    %add3A_321 = arith.addi %mul3A_319, %add3A_320 : i32
    "tpu.region"() ({
      %run_scoped3A = tpu.sem_alloc : memref<!tpu.dma_semaphore, #tpu.memory_space<semaphore_mem>>
      %dma_start3A_388 = arith.constant 0 : i32
      %dma_start3A_389 = tpu.memref_slice %arg13[%add3A_321, %dma_start3A_388] : memref<10240x128xf32, #tpu.memory_space<vmem_shared>> -> memref<80x128xf32, #tpu.memory_space<vmem_shared>>
      %dma_start3A_390 = arith.constant 0 : i32
      %dma_start3A_391 = tpu.memref_slice %arg13[%add3A_321, %dma_start3A_390] : memref<10240x128xf32, #tpu.memory_space<vmem_shared>> -> memref<80x128xf32, #tpu.memory_space<vmem_shared>>
      tpu.enqueue_dma source(%dma_start3A_391 : memref<80x128xf32, #tpu.memory_space<vmem_shared>>) target(%arg12 : memref<80x128xf32, #tpu.memory_space<vmem>>) target_semaphore(%run_scoped3A : memref<!tpu.dma_semaphore, #tpu.memory_space<semaphore_mem>>)
      %dma_wait3A_392 = arith.constant 0 : i32
      %dma_wait3A_393 = tpu.memref_slice %arg13[%add3A_321, %dma_wait3A_392] : memref<10240x128xf32, #tpu.memory_space<vmem_shared>> -> memref<80x128xf32, #tpu.memory_space<vmem_shared>>
      %dma_wait3A_394 = arith.constant 0 : i32
      %dma_wait3A_395 = tpu.memref_slice %arg13[%add3A_321, %dma_wait3A_394] : memref<10240x128xf32, #tpu.memory_space<vmem_shared>> -> memref<80x128xf32, #tpu.memory_space<vmem_shared>>
      tpu.wait_dma2 semaphore(%run_scoped3A : memref<!tpu.dma_semaphore, #tpu.memory_space<semaphore_mem>>) src(%dma_wait3A_395 : memref<80x128xf32, #tpu.memory_space<vmem_shared>>) dst(%arg12 : memref<80x128xf32, #tpu.memory_space<vmem>>)
      tpu.yield
    }) : () -> ()
    %eq3A_322 = arith.constant 0 : i32
    %eq3A_323 = arith.cmpi eq, %arg0, %eq3A_322 : i32
    %convert_element_type3A_324 = arith.extui %eq3A_323 : i1 to i32
    %cond3A_325 = arith.constant 0 : i32
    %cond3A_326 = arith.cmpi ne, %convert_element_type3A_324, %cond3A_325 : i32
    scf.if %cond3A_326 {
      "tpu.region"() ({
        %run_scoped3A = tpu.sem_alloc : memref<!tpu.dma_semaphore, #tpu.memory_space<semaphore_mem>>
        %dma_start3A_388 = arith.constant 0 : i32
        %dma_start3A_389 = tpu.memref_slice %arg5[%add3A_321, %dma_start3A_388] : memref<10240x128xf32, #tpu.memory_space<hbm>> -> memref<80x128xf32, #tpu.memory_space<hbm>>
        %dma_start3A_390 = arith.constant 0 : i32
        %dma_start3A_391 = tpu.memref_slice %arg5[%add3A_321, %dma_start3A_390] : memref<10240x128xf32, #tpu.memory_space<hbm>> -> memref<80x128xf32, #tpu.memory_space<hbm>>
        tpu.enqueue_dma source(%arg12 : memref<80x128xf32, #tpu.memory_space<vmem>>) target(%dma_start3A_391 : memref<80x128xf32, #tpu.memory_space<hbm>>) target_semaphore(%run_scoped3A : memref<!tpu.dma_semaphore, #tpu.memory_space<semaphore_mem>>)
        %dma_wait3A_392 = arith.constant 0 : i32
        %dma_wait3A_393 = tpu.memref_slice %arg5[%add3A_321, %dma_wait3A_392] : memref<10240x128xf32, #tpu.memory_space<hbm>> -> memref<80x128xf32, #tpu.memory_space<hbm>>
        %dma_wait3A_394 = arith.constant 0 : i32
        %dma_wait3A_395 = tpu.memref_slice %arg5[%add3A_321, %dma_wait3A_394] : memref<10240x128xf32, #tpu.memory_space<hbm>> -> memref<80x128xf32, #tpu.memory_space<hbm>>
        tpu.wait_dma2 semaphore(%run_scoped3A : memref<!tpu.dma_semaphore, #tpu.memory_space<semaphore_mem>>) src(%arg12 : memref<80x128xf32, #tpu.memory_space<vmem>>) dst(%dma_wait3A_395 : memref<80x128xf32, #tpu.memory_space<hbm>>)
        tpu.yield
      }) : () -> ()
    } else {
    }
    %eq3A_327 = arith.constant 1 : i32
    %eq3A_328 = arith.cmpi eq, %arg0, %eq3A_327 : i32
    %convert_element_type3A_329 = arith.extui %eq3A_328 : i1 to i32
    %cond3A_330 = arith.constant 0 : i32
    %cond3A_331 = arith.cmpi ne, %convert_element_type3A_329, %cond3A_330 : i32
    scf.if %cond3A_331 {
      "tpu.region"() ({
        %run_scoped3A = tpu.sem_alloc : memref<!tpu.dma_semaphore, #tpu.memory_space<semaphore_mem>>
        %dma_start3A_388 = arith.constant 0 : i32
        %dma_start3A_389 = tpu.memref_slice %arg6[%add3A_321, %dma_start3A_388] : memref<10240x128xf32, #tpu.memory_space<hbm>> -> memref<80x128xf32, #tpu.memory_space<hbm>>
        %dma_start3A_390 = arith.constant 0 : i32
        %dma_start3A_391 = tpu.memref_slice %arg6[%add3A_321, %dma_start3A_390] : memref<10240x128xf32, #tpu.memory_space<hbm>> -> memref<80x128xf32, #tpu.memory_space<hbm>>
        tpu.enqueue_dma source(%arg12 : memref<80x128xf32, #tpu.memory_space<vmem>>) target(%dma_start3A_391 : memref<80x128xf32, #tpu.memory_space<hbm>>) target_semaphore(%run_scoped3A : memref<!tpu.dma_semaphore, #tpu.memory_space<semaphore_mem>>)
        %dma_wait3A_392 = arith.constant 0 : i32
        %dma_wait3A_393 = tpu.memref_slice %arg6[%add3A_321, %dma_wait3A_392] : memref<10240x128xf32, #tpu.memory_space<hbm>> -> memref<80x128xf32, #tpu.memory_space<hbm>>
        %dma_wait3A_394 = arith.constant 0 : i32
        %dma_wait3A_395 = tpu.memref_slice %arg6[%add3A_321, %dma_wait3A_394] : memref<10240x128xf32, #tpu.memory_space<hbm>> -> memref<80x128xf32, #tpu.memory_space<hbm>>
        tpu.wait_dma2 semaphore(%run_scoped3A : memref<!tpu.dma_semaphore, #tpu.memory_space<semaphore_mem>>) src(%arg12 : memref<80x128xf32, #tpu.memory_space<vmem>>) dst(%dma_wait3A_395 : memref<80x128xf32, #tpu.memory_space<hbm>>)
        tpu.yield
      }) : () -> ()
    } else {
    }
    %mul3A_332 = arith.constant 640 : i32
    %mul3A_333 = arith.muli %arg1, %mul3A_332 : i32
    %add3A_334 = arith.constant 320 : i32
    %add3A_335 = arith.addi %mul3A_333, %add3A_334 : i32
    "tpu.region"() ({
      %run_scoped3A = tpu.sem_alloc : memref<!tpu.dma_semaphore, #tpu.memory_space<semaphore_mem>>
      %dma_start3A_388 = arith.constant 0 : i32
      %dma_start3A_389 = tpu.memref_slice %arg13[%add3A_335, %dma_start3A_388] : memref<10240x128xf32, #tpu.memory_space<vmem_shared>> -> memref<80x128xf32, #tpu.memory_space<vmem_shared>>
      %dma_start3A_390 = arith.constant 0 : i32
      %dma_start3A_391 = tpu.memref_slice %arg13[%add3A_335, %dma_start3A_390] : memref<10240x128xf32, #tpu.memory_space<vmem_shared>> -> memref<80x128xf32, #tpu.memory_space<vmem_shared>>
      tpu.enqueue_dma source(%dma_start3A_391 : memref<80x128xf32, #tpu.memory_space<vmem_shared>>) target(%arg12 : memref<80x128xf32, #tpu.memory_space<vmem>>) target_semaphore(%run_scoped3A : memref<!tpu.dma_semaphore, #tpu.memory_space<semaphore_mem>>)
      %dma_wait3A_392 = arith.constant 0 : i32
      %dma_wait3A_393 = tpu.memref_slice %arg13[%add3A_335, %dma_wait3A_392] : memref<10240x128xf32, #tpu.memory_space<vmem_shared>> -> memref<80x128xf32, #tpu.memory_space<vmem_shared>>
      %dma_wait3A_394 = arith.constant 0 : i32
      %dma_wait3A_395 = tpu.memref_slice %arg13[%add3A_335, %dma_wait3A_394] : memref<10240x128xf32, #tpu.memory_space<vmem_shared>> -> memref<80x128xf32, #tpu.memory_space<vmem_shared>>
      tpu.wait_dma2 semaphore(%run_scoped3A : memref<!tpu.dma_semaphore, #tpu.memory_space<semaphore_mem>>) src(%dma_wait3A_395 : memref<80x128xf32, #tpu.memory_space<vmem_shared>>) dst(%arg12 : memref<80x128xf32, #tpu.memory_space<vmem>>)
      tpu.yield
    }) : () -> ()
    %eq3A_336 = arith.constant 0 : i32
    %eq3A_337 = arith.cmpi eq, %arg0, %eq3A_336 : i32
    %convert_element_type3A_338 = arith.extui %eq3A_337 : i1 to i32
    %cond3A_339 = arith.constant 0 : i32
    %cond3A_340 = arith.cmpi ne, %convert_element_type3A_338, %cond3A_339 : i32
    scf.if %cond3A_340 {
      "tpu.region"() ({
        %run_scoped3A = tpu.sem_alloc : memref<!tpu.dma_semaphore, #tpu.memory_space<semaphore_mem>>
        %dma_start3A_388 = arith.constant 0 : i32
        %dma_start3A_389 = tpu.memref_slice %arg5[%add3A_335, %dma_start3A_388] : memref<10240x128xf32, #tpu.memory_space<hbm>> -> memref<80x128xf32, #tpu.memory_space<hbm>>
        %dma_start3A_390 = arith.constant 0 : i32
        %dma_start3A_391 = tpu.memref_slice %arg5[%add3A_335, %dma_start3A_390] : memref<10240x128xf32, #tpu.memory_space<hbm>> -> memref<80x128xf32, #tpu.memory_space<hbm>>
        tpu.enqueue_dma source(%arg12 : memref<80x128xf32, #tpu.memory_space<vmem>>) target(%dma_start3A_391 : memref<80x128xf32, #tpu.memory_space<hbm>>) target_semaphore(%run_scoped3A : memref<!tpu.dma_semaphore, #tpu.memory_space<semaphore_mem>>)
        %dma_wait3A_392 = arith.constant 0 : i32
        %dma_wait3A_393 = tpu.memref_slice %arg5[%add3A_335, %dma_wait3A_392] : memref<10240x128xf32, #tpu.memory_space<hbm>> -> memref<80x128xf32, #tpu.memory_space<hbm>>
        %dma_wait3A_394 = arith.constant 0 : i32
        %dma_wait3A_395 = tpu.memref_slice %arg5[%add3A_335, %dma_wait3A_394] : memref<10240x128xf32, #tpu.memory_space<hbm>> -> memref<80x128xf32, #tpu.memory_space<hbm>>
        tpu.wait_dma2 semaphore(%run_scoped3A : memref<!tpu.dma_semaphore, #tpu.memory_space<semaphore_mem>>) src(%arg12 : memref<80x128xf32, #tpu.memory_space<vmem>>) dst(%dma_wait3A_395 : memref<80x128xf32, #tpu.memory_space<hbm>>)
        tpu.yield
      }) : () -> ()
    } else {
    }
    %eq3A_341 = arith.constant 1 : i32
    %eq3A_342 = arith.cmpi eq, %arg0, %eq3A_341 : i32
    %convert_element_type3A_343 = arith.extui %eq3A_342 : i1 to i32
    %cond3A_344 = arith.constant 0 : i32
    %cond3A_345 = arith.cmpi ne, %convert_element_type3A_343, %cond3A_344 : i32
    scf.if %cond3A_345 {
      "tpu.region"() ({
        %run_scoped3A = tpu.sem_alloc : memref<!tpu.dma_semaphore, #tpu.memory_space<semaphore_mem>>
        %dma_start3A_388 = arith.constant 0 : i32
        %dma_start3A_389 = tpu.memref_slice %arg6[%add3A_335, %dma_start3A_388] : memref<10240x128xf32, #tpu.memory_space<hbm>> -> memref<80x128xf32, #tpu.memory_space<hbm>>
        %dma_start3A_390 = arith.constant 0 : i32
        %dma_start3A_391 = tpu.memref_slice %arg6[%add3A_335, %dma_start3A_390] : memref<10240x128xf32, #tpu.memory_space<hbm>> -> memref<80x128xf32, #tpu.memory_space<hbm>>
        tpu.enqueue_dma source(%arg12 : memref<80x128xf32, #tpu.memory_space<vmem>>) target(%dma_start3A_391 : memref<80x128xf32, #tpu.memory_space<hbm>>) target_semaphore(%run_scoped3A : memref<!tpu.dma_semaphore, #tpu.memory_space<semaphore_mem>>)
        %dma_wait3A_392 = arith.constant 0 : i32
        %dma_wait3A_393 = tpu.memref_slice %arg6[%add3A_335, %dma_wait3A_392] : memref<10240x128xf32, #tpu.memory_space<hbm>> -> memref<80x128xf32, #tpu.memory_space<hbm>>
        %dma_wait3A_394 = arith.constant 0 : i32
        %dma_wait3A_395 = tpu.memref_slice %arg6[%add3A_335, %dma_wait3A_394] : memref<10240x128xf32, #tpu.memory_space<hbm>> -> memref<80x128xf32, #tpu.memory_space<hbm>>
        tpu.wait_dma2 semaphore(%run_scoped3A : memref<!tpu.dma_semaphore, #tpu.memory_space<semaphore_mem>>) src(%arg12 : memref<80x128xf32, #tpu.memory_space<vmem>>) dst(%dma_wait3A_395 : memref<80x128xf32, #tpu.memory_space<hbm>>)
        tpu.yield
      }) : () -> ()
    } else {
    }
    %mul3A_346 = arith.constant 640 : i32
    %mul3A_347 = arith.muli %arg1, %mul3A_346 : i32
    %add3A_348 = arith.constant 400 : i32
    %add3A_349 = arith.addi %mul3A_347, %add3A_348 : i32
    "tpu.region"() ({
      %run_scoped3A = tpu.sem_alloc : memref<!tpu.dma_semaphore, #tpu.memory_space<semaphore_mem>>
      %dma_start3A_388 = arith.constant 0 : i32
      %dma_start3A_389 = tpu.memref_slice %arg13[%add3A_349, %dma_start3A_388] : memref<10240x128xf32, #tpu.memory_space<vmem_shared>> -> memref<80x128xf32, #tpu.memory_space<vmem_shared>>
      %dma_start3A_390 = arith.constant 0 : i32
      %dma_start3A_391 = tpu.memref_slice %arg13[%add3A_349, %dma_start3A_390] : memref<10240x128xf32, #tpu.memory_space<vmem_shared>> -> memref<80x128xf32, #tpu.memory_space<vmem_shared>>
      tpu.enqueue_dma source(%dma_start3A_391 : memref<80x128xf32, #tpu.memory_space<vmem_shared>>) target(%arg12 : memref<80x128xf32, #tpu.memory_space<vmem>>) target_semaphore(%run_scoped3A : memref<!tpu.dma_semaphore, #tpu.memory_space<semaphore_mem>>)
      %dma_wait3A_392 = arith.constant 0 : i32
      %dma_wait3A_393 = tpu.memref_slice %arg13[%add3A_349, %dma_wait3A_392] : memref<10240x128xf32, #tpu.memory_space<vmem_shared>> -> memref<80x128xf32, #tpu.memory_space<vmem_shared>>
      %dma_wait3A_394 = arith.constant 0 : i32
      %dma_wait3A_395 = tpu.memref_slice %arg13[%add3A_349, %dma_wait3A_394] : memref<10240x128xf32, #tpu.memory_space<vmem_shared>> -> memref<80x128xf32, #tpu.memory_space<vmem_shared>>
      tpu.wait_dma2 semaphore(%run_scoped3A : memref<!tpu.dma_semaphore, #tpu.memory_space<semaphore_mem>>) src(%dma_wait3A_395 : memref<80x128xf32, #tpu.memory_space<vmem_shared>>) dst(%arg12 : memref<80x128xf32, #tpu.memory_space<vmem>>)
      tpu.yield
    }) : () -> ()
    %eq3A_350 = arith.constant 0 : i32
    %eq3A_351 = arith.cmpi eq, %arg0, %eq3A_350 : i32
    %convert_element_type3A_352 = arith.extui %eq3A_351 : i1 to i32
    %cond3A_353 = arith.constant 0 : i32
    %cond3A_354 = arith.cmpi ne, %convert_element_type3A_352, %cond3A_353 : i32
    scf.if %cond3A_354 {
      "tpu.region"() ({
        %run_scoped3A = tpu.sem_alloc : memref<!tpu.dma_semaphore, #tpu.memory_space<semaphore_mem>>
        %dma_start3A_388 = arith.constant 0 : i32
        %dma_start3A_389 = tpu.memref_slice %arg5[%add3A_349, %dma_start3A_388] : memref<10240x128xf32, #tpu.memory_space<hbm>> -> memref<80x128xf32, #tpu.memory_space<hbm>>
        %dma_start3A_390 = arith.constant 0 : i32
        %dma_start3A_391 = tpu.memref_slice %arg5[%add3A_349, %dma_start3A_390] : memref<10240x128xf32, #tpu.memory_space<hbm>> -> memref<80x128xf32, #tpu.memory_space<hbm>>
        tpu.enqueue_dma source(%arg12 : memref<80x128xf32, #tpu.memory_space<vmem>>) target(%dma_start3A_391 : memref<80x128xf32, #tpu.memory_space<hbm>>) target_semaphore(%run_scoped3A : memref<!tpu.dma_semaphore, #tpu.memory_space<semaphore_mem>>)
        %dma_wait3A_392 = arith.constant 0 : i32
        %dma_wait3A_393 = tpu.memref_slice %arg5[%add3A_349, %dma_wait3A_392] : memref<10240x128xf32, #tpu.memory_space<hbm>> -> memref<80x128xf32, #tpu.memory_space<hbm>>
        %dma_wait3A_394 = arith.constant 0 : i32
        %dma_wait3A_395 = tpu.memref_slice %arg5[%add3A_349, %dma_wait3A_394] : memref<10240x128xf32, #tpu.memory_space<hbm>> -> memref<80x128xf32, #tpu.memory_space<hbm>>
        tpu.wait_dma2 semaphore(%run_scoped3A : memref<!tpu.dma_semaphore, #tpu.memory_space<semaphore_mem>>) src(%arg12 : memref<80x128xf32, #tpu.memory_space<vmem>>) dst(%dma_wait3A_395 : memref<80x128xf32, #tpu.memory_space<hbm>>)
        tpu.yield
      }) : () -> ()
    } else {
    }
    %eq3A_355 = arith.constant 1 : i32
    %eq3A_356 = arith.cmpi eq, %arg0, %eq3A_355 : i32
    %convert_element_type3A_357 = arith.extui %eq3A_356 : i1 to i32
    %cond3A_358 = arith.constant 0 : i32
    %cond3A_359 = arith.cmpi ne, %convert_element_type3A_357, %cond3A_358 : i32
    scf.if %cond3A_359 {
      "tpu.region"() ({
        %run_scoped3A = tpu.sem_alloc : memref<!tpu.dma_semaphore, #tpu.memory_space<semaphore_mem>>
        %dma_start3A_388 = arith.constant 0 : i32
        %dma_start3A_389 = tpu.memref_slice %arg6[%add3A_349, %dma_start3A_388] : memref<10240x128xf32, #tpu.memory_space<hbm>> -> memref<80x128xf32, #tpu.memory_space<hbm>>
        %dma_start3A_390 = arith.constant 0 : i32
        %dma_start3A_391 = tpu.memref_slice %arg6[%add3A_349, %dma_start3A_390] : memref<10240x128xf32, #tpu.memory_space<hbm>> -> memref<80x128xf32, #tpu.memory_space<hbm>>
        tpu.enqueue_dma source(%arg12 : memref<80x128xf32, #tpu.memory_space<vmem>>) target(%dma_start3A_391 : memref<80x128xf32, #tpu.memory_space<hbm>>) target_semaphore(%run_scoped3A : memref<!tpu.dma_semaphore, #tpu.memory_space<semaphore_mem>>)
        %dma_wait3A_392 = arith.constant 0 : i32
        %dma_wait3A_393 = tpu.memref_slice %arg6[%add3A_349, %dma_wait3A_392] : memref<10240x128xf32, #tpu.memory_space<hbm>> -> memref<80x128xf32, #tpu.memory_space<hbm>>
        %dma_wait3A_394 = arith.constant 0 : i32
        %dma_wait3A_395 = tpu.memref_slice %arg6[%add3A_349, %dma_wait3A_394] : memref<10240x128xf32, #tpu.memory_space<hbm>> -> memref<80x128xf32, #tpu.memory_space<hbm>>
        tpu.wait_dma2 semaphore(%run_scoped3A : memref<!tpu.dma_semaphore, #tpu.memory_space<semaphore_mem>>) src(%arg12 : memref<80x128xf32, #tpu.memory_space<vmem>>) dst(%dma_wait3A_395 : memref<80x128xf32, #tpu.memory_space<hbm>>)
        tpu.yield
      }) : () -> ()
    } else {
    }
    %mul3A_360 = arith.constant 640 : i32
    %mul3A_361 = arith.muli %arg1, %mul3A_360 : i32
    %add3A_362 = arith.constant 480 : i32
    %add3A_363 = arith.addi %mul3A_361, %add3A_362 : i32
    "tpu.region"() ({
      %run_scoped3A = tpu.sem_alloc : memref<!tpu.dma_semaphore, #tpu.memory_space<semaphore_mem>>
      %dma_start3A_388 = arith.constant 0 : i32
      %dma_start3A_389 = tpu.memref_slice %arg13[%add3A_363, %dma_start3A_388] : memref<10240x128xf32, #tpu.memory_space<vmem_shared>> -> memref<80x128xf32, #tpu.memory_space<vmem_shared>>
      %dma_start3A_390 = arith.constant 0 : i32
      %dma_start3A_391 = tpu.memref_slice %arg13[%add3A_363, %dma_start3A_390] : memref<10240x128xf32, #tpu.memory_space<vmem_shared>> -> memref<80x128xf32, #tpu.memory_space<vmem_shared>>
      tpu.enqueue_dma source(%dma_start3A_391 : memref<80x128xf32, #tpu.memory_space<vmem_shared>>) target(%arg12 : memref<80x128xf32, #tpu.memory_space<vmem>>) target_semaphore(%run_scoped3A : memref<!tpu.dma_semaphore, #tpu.memory_space<semaphore_mem>>)
      %dma_wait3A_392 = arith.constant 0 : i32
      %dma_wait3A_393 = tpu.memref_slice %arg13[%add3A_363, %dma_wait3A_392] : memref<10240x128xf32, #tpu.memory_space<vmem_shared>> -> memref<80x128xf32, #tpu.memory_space<vmem_shared>>
      %dma_wait3A_394 = arith.constant 0 : i32
      %dma_wait3A_395 = tpu.memref_slice %arg13[%add3A_363, %dma_wait3A_394] : memref<10240x128xf32, #tpu.memory_space<vmem_shared>> -> memref<80x128xf32, #tpu.memory_space<vmem_shared>>
      tpu.wait_dma2 semaphore(%run_scoped3A : memref<!tpu.dma_semaphore, #tpu.memory_space<semaphore_mem>>) src(%dma_wait3A_395 : memref<80x128xf32, #tpu.memory_space<vmem_shared>>) dst(%arg12 : memref<80x128xf32, #tpu.memory_space<vmem>>)
      tpu.yield
    }) : () -> ()
    %eq3A_364 = arith.constant 0 : i32
    %eq3A_365 = arith.cmpi eq, %arg0, %eq3A_364 : i32
    %convert_element_type3A_366 = arith.extui %eq3A_365 : i1 to i32
    %cond3A_367 = arith.constant 0 : i32
    %cond3A_368 = arith.cmpi ne, %convert_element_type3A_366, %cond3A_367 : i32
    scf.if %cond3A_368 {
      "tpu.region"() ({
        %run_scoped3A = tpu.sem_alloc : memref<!tpu.dma_semaphore, #tpu.memory_space<semaphore_mem>>
        %dma_start3A_388 = arith.constant 0 : i32
        %dma_start3A_389 = tpu.memref_slice %arg5[%add3A_363, %dma_start3A_388] : memref<10240x128xf32, #tpu.memory_space<hbm>> -> memref<80x128xf32, #tpu.memory_space<hbm>>
        %dma_start3A_390 = arith.constant 0 : i32
        %dma_start3A_391 = tpu.memref_slice %arg5[%add3A_363, %dma_start3A_390] : memref<10240x128xf32, #tpu.memory_space<hbm>> -> memref<80x128xf32, #tpu.memory_space<hbm>>
        tpu.enqueue_dma source(%arg12 : memref<80x128xf32, #tpu.memory_space<vmem>>) target(%dma_start3A_391 : memref<80x128xf32, #tpu.memory_space<hbm>>) target_semaphore(%run_scoped3A : memref<!tpu.dma_semaphore, #tpu.memory_space<semaphore_mem>>)
        %dma_wait3A_392 = arith.constant 0 : i32
        %dma_wait3A_393 = tpu.memref_slice %arg5[%add3A_363, %dma_wait3A_392] : memref<10240x128xf32, #tpu.memory_space<hbm>> -> memref<80x128xf32, #tpu.memory_space<hbm>>
        %dma_wait3A_394 = arith.constant 0 : i32
        %dma_wait3A_395 = tpu.memref_slice %arg5[%add3A_363, %dma_wait3A_394] : memref<10240x128xf32, #tpu.memory_space<hbm>> -> memref<80x128xf32, #tpu.memory_space<hbm>>
        tpu.wait_dma2 semaphore(%run_scoped3A : memref<!tpu.dma_semaphore, #tpu.memory_space<semaphore_mem>>) src(%arg12 : memref<80x128xf32, #tpu.memory_space<vmem>>) dst(%dma_wait3A_395 : memref<80x128xf32, #tpu.memory_space<hbm>>)
        tpu.yield
      }) : () -> ()
    } else {
    }
    %eq3A_369 = arith.constant 1 : i32
    %eq3A_370 = arith.cmpi eq, %arg0, %eq3A_369 : i32
    %convert_element_type3A_371 = arith.extui %eq3A_370 : i1 to i32
    %cond3A_372 = arith.constant 0 : i32
    %cond3A_373 = arith.cmpi ne, %convert_element_type3A_371, %cond3A_372 : i32
    scf.if %cond3A_373 {
      "tpu.region"() ({
        %run_scoped3A = tpu.sem_alloc : memref<!tpu.dma_semaphore, #tpu.memory_space<semaphore_mem>>
        %dma_start3A_388 = arith.constant 0 : i32
        %dma_start3A_389 = tpu.memref_slice %arg6[%add3A_363, %dma_start3A_388] : memref<10240x128xf32, #tpu.memory_space<hbm>> -> memref<80x128xf32, #tpu.memory_space<hbm>>
        %dma_start3A_390 = arith.constant 0 : i32
        %dma_start3A_391 = tpu.memref_slice %arg6[%add3A_363, %dma_start3A_390] : memref<10240x128xf32, #tpu.memory_space<hbm>> -> memref<80x128xf32, #tpu.memory_space<hbm>>
        tpu.enqueue_dma source(%arg12 : memref<80x128xf32, #tpu.memory_space<vmem>>) target(%dma_start3A_391 : memref<80x128xf32, #tpu.memory_space<hbm>>) target_semaphore(%run_scoped3A : memref<!tpu.dma_semaphore, #tpu.memory_space<semaphore_mem>>)
        %dma_wait3A_392 = arith.constant 0 : i32
        %dma_wait3A_393 = tpu.memref_slice %arg6[%add3A_363, %dma_wait3A_392] : memref<10240x128xf32, #tpu.memory_space<hbm>> -> memref<80x128xf32, #tpu.memory_space<hbm>>
        %dma_wait3A_394 = arith.constant 0 : i32
        %dma_wait3A_395 = tpu.memref_slice %arg6[%add3A_363, %dma_wait3A_394] : memref<10240x128xf32, #tpu.memory_space<hbm>> -> memref<80x128xf32, #tpu.memory_space<hbm>>
        tpu.wait_dma2 semaphore(%run_scoped3A : memref<!tpu.dma_semaphore, #tpu.memory_space<semaphore_mem>>) src(%arg12 : memref<80x128xf32, #tpu.memory_space<vmem>>) dst(%dma_wait3A_395 : memref<80x128xf32, #tpu.memory_space<hbm>>)
        tpu.yield
      }) : () -> ()
    } else {
    }
    %mul3A_374 = arith.constant 640 : i32
    %mul3A_375 = arith.muli %arg1, %mul3A_374 : i32
    %add3A_376 = arith.constant 560 : i32
    %add3A_377 = arith.addi %mul3A_375, %add3A_376 : i32
    "tpu.region"() ({
      %run_scoped3A = tpu.sem_alloc : memref<!tpu.dma_semaphore, #tpu.memory_space<semaphore_mem>>
      %dma_start3A_388 = arith.constant 0 : i32
      %dma_start3A_389 = tpu.memref_slice %arg13[%add3A_377, %dma_start3A_388] : memref<10240x128xf32, #tpu.memory_space<vmem_shared>> -> memref<80x128xf32, #tpu.memory_space<vmem_shared>>
      %dma_start3A_390 = arith.constant 0 : i32
      %dma_start3A_391 = tpu.memref_slice %arg13[%add3A_377, %dma_start3A_390] : memref<10240x128xf32, #tpu.memory_space<vmem_shared>> -> memref<80x128xf32, #tpu.memory_space<vmem_shared>>
      tpu.enqueue_dma source(%dma_start3A_391 : memref<80x128xf32, #tpu.memory_space<vmem_shared>>) target(%arg12 : memref<80x128xf32, #tpu.memory_space<vmem>>) target_semaphore(%run_scoped3A : memref<!tpu.dma_semaphore, #tpu.memory_space<semaphore_mem>>)
      %dma_wait3A_392 = arith.constant 0 : i32
      %dma_wait3A_393 = tpu.memref_slice %arg13[%add3A_377, %dma_wait3A_392] : memref<10240x128xf32, #tpu.memory_space<vmem_shared>> -> memref<80x128xf32, #tpu.memory_space<vmem_shared>>
      %dma_wait3A_394 = arith.constant 0 : i32
      %dma_wait3A_395 = tpu.memref_slice %arg13[%add3A_377, %dma_wait3A_394] : memref<10240x128xf32, #tpu.memory_space<vmem_shared>> -> memref<80x128xf32, #tpu.memory_space<vmem_shared>>
      tpu.wait_dma2 semaphore(%run_scoped3A : memref<!tpu.dma_semaphore, #tpu.memory_space<semaphore_mem>>) src(%dma_wait3A_395 : memref<80x128xf32, #tpu.memory_space<vmem_shared>>) dst(%arg12 : memref<80x128xf32, #tpu.memory_space<vmem>>)
      tpu.yield
    }) : () -> ()
    %eq3A_378 = arith.constant 0 : i32
    %eq3A_379 = arith.cmpi eq, %arg0, %eq3A_378 : i32
    %convert_element_type3A_380 = arith.extui %eq3A_379 : i1 to i32
    %cond3A_381 = arith.constant 0 : i32
    %cond3A_382 = arith.cmpi ne, %convert_element_type3A_380, %cond3A_381 : i32
    scf.if %cond3A_382 {
      "tpu.region"() ({
        %run_scoped3A = tpu.sem_alloc : memref<!tpu.dma_semaphore, #tpu.memory_space<semaphore_mem>>
        %dma_start3A_388 = arith.constant 0 : i32
        %dma_start3A_389 = tpu.memref_slice %arg5[%add3A_377, %dma_start3A_388] : memref<10240x128xf32, #tpu.memory_space<hbm>> -> memref<80x128xf32, #tpu.memory_space<hbm>>
        %dma_start3A_390 = arith.constant 0 : i32
        %dma_start3A_391 = tpu.memref_slice %arg5[%add3A_377, %dma_start3A_390] : memref<10240x128xf32, #tpu.memory_space<hbm>> -> memref<80x128xf32, #tpu.memory_space<hbm>>
        tpu.enqueue_dma source(%arg12 : memref<80x128xf32, #tpu.memory_space<vmem>>) target(%dma_start3A_391 : memref<80x128xf32, #tpu.memory_space<hbm>>) target_semaphore(%run_scoped3A : memref<!tpu.dma_semaphore, #tpu.memory_space<semaphore_mem>>)
        %dma_wait3A_392 = arith.constant 0 : i32
        %dma_wait3A_393 = tpu.memref_slice %arg5[%add3A_377, %dma_wait3A_392] : memref<10240x128xf32, #tpu.memory_space<hbm>> -> memref<80x128xf32, #tpu.memory_space<hbm>>
        %dma_wait3A_394 = arith.constant 0 : i32
        %dma_wait3A_395 = tpu.memref_slice %arg5[%add3A_377, %dma_wait3A_394] : memref<10240x128xf32, #tpu.memory_space<hbm>> -> memref<80x128xf32, #tpu.memory_space<hbm>>
        tpu.wait_dma2 semaphore(%run_scoped3A : memref<!tpu.dma_semaphore, #tpu.memory_space<semaphore_mem>>) src(%arg12 : memref<80x128xf32, #tpu.memory_space<vmem>>) dst(%dma_wait3A_395 : memref<80x128xf32, #tpu.memory_space<hbm>>)
        tpu.yield
      }) : () -> ()
    } else {
    }
    %eq3A_383 = arith.constant 1 : i32
    %eq3A_384 = arith.cmpi eq, %arg0, %eq3A_383 : i32
    %convert_element_type3A_385 = arith.extui %eq3A_384 : i1 to i32
    %cond3A_386 = arith.constant 0 : i32
    %cond3A_387 = arith.cmpi ne, %convert_element_type3A_385, %cond3A_386 : i32
    scf.if %cond3A_387 {
      "tpu.region"() ({
        %run_scoped3A = tpu.sem_alloc : memref<!tpu.dma_semaphore, #tpu.memory_space<semaphore_mem>>
        %dma_start3A_388 = arith.constant 0 : i32
        %dma_start3A_389 = tpu.memref_slice %arg6[%add3A_377, %dma_start3A_388] : memref<10240x128xf32, #tpu.memory_space<hbm>> -> memref<80x128xf32, #tpu.memory_space<hbm>>
        %dma_start3A_390 = arith.constant 0 : i32
        %dma_start3A_391 = tpu.memref_slice %arg6[%add3A_377, %dma_start3A_390] : memref<10240x128xf32, #tpu.memory_space<hbm>> -> memref<80x128xf32, #tpu.memory_space<hbm>>
        tpu.enqueue_dma source(%arg12 : memref<80x128xf32, #tpu.memory_space<vmem>>) target(%dma_start3A_391 : memref<80x128xf32, #tpu.memory_space<hbm>>) target_semaphore(%run_scoped3A : memref<!tpu.dma_semaphore, #tpu.memory_space<semaphore_mem>>)
        %dma_wait3A_392 = arith.constant 0 : i32
        %dma_wait3A_393 = tpu.memref_slice %arg6[%add3A_377, %dma_wait3A_392] : memref<10240x128xf32, #tpu.memory_space<hbm>> -> memref<80x128xf32, #tpu.memory_space<hbm>>
        %dma_wait3A_394 = arith.constant 0 : i32
        %dma_wait3A_395 = tpu.memref_slice %arg6[%add3A_377, %dma_wait3A_394] : memref<10240x128xf32, #tpu.memory_space<hbm>> -> memref<80x128xf32, #tpu.memory_space<hbm>>
        tpu.wait_dma2 semaphore(%run_scoped3A : memref<!tpu.dma_semaphore, #tpu.memory_space<semaphore_mem>>) src(%arg12 : memref<80x128xf32, #tpu.memory_space<vmem>>) dst(%dma_wait3A_395 : memref<80x128xf32, #tpu.memory_space<hbm>>)
        tpu.yield
      }) : () -> ()
    } else {
    }
    return
  }
}

#map = affine_map<(d0, d1) -> (0, 0)>
module attributes {stable_mosaic.version = 14 : i64} {
  func.func @agg(%arg0: i32, %arg1: i32, %arg2: memref<10000x128xf32, #tpu.memory_space<hbm>>, %arg3: memref<4096x80xi32, #tpu.memory_space<hbm>>, %arg4: memref<4096x80xi32, #tpu.memory_space<hbm>>, %arg5: memref<10240x128xf32, #tpu.memory_space<hbm>>, %arg6: memref<10240x128xf32, #tpu.memory_space<hbm>>, %arg7: memref<4x1x80xi32, #tpu.memory_space<vmem>>, %arg8: memref<4x1x80xi32, #tpu.memory_space<vmem>>, %arg9: memref<80x128xf32, #tpu.memory_space<vmem>>, %arg10: memref<80x128xf32, #tpu.memory_space<vmem>>, %arg11: memref<80x128xf32, #tpu.memory_space<vmem>>, %arg12: memref<80x128xf32, #tpu.memory_space<vmem>>, %arg13: memref<10240x128xf32, #tpu.memory_space<vmem_shared>>, %arg14: memref<!tpu.dma_semaphore, #tpu.memory_space<semaphore_mem>>, %arg15: memref<!tpu.dma_semaphore, #tpu.memory_space<semaphore_mem>>, %arg16: memref<!tpu.dma_semaphore, #tpu.memory_space<semaphore_mem>>, %arg17: memref<!tpu.dma_semaphore, #tpu.memory_space<semaphore_mem>>, %arg18: memref<!tpu.dma_semaphore, #tpu.memory_space<semaphore_mem>>, %arg19: memref<!tpu.dma_semaphore, #tpu.memory_space<semaphore_mem>>, %arg20: memref<!tpu.dma_semaphore, #tpu.memory_space<semaphore_mem>>, %arg21: memref<!tpu.dma_semaphore, #tpu.memory_space<semaphore_mem>>) attributes {dimension_semantics = [#tpu.dimension_semantics<core_parallel>, #tpu.dimension_semantics<subcore_parallel>], iteration_bounds = array<i64: 2, 16>, scalar_prefetch = 0 : i64, scratch_operands = 15 : i64, tpu.core_type = #tpu.core_type<sc_vector_subcore>, window_params = [{transform_indices = #map}, {transform_indices = #map}, {transform_indices = #map}, {transform_indices = #map}, {transform_indices = #map}]} {
    %mul3A = arith.constant 16 : i32
    %mul3A_0 = arith.muli %arg0, %mul3A : i32
    %add3A = arith.addi %mul3A_0, %arg1 : i32
    %mul3A_1 = arith.constant 128 : i32
    %mul3A_2 = arith.muli %add3A, %mul3A_1 : i32
    %add3A_3 = arith.constant 0 : i32
    %add3A_4 = arith.addi %mul3A_2, %add3A_3 : i32
    %dma_start3A = arith.constant 0 : i32
    %dma_start3A_5 = arith.constant 0 : i32
    %dma_start3A_6 = arith.constant 0 : i32
    %dma_start3A_7 = tpu.memref_slice %arg7[%dma_start3A, %dma_start3A_5, %dma_start3A_6] : memref<4x1x80xi32, #tpu.memory_space<vmem>> -> memref<1x1x80xi32, #tpu.memory_space<vmem>>
    %dma_start3A_8 = tpu.memref_squeeze %dma_start3A_7 : memref<1x1x80xi32, #tpu.memory_space<vmem>> -> memref<1x80xi32, #tpu.memory_space<vmem>>
    %dma_start3A_9 = arith.constant 0 : i32
    %dma_start3A_10 = tpu.memref_slice %arg3[%add3A_4, %dma_start3A_9] : memref<4096x80xi32, #tpu.memory_space<hbm>> -> memref<1x80xi32, #tpu.memory_space<hbm>>
    %dma_start3A_11 = arith.constant 0 : i32
    %dma_start3A_12 = arith.constant 0 : i32
    %dma_start3A_13 = tpu.memref_slice %arg7[%dma_start3A, %dma_start3A_11, %dma_start3A_12] : memref<4x1x80xi32, #tpu.memory_space<vmem>> -> memref<1x1x80xi32, #tpu.memory_space<vmem>>
    %dma_start3A_14 = tpu.memref_squeeze %dma_start3A_13 : memref<1x1x80xi32, #tpu.memory_space<vmem>> -> memref<1x80xi32, #tpu.memory_space<vmem>>
    %dma_start3A_15 = arith.constant 0 : i32
    %dma_start3A_16 = tpu.memref_slice %arg3[%add3A_4, %dma_start3A_15] : memref<4096x80xi32, #tpu.memory_space<hbm>> -> memref<1x80xi32, #tpu.memory_space<hbm>>
    tpu.enqueue_dma source(%dma_start3A_16 : memref<1x80xi32, #tpu.memory_space<hbm>>) target(%dma_start3A_14 : memref<1x80xi32, #tpu.memory_space<vmem>>) target_semaphore(%arg14 : memref<!tpu.dma_semaphore, #tpu.memory_space<semaphore_mem>>)
    %add3A_17 = arith.constant 0 : i32
    %add3A_18 = arith.addi %mul3A_2, %add3A_17 : i32
    %dma_start3A_19 = arith.constant 0 : i32
    %dma_start3A_20 = arith.constant 0 : i32
    %dma_start3A_21 = arith.constant 0 : i32
    %dma_start3A_22 = tpu.memref_slice %arg8[%dma_start3A_19, %dma_start3A_20, %dma_start3A_21] : memref<4x1x80xi32, #tpu.memory_space<vmem>> -> memref<1x1x80xi32, #tpu.memory_space<vmem>>
    %dma_start3A_23 = tpu.memref_squeeze %dma_start3A_22 : memref<1x1x80xi32, #tpu.memory_space<vmem>> -> memref<1x80xi32, #tpu.memory_space<vmem>>
    %dma_start3A_24 = arith.constant 0 : i32
    %dma_start3A_25 = tpu.memref_slice %arg4[%add3A_18, %dma_start3A_24] : memref<4096x80xi32, #tpu.memory_space<hbm>> -> memref<1x80xi32, #tpu.memory_space<hbm>>
    %dma_start3A_26 = arith.constant 0 : i32
    %dma_start3A_27 = arith.constant 0 : i32
    %dma_start3A_28 = tpu.memref_slice %arg8[%dma_start3A_19, %dma_start3A_26, %dma_start3A_27] : memref<4x1x80xi32, #tpu.memory_space<vmem>> -> memref<1x1x80xi32, #tpu.memory_space<vmem>>
    %dma_start3A_29 = tpu.memref_squeeze %dma_start3A_28 : memref<1x1x80xi32, #tpu.memory_space<vmem>> -> memref<1x80xi32, #tpu.memory_space<vmem>>
    %dma_start3A_30 = arith.constant 0 : i32
    %dma_start3A_31 = tpu.memref_slice %arg4[%add3A_18, %dma_start3A_30] : memref<4096x80xi32, #tpu.memory_space<hbm>> -> memref<1x80xi32, #tpu.memory_space<hbm>>
    tpu.enqueue_dma source(%dma_start3A_31 : memref<1x80xi32, #tpu.memory_space<hbm>>) target(%dma_start3A_29 : memref<1x80xi32, #tpu.memory_space<vmem>>) target_semaphore(%arg14 : memref<!tpu.dma_semaphore, #tpu.memory_space<semaphore_mem>>)
    %add3A_32 = arith.constant 1 : i32
    %add3A_33 = arith.addi %mul3A_2, %add3A_32 : i32
    %dma_start3A_34 = arith.constant 1 : i32
    %dma_start3A_35 = arith.constant 0 : i32
    %dma_start3A_36 = arith.constant 0 : i32
    %dma_start3A_37 = tpu.memref_slice %arg7[%dma_start3A_34, %dma_start3A_35, %dma_start3A_36] : memref<4x1x80xi32, #tpu.memory_space<vmem>> -> memref<1x1x80xi32, #tpu.memory_space<vmem>>
    %dma_start3A_38 = tpu.memref_squeeze %dma_start3A_37 : memref<1x1x80xi32, #tpu.memory_space<vmem>> -> memref<1x80xi32, #tpu.memory_space<vmem>>
    %dma_start3A_39 = arith.constant 0 : i32
    %dma_start3A_40 = tpu.memref_slice %arg3[%add3A_33, %dma_start3A_39] : memref<4096x80xi32, #tpu.memory_space<hbm>> -> memref<1x80xi32, #tpu.memory_space<hbm>>
    %dma_start3A_41 = arith.constant 0 : i32
    %dma_start3A_42 = arith.constant 0 : i32
    %dma_start3A_43 = tpu.memref_slice %arg7[%dma_start3A_34, %dma_start3A_41, %dma_start3A_42] : memref<4x1x80xi32, #tpu.memory_space<vmem>> -> memref<1x1x80xi32, #tpu.memory_space<vmem>>
    %dma_start3A_44 = tpu.memref_squeeze %dma_start3A_43 : memref<1x1x80xi32, #tpu.memory_space<vmem>> -> memref<1x80xi32, #tpu.memory_space<vmem>>
    %dma_start3A_45 = arith.constant 0 : i32
    %dma_start3A_46 = tpu.memref_slice %arg3[%add3A_33, %dma_start3A_45] : memref<4096x80xi32, #tpu.memory_space<hbm>> -> memref<1x80xi32, #tpu.memory_space<hbm>>
    tpu.enqueue_dma source(%dma_start3A_46 : memref<1x80xi32, #tpu.memory_space<hbm>>) target(%dma_start3A_44 : memref<1x80xi32, #tpu.memory_space<vmem>>) target_semaphore(%arg15 : memref<!tpu.dma_semaphore, #tpu.memory_space<semaphore_mem>>)
    %add3A_47 = arith.constant 1 : i32
    %add3A_48 = arith.addi %mul3A_2, %add3A_47 : i32
    %dma_start3A_49 = arith.constant 1 : i32
    %dma_start3A_50 = arith.constant 0 : i32
    %dma_start3A_51 = arith.constant 0 : i32
    %dma_start3A_52 = tpu.memref_slice %arg8[%dma_start3A_49, %dma_start3A_50, %dma_start3A_51] : memref<4x1x80xi32, #tpu.memory_space<vmem>> -> memref<1x1x80xi32, #tpu.memory_space<vmem>>
    %dma_start3A_53 = tpu.memref_squeeze %dma_start3A_52 : memref<1x1x80xi32, #tpu.memory_space<vmem>> -> memref<1x80xi32, #tpu.memory_space<vmem>>
    %dma_start3A_54 = arith.constant 0 : i32
    %dma_start3A_55 = tpu.memref_slice %arg4[%add3A_48, %dma_start3A_54] : memref<4096x80xi32, #tpu.memory_space<hbm>> -> memref<1x80xi32, #tpu.memory_space<hbm>>
    %dma_start3A_56 = arith.constant 0 : i32
    %dma_start3A_57 = arith.constant 0 : i32
    %dma_start3A_58 = tpu.memref_slice %arg8[%dma_start3A_49, %dma_start3A_56, %dma_start3A_57] : memref<4x1x80xi32, #tpu.memory_space<vmem>> -> memref<1x1x80xi32, #tpu.memory_space<vmem>>
    %dma_start3A_59 = tpu.memref_squeeze %dma_start3A_58 : memref<1x1x80xi32, #tpu.memory_space<vmem>> -> memref<1x80xi32, #tpu.memory_space<vmem>>
    %dma_start3A_60 = arith.constant 0 : i32
    %dma_start3A_61 = tpu.memref_slice %arg4[%add3A_48, %dma_start3A_60] : memref<4096x80xi32, #tpu.memory_space<hbm>> -> memref<1x80xi32, #tpu.memory_space<hbm>>
    tpu.enqueue_dma source(%dma_start3A_61 : memref<1x80xi32, #tpu.memory_space<hbm>>) target(%dma_start3A_59 : memref<1x80xi32, #tpu.memory_space<vmem>>) target_semaphore(%arg15 : memref<!tpu.dma_semaphore, #tpu.memory_space<semaphore_mem>>)
    %add3A_62 = arith.constant 2 : i32
    %add3A_63 = arith.addi %mul3A_2, %add3A_62 : i32
    %dma_start3A_64 = arith.constant 2 : i32
    %dma_start3A_65 = arith.constant 0 : i32
    %dma_start3A_66 = arith.constant 0 : i32
    %dma_start3A_67 = tpu.memref_slice %arg7[%dma_start3A_64, %dma_start3A_65, %dma_start3A_66] : memref<4x1x80xi32, #tpu.memory_space<vmem>> -> memref<1x1x80xi32, #tpu.memory_space<vmem>>
    %dma_start3A_68 = tpu.memref_squeeze %dma_start3A_67 : memref<1x1x80xi32, #tpu.memory_space<vmem>> -> memref<1x80xi32, #tpu.memory_space<vmem>>
    %dma_start3A_69 = arith.constant 0 : i32
    %dma_start3A_70 = tpu.memref_slice %arg3[%add3A_63, %dma_start3A_69] : memref<4096x80xi32, #tpu.memory_space<hbm>> -> memref<1x80xi32, #tpu.memory_space<hbm>>
    %dma_start3A_71 = arith.constant 0 : i32
    %dma_start3A_72 = arith.constant 0 : i32
    %dma_start3A_73 = tpu.memref_slice %arg7[%dma_start3A_64, %dma_start3A_71, %dma_start3A_72] : memref<4x1x80xi32, #tpu.memory_space<vmem>> -> memref<1x1x80xi32, #tpu.memory_space<vmem>>
    %dma_start3A_74 = tpu.memref_squeeze %dma_start3A_73 : memref<1x1x80xi32, #tpu.memory_space<vmem>> -> memref<1x80xi32, #tpu.memory_space<vmem>>
    %dma_start3A_75 = arith.constant 0 : i32
    %dma_start3A_76 = tpu.memref_slice %arg3[%add3A_63, %dma_start3A_75] : memref<4096x80xi32, #tpu.memory_space<hbm>> -> memref<1x80xi32, #tpu.memory_space<hbm>>
    tpu.enqueue_dma source(%dma_start3A_76 : memref<1x80xi32, #tpu.memory_space<hbm>>) target(%dma_start3A_74 : memref<1x80xi32, #tpu.memory_space<vmem>>) target_semaphore(%arg16 : memref<!tpu.dma_semaphore, #tpu.memory_space<semaphore_mem>>)
    %add3A_77 = arith.constant 2 : i32
    %add3A_78 = arith.addi %mul3A_2, %add3A_77 : i32
    %dma_start3A_79 = arith.constant 2 : i32
    %dma_start3A_80 = arith.constant 0 : i32
    %dma_start3A_81 = arith.constant 0 : i32
    %dma_start3A_82 = tpu.memref_slice %arg8[%dma_start3A_79, %dma_start3A_80, %dma_start3A_81] : memref<4x1x80xi32, #tpu.memory_space<vmem>> -> memref<1x1x80xi32, #tpu.memory_space<vmem>>
    %dma_start3A_83 = tpu.memref_squeeze %dma_start3A_82 : memref<1x1x80xi32, #tpu.memory_space<vmem>> -> memref<1x80xi32, #tpu.memory_space<vmem>>
    %dma_start3A_84 = arith.constant 0 : i32
    %dma_start3A_85 = tpu.memref_slice %arg4[%add3A_78, %dma_start3A_84] : memref<4096x80xi32, #tpu.memory_space<hbm>> -> memref<1x80xi32, #tpu.memory_space<hbm>>
    %dma_start3A_86 = arith.constant 0 : i32
    %dma_start3A_87 = arith.constant 0 : i32
    %dma_start3A_88 = tpu.memref_slice %arg8[%dma_start3A_79, %dma_start3A_86, %dma_start3A_87] : memref<4x1x80xi32, #tpu.memory_space<vmem>> -> memref<1x1x80xi32, #tpu.memory_space<vmem>>
    %dma_start3A_89 = tpu.memref_squeeze %dma_start3A_88 : memref<1x1x80xi32, #tpu.memory_space<vmem>> -> memref<1x80xi32, #tpu.memory_space<vmem>>
    %dma_start3A_90 = arith.constant 0 : i32
    %dma_start3A_91 = tpu.memref_slice %arg4[%add3A_78, %dma_start3A_90] : memref<4096x80xi32, #tpu.memory_space<hbm>> -> memref<1x80xi32, #tpu.memory_space<hbm>>
    tpu.enqueue_dma source(%dma_start3A_91 : memref<1x80xi32, #tpu.memory_space<hbm>>) target(%dma_start3A_89 : memref<1x80xi32, #tpu.memory_space<vmem>>) target_semaphore(%arg16 : memref<!tpu.dma_semaphore, #tpu.memory_space<semaphore_mem>>)
    %add3A_92 = arith.constant 3 : i32
    %add3A_93 = arith.addi %mul3A_2, %add3A_92 : i32
    %dma_start3A_94 = arith.constant 3 : i32
    %dma_start3A_95 = arith.constant 0 : i32
    %dma_start3A_96 = arith.constant 0 : i32
    %dma_start3A_97 = tpu.memref_slice %arg7[%dma_start3A_94, %dma_start3A_95, %dma_start3A_96] : memref<4x1x80xi32, #tpu.memory_space<vmem>> -> memref<1x1x80xi32, #tpu.memory_space<vmem>>
    %dma_start3A_98 = tpu.memref_squeeze %dma_start3A_97 : memref<1x1x80xi32, #tpu.memory_space<vmem>> -> memref<1x80xi32, #tpu.memory_space<vmem>>
    %dma_start3A_99 = arith.constant 0 : i32
    %dma_start3A_100 = tpu.memref_slice %arg3[%add3A_93, %dma_start3A_99] : memref<4096x80xi32, #tpu.memory_space<hbm>> -> memref<1x80xi32, #tpu.memory_space<hbm>>
    %dma_start3A_101 = arith.constant 0 : i32
    %dma_start3A_102 = arith.constant 0 : i32
    %dma_start3A_103 = tpu.memref_slice %arg7[%dma_start3A_94, %dma_start3A_101, %dma_start3A_102] : memref<4x1x80xi32, #tpu.memory_space<vmem>> -> memref<1x1x80xi32, #tpu.memory_space<vmem>>
    %dma_start3A_104 = tpu.memref_squeeze %dma_start3A_103 : memref<1x1x80xi32, #tpu.memory_space<vmem>> -> memref<1x80xi32, #tpu.memory_space<vmem>>
    %dma_start3A_105 = arith.constant 0 : i32
    %dma_start3A_106 = tpu.memref_slice %arg3[%add3A_93, %dma_start3A_105] : memref<4096x80xi32, #tpu.memory_space<hbm>> -> memref<1x80xi32, #tpu.memory_space<hbm>>
    tpu.enqueue_dma source(%dma_start3A_106 : memref<1x80xi32, #tpu.memory_space<hbm>>) target(%dma_start3A_104 : memref<1x80xi32, #tpu.memory_space<vmem>>) target_semaphore(%arg17 : memref<!tpu.dma_semaphore, #tpu.memory_space<semaphore_mem>>)
    %add3A_107 = arith.constant 3 : i32
    %add3A_108 = arith.addi %mul3A_2, %add3A_107 : i32
    %dma_start3A_109 = arith.constant 3 : i32
    %dma_start3A_110 = arith.constant 0 : i32
    %dma_start3A_111 = arith.constant 0 : i32
    %dma_start3A_112 = tpu.memref_slice %arg8[%dma_start3A_109, %dma_start3A_110, %dma_start3A_111] : memref<4x1x80xi32, #tpu.memory_space<vmem>> -> memref<1x1x80xi32, #tpu.memory_space<vmem>>
    %dma_start3A_113 = tpu.memref_squeeze %dma_start3A_112 : memref<1x1x80xi32, #tpu.memory_space<vmem>> -> memref<1x80xi32, #tpu.memory_space<vmem>>
    %dma_start3A_114 = arith.constant 0 : i32
    %dma_start3A_115 = tpu.memref_slice %arg4[%add3A_108, %dma_start3A_114] : memref<4096x80xi32, #tpu.memory_space<hbm>> -> memref<1x80xi32, #tpu.memory_space<hbm>>
    %dma_start3A_116 = arith.constant 0 : i32
    %dma_start3A_117 = arith.constant 0 : i32
    %dma_start3A_118 = tpu.memref_slice %arg8[%dma_start3A_109, %dma_start3A_116, %dma_start3A_117] : memref<4x1x80xi32, #tpu.memory_space<vmem>> -> memref<1x1x80xi32, #tpu.memory_space<vmem>>
    %dma_start3A_119 = tpu.memref_squeeze %dma_start3A_118 : memref<1x1x80xi32, #tpu.memory_space<vmem>> -> memref<1x80xi32, #tpu.memory_space<vmem>>
    %dma_start3A_120 = arith.constant 0 : i32
    %dma_start3A_121 = tpu.memref_slice %arg4[%add3A_108, %dma_start3A_120] : memref<4096x80xi32, #tpu.memory_space<hbm>> -> memref<1x80xi32, #tpu.memory_space<hbm>>
    tpu.enqueue_dma source(%dma_start3A_121 : memref<1x80xi32, #tpu.memory_space<hbm>>) target(%dma_start3A_119 : memref<1x80xi32, #tpu.memory_space<vmem>>) target_semaphore(%arg17 : memref<!tpu.dma_semaphore, #tpu.memory_space<semaphore_mem>>)
    %scan3A = arith.constant 0 : i32
    %scan3A_122 = arith.constant 0 : i32
    %scan3A_123 = arith.constant 80 : i32
    %scan3A_124 = arith.addi %scan3A_122, %scan3A_123 : i32
    %scan3A_125 = arith.constant 1 : i32
    scf.for %scan3A_388 = %scan3A_122 to %scan3A_124 step %scan3A_125  : i32 {
      %broadcast_in_dim3A = arith.constant 0.000000e+00 : f32
      %broadcast_in_dim3A_389 = vector.broadcast %broadcast_in_dim3A : f32 to vector<16xf32>
      %swap3A = arith.index_cast %scan3A_388 : i32 to index
      %swap3A_390 = arith.constant 0 : index
      %swap3A_391 = tpu.vector_load %arg12[%swap3A, %swap3A_390] {strides = array<i32>} : memref<80x128xf32, #tpu.memory_space<vmem>>, vector<1x16xf32>,
      %swap3A_392 = vector.shape_cast %swap3A_391 : vector<1x16xf32> to vector<16xf32>
      %swap3A_393 = vector.shape_cast %broadcast_in_dim3A_389 : vector<16xf32> to vector<1x16xf32>
      tpu.vector_store %arg12[%swap3A, %swap3A_390], %swap3A_393 {strides = array<i32>} : memref<80x128xf32, #tpu.memory_space<vmem>>, vector<1x16xf32>,
      %broadcast_in_dim3A_394 = arith.constant 0.000000e+00 : f32
      %broadcast_in_dim3A_395 = vector.broadcast %broadcast_in_dim3A_394 : f32 to vector<16xf32>
      %swap3A_396 = arith.index_cast %scan3A_388 : i32 to index
      %swap3A_397 = arith.constant 16 : index
      %swap3A_398 = tpu.vector_load %arg12[%swap3A_396, %swap3A_397] {strides = array<i32>} : memref<80x128xf32, #tpu.memory_space<vmem>>, vector<1x16xf32>,
      %swap3A_399 = vector.shape_cast %swap3A_398 : vector<1x16xf32> to vector<16xf32>
      %swap3A_400 = vector.shape_cast %broadcast_in_dim3A_395 : vector<16xf32> to vector<1x16xf32>
      tpu.vector_store %arg12[%swap3A_396, %swap3A_397], %swap3A_400 {strides = array<i32>} : memref<80x128xf32, #tpu.memory_space<vmem>>, vector<1x16xf32>,
      %broadcast_in_dim3A_401 = arith.constant 0.000000e+00 : f32
      %broadcast_in_dim3A_402 = vector.broadcast %broadcast_in_dim3A_401 : f32 to vector<16xf32>
      %swap3A_403 = arith.index_cast %scan3A_388 : i32 to index
      %swap3A_404 = arith.constant 32 : index
      %swap3A_405 = tpu.vector_load %arg12[%swap3A_403, %swap3A_404] {strides = array<i32>} : memref<80x128xf32, #tpu.memory_space<vmem>>, vector<1x16xf32>,
      %swap3A_406 = vector.shape_cast %swap3A_405 : vector<1x16xf32> to vector<16xf32>
      %swap3A_407 = vector.shape_cast %broadcast_in_dim3A_402 : vector<16xf32> to vector<1x16xf32>
      tpu.vector_store %arg12[%swap3A_403, %swap3A_404], %swap3A_407 {strides = array<i32>} : memref<80x128xf32, #tpu.memory_space<vmem>>, vector<1x16xf32>,
      %broadcast_in_dim3A_408 = arith.constant 0.000000e+00 : f32
      %broadcast_in_dim3A_409 = vector.broadcast %broadcast_in_dim3A_408 : f32 to vector<16xf32>
      %swap3A_410 = arith.index_cast %scan3A_388 : i32 to index
      %swap3A_411 = arith.constant 48 : index
      %swap3A_412 = tpu.vector_load %arg12[%swap3A_410, %swap3A_411] {strides = array<i32>} : memref<80x128xf32, #tpu.memory_space<vmem>>, vector<1x16xf32>,
      %swap3A_413 = vector.shape_cast %swap3A_412 : vector<1x16xf32> to vector<16xf32>
      %swap3A_414 = vector.shape_cast %broadcast_in_dim3A_409 : vector<16xf32> to vector<1x16xf32>
      tpu.vector_store %arg12[%swap3A_410, %swap3A_411], %swap3A_414 {strides = array<i32>} : memref<80x128xf32, #tpu.memory_space<vmem>>, vector<1x16xf32>,
      %broadcast_in_dim3A_415 = arith.constant 0.000000e+00 : f32
      %broadcast_in_dim3A_416 = vector.broadcast %broadcast_in_dim3A_415 : f32 to vector<16xf32>
      %swap3A_417 = arith.index_cast %scan3A_388 : i32 to index
      %swap3A_418 = arith.constant 64 : index
      %swap3A_419 = tpu.vector_load %arg12[%swap3A_417, %swap3A_418] {strides = array<i32>} : memref<80x128xf32, #tpu.memory_space<vmem>>, vector<1x16xf32>,
      %swap3A_420 = vector.shape_cast %swap3A_419 : vector<1x16xf32> to vector<16xf32>
      %swap3A_421 = vector.shape_cast %broadcast_in_dim3A_416 : vector<16xf32> to vector<1x16xf32>
      tpu.vector_store %arg12[%swap3A_417, %swap3A_418], %swap3A_421 {strides = array<i32>} : memref<80x128xf32, #tpu.memory_space<vmem>>, vector<1x16xf32>,
      %broadcast_in_dim3A_422 = arith.constant 0.000000e+00 : f32
      %broadcast_in_dim3A_423 = vector.broadcast %broadcast_in_dim3A_422 : f32 to vector<16xf32>
      %swap3A_424 = arith.index_cast %scan3A_388 : i32 to index
      %swap3A_425 = arith.constant 80 : index
      %swap3A_426 = tpu.vector_load %arg12[%swap3A_424, %swap3A_425] {strides = array<i32>} : memref<80x128xf32, #tpu.memory_space<vmem>>, vector<1x16xf32>,
      %swap3A_427 = vector.shape_cast %swap3A_426 : vector<1x16xf32> to vector<16xf32>
      %swap3A_428 = vector.shape_cast %broadcast_in_dim3A_423 : vector<16xf32> to vector<1x16xf32>
      tpu.vector_store %arg12[%swap3A_424, %swap3A_425], %swap3A_428 {strides = array<i32>} : memref<80x128xf32, #tpu.memory_space<vmem>>, vector<1x16xf32>,
      %broadcast_in_dim3A_429 = arith.constant 0.000000e+00 : f32
      %broadcast_in_dim3A_430 = vector.broadcast %broadcast_in_dim3A_429 : f32 to vector<16xf32>
      %swap3A_431 = arith.index_cast %scan3A_388 : i32 to index
      %swap3A_432 = arith.constant 96 : index
      %swap3A_433 = tpu.vector_load %arg12[%swap3A_431, %swap3A_432] {strides = array<i32>} : memref<80x128xf32, #tpu.memory_space<vmem>>, vector<1x16xf32>,
      %swap3A_434 = vector.shape_cast %swap3A_433 : vector<1x16xf32> to vector<16xf32>
      %swap3A_435 = vector.shape_cast %broadcast_in_dim3A_430 : vector<16xf32> to vector<1x16xf32>
      tpu.vector_store %arg12[%swap3A_431, %swap3A_432], %swap3A_435 {strides = array<i32>} : memref<80x128xf32, #tpu.memory_space<vmem>>, vector<1x16xf32>,
      %broadcast_in_dim3A_436 = arith.constant 0.000000e+00 : f32
      %broadcast_in_dim3A_437 = vector.broadcast %broadcast_in_dim3A_436 : f32 to vector<16xf32>
      %swap3A_438 = arith.index_cast %scan3A_388 : i32 to index
      %swap3A_439 = arith.constant 112 : index
      %swap3A_440 = tpu.vector_load %arg12[%swap3A_438, %swap3A_439] {strides = array<i32>} : memref<80x128xf32, #tpu.memory_space<vmem>>, vector<1x16xf32>,
      %swap3A_441 = vector.shape_cast %swap3A_440 : vector<1x16xf32> to vector<16xf32>
      %swap3A_442 = vector.shape_cast %broadcast_in_dim3A_437 : vector<16xf32> to vector<1x16xf32>
      tpu.vector_store %arg12[%swap3A_438, %swap3A_439], %swap3A_442 {strides = array<i32>} : memref<80x128xf32, #tpu.memory_space<vmem>>, vector<1x16xf32>,
    }
    %scan3A_126 = arith.constant 80 : i32
    %mul3A_127 = arith.constant 640 : i32
    %mul3A_128 = arith.muli %arg1, %mul3A_127 : i32
    %add3A_129 = arith.constant 0 : i32
    %add3A_130 = arith.addi %mul3A_128, %add3A_129 : i32
    "tpu.region"() ({
      %run_scoped3A = tpu.sem_alloc : memref<!tpu.dma_semaphore, #tpu.memory_space<semaphore_mem>>
      %dma_start3A_388 = arith.constant 0 : i32
      %dma_start3A_389 = tpu.memref_slice %arg13[%add3A_130, %dma_start3A_388] : memref<10240x128xf32, #tpu.memory_space<vmem_shared>> -> memref<80x128xf32, #tpu.memory_space<vmem_shared>>
      %dma_start3A_390 = arith.constant 0 : i32
      %dma_start3A_391 = tpu.memref_slice %arg13[%add3A_130, %dma_start3A_390] : memref<10240x128xf32, #tpu.memory_space<vmem_shared>> -> memref<80x128xf32, #tpu.memory_space<vmem_shared>>
      tpu.enqueue_dma source(%arg12 : memref<80x128xf32, #tpu.memory_space<vmem>>) target(%dma_start3A_391 : memref<80x128xf32, #tpu.memory_space<vmem_shared>>) target_semaphore(%run_scoped3A : memref<!tpu.dma_semaphore, #tpu.memory_space<semaphore_mem>>)
      %dma_wait3A_392 = arith.constant 0 : i32
      %dma_wait3A_393 = tpu.memref_slice %arg13[%add3A_130, %dma_wait3A_392] : memref<10240x128xf32, #tpu.memory_space<vmem_shared>> -> memref<80x128xf32, #tpu.memory_space<vmem_shared>>
      %dma_wait3A_394 = arith.constant 0 : i32
      %dma_wait3A_395 = tpu.memref_slice %arg13[%add3A_130, %dma_wait3A_394] : memref<10240x128xf32, #tpu.memory_space<vmem_shared>> -> memref<80x128xf32, #tpu.memory_space<vmem_shared>>
      tpu.wait_dma2 semaphore(%run_scoped3A : memref<!tpu.dma_semaphore, #tpu.memory_space<semaphore_mem>>) src(%arg12 : memref<80x128xf32, #tpu.memory_space<vmem>>) dst(%dma_wait3A_395 : memref<80x128xf32, #tpu.memory_space<vmem_shared>>)
      tpu.yield
    }) : () -> ()
    %mul3A_131 = arith.constant 640 : i32
    %mul3A_132 = arith.muli %arg1, %mul3A_131 : i32
    %add3A_133 = arith.constant 80 : i32
    %add3A_134 = arith.addi %mul3A_132, %add3A_133 : i32
    "tpu.region"() ({
      %run_scoped3A = tpu.sem_alloc : memref<!tpu.dma_semaphore, #tpu.memory_space<semaphore_mem>>
      %dma_start3A_388 = arith.constant 0 : i32
      %dma_start3A_389 = tpu.memref_slice %arg13[%add3A_134, %dma_start3A_388] : memref<10240x128xf32, #tpu.memory_space<vmem_shared>> -> memref<80x128xf32, #tpu.memory_space<vmem_shared>>
      %dma_start3A_390 = arith.constant 0 : i32
      %dma_start3A_391 = tpu.memref_slice %arg13[%add3A_134, %dma_start3A_390] : memref<10240x128xf32, #tpu.memory_space<vmem_shared>> -> memref<80x128xf32, #tpu.memory_space<vmem_shared>>
      tpu.enqueue_dma source(%arg12 : memref<80x128xf32, #tpu.memory_space<vmem>>) target(%dma_start3A_391 : memref<80x128xf32, #tpu.memory_space<vmem_shared>>) target_semaphore(%run_scoped3A : memref<!tpu.dma_semaphore, #tpu.memory_space<semaphore_mem>>)
      %dma_wait3A_392 = arith.constant 0 : i32
      %dma_wait3A_393 = tpu.memref_slice %arg13[%add3A_134, %dma_wait3A_392] : memref<10240x128xf32, #tpu.memory_space<vmem_shared>> -> memref<80x128xf32, #tpu.memory_space<vmem_shared>>
      %dma_wait3A_394 = arith.constant 0 : i32
      %dma_wait3A_395 = tpu.memref_slice %arg13[%add3A_134, %dma_wait3A_394] : memref<10240x128xf32, #tpu.memory_space<vmem_shared>> -> memref<80x128xf32, #tpu.memory_space<vmem_shared>>
      tpu.wait_dma2 semaphore(%run_scoped3A : memref<!tpu.dma_semaphore, #tpu.memory_space<semaphore_mem>>) src(%arg12 : memref<80x128xf32, #tpu.memory_space<vmem>>) dst(%dma_wait3A_395 : memref<80x128xf32, #tpu.memory_space<vmem_shared>>)
      tpu.yield
    }) : () -> ()
    %mul3A_135 = arith.constant 640 : i32
    %mul3A_136 = arith.muli %arg1, %mul3A_135 : i32
    %add3A_137 = arith.constant 160 : i32
    %add3A_138 = arith.addi %mul3A_136, %add3A_137 : i32
    "tpu.region"() ({
      %run_scoped3A = tpu.sem_alloc : memref<!tpu.dma_semaphore, #tpu.memory_space<semaphore_mem>>
      %dma_start3A_388 = arith.constant 0 : i32
      %dma_start3A_389 = tpu.memref_slice %arg13[%add3A_138, %dma_start3A_388] : memref<10240x128xf32, #tpu.memory_space<vmem_shared>> -> memref<80x128xf32, #tpu.memory_space<vmem_shared>>
      %dma_start3A_390 = arith.constant 0 : i32
      %dma_start3A_391 = tpu.memref_slice %arg13[%add3A_138, %dma_start3A_390] : memref<10240x128xf32, #tpu.memory_space<vmem_shared>> -> memref<80x128xf32, #tpu.memory_space<vmem_shared>>
      tpu.enqueue_dma source(%arg12 : memref<80x128xf32, #tpu.memory_space<vmem>>) target(%dma_start3A_391 : memref<80x128xf32, #tpu.memory_space<vmem_shared>>) target_semaphore(%run_scoped3A : memref<!tpu.dma_semaphore, #tpu.memory_space<semaphore_mem>>)
      %dma_wait3A_392 = arith.constant 0 : i32
      %dma_wait3A_393 = tpu.memref_slice %arg13[%add3A_138, %dma_wait3A_392] : memref<10240x128xf32, #tpu.memory_space<vmem_shared>> -> memref<80x128xf32, #tpu.memory_space<vmem_shared>>
      %dma_wait3A_394 = arith.constant 0 : i32
      %dma_wait3A_395 = tpu.memref_slice %arg13[%add3A_138, %dma_wait3A_394] : memref<10240x128xf32, #tpu.memory_space<vmem_shared>> -> memref<80x128xf32, #tpu.memory_space<vmem_shared>>
      tpu.wait_dma2 semaphore(%run_scoped3A : memref<!tpu.dma_semaphore, #tpu.memory_space<semaphore_mem>>) src(%arg12 : memref<80x128xf32, #tpu.memory_space<vmem>>) dst(%dma_wait3A_395 : memref<80x128xf32, #tpu.memory_space<vmem_shared>>)
      tpu.yield
    }) : () -> ()
    %mul3A_139 = arith.constant 640 : i32
    %mul3A_140 = arith.muli %arg1, %mul3A_139 : i32
    %add3A_141 = arith.constant 240 : i32
    %add3A_142 = arith.addi %mul3A_140, %add3A_141 : i32
    "tpu.region"() ({
      %run_scoped3A = tpu.sem_alloc : memref<!tpu.dma_semaphore, #tpu.memory_space<semaphore_mem>>
      %dma_start3A_388 = arith.constant 0 : i32
      %dma_start3A_389 = tpu.memref_slice %arg13[%add3A_142, %dma_start3A_388] : memref<10240x128xf32, #tpu.memory_space<vmem_shared>> -> memref<80x128xf32, #tpu.memory_space<vmem_shared>>
      %dma_start3A_390 = arith.constant 0 : i32
      %dma_start3A_391 = tpu.memref_slice %arg13[%add3A_142, %dma_start3A_390] : memref<10240x128xf32, #tpu.memory_space<vmem_shared>> -> memref<80x128xf32, #tpu.memory_space<vmem_shared>>
      tpu.enqueue_dma source(%arg12 : memref<80x128xf32, #tpu.memory_space<vmem>>) target(%dma_start3A_391 : memref<80x128xf32, #tpu.memory_space<vmem_shared>>) target_semaphore(%run_scoped3A : memref<!tpu.dma_semaphore, #tpu.memory_space<semaphore_mem>>)
      %dma_wait3A_392 = arith.constant 0 : i32
      %dma_wait3A_393 = tpu.memref_slice %arg13[%add3A_142, %dma_wait3A_392] : memref<10240x128xf32, #tpu.memory_space<vmem_shared>> -> memref<80x128xf32, #tpu.memory_space<vmem_shared>>
      %dma_wait3A_394 = arith.constant 0 : i32
      %dma_wait3A_395 = tpu.memref_slice %arg13[%add3A_142, %dma_wait3A_394] : memref<10240x128xf32, #tpu.memory_space<vmem_shared>> -> memref<80x128xf32, #tpu.memory_space<vmem_shared>>
      tpu.wait_dma2 semaphore(%run_scoped3A : memref<!tpu.dma_semaphore, #tpu.memory_space<semaphore_mem>>) src(%arg12 : memref<80x128xf32, #tpu.memory_space<vmem>>) dst(%dma_wait3A_395 : memref<80x128xf32, #tpu.memory_space<vmem_shared>>)
      tpu.yield
    }) : () -> ()
    %mul3A_143 = arith.constant 640 : i32
    %mul3A_144 = arith.muli %arg1, %mul3A_143 : i32
    %add3A_145 = arith.constant 320 : i32
    %add3A_146 = arith.addi %mul3A_144, %add3A_145 : i32
    "tpu.region"() ({
      %run_scoped3A = tpu.sem_alloc : memref<!tpu.dma_semaphore, #tpu.memory_space<semaphore_mem>>
      %dma_start3A_388 = arith.constant 0 : i32
      %dma_start3A_389 = tpu.memref_slice %arg13[%add3A_146, %dma_start3A_388] : memref<10240x128xf32, #tpu.memory_space<vmem_shared>> -> memref<80x128xf32, #tpu.memory_space<vmem_shared>>
      %dma_start3A_390 = arith.constant 0 : i32
      %dma_start3A_391 = tpu.memref_slice %arg13[%add3A_146, %dma_start3A_390] : memref<10240x128xf32, #tpu.memory_space<vmem_shared>> -> memref<80x128xf32, #tpu.memory_space<vmem_shared>>
      tpu.enqueue_dma source(%arg12 : memref<80x128xf32, #tpu.memory_space<vmem>>) target(%dma_start3A_391 : memref<80x128xf32, #tpu.memory_space<vmem_shared>>) target_semaphore(%run_scoped3A : memref<!tpu.dma_semaphore, #tpu.memory_space<semaphore_mem>>)
      %dma_wait3A_392 = arith.constant 0 : i32
      %dma_wait3A_393 = tpu.memref_slice %arg13[%add3A_146, %dma_wait3A_392] : memref<10240x128xf32, #tpu.memory_space<vmem_shared>> -> memref<80x128xf32, #tpu.memory_space<vmem_shared>>
      %dma_wait3A_394 = arith.constant 0 : i32
      %dma_wait3A_395 = tpu.memref_slice %arg13[%add3A_146, %dma_wait3A_394] : memref<10240x128xf32, #tpu.memory_space<vmem_shared>> -> memref<80x128xf32, #tpu.memory_space<vmem_shared>>
      tpu.wait_dma2 semaphore(%run_scoped3A : memref<!tpu.dma_semaphore, #tpu.memory_space<semaphore_mem>>) src(%arg12 : memref<80x128xf32, #tpu.memory_space<vmem>>) dst(%dma_wait3A_395 : memref<80x128xf32, #tpu.memory_space<vmem_shared>>)
      tpu.yield
    }) : () -> ()
    %mul3A_147 = arith.constant 640 : i32
    %mul3A_148 = arith.muli %arg1, %mul3A_147 : i32
    %add3A_149 = arith.constant 400 : i32
    %add3A_150 = arith.addi %mul3A_148, %add3A_149 : i32
    "tpu.region"() ({
      %run_scoped3A = tpu.sem_alloc : memref<!tpu.dma_semaphore, #tpu.memory_space<semaphore_mem>>
      %dma_start3A_388 = arith.constant 0 : i32
      %dma_start3A_389 = tpu.memref_slice %arg13[%add3A_150, %dma_start3A_388] : memref<10240x128xf32, #tpu.memory_space<vmem_shared>> -> memref<80x128xf32, #tpu.memory_space<vmem_shared>>
      %dma_start3A_390 = arith.constant 0 : i32
      %dma_start3A_391 = tpu.memref_slice %arg13[%add3A_150, %dma_start3A_390] : memref<10240x128xf32, #tpu.memory_space<vmem_shared>> -> memref<80x128xf32, #tpu.memory_space<vmem_shared>>
      tpu.enqueue_dma source(%arg12 : memref<80x128xf32, #tpu.memory_space<vmem>>) target(%dma_start3A_391 : memref<80x128xf32, #tpu.memory_space<vmem_shared>>) target_semaphore(%run_scoped3A : memref<!tpu.dma_semaphore, #tpu.memory_space<semaphore_mem>>)
      %dma_wait3A_392 = arith.constant 0 : i32
      %dma_wait3A_393 = tpu.memref_slice %arg13[%add3A_150, %dma_wait3A_392] : memref<10240x128xf32, #tpu.memory_space<vmem_shared>> -> memref<80x128xf32, #tpu.memory_space<vmem_shared>>
      %dma_wait3A_394 = arith.constant 0 : i32
      %dma_wait3A_395 = tpu.memref_slice %arg13[%add3A_150, %dma_wait3A_394] : memref<10240x128xf32, #tpu.memory_space<vmem_shared>> -> memref<80x128xf32, #tpu.memory_space<vmem_shared>>
      tpu.wait_dma2 semaphore(%run_scoped3A : memref<!tpu.dma_semaphore, #tpu.memory_space<semaphore_mem>>) src(%arg12 : memref<80x128xf32, #tpu.memory_space<vmem>>) dst(%dma_wait3A_395 : memref<80x128xf32, #tpu.memory_space<vmem_shared>>)
      tpu.yield
    }) : () -> ()
    %mul3A_151 = arith.constant 640 : i32
    %mul3A_152 = arith.muli %arg1, %mul3A_151 : i32
    %add3A_153 = arith.constant 480 : i32
    %add3A_154 = arith.addi %mul3A_152, %add3A_153 : i32
    "tpu.region"() ({
      %run_scoped3A = tpu.sem_alloc : memref<!tpu.dma_semaphore, #tpu.memory_space<semaphore_mem>>
      %dma_start3A_388 = arith.constant 0 : i32
      %dma_start3A_389 = tpu.memref_slice %arg13[%add3A_154, %dma_start3A_388] : memref<10240x128xf32, #tpu.memory_space<vmem_shared>> -> memref<80x128xf32, #tpu.memory_space<vmem_shared>>
      %dma_start3A_390 = arith.constant 0 : i32
      %dma_start3A_391 = tpu.memref_slice %arg13[%add3A_154, %dma_start3A_390] : memref<10240x128xf32, #tpu.memory_space<vmem_shared>> -> memref<80x128xf32, #tpu.memory_space<vmem_shared>>
      tpu.enqueue_dma source(%arg12 : memref<80x128xf32, #tpu.memory_space<vmem>>) target(%dma_start3A_391 : memref<80x128xf32, #tpu.memory_space<vmem_shared>>) target_semaphore(%run_scoped3A : memref<!tpu.dma_semaphore, #tpu.memory_space<semaphore_mem>>)
      %dma_wait3A_392 = arith.constant 0 : i32
      %dma_wait3A_393 = tpu.memref_slice %arg13[%add3A_154, %dma_wait3A_392] : memref<10240x128xf32, #tpu.memory_space<vmem_shared>> -> memref<80x128xf32, #tpu.memory_space<vmem_shared>>
      %dma_wait3A_394 = arith.constant 0 : i32
      %dma_wait3A_395 = tpu.memref_slice %arg13[%add3A_154, %dma_wait3A_394] : memref<10240x128xf32, #tpu.memory_space<vmem_shared>> -> memref<80x128xf32, #tpu.memory_space<vmem_shared>>
      tpu.wait_dma2 semaphore(%run_scoped3A : memref<!tpu.dma_semaphore, #tpu.memory_space<semaphore_mem>>) src(%arg12 : memref<80x128xf32, #tpu.memory_space<vmem>>) dst(%dma_wait3A_395 : memref<80x128xf32, #tpu.memory_space<vmem_shared>>)
      tpu.yield
    }) : () -> ()
    %mul3A_155 = arith.constant 640 : i32
    %mul3A_156 = arith.muli %arg1, %mul3A_155 : i32
    %add3A_157 = arith.constant 560 : i32
    %add3A_158 = arith.addi %mul3A_156, %add3A_157 : i32
    "tpu.region"() ({
      %run_scoped3A = tpu.sem_alloc : memref<!tpu.dma_semaphore, #tpu.memory_space<semaphore_mem>>
      %dma_start3A_388 = arith.constant 0 : i32
      %dma_start3A_389 = tpu.memref_slice %arg13[%add3A_158, %dma_start3A_388] : memref<10240x128xf32, #tpu.memory_space<vmem_shared>> -> memref<80x128xf32, #tpu.memory_space<vmem_shared>>
      %dma_start3A_390 = arith.constant 0 : i32
      %dma_start3A_391 = tpu.memref_slice %arg13[%add3A_158, %dma_start3A_390] : memref<10240x128xf32, #tpu.memory_space<vmem_shared>> -> memref<80x128xf32, #tpu.memory_space<vmem_shared>>
      tpu.enqueue_dma source(%arg12 : memref<80x128xf32, #tpu.memory_space<vmem>>) target(%dma_start3A_391 : memref<80x128xf32, #tpu.memory_space<vmem_shared>>) target_semaphore(%run_scoped3A : memref<!tpu.dma_semaphore, #tpu.memory_space<semaphore_mem>>)
      %dma_wait3A_392 = arith.constant 0 : i32
      %dma_wait3A_393 = tpu.memref_slice %arg13[%add3A_158, %dma_wait3A_392] : memref<10240x128xf32, #tpu.memory_space<vmem_shared>> -> memref<80x128xf32, #tpu.memory_space<vmem_shared>>
      %dma_wait3A_394 = arith.constant 0 : i32
      %dma_wait3A_395 = tpu.memref_slice %arg13[%add3A_158, %dma_wait3A_394] : memref<10240x128xf32, #tpu.memory_space<vmem_shared>> -> memref<80x128xf32, #tpu.memory_space<vmem_shared>>
      tpu.wait_dma2 semaphore(%run_scoped3A : memref<!tpu.dma_semaphore, #tpu.memory_space<semaphore_mem>>) src(%arg12 : memref<80x128xf32, #tpu.memory_space<vmem>>) dst(%dma_wait3A_395 : memref<80x128xf32, #tpu.memory_space<vmem_shared>>)
      tpu.yield
    }) : () -> ()
    %barrier3A = arith.constant 0 : index
    tpu.barrier barrier_id(%barrier3A)
    %add3A_159 = arith.constant 0 : i32
    %add3A_160 = arith.addi %mul3A_2, %add3A_159 : i32
    %dma_wait3A = arith.constant 0 : i32
    %dma_wait3A_161 = arith.constant 0 : i32
    %dma_wait3A_162 = arith.constant 0 : i32
    %dma_wait3A_163 = tpu.memref_slice %arg7[%dma_wait3A, %dma_wait3A_161, %dma_wait3A_162] : memref<4x1x80xi32, #tpu.memory_space<vmem>> -> memref<1x1x80xi32, #tpu.memory_space<vmem>>
    %dma_wait3A_164 = tpu.memref_squeeze %dma_wait3A_163 : memref<1x1x80xi32, #tpu.memory_space<vmem>> -> memref<1x80xi32, #tpu.memory_space<vmem>>
    %dma_wait3A_165 = arith.constant 0 : i32
    %dma_wait3A_166 = tpu.memref_slice %arg3[%add3A_160, %dma_wait3A_165] : memref<4096x80xi32, #tpu.memory_space<hbm>> -> memref<1x80xi32, #tpu.memory_space<hbm>>
    %dma_wait3A_167 = arith.constant 0 : i32
    %dma_wait3A_168 = arith.constant 0 : i32
    %dma_wait3A_169 = tpu.memref_slice %arg7[%dma_wait3A, %dma_wait3A_167, %dma_wait3A_168] : memref<4x1x80xi32, #tpu.memory_space<vmem>> -> memref<1x1x80xi32, #tpu.memory_space<vmem>>
    %dma_wait3A_170 = tpu.memref_squeeze %dma_wait3A_169 : memref<1x1x80xi32, #tpu.memory_space<vmem>> -> memref<1x80xi32, #tpu.memory_space<vmem>>
    %dma_wait3A_171 = arith.constant 0 : i32
    %dma_wait3A_172 = tpu.memref_slice %arg3[%add3A_160, %dma_wait3A_171] : memref<4096x80xi32, #tpu.memory_space<hbm>> -> memref<1x80xi32, #tpu.memory_space<hbm>>
    tpu.wait_dma2 semaphore(%arg14 : memref<!tpu.dma_semaphore, #tpu.memory_space<semaphore_mem>>) src(%dma_wait3A_172 : memref<1x80xi32, #tpu.memory_space<hbm>>) dst(%dma_wait3A_170 : memref<1x80xi32, #tpu.memory_space<vmem>>)
    %add3A_173 = arith.constant 0 : i32
    %add3A_174 = arith.addi %mul3A_2, %add3A_173 : i32
    %dma_wait3A_175 = arith.constant 0 : i32
    %dma_wait3A_176 = arith.constant 0 : i32
    %dma_wait3A_177 = arith.constant 0 : i32
    %dma_wait3A_178 = tpu.memref_slice %arg8[%dma_wait3A_175, %dma_wait3A_176, %dma_wait3A_177] : memref<4x1x80xi32, #tpu.memory_space<vmem>> -> memref<1x1x80xi32, #tpu.memory_space<vmem>>
    %dma_wait3A_179 = tpu.memref_squeeze %dma_wait3A_178 : memref<1x1x80xi32, #tpu.memory_space<vmem>> -> memref<1x80xi32, #tpu.memory_space<vmem>>
    %dma_wait3A_180 = arith.constant 0 : i32
    %dma_wait3A_181 = tpu.memref_slice %arg4[%add3A_174, %dma_wait3A_180] : memref<4096x80xi32, #tpu.memory_space<hbm>> -> memref<1x80xi32, #tpu.memory_space<hbm>>
    %dma_wait3A_182 = arith.constant 0 : i32
    %dma_wait3A_183 = arith.constant 0 : i32
    %dma_wait3A_184 = tpu.memref_slice %arg8[%dma_wait3A_175, %dma_wait3A_182, %dma_wait3A_183] : memref<4x1x80xi32, #tpu.memory_space<vmem>> -> memref<1x1x80xi32, #tpu.memory_space<vmem>>
    %dma_wait3A_185 = tpu.memref_squeeze %dma_wait3A_184 : memref<1x1x80xi32, #tpu.memory_space<vmem>> -> memref<1x80xi32, #tpu.memory_space<vmem>>
    %dma_wait3A_186 = arith.constant 0 : i32
    %dma_wait3A_187 = tpu.memref_slice %arg4[%add3A_174, %dma_wait3A_186] : memref<4096x80xi32, #tpu.memory_space<hbm>> -> memref<1x80xi32, #tpu.memory_space<hbm>>
    tpu.wait_dma2 semaphore(%arg14 : memref<!tpu.dma_semaphore, #tpu.memory_space<semaphore_mem>>) src(%dma_wait3A_187 : memref<1x80xi32, #tpu.memory_space<hbm>>) dst(%dma_wait3A_185 : memref<1x80xi32, #tpu.memory_space<vmem>>)
    %dma_start3A_188 = arith.constant 0 : i32
    %dma_start3A_189 = arith.constant 0 : i32
    %dma_start3A_190 = arith.constant 0 : i32
    %dma_start3A_191 = tpu.memref_slice %arg7[%dma_start3A_188, %dma_start3A_189, %dma_start3A_190] : memref<4x1x80xi32, #tpu.memory_space<vmem>> -> memref<1x1x80xi32, #tpu.memory_space<vmem>>
    %dma_start3A_192 = tpu.memref_squeeze %dma_start3A_191 : memref<1x1x80xi32, #tpu.memory_space<vmem>> -> memref<80xi32, #tpu.memory_space<vmem>>
    %dma_start3A_193 = arith.constant 0 : i32
    %dma_start3A_194 = arith.constant 0 : i32
    %dma_start3A_195 = tpu.memref_slice %arg2[%dma_start3A_193, %dma_start3A_194] : memref<10000x128xf32, #tpu.memory_space<hbm>> -> memref<10000x128xf32, #tpu.memory_space<hbm>>
    tpu.enqueue_indirect_dma source(%dma_start3A_195 : memref<10000x128xf32, #tpu.memory_space<hbm>>) target(%arg9 : memref<80x128xf32, #tpu.memory_space<vmem>>) offsets(%dma_start3A_192 : memref<80xi32, #tpu.memory_space<vmem>>) semaphore(%arg18 : memref<!tpu.dma_semaphore, #tpu.memory_space<semaphore_mem>>)
    %add3A_196 = arith.constant 1 : i32
    %add3A_197 = arith.addi %mul3A_2, %add3A_196 : i32
    %dma_wait3A_198 = arith.constant 1 : i32
    %dma_wait3A_199 = arith.constant 0 : i32
    %dma_wait3A_200 = arith.constant 0 : i32
    %dma_wait3A_201 = tpu.memref_slice %arg7[%dma_wait3A_198, %dma_wait3A_199, %dma_wait3A_200] : memref<4x1x80xi32, #tpu.memory_space<vmem>> -> memref<1x1x80xi32, #tpu.memory_space<vmem>>
    %dma_wait3A_202 = tpu.memref_squeeze %dma_wait3A_201 : memref<1x1x80xi32, #tpu.memory_space<vmem>> -> memref<1x80xi32, #tpu.memory_space<vmem>>
    %dma_wait3A_203 = arith.constant 0 : i32
    %dma_wait3A_204 = tpu.memref_slice %arg3[%add3A_197, %dma_wait3A_203] : memref<4096x80xi32, #tpu.memory_space<hbm>> -> memref<1x80xi32, #tpu.memory_space<hbm>>
    %dma_wait3A_205 = arith.constant 0 : i32
    %dma_wait3A_206 = arith.constant 0 : i32
    %dma_wait3A_207 = tpu.memref_slice %arg7[%dma_wait3A_198, %dma_wait3A_205, %dma_wait3A_206] : memref<4x1x80xi32, #tpu.memory_space<vmem>> -> memref<1x1x80xi32, #tpu.memory_space<vmem>>
    %dma_wait3A_208 = tpu.memref_squeeze %dma_wait3A_207 : memref<1x1x80xi32, #tpu.memory_space<vmem>> -> memref<1x80xi32, #tpu.memory_space<vmem>>
    %dma_wait3A_209 = arith.constant 0 : i32
    %dma_wait3A_210 = tpu.memref_slice %arg3[%add3A_197, %dma_wait3A_209] : memref<4096x80xi32, #tpu.memory_space<hbm>> -> memref<1x80xi32, #tpu.memory_space<hbm>>
    tpu.wait_dma2 semaphore(%arg15 : memref<!tpu.dma_semaphore, #tpu.memory_space<semaphore_mem>>) src(%dma_wait3A_210 : memref<1x80xi32, #tpu.memory_space<hbm>>) dst(%dma_wait3A_208 : memref<1x80xi32, #tpu.memory_space<vmem>>)
    %add3A_211 = arith.constant 1 : i32
    %add3A_212 = arith.addi %mul3A_2, %add3A_211 : i32
    %dma_wait3A_213 = arith.constant 1 : i32
    %dma_wait3A_214 = arith.constant 0 : i32
    %dma_wait3A_215 = arith.constant 0 : i32
    %dma_wait3A_216 = tpu.memref_slice %arg8[%dma_wait3A_213, %dma_wait3A_214, %dma_wait3A_215] : memref<4x1x80xi32, #tpu.memory_space<vmem>> -> memref<1x1x80xi32, #tpu.memory_space<vmem>>
    %dma_wait3A_217 = tpu.memref_squeeze %dma_wait3A_216 : memref<1x1x80xi32, #tpu.memory_space<vmem>> -> memref<1x80xi32, #tpu.memory_space<vmem>>
    %dma_wait3A_218 = arith.constant 0 : i32
    %dma_wait3A_219 = tpu.memref_slice %arg4[%add3A_212, %dma_wait3A_218] : memref<4096x80xi32, #tpu.memory_space<hbm>> -> memref<1x80xi32, #tpu.memory_space<hbm>>
    %dma_wait3A_220 = arith.constant 0 : i32
    %dma_wait3A_221 = arith.constant 0 : i32
    %dma_wait3A_222 = tpu.memref_slice %arg8[%dma_wait3A_213, %dma_wait3A_220, %dma_wait3A_221] : memref<4x1x80xi32, #tpu.memory_space<vmem>> -> memref<1x1x80xi32, #tpu.memory_space<vmem>>
    %dma_wait3A_223 = tpu.memref_squeeze %dma_wait3A_222 : memref<1x1x80xi32, #tpu.memory_space<vmem>> -> memref<1x80xi32, #tpu.memory_space<vmem>>
    %dma_wait3A_224 = arith.constant 0 : i32
    %dma_wait3A_225 = tpu.memref_slice %arg4[%add3A_212, %dma_wait3A_224] : memref<4096x80xi32, #tpu.memory_space<hbm>> -> memref<1x80xi32, #tpu.memory_space<hbm>>
    tpu.wait_dma2 semaphore(%arg15 : memref<!tpu.dma_semaphore, #tpu.memory_space<semaphore_mem>>) src(%dma_wait3A_225 : memref<1x80xi32, #tpu.memory_space<hbm>>) dst(%dma_wait3A_223 : memref<1x80xi32, #tpu.memory_space<vmem>>)
    %dma_start3A_226 = arith.constant 1 : i32
    %dma_start3A_227 = arith.constant 0 : i32
    %dma_start3A_228 = arith.constant 0 : i32
    %dma_start3A_229 = tpu.memref_slice %arg7[%dma_start3A_226, %dma_start3A_227, %dma_start3A_228] : memref<4x1x80xi32, #tpu.memory_space<vmem>> -> memref<1x1x80xi32, #tpu.memory_space<vmem>>
    %dma_start3A_230 = tpu.memref_squeeze %dma_start3A_229 : memref<1x1x80xi32, #tpu.memory_space<vmem>> -> memref<80xi32, #tpu.memory_space<vmem>>
    %dma_start3A_231 = arith.constant 0 : i32
    %dma_start3A_232 = arith.constant 0 : i32
    %dma_start3A_233 = tpu.memref_slice %arg2[%dma_start3A_231, %dma_start3A_232] : memref<10000x128xf32, #tpu.memory_space<hbm>> -> memref<10000x128xf32, #tpu.memory_space<hbm>>
    tpu.enqueue_indirect_dma source(%dma_start3A_233 : memref<10000x128xf32, #tpu.memory_space<hbm>>) target(%arg10 : memref<80x128xf32, #tpu.memory_space<vmem>>) offsets(%dma_start3A_230 : memref<80xi32, #tpu.memory_space<vmem>>) semaphore(%arg19 : memref<!tpu.dma_semaphore, #tpu.memory_space<semaphore_mem>>)
    %add3A_234 = arith.constant 2 : i32
    %add3A_235 = arith.addi %mul3A_2, %add3A_234 : i32
    %dma_wait3A_236 = arith.constant 2 : i32
    %dma_wait3A_237 = arith.constant 0 : i32
    %dma_wait3A_238 = arith.constant 0 : i32
    %dma_wait3A_239 = tpu.memref_slice %arg7[%dma_wait3A_236, %dma_wait3A_237, %dma_wait3A_238] : memref<4x1x80xi32, #tpu.memory_space<vmem>> -> memref<1x1x80xi32, #tpu.memory_space<vmem>>
    %dma_wait3A_240 = tpu.memref_squeeze %dma_wait3A_239 : memref<1x1x80xi32, #tpu.memory_space<vmem>> -> memref<1x80xi32, #tpu.memory_space<vmem>>
    %dma_wait3A_241 = arith.constant 0 : i32
    %dma_wait3A_242 = tpu.memref_slice %arg3[%add3A_235, %dma_wait3A_241] : memref<4096x80xi32, #tpu.memory_space<hbm>> -> memref<1x80xi32, #tpu.memory_space<hbm>>
    %dma_wait3A_243 = arith.constant 0 : i32
    %dma_wait3A_244 = arith.constant 0 : i32
    %dma_wait3A_245 = tpu.memref_slice %arg7[%dma_wait3A_236, %dma_wait3A_243, %dma_wait3A_244] : memref<4x1x80xi32, #tpu.memory_space<vmem>> -> memref<1x1x80xi32, #tpu.memory_space<vmem>>
    %dma_wait3A_246 = tpu.memref_squeeze %dma_wait3A_245 : memref<1x1x80xi32, #tpu.memory_space<vmem>> -> memref<1x80xi32, #tpu.memory_space<vmem>>
    %dma_wait3A_247 = arith.constant 0 : i32
    %dma_wait3A_248 = tpu.memref_slice %arg3[%add3A_235, %dma_wait3A_247] : memref<4096x80xi32, #tpu.memory_space<hbm>> -> memref<1x80xi32, #tpu.memory_space<hbm>>
    tpu.wait_dma2 semaphore(%arg16 : memref<!tpu.dma_semaphore, #tpu.memory_space<semaphore_mem>>) src(%dma_wait3A_248 : memref<1x80xi32, #tpu.memory_space<hbm>>) dst(%dma_wait3A_246 : memref<1x80xi32, #tpu.memory_space<vmem>>)
    %add3A_249 = arith.constant 2 : i32
    %add3A_250 = arith.addi %mul3A_2, %add3A_249 : i32
    %dma_wait3A_251 = arith.constant 2 : i32
    %dma_wait3A_252 = arith.constant 0 : i32
    %dma_wait3A_253 = arith.constant 0 : i32
    %dma_wait3A_254 = tpu.memref_slice %arg8[%dma_wait3A_251, %dma_wait3A_252, %dma_wait3A_253] : memref<4x1x80xi32, #tpu.memory_space<vmem>> -> memref<1x1x80xi32, #tpu.memory_space<vmem>>
    %dma_wait3A_255 = tpu.memref_squeeze %dma_wait3A_254 : memref<1x1x80xi32, #tpu.memory_space<vmem>> -> memref<1x80xi32, #tpu.memory_space<vmem>>
    %dma_wait3A_256 = arith.constant 0 : i32
    %dma_wait3A_257 = tpu.memref_slice %arg4[%add3A_250, %dma_wait3A_256] : memref<4096x80xi32, #tpu.memory_space<hbm>> -> memref<1x80xi32, #tpu.memory_space<hbm>>
    %dma_wait3A_258 = arith.constant 0 : i32
    %dma_wait3A_259 = arith.constant 0 : i32
    %dma_wait3A_260 = tpu.memref_slice %arg8[%dma_wait3A_251, %dma_wait3A_258, %dma_wait3A_259] : memref<4x1x80xi32, #tpu.memory_space<vmem>> -> memref<1x1x80xi32, #tpu.memory_space<vmem>>
    %dma_wait3A_261 = tpu.memref_squeeze %dma_wait3A_260 : memref<1x1x80xi32, #tpu.memory_space<vmem>> -> memref<1x80xi32, #tpu.memory_space<vmem>>
    %dma_wait3A_262 = arith.constant 0 : i32
    %dma_wait3A_263 = tpu.memref_slice %arg4[%add3A_250, %dma_wait3A_262] : memref<4096x80xi32, #tpu.memory_space<hbm>> -> memref<1x80xi32, #tpu.memory_space<hbm>>
    tpu.wait_dma2 semaphore(%arg16 : memref<!tpu.dma_semaphore, #tpu.memory_space<semaphore_mem>>) src(%dma_wait3A_263 : memref<1x80xi32, #tpu.memory_space<hbm>>) dst(%dma_wait3A_261 : memref<1x80xi32, #tpu.memory_space<vmem>>)
    %dma_start3A_264 = arith.constant 2 : i32
    %dma_start3A_265 = arith.constant 0 : i32
    %dma_start3A_266 = arith.constant 0 : i32
    %dma_start3A_267 = tpu.memref_slice %arg7[%dma_start3A_264, %dma_start3A_265, %dma_start3A_266] : memref<4x1x80xi32, #tpu.memory_space<vmem>> -> memref<1x1x80xi32, #tpu.memory_space<vmem>>
    %dma_start3A_268 = tpu.memref_squeeze %dma_start3A_267 : memref<1x1x80xi32, #tpu.memory_space<vmem>> -> memref<80xi32, #tpu.memory_space<vmem>>
    %dma_start3A_269 = arith.constant 0 : i32
    %dma_start3A_270 = arith.constant 0 : i32
    %dma_start3A_271 = tpu.memref_slice %arg2[%dma_start3A_269, %dma_start3A_270] : memref<10000x128xf32, #tpu.memory_space<hbm>> -> memref<10000x128xf32, #tpu.memory_space<hbm>>
    tpu.enqueue_indirect_dma source(%dma_start3A_271 : memref<10000x128xf32, #tpu.memory_space<hbm>>) target(%arg11 : memref<80x128xf32, #tpu.memory_space<vmem>>) offsets(%dma_start3A_268 : memref<80xi32, #tpu.memory_space<vmem>>) semaphore(%arg20 : memref<!tpu.dma_semaphore, #tpu.memory_space<semaphore_mem>>)
    %scan3A_272 = arith.constant 0 : i32
    %scan3A_273 = arith.constant 0 : i32
    %scan3A_274 = arith.constant 32 : i32
    %scan3A_275 = arith.addi %scan3A_273, %scan3A_274 : i32
    %scan3A_276 = arith.constant 1 : i32
    scf.for %scan3A_388 = %scan3A_273 to %scan3A_275 step %scan3A_276  : i32 {
      %mul3A_389 = arith.constant 4 : i32
      %mul3A_390 = arith.muli %mul3A_389, %scan3A_388 : i32
      %add3A_391 = arith.constant 0 : i32
      %add3A_392 = arith.addi %mul3A_390, %add3A_391 : i32
      %dma_wait3A_393 = arith.constant 0 : i32
      %dma_wait3A_394 = arith.constant 0 : i32
      %dma_wait3A_395 = arith.constant 0 : i32
      %dma_wait3A_396 = tpu.memref_slice %arg7[%dma_wait3A_393, %dma_wait3A_394, %dma_wait3A_395] : memref<4x1x80xi32, #tpu.memory_space<vmem>> -> memref<1x1x80xi32, #tpu.memory_space<vmem>>
      %dma_wait3A_397 = tpu.memref_squeeze %dma_wait3A_396 : memref<1x1x80xi32, #tpu.memory_space<vmem>> -> memref<80xi32, #tpu.memory_space<vmem>>
      %dma_wait3A_398 = arith.constant 0 : i32
      %dma_wait3A_399 = arith.constant 0 : i32
      %dma_wait3A_400 = tpu.memref_slice %arg2[%dma_wait3A_398, %dma_wait3A_399] : memref<10000x128xf32, #tpu.memory_space<hbm>> -> memref<10000x128xf32, #tpu.memory_space<hbm>>
      tpu.wait_indirect_dma semaphore(%arg18 : memref<!tpu.dma_semaphore, #tpu.memory_space<semaphore_mem>>) src(%dma_wait3A_400 : memref<10000x128xf32, #tpu.memory_space<hbm>>) dst(%arg9 : memref<80x128xf32, #tpu.memory_space<vmem>>)
      %run_scoped3A = arith.constant 0 : i32
      %run_scoped3A_401 = arith.constant 0 : i32
      "tpu.region"() ({
        %run_scoped3A_499 = tpu.sem_alloc : memref<!tpu.dma_semaphore, #tpu.memory_space<semaphore_mem>>
        %dma_start3A_500 = arith.constant 0 : i32
        %dma_start3A_501 = tpu.memref_slice %arg8[%run_scoped3A, %run_scoped3A_401, %dma_start3A_500] : memref<4x1x80xi32, #tpu.memory_space<vmem>> -> memref<1x1x80xi32, #tpu.memory_space<vmem>>
        %dma_start3A_502 = tpu.memref_squeeze %dma_start3A_501 : memref<1x1x80xi32, #tpu.memory_space<vmem>> -> memref<80xi32, #tpu.memory_space<vmem>>
        %dma_start3A_503 = arith.constant 0 : i32
        %dma_start3A_504 = arith.constant 0 : i32
        %dma_start3A_505 = tpu.memref_slice %arg13[%dma_start3A_503, %dma_start3A_504] : memref<10240x128xf32, #tpu.memory_space<vmem_shared>> -> memref<10240x128xf32, #tpu.memory_space<vmem_shared>>
        tpu.enqueue_indirect_dma source(%arg9 : memref<80x128xf32, #tpu.memory_space<vmem>>) target(%dma_start3A_505 : memref<10240x128xf32, #tpu.memory_space<vmem_shared>>) offsets(%dma_start3A_502 : memref<80xi32, #tpu.memory_space<vmem>>) semaphore(%run_scoped3A_499 : memref<!tpu.dma_semaphore, #tpu.memory_space<semaphore_mem>>) {add = true}
        %dma_wait3A_506 = arith.constant 0 : i32
        %dma_wait3A_507 = tpu.memref_slice %arg8[%run_scoped3A, %run_scoped3A_401, %dma_wait3A_506] : memref<4x1x80xi32, #tpu.memory_space<vmem>> -> memref<1x1x80xi32, #tpu.memory_space<vmem>>
        %dma_wait3A_508 = tpu.memref_squeeze %dma_wait3A_507 : memref<1x1x80xi32, #tpu.memory_space<vmem>> -> memref<80xi32, #tpu.memory_space<vmem>>
        %dma_wait3A_509 = arith.constant 0 : i32
        %dma_wait3A_510 = arith.constant 0 : i32
        %dma_wait3A_511 = tpu.memref_slice %arg13[%dma_wait3A_509, %dma_wait3A_510] : memref<10240x128xf32, #tpu.memory_space<vmem_shared>> -> memref<10240x128xf32, #tpu.memory_space<vmem_shared>>
        tpu.wait_indirect_dma semaphore(%run_scoped3A_499 : memref<!tpu.dma_semaphore, #tpu.memory_space<semaphore_mem>>) src(%arg9 : memref<80x128xf32, #tpu.memory_space<vmem>>) dst(%dma_wait3A_511 : memref<10240x128xf32, #tpu.memory_space<vmem_shared>>)
        tpu.yield
      }) : () -> ()
      %add3A_402 = arith.constant 4 : i32
      %add3A_403 = arith.addi %add3A_392, %add3A_402 : i32
      %lt3A = arith.constant 128 : i32
      %lt3A_404 = arith.cmpi slt, %add3A_403, %lt3A : i32
      %convert_element_type3A_405 = arith.extui %lt3A_404 : i1 to i32
      %cond3A_406 = arith.constant 0 : i32
      %cond3A_407 = arith.cmpi ne, %convert_element_type3A_405, %cond3A_406 : i32
      scf.if %cond3A_407 {
        %add3A_499 = arith.constant 4 : i32
        %add3A_500 = arith.addi %add3A_392, %add3A_499 : i32
        %add3A_501 = arith.addi %mul3A_2, %add3A_500 : i32
        %dma_start3A_502 = arith.constant 0 : i32
        %dma_start3A_503 = arith.constant 0 : i32
        %dma_start3A_504 = arith.constant 0 : i32
        %dma_start3A_505 = tpu.memref_slice %arg7[%dma_start3A_502, %dma_start3A_503, %dma_start3A_504] : memref<4x1x80xi32, #tpu.memory_space<vmem>> -> memref<1x1x80xi32, #tpu.memory_space<vmem>>
        %dma_start3A_506 = tpu.memref_squeeze %dma_start3A_505 : memref<1x1x80xi32, #tpu.memory_space<vmem>> -> memref<1x80xi32, #tpu.memory_space<vmem>>
        %dma_start3A_507 = arith.constant 0 : i32
        %dma_start3A_508 = tpu.memref_slice %arg3[%add3A_501, %dma_start3A_507] : memref<4096x80xi32, #tpu.memory_space<hbm>> -> memref<1x80xi32, #tpu.memory_space<hbm>>
        %dma_start3A_509 = arith.constant 0 : i32
        %dma_start3A_510 = arith.constant 0 : i32
        %dma_start3A_511 = tpu.memref_slice %arg7[%dma_start3A_502, %dma_start3A_509, %dma_start3A_510] : memref<4x1x80xi32, #tpu.memory_space<vmem>> -> memref<1x1x80xi32, #tpu.memory_space<vmem>>
        %dma_start3A_512 = tpu.memref_squeeze %dma_start3A_511 : memref<1x1x80xi32, #tpu.memory_space<vmem>> -> memref<1x80xi32, #tpu.memory_space<vmem>>
        %dma_start3A_513 = arith.constant 0 : i32
        %dma_start3A_514 = tpu.memref_slice %arg3[%add3A_501, %dma_start3A_513] : memref<4096x80xi32, #tpu.memory_space<hbm>> -> memref<1x80xi32, #tpu.memory_space<hbm>>
        tpu.enqueue_dma source(%dma_start3A_514 : memref<1x80xi32, #tpu.memory_space<hbm>>) target(%dma_start3A_512 : memref<1x80xi32, #tpu.memory_space<vmem>>) target_semaphore(%arg14 : memref<!tpu.dma_semaphore, #tpu.memory_space<semaphore_mem>>)
        %add3A_515 = arith.addi %mul3A_2, %add3A_500 : i32
        %dma_start3A_516 = arith.constant 0 : i32
        %dma_start3A_517 = arith.constant 0 : i32
        %dma_start3A_518 = arith.constant 0 : i32
        %dma_start3A_519 = tpu.memref_slice %arg8[%dma_start3A_516, %dma_start3A_517, %dma_start3A_518] : memref<4x1x80xi32, #tpu.memory_space<vmem>> -> memref<1x1x80xi32, #tpu.memory_space<vmem>>
        %dma_start3A_520 = tpu.memref_squeeze %dma_start3A_519 : memref<1x1x80xi32, #tpu.memory_space<vmem>> -> memref<1x80xi32, #tpu.memory_space<vmem>>
        %dma_start3A_521 = arith.constant 0 : i32
        %dma_start3A_522 = tpu.memref_slice %arg4[%add3A_515, %dma_start3A_521] : memref<4096x80xi32, #tpu.memory_space<hbm>> -> memref<1x80xi32, #tpu.memory_space<hbm>>
        %dma_start3A_523 = arith.constant 0 : i32
        %dma_start3A_524 = arith.constant 0 : i32
        %dma_start3A_525 = tpu.memref_slice %arg8[%dma_start3A_516, %dma_start3A_523, %dma_start3A_524] : memref<4x1x80xi32, #tpu.memory_space<vmem>> -> memref<1x1x80xi32, #tpu.memory_space<vmem>>
        %dma_start3A_526 = tpu.memref_squeeze %dma_start3A_525 : memref<1x1x80xi32, #tpu.memory_space<vmem>> -> memref<1x80xi32, #tpu.memory_space<vmem>>
        %dma_start3A_527 = arith.constant 0 : i32
        %dma_start3A_528 = tpu.memref_slice %arg4[%add3A_515, %dma_start3A_527] : memref<4096x80xi32, #tpu.memory_space<hbm>> -> memref<1x80xi32, #tpu.memory_space<hbm>>
        tpu.enqueue_dma source(%dma_start3A_528 : memref<1x80xi32, #tpu.memory_space<hbm>>) target(%dma_start3A_526 : memref<1x80xi32, #tpu.memory_space<vmem>>) target_semaphore(%arg14 : memref<!tpu.dma_semaphore, #tpu.memory_space<semaphore_mem>>)
      } else {
      }
      %add3A_408 = arith.constant 3 : i32
      %add3A_409 = arith.addi %add3A_392, %add3A_408 : i32
      %lt3A_410 = arith.constant 128 : i32
      %lt3A_411 = arith.cmpi slt, %add3A_409, %lt3A_410 : i32
      %convert_element_type3A_412 = arith.extui %lt3A_411 : i1 to i32
      %cond3A_413 = arith.constant 0 : i32
      %cond3A_414 = arith.cmpi ne, %convert_element_type3A_412, %cond3A_413 : i32
      scf.if %cond3A_414 {
        %add3A_499 = arith.constant 3 : i32
        %add3A_500 = arith.addi %add3A_392, %add3A_499 : i32
        %add3A_501 = arith.addi %mul3A_2, %add3A_500 : i32
        %dma_wait3A_502 = arith.constant 3 : i32
        %dma_wait3A_503 = arith.constant 0 : i32
        %dma_wait3A_504 = arith.constant 0 : i32
        %dma_wait3A_505 = tpu.memref_slice %arg7[%dma_wait3A_502, %dma_wait3A_503, %dma_wait3A_504] : memref<4x1x80xi32, #tpu.memory_space<vmem>> -> memref<1x1x80xi32, #tpu.memory_space<vmem>>
        %dma_wait3A_506 = tpu.memref_squeeze %dma_wait3A_505 : memref<1x1x80xi32, #tpu.memory_space<vmem>> -> memref<1x80xi32, #tpu.memory_space<vmem>>
        %dma_wait3A_507 = arith.constant 0 : i32
        %dma_wait3A_508 = tpu.memref_slice %arg3[%add3A_501, %dma_wait3A_507] : memref<4096x80xi32, #tpu.memory_space<hbm>> -> memref<1x80xi32, #tpu.memory_space<hbm>>
        %dma_wait3A_509 = arith.constant 0 : i32
        %dma_wait3A_510 = arith.constant 0 : i32
        %dma_wait3A_511 = tpu.memref_slice %arg7[%dma_wait3A_502, %dma_wait3A_509, %dma_wait3A_510] : memref<4x1x80xi32, #tpu.memory_space<vmem>> -> memref<1x1x80xi32, #tpu.memory_space<vmem>>
        %dma_wait3A_512 = tpu.memref_squeeze %dma_wait3A_511 : memref<1x1x80xi32, #tpu.memory_space<vmem>> -> memref<1x80xi32, #tpu.memory_space<vmem>>
        %dma_wait3A_513 = arith.constant 0 : i32
        %dma_wait3A_514 = tpu.memref_slice %arg3[%add3A_501, %dma_wait3A_513] : memref<4096x80xi32, #tpu.memory_space<hbm>> -> memref<1x80xi32, #tpu.memory_space<hbm>>
        tpu.wait_dma2 semaphore(%arg17 : memref<!tpu.dma_semaphore, #tpu.memory_space<semaphore_mem>>) src(%dma_wait3A_514 : memref<1x80xi32, #tpu.memory_space<hbm>>) dst(%dma_wait3A_512 : memref<1x80xi32, #tpu.memory_space<vmem>>)
        %add3A_515 = arith.addi %mul3A_2, %add3A_500 : i32
        %dma_wait3A_516 = arith.constant 3 : i32
        %dma_wait3A_517 = arith.constant 0 : i32
        %dma_wait3A_518 = arith.constant 0 : i32
        %dma_wait3A_519 = tpu.memref_slice %arg8[%dma_wait3A_516, %dma_wait3A_517, %dma_wait3A_518] : memref<4x1x80xi32, #tpu.memory_space<vmem>> -> memref<1x1x80xi32, #tpu.memory_space<vmem>>
        %dma_wait3A_520 = tpu.memref_squeeze %dma_wait3A_519 : memref<1x1x80xi32, #tpu.memory_space<vmem>> -> memref<1x80xi32, #tpu.memory_space<vmem>>
        %dma_wait3A_521 = arith.constant 0 : i32
        %dma_wait3A_522 = tpu.memref_slice %arg4[%add3A_515, %dma_wait3A_521] : memref<4096x80xi32, #tpu.memory_space<hbm>> -> memref<1x80xi32, #tpu.memory_space<hbm>>
        %dma_wait3A_523 = arith.constant 0 : i32
        %dma_wait3A_524 = arith.constant 0 : i32
        %dma_wait3A_525 = tpu.memref_slice %arg8[%dma_wait3A_516, %dma_wait3A_523, %dma_wait3A_524] : memref<4x1x80xi32, #tpu.memory_space<vmem>> -> memref<1x1x80xi32, #tpu.memory_space<vmem>>
        %dma_wait3A_526 = tpu.memref_squeeze %dma_wait3A_525 : memref<1x1x80xi32, #tpu.memory_space<vmem>> -> memref<1x80xi32, #tpu.memory_space<vmem>>
        %dma_wait3A_527 = arith.constant 0 : i32
        %dma_wait3A_528 = tpu.memref_slice %arg4[%add3A_515, %dma_wait3A_527] : memref<4096x80xi32, #tpu.memory_space<hbm>> -> memref<1x80xi32, #tpu.memory_space<hbm>>
        tpu.wait_dma2 semaphore(%arg17 : memref<!tpu.dma_semaphore, #tpu.memory_space<semaphore_mem>>) src(%dma_wait3A_528 : memref<1x80xi32, #tpu.memory_space<hbm>>) dst(%dma_wait3A_526 : memref<1x80xi32, #tpu.memory_space<vmem>>)
        %add3A_529 = arith.constant 3 : i32
        %add3A_530 = arith.addi %add3A_392, %add3A_529 : i32
        %dma_start3A_531 = arith.constant 3 : i32
        %dma_start3A_532 = arith.constant 0 : i32
        %dma_start3A_533 = arith.constant 0 : i32
        %dma_start3A_534 = tpu.memref_slice %arg7[%dma_start3A_531, %dma_start3A_532, %dma_start3A_533] : memref<4x1x80xi32, #tpu.memory_space<vmem>> -> memref<1x1x80xi32, #tpu.memory_space<vmem>>
        %dma_start3A_535 = tpu.memref_squeeze %dma_start3A_534 : memref<1x1x80xi32, #tpu.memory_space<vmem>> -> memref<80xi32, #tpu.memory_space<vmem>>
        %dma_start3A_536 = arith.constant 0 : i32
        %dma_start3A_537 = arith.constant 0 : i32
        %dma_start3A_538 = tpu.memref_slice %arg2[%dma_start3A_536, %dma_start3A_537] : memref<10000x128xf32, #tpu.memory_space<hbm>> -> memref<10000x128xf32, #tpu.memory_space<hbm>>
        tpu.enqueue_indirect_dma source(%dma_start3A_538 : memref<10000x128xf32, #tpu.memory_space<hbm>>) target(%arg12 : memref<80x128xf32, #tpu.memory_space<vmem>>) offsets(%dma_start3A_535 : memref<80xi32, #tpu.memory_space<vmem>>) semaphore(%arg21 : memref<!tpu.dma_semaphore, #tpu.memory_space<semaphore_mem>>)
      } else {
      }
      %mul3A_415 = arith.constant 4 : i32
      %mul3A_416 = arith.muli %mul3A_415, %scan3A_388 : i32
      %add3A_417 = arith.constant 1 : i32
      %add3A_418 = arith.addi %mul3A_416, %add3A_417 : i32
      %dma_wait3A_419 = arith.constant 1 : i32
      %dma_wait3A_420 = arith.constant 0 : i32
      %dma_wait3A_421 = arith.constant 0 : i32
      %dma_wait3A_422 = tpu.memref_slice %arg7[%dma_wait3A_419, %dma_wait3A_420, %dma_wait3A_421] : memref<4x1x80xi32, #tpu.memory_space<vmem>> -> memref<1x1x80xi32, #tpu.memory_space<vmem>>
      %dma_wait3A_423 = tpu.memref_squeeze %dma_wait3A_422 : memref<1x1x80xi32, #tpu.memory_space<vmem>> -> memref<80xi32, #tpu.memory_space<vmem>>
      %dma_wait3A_424 = arith.constant 0 : i32
      %dma_wait3A_425 = arith.constant 0 : i32
      %dma_wait3A_426 = tpu.memref_slice %arg2[%dma_wait3A_424, %dma_wait3A_425] : memref<10000x128xf32, #tpu.memory_space<hbm>> -> memref<10000x128xf32, #tpu.memory_space<hbm>>
      tpu.wait_indirect_dma semaphore(%arg19 : memref<!tpu.dma_semaphore, #tpu.memory_space<semaphore_mem>>) src(%dma_wait3A_426 : memref<10000x128xf32, #tpu.memory_space<hbm>>) dst(%arg10 : memref<80x128xf32, #tpu.memory_space<vmem>>)
      %run_scoped3A_427 = arith.constant 1 : i32
      %run_scoped3A_428 = arith.constant 0 : i32
      "tpu.region"() ({
        %run_scoped3A_499 = tpu.sem_alloc : memref<!tpu.dma_semaphore, #tpu.memory_space<semaphore_mem>>
        %dma_start3A_500 = arith.constant 0 : i32
        %dma_start3A_501 = tpu.memref_slice %arg8[%run_scoped3A_427, %run_scoped3A_428, %dma_start3A_500] : memref<4x1x80xi32, #tpu.memory_space<vmem>> -> memref<1x1x80xi32, #tpu.memory_space<vmem>>
        %dma_start3A_502 = tpu.memref_squeeze %dma_start3A_501 : memref<1x1x80xi32, #tpu.memory_space<vmem>> -> memref<80xi32, #tpu.memory_space<vmem>>
        %dma_start3A_503 = arith.constant 0 : i32
        %dma_start3A_504 = arith.constant 0 : i32
        %dma_start3A_505 = tpu.memref_slice %arg13[%dma_start3A_503, %dma_start3A_504] : memref<10240x128xf32, #tpu.memory_space<vmem_shared>> -> memref<10240x128xf32, #tpu.memory_space<vmem_shared>>
        tpu.enqueue_indirect_dma source(%arg10 : memref<80x128xf32, #tpu.memory_space<vmem>>) target(%dma_start3A_505 : memref<10240x128xf32, #tpu.memory_space<vmem_shared>>) offsets(%dma_start3A_502 : memref<80xi32, #tpu.memory_space<vmem>>) semaphore(%run_scoped3A_499 : memref<!tpu.dma_semaphore, #tpu.memory_space<semaphore_mem>>) {add = true}
        %dma_wait3A_506 = arith.constant 0 : i32
        %dma_wait3A_507 = tpu.memref_slice %arg8[%run_scoped3A_427, %run_scoped3A_428, %dma_wait3A_506] : memref<4x1x80xi32, #tpu.memory_space<vmem>> -> memref<1x1x80xi32, #tpu.memory_space<vmem>>
        %dma_wait3A_508 = tpu.memref_squeeze %dma_wait3A_507 : memref<1x1x80xi32, #tpu.memory_space<vmem>> -> memref<80xi32, #tpu.memory_space<vmem>>
        %dma_wait3A_509 = arith.constant 0 : i32
        %dma_wait3A_510 = arith.constant 0 : i32
        %dma_wait3A_511 = tpu.memref_slice %arg13[%dma_wait3A_509, %dma_wait3A_510] : memref<10240x128xf32, #tpu.memory_space<vmem_shared>> -> memref<10240x128xf32, #tpu.memory_space<vmem_shared>>
        tpu.wait_indirect_dma semaphore(%run_scoped3A_499 : memref<!tpu.dma_semaphore, #tpu.memory_space<semaphore_mem>>) src(%arg10 : memref<80x128xf32, #tpu.memory_space<vmem>>) dst(%dma_wait3A_511 : memref<10240x128xf32, #tpu.memory_space<vmem_shared>>)
        tpu.yield
      }) : () -> ()
      %add3A_429 = arith.constant 4 : i32
      %add3A_430 = arith.addi %add3A_418, %add3A_429 : i32
      %lt3A_431 = arith.constant 128 : i32
      %lt3A_432 = arith.cmpi slt, %add3A_430, %lt3A_431 : i32
      %convert_element_type3A_433 = arith.extui %lt3A_432 : i1 to i32
      %cond3A_434 = arith.constant 0 : i32
      %cond3A_435 = arith.cmpi ne, %convert_element_type3A_433, %cond3A_434 : i32
      scf.if %cond3A_435 {
        %add3A_499 = arith.constant 4 : i32
        %add3A_500 = arith.addi %add3A_418, %add3A_499 : i32
        %add3A_501 = arith.addi %mul3A_2, %add3A_500 : i32
        %dma_start3A_502 = arith.constant 1 : i32
        %dma_start3A_503 = arith.constant 0 : i32
        %dma_start3A_504 = arith.constant 0 : i32
        %dma_start3A_505 = tpu.memref_slice %arg7[%dma_start3A_502, %dma_start3A_503, %dma_start3A_504] : memref<4x1x80xi32, #tpu.memory_space<vmem>> -> memref<1x1x80xi32, #tpu.memory_space<vmem>>
        %dma_start3A_506 = tpu.memref_squeeze %dma_start3A_505 : memref<1x1x80xi32, #tpu.memory_space<vmem>> -> memref<1x80xi32, #tpu.memory_space<vmem>>
        %dma_start3A_507 = arith.constant 0 : i32
        %dma_start3A_508 = tpu.memref_slice %arg3[%add3A_501, %dma_start3A_507] : memref<4096x80xi32, #tpu.memory_space<hbm>> -> memref<1x80xi32, #tpu.memory_space<hbm>>
        %dma_start3A_509 = arith.constant 0 : i32
        %dma_start3A_510 = arith.constant 0 : i32
        %dma_start3A_511 = tpu.memref_slice %arg7[%dma_start3A_502, %dma_start3A_509, %dma_start3A_510] : memref<4x1x80xi32, #tpu.memory_space<vmem>> -> memref<1x1x80xi32, #tpu.memory_space<vmem>>
        %dma_start3A_512 = tpu.memref_squeeze %dma_start3A_511 : memref<1x1x80xi32, #tpu.memory_space<vmem>> -> memref<1x80xi32, #tpu.memory_space<vmem>>
        %dma_start3A_513 = arith.constant 0 : i32
        %dma_start3A_514 = tpu.memref_slice %arg3[%add3A_501, %dma_start3A_513] : memref<4096x80xi32, #tpu.memory_space<hbm>> -> memref<1x80xi32, #tpu.memory_space<hbm>>
        tpu.enqueue_dma source(%dma_start3A_514 : memref<1x80xi32, #tpu.memory_space<hbm>>) target(%dma_start3A_512 : memref<1x80xi32, #tpu.memory_space<vmem>>) target_semaphore(%arg15 : memref<!tpu.dma_semaphore, #tpu.memory_space<semaphore_mem>>)
        %add3A_515 = arith.addi %mul3A_2, %add3A_500 : i32
        %dma_start3A_516 = arith.constant 1 : i32
        %dma_start3A_517 = arith.constant 0 : i32
        %dma_start3A_518 = arith.constant 0 : i32
        %dma_start3A_519 = tpu.memref_slice %arg8[%dma_start3A_516, %dma_start3A_517, %dma_start3A_518] : memref<4x1x80xi32, #tpu.memory_space<vmem>> -> memref<1x1x80xi32, #tpu.memory_space<vmem>>
        %dma_start3A_520 = tpu.memref_squeeze %dma_start3A_519 : memref<1x1x80xi32, #tpu.memory_space<vmem>> -> memref<1x80xi32, #tpu.memory_space<vmem>>
        %dma_start3A_521 = arith.constant 0 : i32
        %dma_start3A_522 = tpu.memref_slice %arg4[%add3A_515, %dma_start3A_521] : memref<4096x80xi32, #tpu.memory_space<hbm>> -> memref<1x80xi32, #tpu.memory_space<hbm>>
        %dma_start3A_523 = arith.constant 0 : i32
        %dma_start3A_524 = arith.constant 0 : i32
        %dma_start3A_525 = tpu.memref_slice %arg8[%dma_start3A_516, %dma_start3A_523, %dma_start3A_524] : memref<4x1x80xi32, #tpu.memory_space<vmem>> -> memref<1x1x80xi32, #tpu.memory_space<vmem>>
        %dma_start3A_526 = tpu.memref_squeeze %dma_start3A_525 : memref<1x1x80xi32, #tpu.memory_space<vmem>> -> memref<1x80xi32, #tpu.memory_space<vmem>>
        %dma_start3A_527 = arith.constant 0 : i32
        %dma_start3A_528 = tpu.memref_slice %arg4[%add3A_515, %dma_start3A_527] : memref<4096x80xi32, #tpu.memory_space<hbm>> -> memref<1x80xi32, #tpu.memory_space<hbm>>
        tpu.enqueue_dma source(%dma_start3A_528 : memref<1x80xi32, #tpu.memory_space<hbm>>) target(%dma_start3A_526 : memref<1x80xi32, #tpu.memory_space<vmem>>) target_semaphore(%arg15 : memref<!tpu.dma_semaphore, #tpu.memory_space<semaphore_mem>>)
      } else {
      }
      %add3A_436 = arith.constant 3 : i32
      %add3A_437 = arith.addi %add3A_418, %add3A_436 : i32
      %lt3A_438 = arith.constant 128 : i32
      %lt3A_439 = arith.cmpi slt, %add3A_437, %lt3A_438 : i32
      %convert_element_type3A_440 = arith.extui %lt3A_439 : i1 to i32
      %cond3A_441 = arith.constant 0 : i32
      %cond3A_442 = arith.cmpi ne, %convert_element_type3A_440, %cond3A_441 : i32
      scf.if %cond3A_442 {
        %add3A_499 = arith.constant 3 : i32
        %add3A_500 = arith.addi %add3A_418, %add3A_499 : i32
        %add3A_501 = arith.addi %mul3A_2, %add3A_500 : i32
        %dma_wait3A_502 = arith.constant 0 : i32
        %dma_wait3A_503 = arith.constant 0 : i32
        %dma_wait3A_504 = arith.constant 0 : i32
        %dma_wait3A_505 = tpu.memref_slice %arg7[%dma_wait3A_502, %dma_wait3A_503, %dma_wait3A_504] : memref<4x1x80xi32, #tpu.memory_space<vmem>> -> memref<1x1x80xi32, #tpu.memory_space<vmem>>
        %dma_wait3A_506 = tpu.memref_squeeze %dma_wait3A_505 : memref<1x1x80xi32, #tpu.memory_space<vmem>> -> memref<1x80xi32, #tpu.memory_space<vmem>>
        %dma_wait3A_507 = arith.constant 0 : i32
        %dma_wait3A_508 = tpu.memref_slice %arg3[%add3A_501, %dma_wait3A_507] : memref<4096x80xi32, #tpu.memory_space<hbm>> -> memref<1x80xi32, #tpu.memory_space<hbm>>
        %dma_wait3A_509 = arith.constant 0 : i32
        %dma_wait3A_510 = arith.constant 0 : i32
        %dma_wait3A_511 = tpu.memref_slice %arg7[%dma_wait3A_502, %dma_wait3A_509, %dma_wait3A_510] : memref<4x1x80xi32, #tpu.memory_space<vmem>> -> memref<1x1x80xi32, #tpu.memory_space<vmem>>
        %dma_wait3A_512 = tpu.memref_squeeze %dma_wait3A_511 : memref<1x1x80xi32, #tpu.memory_space<vmem>> -> memref<1x80xi32, #tpu.memory_space<vmem>>
        %dma_wait3A_513 = arith.constant 0 : i32
        %dma_wait3A_514 = tpu.memref_slice %arg3[%add3A_501, %dma_wait3A_513] : memref<4096x80xi32, #tpu.memory_space<hbm>> -> memref<1x80xi32, #tpu.memory_space<hbm>>
        tpu.wait_dma2 semaphore(%arg14 : memref<!tpu.dma_semaphore, #tpu.memory_space<semaphore_mem>>) src(%dma_wait3A_514 : memref<1x80xi32, #tpu.memory_space<hbm>>) dst(%dma_wait3A_512 : memref<1x80xi32, #tpu.memory_space<vmem>>)
        %add3A_515 = arith.addi %mul3A_2, %add3A_500 : i32
        %dma_wait3A_516 = arith.constant 0 : i32
        %dma_wait3A_517 = arith.constant 0 : i32
        %dma_wait3A_518 = arith.constant 0 : i32
        %dma_wait3A_519 = tpu.memref_slice %arg8[%dma_wait3A_516, %dma_wait3A_517, %dma_wait3A_518] : memref<4x1x80xi32, #tpu.memory_space<vmem>> -> memref<1x1x80xi32, #tpu.memory_space<vmem>>
        %dma_wait3A_520 = tpu.memref_squeeze %dma_wait3A_519 : memref<1x1x80xi32, #tpu.memory_space<vmem>> -> memref<1x80xi32, #tpu.memory_space<vmem>>
        %dma_wait3A_521 = arith.constant 0 : i32
        %dma_wait3A_522 = tpu.memref_slice %arg4[%add3A_515, %dma_wait3A_521] : memref<4096x80xi32, #tpu.memory_space<hbm>> -> memref<1x80xi32, #tpu.memory_space<hbm>>
        %dma_wait3A_523 = arith.constant 0 : i32
        %dma_wait3A_524 = arith.constant 0 : i32
        %dma_wait3A_525 = tpu.memref_slice %arg8[%dma_wait3A_516, %dma_wait3A_523, %dma_wait3A_524] : memref<4x1x80xi32, #tpu.memory_space<vmem>> -> memref<1x1x80xi32, #tpu.memory_space<vmem>>
        %dma_wait3A_526 = tpu.memref_squeeze %dma_wait3A_525 : memref<1x1x80xi32, #tpu.memory_space<vmem>> -> memref<1x80xi32, #tpu.memory_space<vmem>>
        %dma_wait3A_527 = arith.constant 0 : i32
        %dma_wait3A_528 = tpu.memref_slice %arg4[%add3A_515, %dma_wait3A_527] : memref<4096x80xi32, #tpu.memory_space<hbm>> -> memref<1x80xi32, #tpu.memory_space<hbm>>
        tpu.wait_dma2 semaphore(%arg14 : memref<!tpu.dma_semaphore, #tpu.memory_space<semaphore_mem>>) src(%dma_wait3A_528 : memref<1x80xi32, #tpu.memory_space<hbm>>) dst(%dma_wait3A_526 : memref<1x80xi32, #tpu.memory_space<vmem>>)
        %add3A_529 = arith.constant 3 : i32
        %add3A_530 = arith.addi %add3A_418, %add3A_529 : i32
        %dma_start3A_531 = arith.constant 0 : i32
        %dma_start3A_532 = arith.constant 0 : i32
        %dma_start3A_533 = arith.constant 0 : i32
        %dma_start3A_534 = tpu.memref_slice %arg7[%dma_start3A_531, %dma_start3A_532, %dma_start3A_533] : memref<4x1x80xi32, #tpu.memory_space<vmem>> -> memref<1x1x80xi32, #tpu.memory_space<vmem>>
        %dma_start3A_535 = tpu.memref_squeeze %dma_start3A_534 : memref<1x1x80xi32, #tpu.memory_space<vmem>> -> memref<80xi32, #tpu.memory_space<vmem>>
        %dma_start3A_536 = arith.constant 0 : i32
        %dma_start3A_537 = arith.constant 0 : i32
        %dma_start3A_538 = tpu.memref_slice %arg2[%dma_start3A_536, %dma_start3A_537] : memref<10000x128xf32, #tpu.memory_space<hbm>> -> memref<10000x128xf32, #tpu.memory_space<hbm>>
        tpu.enqueue_indirect_dma source(%dma_start3A_538 : memref<10000x128xf32, #tpu.memory_space<hbm>>) target(%arg9 : memref<80x128xf32, #tpu.memory_space<vmem>>) offsets(%dma_start3A_535 : memref<80xi32, #tpu.memory_space<vmem>>) semaphore(%arg18 : memref<!tpu.dma_semaphore, #tpu.memory_space<semaphore_mem>>)
      } else {
      }
      %mul3A_443 = arith.constant 4 : i32
      %mul3A_444 = arith.muli %mul3A_443, %scan3A_388 : i32
      %add3A_445 = arith.constant 2 : i32
      %add3A_446 = arith.addi %mul3A_444, %add3A_445 : i32
      %dma_wait3A_447 = arith.constant 2 : i32
      %dma_wait3A_448 = arith.constant 0 : i32
      %dma_wait3A_449 = arith.constant 0 : i32
      %dma_wait3A_450 = tpu.memref_slice %arg7[%dma_wait3A_447, %dma_wait3A_448, %dma_wait3A_449] : memref<4x1x80xi32, #tpu.memory_space<vmem>> -> memref<1x1x80xi32, #tpu.memory_space<vmem>>
      %dma_wait3A_451 = tpu.memref_squeeze %dma_wait3A_450 : memref<1x1x80xi32, #tpu.memory_space<vmem>> -> memref<80xi32, #tpu.memory_space<vmem>>
      %dma_wait3A_452 = arith.constant 0 : i32
      %dma_wait3A_453 = arith.constant 0 : i32
      %dma_wait3A_454 = tpu.memref_slice %arg2[%dma_wait3A_452, %dma_wait3A_453] : memref<10000x128xf32, #tpu.memory_space<hbm>> -> memref<10000x128xf32, #tpu.memory_space<hbm>>
      tpu.wait_indirect_dma semaphore(%arg20 : memref<!tpu.dma_semaphore, #tpu.memory_space<semaphore_mem>>) src(%dma_wait3A_454 : memref<10000x128xf32, #tpu.memory_space<hbm>>) dst(%arg11 : memref<80x128xf32, #tpu.memory_space<vmem>>)
      %run_scoped3A_455 = arith.constant 2 : i32
      %run_scoped3A_456 = arith.constant 0 : i32
      "tpu.region"() ({
        %run_scoped3A_499 = tpu.sem_alloc : memref<!tpu.dma_semaphore, #tpu.memory_space<semaphore_mem>>
        %dma_start3A_500 = arith.constant 0 : i32
        %dma_start3A_501 = tpu.memref_slice %arg8[%run_scoped3A_455, %run_scoped3A_456, %dma_start3A_500] : memref<4x1x80xi32, #tpu.memory_space<vmem>> -> memref<1x1x80xi32, #tpu.memory_space<vmem>>
        %dma_start3A_502 = tpu.memref_squeeze %dma_start3A_501 : memref<1x1x80xi32, #tpu.memory_space<vmem>> -> memref<80xi32, #tpu.memory_space<vmem>>
        %dma_start3A_503 = arith.constant 0 : i32
        %dma_start3A_504 = arith.constant 0 : i32
        %dma_start3A_505 = tpu.memref_slice %arg13[%dma_start3A_503, %dma_start3A_504] : memref<10240x128xf32, #tpu.memory_space<vmem_shared>> -> memref<10240x128xf32, #tpu.memory_space<vmem_shared>>
        tpu.enqueue_indirect_dma source(%arg11 : memref<80x128xf32, #tpu.memory_space<vmem>>) target(%dma_start3A_505 : memref<10240x128xf32, #tpu.memory_space<vmem_shared>>) offsets(%dma_start3A_502 : memref<80xi32, #tpu.memory_space<vmem>>) semaphore(%run_scoped3A_499 : memref<!tpu.dma_semaphore, #tpu.memory_space<semaphore_mem>>) {add = true}
        %dma_wait3A_506 = arith.constant 0 : i32
        %dma_wait3A_507 = tpu.memref_slice %arg8[%run_scoped3A_455, %run_scoped3A_456, %dma_wait3A_506] : memref<4x1x80xi32, #tpu.memory_space<vmem>> -> memref<1x1x80xi32, #tpu.memory_space<vmem>>
        %dma_wait3A_508 = tpu.memref_squeeze %dma_wait3A_507 : memref<1x1x80xi32, #tpu.memory_space<vmem>> -> memref<80xi32, #tpu.memory_space<vmem>>
        %dma_wait3A_509 = arith.constant 0 : i32
        %dma_wait3A_510 = arith.constant 0 : i32
        %dma_wait3A_511 = tpu.memref_slice %arg13[%dma_wait3A_509, %dma_wait3A_510] : memref<10240x128xf32, #tpu.memory_space<vmem_shared>> -> memref<10240x128xf32, #tpu.memory_space<vmem_shared>>
        tpu.wait_indirect_dma semaphore(%run_scoped3A_499 : memref<!tpu.dma_semaphore, #tpu.memory_space<semaphore_mem>>) src(%arg11 : memref<80x128xf32, #tpu.memory_space<vmem>>) dst(%dma_wait3A_511 : memref<10240x128xf32, #tpu.memory_space<vmem_shared>>)
        tpu.yield
      }) : () -> ()
      %add3A_457 = arith.constant 4 : i32
      %add3A_458 = arith.addi %add3A_446, %add3A_457 : i32
      %lt3A_459 = arith.constant 128 : i32
      %lt3A_460 = arith.cmpi slt, %add3A_458, %lt3A_459 : i32
      %convert_element_type3A_461 = arith.extui %lt3A_460 : i1 to i32
      %cond3A_462 = arith.constant 0 : i32
      %cond3A_463 = arith.cmpi ne, %convert_element_type3A_461, %cond3A_462 : i32
      scf.if %cond3A_463 {
        %add3A_499 = arith.constant 4 : i32
        %add3A_500 = arith.addi %add3A_446, %add3A_499 : i32
        %add3A_501 = arith.addi %mul3A_2, %add3A_500 : i32
        %dma_start3A_502 = arith.constant 2 : i32
        %dma_start3A_503 = arith.constant 0 : i32
        %dma_start3A_504 = arith.constant 0 : i32
        %dma_start3A_505 = tpu.memref_slice %arg7[%dma_start3A_502, %dma_start3A_503, %dma_start3A_504] : memref<4x1x80xi32, #tpu.memory_space<vmem>> -> memref<1x1x80xi32, #tpu.memory_space<vmem>>
        %dma_start3A_506 = tpu.memref_squeeze %dma_start3A_505 : memref<1x1x80xi32, #tpu.memory_space<vmem>> -> memref<1x80xi32, #tpu.memory_space<vmem>>
        %dma_start3A_507 = arith.constant 0 : i32
        %dma_start3A_508 = tpu.memref_slice %arg3[%add3A_501, %dma_start3A_507] : memref<4096x80xi32, #tpu.memory_space<hbm>> -> memref<1x80xi32, #tpu.memory_space<hbm>>
        %dma_start3A_509 = arith.constant 0 : i32
        %dma_start3A_510 = arith.constant 0 : i32
        %dma_start3A_511 = tpu.memref_slice %arg7[%dma_start3A_502, %dma_start3A_509, %dma_start3A_510] : memref<4x1x80xi32, #tpu.memory_space<vmem>> -> memref<1x1x80xi32, #tpu.memory_space<vmem>>
        %dma_start3A_512 = tpu.memref_squeeze %dma_start3A_511 : memref<1x1x80xi32, #tpu.memory_space<vmem>> -> memref<1x80xi32, #tpu.memory_space<vmem>>
        %dma_start3A_513 = arith.constant 0 : i32
        %dma_start3A_514 = tpu.memref_slice %arg3[%add3A_501, %dma_start3A_513] : memref<4096x80xi32, #tpu.memory_space<hbm>> -> memref<1x80xi32, #tpu.memory_space<hbm>>
        tpu.enqueue_dma source(%dma_start3A_514 : memref<1x80xi32, #tpu.memory_space<hbm>>) target(%dma_start3A_512 : memref<1x80xi32, #tpu.memory_space<vmem>>) target_semaphore(%arg16 : memref<!tpu.dma_semaphore, #tpu.memory_space<semaphore_mem>>)
        %add3A_515 = arith.addi %mul3A_2, %add3A_500 : i32
        %dma_start3A_516 = arith.constant 2 : i32
        %dma_start3A_517 = arith.constant 0 : i32
        %dma_start3A_518 = arith.constant 0 : i32
        %dma_start3A_519 = tpu.memref_slice %arg8[%dma_start3A_516, %dma_start3A_517, %dma_start3A_518] : memref<4x1x80xi32, #tpu.memory_space<vmem>> -> memref<1x1x80xi32, #tpu.memory_space<vmem>>
        %dma_start3A_520 = tpu.memref_squeeze %dma_start3A_519 : memref<1x1x80xi32, #tpu.memory_space<vmem>> -> memref<1x80xi32, #tpu.memory_space<vmem>>
        %dma_start3A_521 = arith.constant 0 : i32
        %dma_start3A_522 = tpu.memref_slice %arg4[%add3A_515, %dma_start3A_521] : memref<4096x80xi32, #tpu.memory_space<hbm>> -> memref<1x80xi32, #tpu.memory_space<hbm>>
        %dma_start3A_523 = arith.constant 0 : i32
        %dma_start3A_524 = arith.constant 0 : i32
        %dma_start3A_525 = tpu.memref_slice %arg8[%dma_start3A_516, %dma_start3A_523, %dma_start3A_524] : memref<4x1x80xi32, #tpu.memory_space<vmem>> -> memref<1x1x80xi32, #tpu.memory_space<vmem>>
        %dma_start3A_526 = tpu.memref_squeeze %dma_start3A_525 : memref<1x1x80xi32, #tpu.memory_space<vmem>> -> memref<1x80xi32, #tpu.memory_space<vmem>>
        %dma_start3A_527 = arith.constant 0 : i32
        %dma_start3A_528 = tpu.memref_slice %arg4[%add3A_515, %dma_start3A_527] : memref<4096x80xi32, #tpu.memory_space<hbm>> -> memref<1x80xi32, #tpu.memory_space<hbm>>
        tpu.enqueue_dma source(%dma_start3A_528 : memref<1x80xi32, #tpu.memory_space<hbm>>) target(%dma_start3A_526 : memref<1x80xi32, #tpu.memory_space<vmem>>) target_semaphore(%arg16 : memref<!tpu.dma_semaphore, #tpu.memory_space<semaphore_mem>>)
      } else {
      }
      %add3A_464 = arith.constant 3 : i32
      %add3A_465 = arith.addi %add3A_446, %add3A_464 : i32
      %lt3A_466 = arith.constant 128 : i32
      %lt3A_467 = arith.cmpi slt, %add3A_465, %lt3A_466 : i32
      %convert_element_type3A_468 = arith.extui %lt3A_467 : i1 to i32
      %cond3A_469 = arith.constant 0 : i32
      %cond3A_470 = arith.cmpi ne, %convert_element_type3A_468, %cond3A_469 : i32
      scf.if %cond3A_470 {
        %add3A_499 = arith.constant 3 : i32
        %add3A_500 = arith.addi %add3A_446, %add3A_499 : i32
        %add3A_501 = arith.addi %mul3A_2, %add3A_500 : i32
        %dma_wait3A_502 = arith.constant 1 : i32
        %dma_wait3A_503 = arith.constant 0 : i32
        %dma_wait3A_504 = arith.constant 0 : i32
        %dma_wait3A_505 = tpu.memref_slice %arg7[%dma_wait3A_502, %dma_wait3A_503, %dma_wait3A_504] : memref<4x1x80xi32, #tpu.memory_space<vmem>> -> memref<1x1x80xi32, #tpu.memory_space<vmem>>
        %dma_wait3A_506 = tpu.memref_squeeze %dma_wait3A_505 : memref<1x1x80xi32, #tpu.memory_space<vmem>> -> memref<1x80xi32, #tpu.memory_space<vmem>>
        %dma_wait3A_507 = arith.constant 0 : i32
        %dma_wait3A_508 = tpu.memref_slice %arg3[%add3A_501, %dma_wait3A_507] : memref<4096x80xi32, #tpu.memory_space<hbm>> -> memref<1x80xi32, #tpu.memory_space<hbm>>
        %dma_wait3A_509 = arith.constant 0 : i32
        %dma_wait3A_510 = arith.constant 0 : i32
        %dma_wait3A_511 = tpu.memref_slice %arg7[%dma_wait3A_502, %dma_wait3A_509, %dma_wait3A_510] : memref<4x1x80xi32, #tpu.memory_space<vmem>> -> memref<1x1x80xi32, #tpu.memory_space<vmem>>
        %dma_wait3A_512 = tpu.memref_squeeze %dma_wait3A_511 : memref<1x1x80xi32, #tpu.memory_space<vmem>> -> memref<1x80xi32, #tpu.memory_space<vmem>>
        %dma_wait3A_513 = arith.constant 0 : i32
        %dma_wait3A_514 = tpu.memref_slice %arg3[%add3A_501, %dma_wait3A_513] : memref<4096x80xi32, #tpu.memory_space<hbm>> -> memref<1x80xi32, #tpu.memory_space<hbm>>
        tpu.wait_dma2 semaphore(%arg15 : memref<!tpu.dma_semaphore, #tpu.memory_space<semaphore_mem>>) src(%dma_wait3A_514 : memref<1x80xi32, #tpu.memory_space<hbm>>) dst(%dma_wait3A_512 : memref<1x80xi32, #tpu.memory_space<vmem>>)
        %add3A_515 = arith.addi %mul3A_2, %add3A_500 : i32
        %dma_wait3A_516 = arith.constant 1 : i32
        %dma_wait3A_517 = arith.constant 0 : i32
        %dma_wait3A_518 = arith.constant 0 : i32
        %dma_wait3A_519 = tpu.memref_slice %arg8[%dma_wait3A_516, %dma_wait3A_517, %dma_wait3A_518] : memref<4x1x80xi32, #tpu.memory_space<vmem>> -> memref<1x1x80xi32, #tpu.memory_space<vmem>>
        %dma_wait3A_520 = tpu.memref_squeeze %dma_wait3A_519 : memref<1x1x80xi32, #tpu.memory_space<vmem>> -> memref<1x80xi32, #tpu.memory_space<vmem>>
        %dma_wait3A_521 = arith.constant 0 : i32
        %dma_wait3A_522 = tpu.memref_slice %arg4[%add3A_515, %dma_wait3A_521] : memref<4096x80xi32, #tpu.memory_space<hbm>> -> memref<1x80xi32, #tpu.memory_space<hbm>>
        %dma_wait3A_523 = arith.constant 0 : i32
        %dma_wait3A_524 = arith.constant 0 : i32
        %dma_wait3A_525 = tpu.memref_slice %arg8[%dma_wait3A_516, %dma_wait3A_523, %dma_wait3A_524] : memref<4x1x80xi32, #tpu.memory_space<vmem>> -> memref<1x1x80xi32, #tpu.memory_space<vmem>>
        %dma_wait3A_526 = tpu.memref_squeeze %dma_wait3A_525 : memref<1x1x80xi32, #tpu.memory_space<vmem>> -> memref<1x80xi32, #tpu.memory_space<vmem>>
        %dma_wait3A_527 = arith.constant 0 : i32
        %dma_wait3A_528 = tpu.memref_slice %arg4[%add3A_515, %dma_wait3A_527] : memref<4096x80xi32, #tpu.memory_space<hbm>> -> memref<1x80xi32, #tpu.memory_space<hbm>>
        tpu.wait_dma2 semaphore(%arg15 : memref<!tpu.dma_semaphore, #tpu.memory_space<semaphore_mem>>) src(%dma_wait3A_528 : memref<1x80xi32, #tpu.memory_space<hbm>>) dst(%dma_wait3A_526 : memref<1x80xi32, #tpu.memory_space<vmem>>)
        %add3A_529 = arith.constant 3 : i32
        %add3A_530 = arith.addi %add3A_446, %add3A_529 : i32
        %dma_start3A_531 = arith.constant 1 : i32
        %dma_start3A_532 = arith.constant 0 : i32
        %dma_start3A_533 = arith.constant 0 : i32
        %dma_start3A_534 = tpu.memref_slice %arg7[%dma_start3A_531, %dma_start3A_532, %dma_start3A_533] : memref<4x1x80xi32, #tpu.memory_space<vmem>> -> memref<1x1x80xi32, #tpu.memory_space<vmem>>
        %dma_start3A_535 = tpu.memref_squeeze %dma_start3A_534 : memref<1x1x80xi32, #tpu.memory_space<vmem>> -> memref<80xi32, #tpu.memory_space<vmem>>
        %dma_start3A_536 = arith.constant 0 : i32
        %dma_start3A_537 = arith.constant 0 : i32
        %dma_start3A_538 = tpu.memref_slice %arg2[%dma_start3A_536, %dma_start3A_537] : memref<10000x128xf32, #tpu.memory_space<hbm>> -> memref<10000x128xf32, #tpu.memory_space<hbm>>
        tpu.enqueue_indirect_dma source(%dma_start3A_538 : memref<10000x128xf32, #tpu.memory_space<hbm>>) target(%arg10 : memref<80x128xf32, #tpu.memory_space<vmem>>) offsets(%dma_start3A_535 : memref<80xi32, #tpu.memory_space<vmem>>) semaphore(%arg19 : memref<!tpu.dma_semaphore, #tpu.memory_space<semaphore_mem>>)
      } else {
      }
      %mul3A_471 = arith.constant 4 : i32
      %mul3A_472 = arith.muli %mul3A_471, %scan3A_388 : i32
      %add3A_473 = arith.constant 3 : i32
      %add3A_474 = arith.addi %mul3A_472, %add3A_473 : i32
      %dma_wait3A_475 = arith.constant 3 : i32
      %dma_wait3A_476 = arith.constant 0 : i32
      %dma_wait3A_477 = arith.constant 0 : i32
      %dma_wait3A_478 = tpu.memref_slice %arg7[%dma_wait3A_475, %dma_wait3A_476, %dma_wait3A_477] : memref<4x1x80xi32, #tpu.memory_space<vmem>> -> memref<1x1x80xi32, #tpu.memory_space<vmem>>
      %dma_wait3A_479 = tpu.memref_squeeze %dma_wait3A_478 : memref<1x1x80xi32, #tpu.memory_space<vmem>> -> memref<80xi32, #tpu.memory_space<vmem>>
      %dma_wait3A_480 = arith.constant 0 : i32
      %dma_wait3A_481 = arith.constant 0 : i32
      %dma_wait3A_482 = tpu.memref_slice %arg2[%dma_wait3A_480, %dma_wait3A_481] : memref<10000x128xf32, #tpu.memory_space<hbm>> -> memref<10000x128xf32, #tpu.memory_space<hbm>>
      tpu.wait_indirect_dma semaphore(%arg21 : memref<!tpu.dma_semaphore, #tpu.memory_space<semaphore_mem>>) src(%dma_wait3A_482 : memref<10000x128xf32, #tpu.memory_space<hbm>>) dst(%arg12 : memref<80x128xf32, #tpu.memory_space<vmem>>)
      %run_scoped3A_483 = arith.constant 3 : i32
      %run_scoped3A_484 = arith.constant 0 : i32
      "tpu.region"() ({
        %run_scoped3A_499 = tpu.sem_alloc : memref<!tpu.dma_semaphore, #tpu.memory_space<semaphore_mem>>
        %dma_start3A_500 = arith.constant 0 : i32
        %dma_start3A_501 = tpu.memref_slice %arg8[%run_scoped3A_483, %run_scoped3A_484, %dma_start3A_500] : memref<4x1x80xi32, #tpu.memory_space<vmem>> -> memref<1x1x80xi32, #tpu.memory_space<vmem>>
        %dma_start3A_502 = tpu.memref_squeeze %dma_start3A_501 : memref<1x1x80xi32, #tpu.memory_space<vmem>> -> memref<80xi32, #tpu.memory_space<vmem>>
        %dma_start3A_503 = arith.constant 0 : i32
        %dma_start3A_504 = arith.constant 0 : i32
        %dma_start3A_505 = tpu.memref_slice %arg13[%dma_start3A_503, %dma_start3A_504] : memref<10240x128xf32, #tpu.memory_space<vmem_shared>> -> memref<10240x128xf32, #tpu.memory_space<vmem_shared>>
        tpu.enqueue_indirect_dma source(%arg12 : memref<80x128xf32, #tpu.memory_space<vmem>>) target(%dma_start3A_505 : memref<10240x128xf32, #tpu.memory_space<vmem_shared>>) offsets(%dma_start3A_502 : memref<80xi32, #tpu.memory_space<vmem>>) semaphore(%run_scoped3A_499 : memref<!tpu.dma_semaphore, #tpu.memory_space<semaphore_mem>>) {add = true}
        %dma_wait3A_506 = arith.constant 0 : i32
        %dma_wait3A_507 = tpu.memref_slice %arg8[%run_scoped3A_483, %run_scoped3A_484, %dma_wait3A_506] : memref<4x1x80xi32, #tpu.memory_space<vmem>> -> memref<1x1x80xi32, #tpu.memory_space<vmem>>
        %dma_wait3A_508 = tpu.memref_squeeze %dma_wait3A_507 : memref<1x1x80xi32, #tpu.memory_space<vmem>> -> memref<80xi32, #tpu.memory_space<vmem>>
        %dma_wait3A_509 = arith.constant 0 : i32
        %dma_wait3A_510 = arith.constant 0 : i32
        %dma_wait3A_511 = tpu.memref_slice %arg13[%dma_wait3A_509, %dma_wait3A_510] : memref<10240x128xf32, #tpu.memory_space<vmem_shared>> -> memref<10240x128xf32, #tpu.memory_space<vmem_shared>>
        tpu.wait_indirect_dma semaphore(%run_scoped3A_499 : memref<!tpu.dma_semaphore, #tpu.memory_space<semaphore_mem>>) src(%arg12 : memref<80x128xf32, #tpu.memory_space<vmem>>) dst(%dma_wait3A_511 : memref<10240x128xf32, #tpu.memory_space<vmem_shared>>)
        tpu.yield
      }) : () -> ()
      %add3A_485 = arith.constant 4 : i32
      %add3A_486 = arith.addi %add3A_474, %add3A_485 : i32
      %lt3A_487 = arith.constant 128 : i32
      %lt3A_488 = arith.cmpi slt, %add3A_486, %lt3A_487 : i32
      %convert_element_type3A_489 = arith.extui %lt3A_488 : i1 to i32
      %cond3A_490 = arith.constant 0 : i32
      %cond3A_491 = arith.cmpi ne, %convert_element_type3A_489, %cond3A_490 : i32
      scf.if %cond3A_491 {
        %add3A_499 = arith.constant 4 : i32
        %add3A_500 = arith.addi %add3A_474, %add3A_499 : i32
        %add3A_501 = arith.addi %mul3A_2, %add3A_500 : i32
        %dma_start3A_502 = arith.constant 3 : i32
        %dma_start3A_503 = arith.constant 0 : i32
        %dma_start3A_504 = arith.constant 0 : i32
        %dma_start3A_505 = tpu.memref_slice %arg7[%dma_start3A_502, %dma_start3A_503, %dma_start3A_504] : memref<4x1x80xi32, #tpu.memory_space<vmem>> -> memref<1x1x80xi32, #tpu.memory_space<vmem>>
        %dma_start3A_506 = tpu.memref_squeeze %dma_start3A_505 : memref<1x1x80xi32, #tpu.memory_space<vmem>> -> memref<1x80xi32, #tpu.memory_space<vmem>>
        %dma_start3A_507 = arith.constant 0 : i32
        %dma_start3A_508 = tpu.memref_slice %arg3[%add3A_501, %dma_start3A_507] : memref<4096x80xi32, #tpu.memory_space<hbm>> -> memref<1x80xi32, #tpu.memory_space<hbm>>
        %dma_start3A_509 = arith.constant 0 : i32
        %dma_start3A_510 = arith.constant 0 : i32
        %dma_start3A_511 = tpu.memref_slice %arg7[%dma_start3A_502, %dma_start3A_509, %dma_start3A_510] : memref<4x1x80xi32, #tpu.memory_space<vmem>> -> memref<1x1x80xi32, #tpu.memory_space<vmem>>
        %dma_start3A_512 = tpu.memref_squeeze %dma_start3A_511 : memref<1x1x80xi32, #tpu.memory_space<vmem>> -> memref<1x80xi32, #tpu.memory_space<vmem>>
        %dma_start3A_513 = arith.constant 0 : i32
        %dma_start3A_514 = tpu.memref_slice %arg3[%add3A_501, %dma_start3A_513] : memref<4096x80xi32, #tpu.memory_space<hbm>> -> memref<1x80xi32, #tpu.memory_space<hbm>>
        tpu.enqueue_dma source(%dma_start3A_514 : memref<1x80xi32, #tpu.memory_space<hbm>>) target(%dma_start3A_512 : memref<1x80xi32, #tpu.memory_space<vmem>>) target_semaphore(%arg17 : memref<!tpu.dma_semaphore, #tpu.memory_space<semaphore_mem>>)
        %add3A_515 = arith.addi %mul3A_2, %add3A_500 : i32
        %dma_start3A_516 = arith.constant 3 : i32
        %dma_start3A_517 = arith.constant 0 : i32
        %dma_start3A_518 = arith.constant 0 : i32
        %dma_start3A_519 = tpu.memref_slice %arg8[%dma_start3A_516, %dma_start3A_517, %dma_start3A_518] : memref<4x1x80xi32, #tpu.memory_space<vmem>> -> memref<1x1x80xi32, #tpu.memory_space<vmem>>
        %dma_start3A_520 = tpu.memref_squeeze %dma_start3A_519 : memref<1x1x80xi32, #tpu.memory_space<vmem>> -> memref<1x80xi32, #tpu.memory_space<vmem>>
        %dma_start3A_521 = arith.constant 0 : i32
        %dma_start3A_522 = tpu.memref_slice %arg4[%add3A_515, %dma_start3A_521] : memref<4096x80xi32, #tpu.memory_space<hbm>> -> memref<1x80xi32, #tpu.memory_space<hbm>>
        %dma_start3A_523 = arith.constant 0 : i32
        %dma_start3A_524 = arith.constant 0 : i32
        %dma_start3A_525 = tpu.memref_slice %arg8[%dma_start3A_516, %dma_start3A_523, %dma_start3A_524] : memref<4x1x80xi32, #tpu.memory_space<vmem>> -> memref<1x1x80xi32, #tpu.memory_space<vmem>>
        %dma_start3A_526 = tpu.memref_squeeze %dma_start3A_525 : memref<1x1x80xi32, #tpu.memory_space<vmem>> -> memref<1x80xi32, #tpu.memory_space<vmem>>
        %dma_start3A_527 = arith.constant 0 : i32
        %dma_start3A_528 = tpu.memref_slice %arg4[%add3A_515, %dma_start3A_527] : memref<4096x80xi32, #tpu.memory_space<hbm>> -> memref<1x80xi32, #tpu.memory_space<hbm>>
        tpu.enqueue_dma source(%dma_start3A_528 : memref<1x80xi32, #tpu.memory_space<hbm>>) target(%dma_start3A_526 : memref<1x80xi32, #tpu.memory_space<vmem>>) target_semaphore(%arg17 : memref<!tpu.dma_semaphore, #tpu.memory_space<semaphore_mem>>)
      } else {
      }
      %add3A_492 = arith.constant 3 : i32
      %add3A_493 = arith.addi %add3A_474, %add3A_492 : i32
      %lt3A_494 = arith.constant 128 : i32
      %lt3A_495 = arith.cmpi slt, %add3A_493, %lt3A_494 : i32
      %convert_element_type3A_496 = arith.extui %lt3A_495 : i1 to i32
      %cond3A_497 = arith.constant 0 : i32
      %cond3A_498 = arith.cmpi ne, %convert_element_type3A_496, %cond3A_497 : i32
      scf.if %cond3A_498 {
        %add3A_499 = arith.constant 3 : i32
        %add3A_500 = arith.addi %add3A_474, %add3A_499 : i32
        %add3A_501 = arith.addi %mul3A_2, %add3A_500 : i32
        %dma_wait3A_502 = arith.constant 2 : i32
        %dma_wait3A_503 = arith.constant 0 : i32
        %dma_wait3A_504 = arith.constant 0 : i32
        %dma_wait3A_505 = tpu.memref_slice %arg7[%dma_wait3A_502, %dma_wait3A_503, %dma_wait3A_504] : memref<4x1x80xi32, #tpu.memory_space<vmem>> -> memref<1x1x80xi32, #tpu.memory_space<vmem>>
        %dma_wait3A_506 = tpu.memref_squeeze %dma_wait3A_505 : memref<1x1x80xi32, #tpu.memory_space<vmem>> -> memref<1x80xi32, #tpu.memory_space<vmem>>
        %dma_wait3A_507 = arith.constant 0 : i32
        %dma_wait3A_508 = tpu.memref_slice %arg3[%add3A_501, %dma_wait3A_507] : memref<4096x80xi32, #tpu.memory_space<hbm>> -> memref<1x80xi32, #tpu.memory_space<hbm>>
        %dma_wait3A_509 = arith.constant 0 : i32
        %dma_wait3A_510 = arith.constant 0 : i32
        %dma_wait3A_511 = tpu.memref_slice %arg7[%dma_wait3A_502, %dma_wait3A_509, %dma_wait3A_510] : memref<4x1x80xi32, #tpu.memory_space<vmem>> -> memref<1x1x80xi32, #tpu.memory_space<vmem>>
        %dma_wait3A_512 = tpu.memref_squeeze %dma_wait3A_511 : memref<1x1x80xi32, #tpu.memory_space<vmem>> -> memref<1x80xi32, #tpu.memory_space<vmem>>
        %dma_wait3A_513 = arith.constant 0 : i32
        %dma_wait3A_514 = tpu.memref_slice %arg3[%add3A_501, %dma_wait3A_513] : memref<4096x80xi32, #tpu.memory_space<hbm>> -> memref<1x80xi32, #tpu.memory_space<hbm>>
        tpu.wait_dma2 semaphore(%arg16 : memref<!tpu.dma_semaphore, #tpu.memory_space<semaphore_mem>>) src(%dma_wait3A_514 : memref<1x80xi32, #tpu.memory_space<hbm>>) dst(%dma_wait3A_512 : memref<1x80xi32, #tpu.memory_space<vmem>>)
        %add3A_515 = arith.addi %mul3A_2, %add3A_500 : i32
        %dma_wait3A_516 = arith.constant 2 : i32
        %dma_wait3A_517 = arith.constant 0 : i32
        %dma_wait3A_518 = arith.constant 0 : i32
        %dma_wait3A_519 = tpu.memref_slice %arg8[%dma_wait3A_516, %dma_wait3A_517, %dma_wait3A_518] : memref<4x1x80xi32, #tpu.memory_space<vmem>> -> memref<1x1x80xi32, #tpu.memory_space<vmem>>
        %dma_wait3A_520 = tpu.memref_squeeze %dma_wait3A_519 : memref<1x1x80xi32, #tpu.memory_space<vmem>> -> memref<1x80xi32, #tpu.memory_space<vmem>>
        %dma_wait3A_521 = arith.constant 0 : i32
        %dma_wait3A_522 = tpu.memref_slice %arg4[%add3A_515, %dma_wait3A_521] : memref<4096x80xi32, #tpu.memory_space<hbm>> -> memref<1x80xi32, #tpu.memory_space<hbm>>
        %dma_wait3A_523 = arith.constant 0 : i32
        %dma_wait3A_524 = arith.constant 0 : i32
        %dma_wait3A_525 = tpu.memref_slice %arg8[%dma_wait3A_516, %dma_wait3A_523, %dma_wait3A_524] : memref<4x1x80xi32, #tpu.memory_space<vmem>> -> memref<1x1x80xi32, #tpu.memory_space<vmem>>
        %dma_wait3A_526 = tpu.memref_squeeze %dma_wait3A_525 : memref<1x1x80xi32, #tpu.memory_space<vmem>> -> memref<1x80xi32, #tpu.memory_space<vmem>>
        %dma_wait3A_527 = arith.constant 0 : i32
        %dma_wait3A_528 = tpu.memref_slice %arg4[%add3A_515, %dma_wait3A_527] : memref<4096x80xi32, #tpu.memory_space<hbm>> -> memref<1x80xi32, #tpu.memory_space<hbm>>
        tpu.wait_dma2 semaphore(%arg16 : memref<!tpu.dma_semaphore, #tpu.memory_space<semaphore_mem>>) src(%dma_wait3A_528 : memref<1x80xi32, #tpu.memory_space<hbm>>) dst(%dma_wait3A_526 : memref<1x80xi32, #tpu.memory_space<vmem>>)
        %add3A_529 = arith.constant 3 : i32
        %add3A_530 = arith.addi %add3A_474, %add3A_529 : i32
        %dma_start3A_531 = arith.constant 2 : i32
        %dma_start3A_532 = arith.constant 0 : i32
        %dma_start3A_533 = arith.constant 0 : i32
        %dma_start3A_534 = tpu.memref_slice %arg7[%dma_start3A_531, %dma_start3A_532, %dma_start3A_533] : memref<4x1x80xi32, #tpu.memory_space<vmem>> -> memref<1x1x80xi32, #tpu.memory_space<vmem>>
        %dma_start3A_535 = tpu.memref_squeeze %dma_start3A_534 : memref<1x1x80xi32, #tpu.memory_space<vmem>> -> memref<80xi32, #tpu.memory_space<vmem>>
        %dma_start3A_536 = arith.constant 0 : i32
        %dma_start3A_537 = arith.constant 0 : i32
        %dma_start3A_538 = tpu.memref_slice %arg2[%dma_start3A_536, %dma_start3A_537] : memref<10000x128xf32, #tpu.memory_space<hbm>> -> memref<10000x128xf32, #tpu.memory_space<hbm>>
        tpu.enqueue_indirect_dma source(%dma_start3A_538 : memref<10000x128xf32, #tpu.memory_space<hbm>>) target(%arg11 : memref<80x128xf32, #tpu.memory_space<vmem>>) offsets(%dma_start3A_535 : memref<80xi32, #tpu.memory_space<vmem>>) semaphore(%arg20 : memref<!tpu.dma_semaphore, #tpu.memory_space<semaphore_mem>>)
      } else {
      }
    }
    %scan3A_277 = arith.constant 32 : i32
    %barrier3A_278 = arith.constant 0 : index
    tpu.barrier barrier_id(%barrier3A_278)
    %mul3A_279 = arith.constant 640 : i32
    %mul3A_280 = arith.muli %arg1, %mul3A_279 : i32
    %add3A_281 = arith.constant 0 : i32
    %add3A_282 = arith.addi %mul3A_280, %add3A_281 : i32
    "tpu.region"() ({
      %run_scoped3A = tpu.sem_alloc : memref<!tpu.dma_semaphore, #tpu.memory_space<semaphore_mem>>
      %dma_start3A_388 = arith.constant 0 : i32
      %dma_start3A_389 = tpu.memref_slice %arg13[%add3A_282, %dma_start3A_388] : memref<10240x128xf32, #tpu.memory_space<vmem_shared>> -> memref<80x128xf32, #tpu.memory_space<vmem_shared>>
      %dma_start3A_390 = arith.constant 0 : i32
      %dma_start3A_391 = tpu.memref_slice %arg13[%add3A_282, %dma_start3A_390] : memref<10240x128xf32, #tpu.memory_space<vmem_shared>> -> memref<80x128xf32, #tpu.memory_space<vmem_shared>>
      tpu.enqueue_dma source(%dma_start3A_391 : memref<80x128xf32, #tpu.memory_space<vmem_shared>>) target(%arg12 : memref<80x128xf32, #tpu.memory_space<vmem>>) target_semaphore(%run_scoped3A : memref<!tpu.dma_semaphore, #tpu.memory_space<semaphore_mem>>)
      %dma_wait3A_392 = arith.constant 0 : i32
      %dma_wait3A_393 = tpu.memref_slice %arg13[%add3A_282, %dma_wait3A_392] : memref<10240x128xf32, #tpu.memory_space<vmem_shared>> -> memref<80x128xf32, #tpu.memory_space<vmem_shared>>
      %dma_wait3A_394 = arith.constant 0 : i32
      %dma_wait3A_395 = tpu.memref_slice %arg13[%add3A_282, %dma_wait3A_394] : memref<10240x128xf32, #tpu.memory_space<vmem_shared>> -> memref<80x128xf32, #tpu.memory_space<vmem_shared>>
      tpu.wait_dma2 semaphore(%run_scoped3A : memref<!tpu.dma_semaphore, #tpu.memory_space<semaphore_mem>>) src(%dma_wait3A_395 : memref<80x128xf32, #tpu.memory_space<vmem_shared>>) dst(%arg12 : memref<80x128xf32, #tpu.memory_space<vmem>>)
      tpu.yield
    }) : () -> ()
    %eq3A = arith.constant 0 : i32
    %eq3A_283 = arith.cmpi eq, %arg0, %eq3A : i32
    %convert_element_type3A = arith.extui %eq3A_283 : i1 to i32
    %cond3A = arith.constant 0 : i32
    %cond3A_284 = arith.cmpi ne, %convert_element_type3A, %cond3A : i32
    scf.if %cond3A_284 {
      "tpu.region"() ({
        %run_scoped3A = tpu.sem_alloc : memref<!tpu.dma_semaphore, #tpu.memory_space<semaphore_mem>>
        %dma_start3A_388 = arith.constant 0 : i32
        %dma_start3A_389 = tpu.memref_slice %arg5[%add3A_282, %dma_start3A_388] : memref<10240x128xf32, #tpu.memory_space<hbm>> -> memref<80x128xf32, #tpu.memory_space<hbm>>
        %dma_start3A_390 = arith.constant 0 : i32
        %dma_start3A_391 = tpu.memref_slice %arg5[%add3A_282, %dma_start3A_390] : memref<10240x128xf32, #tpu.memory_space<hbm>> -> memref<80x128xf32, #tpu.memory_space<hbm>>
        tpu.enqueue_dma source(%arg12 : memref<80x128xf32, #tpu.memory_space<vmem>>) target(%dma_start3A_391 : memref<80x128xf32, #tpu.memory_space<hbm>>) target_semaphore(%run_scoped3A : memref<!tpu.dma_semaphore, #tpu.memory_space<semaphore_mem>>)
        %dma_wait3A_392 = arith.constant 0 : i32
        %dma_wait3A_393 = tpu.memref_slice %arg5[%add3A_282, %dma_wait3A_392] : memref<10240x128xf32, #tpu.memory_space<hbm>> -> memref<80x128xf32, #tpu.memory_space<hbm>>
        %dma_wait3A_394 = arith.constant 0 : i32
        %dma_wait3A_395 = tpu.memref_slice %arg5[%add3A_282, %dma_wait3A_394] : memref<10240x128xf32, #tpu.memory_space<hbm>> -> memref<80x128xf32, #tpu.memory_space<hbm>>
        tpu.wait_dma2 semaphore(%run_scoped3A : memref<!tpu.dma_semaphore, #tpu.memory_space<semaphore_mem>>) src(%arg12 : memref<80x128xf32, #tpu.memory_space<vmem>>) dst(%dma_wait3A_395 : memref<80x128xf32, #tpu.memory_space<hbm>>)
        tpu.yield
      }) : () -> ()
    } else {
    }
    %eq3A_285 = arith.constant 1 : i32
    %eq3A_286 = arith.cmpi eq, %arg0, %eq3A_285 : i32
    %convert_element_type3A_287 = arith.extui %eq3A_286 : i1 to i32
    %cond3A_288 = arith.constant 0 : i32
    %cond3A_289 = arith.cmpi ne, %convert_element_type3A_287, %cond3A_288 : i32
    scf.if %cond3A_289 {
      "tpu.region"() ({
        %run_scoped3A = tpu.sem_alloc : memref<!tpu.dma_semaphore, #tpu.memory_space<semaphore_mem>>
        %dma_start3A_388 = arith.constant 0 : i32
        %dma_start3A_389 = tpu.memref_slice %arg6[%add3A_282, %dma_start3A_388] : memref<10240x128xf32, #tpu.memory_space<hbm>> -> memref<80x128xf32, #tpu.memory_space<hbm>>
        %dma_start3A_390 = arith.constant 0 : i32
        %dma_start3A_391 = tpu.memref_slice %arg6[%add3A_282, %dma_start3A_390] : memref<10240x128xf32, #tpu.memory_space<hbm>> -> memref<80x128xf32, #tpu.memory_space<hbm>>
        tpu.enqueue_dma source(%arg12 : memref<80x128xf32, #tpu.memory_space<vmem>>) target(%dma_start3A_391 : memref<80x128xf32, #tpu.memory_space<hbm>>) target_semaphore(%run_scoped3A : memref<!tpu.dma_semaphore, #tpu.memory_space<semaphore_mem>>)
        %dma_wait3A_392 = arith.constant 0 : i32
        %dma_wait3A_393 = tpu.memref_slice %arg6[%add3A_282, %dma_wait3A_392] : memref<10240x128xf32, #tpu.memory_space<hbm>> -> memref<80x128xf32, #tpu.memory_space<hbm>>
        %dma_wait3A_394 = arith.constant 0 : i32
        %dma_wait3A_395 = tpu.memref_slice %arg6[%add3A_282, %dma_wait3A_394] : memref<10240x128xf32, #tpu.memory_space<hbm>> -> memref<80x128xf32, #tpu.memory_space<hbm>>
        tpu.wait_dma2 semaphore(%run_scoped3A : memref<!tpu.dma_semaphore, #tpu.memory_space<semaphore_mem>>) src(%arg12 : memref<80x128xf32, #tpu.memory_space<vmem>>) dst(%dma_wait3A_395 : memref<80x128xf32, #tpu.memory_space<hbm>>)
        tpu.yield
      }) : () -> ()
    } else {
    }
    %mul3A_290 = arith.constant 640 : i32
    %mul3A_291 = arith.muli %arg1, %mul3A_290 : i32
    %add3A_292 = arith.constant 80 : i32
    %add3A_293 = arith.addi %mul3A_291, %add3A_292 : i32
    "tpu.region"() ({
      %run_scoped3A = tpu.sem_alloc : memref<!tpu.dma_semaphore, #tpu.memory_space<semaphore_mem>>
      %dma_start3A_388 = arith.constant 0 : i32
      %dma_start3A_389 = tpu.memref_slice %arg13[%add3A_293, %dma_start3A_388] : memref<10240x128xf32, #tpu.memory_space<vmem_shared>> -> memref<80x128xf32, #tpu.memory_space<vmem_shared>>
      %dma_start3A_390 = arith.constant 0 : i32
      %dma_start3A_391 = tpu.memref_slice %arg13[%add3A_293, %dma_start3A_390] : memref<10240x128xf32, #tpu.memory_space<vmem_shared>> -> memref<80x128xf32, #tpu.memory_space<vmem_shared>>
      tpu.enqueue_dma source(%dma_start3A_391 : memref<80x128xf32, #tpu.memory_space<vmem_shared>>) target(%arg12 : memref<80x128xf32, #tpu.memory_space<vmem>>) target_semaphore(%run_scoped3A : memref<!tpu.dma_semaphore, #tpu.memory_space<semaphore_mem>>)
      %dma_wait3A_392 = arith.constant 0 : i32
      %dma_wait3A_393 = tpu.memref_slice %arg13[%add3A_293, %dma_wait3A_392] : memref<10240x128xf32, #tpu.memory_space<vmem_shared>> -> memref<80x128xf32, #tpu.memory_space<vmem_shared>>
      %dma_wait3A_394 = arith.constant 0 : i32
      %dma_wait3A_395 = tpu.memref_slice %arg13[%add3A_293, %dma_wait3A_394] : memref<10240x128xf32, #tpu.memory_space<vmem_shared>> -> memref<80x128xf32, #tpu.memory_space<vmem_shared>>
      tpu.wait_dma2 semaphore(%run_scoped3A : memref<!tpu.dma_semaphore, #tpu.memory_space<semaphore_mem>>) src(%dma_wait3A_395 : memref<80x128xf32, #tpu.memory_space<vmem_shared>>) dst(%arg12 : memref<80x128xf32, #tpu.memory_space<vmem>>)
      tpu.yield
    }) : () -> ()
    %eq3A_294 = arith.constant 0 : i32
    %eq3A_295 = arith.cmpi eq, %arg0, %eq3A_294 : i32
    %convert_element_type3A_296 = arith.extui %eq3A_295 : i1 to i32
    %cond3A_297 = arith.constant 0 : i32
    %cond3A_298 = arith.cmpi ne, %convert_element_type3A_296, %cond3A_297 : i32
    scf.if %cond3A_298 {
      "tpu.region"() ({
        %run_scoped3A = tpu.sem_alloc : memref<!tpu.dma_semaphore, #tpu.memory_space<semaphore_mem>>
        %dma_start3A_388 = arith.constant 0 : i32
        %dma_start3A_389 = tpu.memref_slice %arg5[%add3A_293, %dma_start3A_388] : memref<10240x128xf32, #tpu.memory_space<hbm>> -> memref<80x128xf32, #tpu.memory_space<hbm>>
        %dma_start3A_390 = arith.constant 0 : i32
        %dma_start3A_391 = tpu.memref_slice %arg5[%add3A_293, %dma_start3A_390] : memref<10240x128xf32, #tpu.memory_space<hbm>> -> memref<80x128xf32, #tpu.memory_space<hbm>>
        tpu.enqueue_dma source(%arg12 : memref<80x128xf32, #tpu.memory_space<vmem>>) target(%dma_start3A_391 : memref<80x128xf32, #tpu.memory_space<hbm>>) target_semaphore(%run_scoped3A : memref<!tpu.dma_semaphore, #tpu.memory_space<semaphore_mem>>)
        %dma_wait3A_392 = arith.constant 0 : i32
        %dma_wait3A_393 = tpu.memref_slice %arg5[%add3A_293, %dma_wait3A_392] : memref<10240x128xf32, #tpu.memory_space<hbm>> -> memref<80x128xf32, #tpu.memory_space<hbm>>
        %dma_wait3A_394 = arith.constant 0 : i32
        %dma_wait3A_395 = tpu.memref_slice %arg5[%add3A_293, %dma_wait3A_394] : memref<10240x128xf32, #tpu.memory_space<hbm>> -> memref<80x128xf32, #tpu.memory_space<hbm>>
        tpu.wait_dma2 semaphore(%run_scoped3A : memref<!tpu.dma_semaphore, #tpu.memory_space<semaphore_mem>>) src(%arg12 : memref<80x128xf32, #tpu.memory_space<vmem>>) dst(%dma_wait3A_395 : memref<80x128xf32, #tpu.memory_space<hbm>>)
        tpu.yield
      }) : () -> ()
    } else {
    }
    %eq3A_299 = arith.constant 1 : i32
    %eq3A_300 = arith.cmpi eq, %arg0, %eq3A_299 : i32
    %convert_element_type3A_301 = arith.extui %eq3A_300 : i1 to i32
    %cond3A_302 = arith.constant 0 : i32
    %cond3A_303 = arith.cmpi ne, %convert_element_type3A_301, %cond3A_302 : i32
    scf.if %cond3A_303 {
      "tpu.region"() ({
        %run_scoped3A = tpu.sem_alloc : memref<!tpu.dma_semaphore, #tpu.memory_space<semaphore_mem>>
        %dma_start3A_388 = arith.constant 0 : i32
        %dma_start3A_389 = tpu.memref_slice %arg6[%add3A_293, %dma_start3A_388] : memref<10240x128xf32, #tpu.memory_space<hbm>> -> memref<80x128xf32, #tpu.memory_space<hbm>>
        %dma_start3A_390 = arith.constant 0 : i32
        %dma_start3A_391 = tpu.memref_slice %arg6[%add3A_293, %dma_start3A_390] : memref<10240x128xf32, #tpu.memory_space<hbm>> -> memref<80x128xf32, #tpu.memory_space<hbm>>
        tpu.enqueue_dma source(%arg12 : memref<80x128xf32, #tpu.memory_space<vmem>>) target(%dma_start3A_391 : memref<80x128xf32, #tpu.memory_space<hbm>>) target_semaphore(%run_scoped3A : memref<!tpu.dma_semaphore, #tpu.memory_space<semaphore_mem>>)
        %dma_wait3A_392 = arith.constant 0 : i32
        %dma_wait3A_393 = tpu.memref_slice %arg6[%add3A_293, %dma_wait3A_392] : memref<10240x128xf32, #tpu.memory_space<hbm>> -> memref<80x128xf32, #tpu.memory_space<hbm>>
        %dma_wait3A_394 = arith.constant 0 : i32
        %dma_wait3A_395 = tpu.memref_slice %arg6[%add3A_293, %dma_wait3A_394] : memref<10240x128xf32, #tpu.memory_space<hbm>> -> memref<80x128xf32, #tpu.memory_space<hbm>>
        tpu.wait_dma2 semaphore(%run_scoped3A : memref<!tpu.dma_semaphore, #tpu.memory_space<semaphore_mem>>) src(%arg12 : memref<80x128xf32, #tpu.memory_space<vmem>>) dst(%dma_wait3A_395 : memref<80x128xf32, #tpu.memory_space<hbm>>)
        tpu.yield
      }) : () -> ()
    } else {
    }
    %mul3A_304 = arith.constant 640 : i32
    %mul3A_305 = arith.muli %arg1, %mul3A_304 : i32
    %add3A_306 = arith.constant 160 : i32
    %add3A_307 = arith.addi %mul3A_305, %add3A_306 : i32
    "tpu.region"() ({
      %run_scoped3A = tpu.sem_alloc : memref<!tpu.dma_semaphore, #tpu.memory_space<semaphore_mem>>
      %dma_start3A_388 = arith.constant 0 : i32
      %dma_start3A_389 = tpu.memref_slice %arg13[%add3A_307, %dma_start3A_388] : memref<10240x128xf32, #tpu.memory_space<vmem_shared>> -> memref<80x128xf32, #tpu.memory_space<vmem_shared>>
      %dma_start3A_390 = arith.constant 0 : i32
      %dma_start3A_391 = tpu.memref_slice %arg13[%add3A_307, %dma_start3A_390] : memref<10240x128xf32, #tpu.memory_space<vmem_shared>> -> memref<80x128xf32, #tpu.memory_space<vmem_shared>>
      tpu.enqueue_dma source(%dma_start3A_391 : memref<80x128xf32, #tpu.memory_space<vmem_shared>>) target(%arg12 : memref<80x128xf32, #tpu.memory_space<vmem>>) target_semaphore(%run_scoped3A : memref<!tpu.dma_semaphore, #tpu.memory_space<semaphore_mem>>)
      %dma_wait3A_392 = arith.constant 0 : i32
      %dma_wait3A_393 = tpu.memref_slice %arg13[%add3A_307, %dma_wait3A_392] : memref<10240x128xf32, #tpu.memory_space<vmem_shared>> -> memref<80x128xf32, #tpu.memory_space<vmem_shared>>
      %dma_wait3A_394 = arith.constant 0 : i32
      %dma_wait3A_395 = tpu.memref_slice %arg13[%add3A_307, %dma_wait3A_394] : memref<10240x128xf32, #tpu.memory_space<vmem_shared>> -> memref<80x128xf32, #tpu.memory_space<vmem_shared>>
      tpu.wait_dma2 semaphore(%run_scoped3A : memref<!tpu.dma_semaphore, #tpu.memory_space<semaphore_mem>>) src(%dma_wait3A_395 : memref<80x128xf32, #tpu.memory_space<vmem_shared>>) dst(%arg12 : memref<80x128xf32, #tpu.memory_space<vmem>>)
      tpu.yield
    }) : () -> ()
    %eq3A_308 = arith.constant 0 : i32
    %eq3A_309 = arith.cmpi eq, %arg0, %eq3A_308 : i32
    %convert_element_type3A_310 = arith.extui %eq3A_309 : i1 to i32
    %cond3A_311 = arith.constant 0 : i32
    %cond3A_312 = arith.cmpi ne, %convert_element_type3A_310, %cond3A_311 : i32
    scf.if %cond3A_312 {
      "tpu.region"() ({
        %run_scoped3A = tpu.sem_alloc : memref<!tpu.dma_semaphore, #tpu.memory_space<semaphore_mem>>
        %dma_start3A_388 = arith.constant 0 : i32
        %dma_start3A_389 = tpu.memref_slice %arg5[%add3A_307, %dma_start3A_388] : memref<10240x128xf32, #tpu.memory_space<hbm>> -> memref<80x128xf32, #tpu.memory_space<hbm>>
        %dma_start3A_390 = arith.constant 0 : i32
        %dma_start3A_391 = tpu.memref_slice %arg5[%add3A_307, %dma_start3A_390] : memref<10240x128xf32, #tpu.memory_space<hbm>> -> memref<80x128xf32, #tpu.memory_space<hbm>>
        tpu.enqueue_dma source(%arg12 : memref<80x128xf32, #tpu.memory_space<vmem>>) target(%dma_start3A_391 : memref<80x128xf32, #tpu.memory_space<hbm>>) target_semaphore(%run_scoped3A : memref<!tpu.dma_semaphore, #tpu.memory_space<semaphore_mem>>)
        %dma_wait3A_392 = arith.constant 0 : i32
        %dma_wait3A_393 = tpu.memref_slice %arg5[%add3A_307, %dma_wait3A_392] : memref<10240x128xf32, #tpu.memory_space<hbm>> -> memref<80x128xf32, #tpu.memory_space<hbm>>
        %dma_wait3A_394 = arith.constant 0 : i32
        %dma_wait3A_395 = tpu.memref_slice %arg5[%add3A_307, %dma_wait3A_394] : memref<10240x128xf32, #tpu.memory_space<hbm>> -> memref<80x128xf32, #tpu.memory_space<hbm>>
        tpu.wait_dma2 semaphore(%run_scoped3A : memref<!tpu.dma_semaphore, #tpu.memory_space<semaphore_mem>>) src(%arg12 : memref<80x128xf32, #tpu.memory_space<vmem>>) dst(%dma_wait3A_395 : memref<80x128xf32, #tpu.memory_space<hbm>>)
        tpu.yield
      }) : () -> ()
    } else {
    }
    %eq3A_313 = arith.constant 1 : i32
    %eq3A_314 = arith.cmpi eq, %arg0, %eq3A_313 : i32
    %convert_element_type3A_315 = arith.extui %eq3A_314 : i1 to i32
    %cond3A_316 = arith.constant 0 : i32
    %cond3A_317 = arith.cmpi ne, %convert_element_type3A_315, %cond3A_316 : i32
    scf.if %cond3A_317 {
      "tpu.region"() ({
        %run_scoped3A = tpu.sem_alloc : memref<!tpu.dma_semaphore, #tpu.memory_space<semaphore_mem>>
        %dma_start3A_388 = arith.constant 0 : i32
        %dma_start3A_389 = tpu.memref_slice %arg6[%add3A_307, %dma_start3A_388] : memref<10240x128xf32, #tpu.memory_space<hbm>> -> memref<80x128xf32, #tpu.memory_space<hbm>>
        %dma_start3A_390 = arith.constant 0 : i32
        %dma_start3A_391 = tpu.memref_slice %arg6[%add3A_307, %dma_start3A_390] : memref<10240x128xf32, #tpu.memory_space<hbm>> -> memref<80x128xf32, #tpu.memory_space<hbm>>
        tpu.enqueue_dma source(%arg12 : memref<80x128xf32, #tpu.memory_space<vmem>>) target(%dma_start3A_391 : memref<80x128xf32, #tpu.memory_space<hbm>>) target_semaphore(%run_scoped3A : memref<!tpu.dma_semaphore, #tpu.memory_space<semaphore_mem>>)
        %dma_wait3A_392 = arith.constant 0 : i32
        %dma_wait3A_393 = tpu.memref_slice %arg6[%add3A_307, %dma_wait3A_392] : memref<10240x128xf32, #tpu.memory_space<hbm>> -> memref<80x128xf32, #tpu.memory_space<hbm>>
        %dma_wait3A_394 = arith.constant 0 : i32
        %dma_wait3A_395 = tpu.memref_slice %arg6[%add3A_307, %dma_wait3A_394] : memref<10240x128xf32, #tpu.memory_space<hbm>> -> memref<80x128xf32, #tpu.memory_space<hbm>>
        tpu.wait_dma2 semaphore(%run_scoped3A : memref<!tpu.dma_semaphore, #tpu.memory_space<semaphore_mem>>) src(%arg12 : memref<80x128xf32, #tpu.memory_space<vmem>>) dst(%dma_wait3A_395 : memref<80x128xf32, #tpu.memory_space<hbm>>)
        tpu.yield
      }) : () -> ()
    } else {
    }
    %mul3A_318 = arith.constant 640 : i32
    %mul3A_319 = arith.muli %arg1, %mul3A_318 : i32
    %add3A_320 = arith.constant 240 : i32
    %add3A_321 = arith.addi %mul3A_319, %add3A_320 : i32
    "tpu.region"() ({
      %run_scoped3A = tpu.sem_alloc : memref<!tpu.dma_semaphore, #tpu.memory_space<semaphore_mem>>
      %dma_start3A_388 = arith.constant 0 : i32
      %dma_start3A_389 = tpu.memref_slice %arg13[%add3A_321, %dma_start3A_388] : memref<10240x128xf32, #tpu.memory_space<vmem_shared>> -> memref<80x128xf32, #tpu.memory_space<vmem_shared>>
      %dma_start3A_390 = arith.constant 0 : i32
      %dma_start3A_391 = tpu.memref_slice %arg13[%add3A_321, %dma_start3A_390] : memref<10240x128xf32, #tpu.memory_space<vmem_shared>> -> memref<80x128xf32, #tpu.memory_space<vmem_shared>>
      tpu.enqueue_dma source(%dma_start3A_391 : memref<80x128xf32, #tpu.memory_space<vmem_shared>>) target(%arg12 : memref<80x128xf32, #tpu.memory_space<vmem>>) target_semaphore(%run_scoped3A : memref<!tpu.dma_semaphore, #tpu.memory_space<semaphore_mem>>)
      %dma_wait3A_392 = arith.constant 0 : i32
      %dma_wait3A_393 = tpu.memref_slice %arg13[%add3A_321, %dma_wait3A_392] : memref<10240x128xf32, #tpu.memory_space<vmem_shared>> -> memref<80x128xf32, #tpu.memory_space<vmem_shared>>
      %dma_wait3A_394 = arith.constant 0 : i32
      %dma_wait3A_395 = tpu.memref_slice %arg13[%add3A_321, %dma_wait3A_394] : memref<10240x128xf32, #tpu.memory_space<vmem_shared>> -> memref<80x128xf32, #tpu.memory_space<vmem_shared>>
      tpu.wait_dma2 semaphore(%run_scoped3A : memref<!tpu.dma_semaphore, #tpu.memory_space<semaphore_mem>>) src(%dma_wait3A_395 : memref<80x128xf32, #tpu.memory_space<vmem_shared>>) dst(%arg12 : memref<80x128xf32, #tpu.memory_space<vmem>>)
      tpu.yield
    }) : () -> ()
    %eq3A_322 = arith.constant 0 : i32
    %eq3A_323 = arith.cmpi eq, %arg0, %eq3A_322 : i32
    %convert_element_type3A_324 = arith.extui %eq3A_323 : i1 to i32
    %cond3A_325 = arith.constant 0 : i32
    %cond3A_326 = arith.cmpi ne, %convert_element_type3A_324, %cond3A_325 : i32
    scf.if %cond3A_326 {
      "tpu.region"() ({
        %run_scoped3A = tpu.sem_alloc : memref<!tpu.dma_semaphore, #tpu.memory_space<semaphore_mem>>
        %dma_start3A_388 = arith.constant 0 : i32
        %dma_start3A_389 = tpu.memref_slice %arg5[%add3A_321, %dma_start3A_388] : memref<10240x128xf32, #tpu.memory_space<hbm>> -> memref<80x128xf32, #tpu.memory_space<hbm>>
        %dma_start3A_390 = arith.constant 0 : i32
        %dma_start3A_391 = tpu.memref_slice %arg5[%add3A_321, %dma_start3A_390] : memref<10240x128xf32, #tpu.memory_space<hbm>> -> memref<80x128xf32, #tpu.memory_space<hbm>>
        tpu.enqueue_dma source(%arg12 : memref<80x128xf32, #tpu.memory_space<vmem>>) target(%dma_start3A_391 : memref<80x128xf32, #tpu.memory_space<hbm>>) target_semaphore(%run_scoped3A : memref<!tpu.dma_semaphore, #tpu.memory_space<semaphore_mem>>)
        %dma_wait3A_392 = arith.constant 0 : i32
        %dma_wait3A_393 = tpu.memref_slice %arg5[%add3A_321, %dma_wait3A_392] : memref<10240x128xf32, #tpu.memory_space<hbm>> -> memref<80x128xf32, #tpu.memory_space<hbm>>
        %dma_wait3A_394 = arith.constant 0 : i32
        %dma_wait3A_395 = tpu.memref_slice %arg5[%add3A_321, %dma_wait3A_394] : memref<10240x128xf32, #tpu.memory_space<hbm>> -> memref<80x128xf32, #tpu.memory_space<hbm>>
        tpu.wait_dma2 semaphore(%run_scoped3A : memref<!tpu.dma_semaphore, #tpu.memory_space<semaphore_mem>>) src(%arg12 : memref<80x128xf32, #tpu.memory_space<vmem>>) dst(%dma_wait3A_395 : memref<80x128xf32, #tpu.memory_space<hbm>>)
        tpu.yield
      }) : () -> ()
    } else {
    }
    %eq3A_327 = arith.constant 1 : i32
    %eq3A_328 = arith.cmpi eq, %arg0, %eq3A_327 : i32
    %convert_element_type3A_329 = arith.extui %eq3A_328 : i1 to i32
    %cond3A_330 = arith.constant 0 : i32
    %cond3A_331 = arith.cmpi ne, %convert_element_type3A_329, %cond3A_330 : i32
    scf.if %cond3A_331 {
      "tpu.region"() ({
        %run_scoped3A = tpu.sem_alloc : memref<!tpu.dma_semaphore, #tpu.memory_space<semaphore_mem>>
        %dma_start3A_388 = arith.constant 0 : i32
        %dma_start3A_389 = tpu.memref_slice %arg6[%add3A_321, %dma_start3A_388] : memref<10240x128xf32, #tpu.memory_space<hbm>> -> memref<80x128xf32, #tpu.memory_space<hbm>>
        %dma_start3A_390 = arith.constant 0 : i32
        %dma_start3A_391 = tpu.memref_slice %arg6[%add3A_321, %dma_start3A_390] : memref<10240x128xf32, #tpu.memory_space<hbm>> -> memref<80x128xf32, #tpu.memory_space<hbm>>
        tpu.enqueue_dma source(%arg12 : memref<80x128xf32, #tpu.memory_space<vmem>>) target(%dma_start3A_391 : memref<80x128xf32, #tpu.memory_space<hbm>>) target_semaphore(%run_scoped3A : memref<!tpu.dma_semaphore, #tpu.memory_space<semaphore_mem>>)
        %dma_wait3A_392 = arith.constant 0 : i32
        %dma_wait3A_393 = tpu.memref_slice %arg6[%add3A_321, %dma_wait3A_392] : memref<10240x128xf32, #tpu.memory_space<hbm>> -> memref<80x128xf32, #tpu.memory_space<hbm>>
        %dma_wait3A_394 = arith.constant 0 : i32
        %dma_wait3A_395 = tpu.memref_slice %arg6[%add3A_321, %dma_wait3A_394] : memref<10240x128xf32, #tpu.memory_space<hbm>> -> memref<80x128xf32, #tpu.memory_space<hbm>>
        tpu.wait_dma2 semaphore(%run_scoped3A : memref<!tpu.dma_semaphore, #tpu.memory_space<semaphore_mem>>) src(%arg12 : memref<80x128xf32, #tpu.memory_space<vmem>>) dst(%dma_wait3A_395 : memref<80x128xf32, #tpu.memory_space<hbm>>)
        tpu.yield
      }) : () -> ()
    } else {
    }
    %mul3A_332 = arith.constant 640 : i32
    %mul3A_333 = arith.muli %arg1, %mul3A_332 : i32
    %add3A_334 = arith.constant 320 : i32
    %add3A_335 = arith.addi %mul3A_333, %add3A_334 : i32
    "tpu.region"() ({
      %run_scoped3A = tpu.sem_alloc : memref<!tpu.dma_semaphore, #tpu.memory_space<semaphore_mem>>
      %dma_start3A_388 = arith.constant 0 : i32
      %dma_start3A_389 = tpu.memref_slice %arg13[%add3A_335, %dma_start3A_388] : memref<10240x128xf32, #tpu.memory_space<vmem_shared>> -> memref<80x128xf32, #tpu.memory_space<vmem_shared>>
      %dma_start3A_390 = arith.constant 0 : i32
      %dma_start3A_391 = tpu.memref_slice %arg13[%add3A_335, %dma_start3A_390] : memref<10240x128xf32, #tpu.memory_space<vmem_shared>> -> memref<80x128xf32, #tpu.memory_space<vmem_shared>>
      tpu.enqueue_dma source(%dma_start3A_391 : memref<80x128xf32, #tpu.memory_space<vmem_shared>>) target(%arg12 : memref<80x128xf32, #tpu.memory_space<vmem>>) target_semaphore(%run_scoped3A : memref<!tpu.dma_semaphore, #tpu.memory_space<semaphore_mem>>)
      %dma_wait3A_392 = arith.constant 0 : i32
      %dma_wait3A_393 = tpu.memref_slice %arg13[%add3A_335, %dma_wait3A_392] : memref<10240x128xf32, #tpu.memory_space<vmem_shared>> -> memref<80x128xf32, #tpu.memory_space<vmem_shared>>
      %dma_wait3A_394 = arith.constant 0 : i32
      %dma_wait3A_395 = tpu.memref_slice %arg13[%add3A_335, %dma_wait3A_394] : memref<10240x128xf32, #tpu.memory_space<vmem_shared>> -> memref<80x128xf32, #tpu.memory_space<vmem_shared>>
      tpu.wait_dma2 semaphore(%run_scoped3A : memref<!tpu.dma_semaphore, #tpu.memory_space<semaphore_mem>>) src(%dma_wait3A_395 : memref<80x128xf32, #tpu.memory_space<vmem_shared>>) dst(%arg12 : memref<80x128xf32, #tpu.memory_space<vmem>>)
      tpu.yield
    }) : () -> ()
    %eq3A_336 = arith.constant 0 : i32
    %eq3A_337 = arith.cmpi eq, %arg0, %eq3A_336 : i32
    %convert_element_type3A_338 = arith.extui %eq3A_337 : i1 to i32
    %cond3A_339 = arith.constant 0 : i32
    %cond3A_340 = arith.cmpi ne, %convert_element_type3A_338, %cond3A_339 : i32
    scf.if %cond3A_340 {
      "tpu.region"() ({
        %run_scoped3A = tpu.sem_alloc : memref<!tpu.dma_semaphore, #tpu.memory_space<semaphore_mem>>
        %dma_start3A_388 = arith.constant 0 : i32
        %dma_start3A_389 = tpu.memref_slice %arg5[%add3A_335, %dma_start3A_388] : memref<10240x128xf32, #tpu.memory_space<hbm>> -> memref<80x128xf32, #tpu.memory_space<hbm>>
        %dma_start3A_390 = arith.constant 0 : i32
        %dma_start3A_391 = tpu.memref_slice %arg5[%add3A_335, %dma_start3A_390] : memref<10240x128xf32, #tpu.memory_space<hbm>> -> memref<80x128xf32, #tpu.memory_space<hbm>>
        tpu.enqueue_dma source(%arg12 : memref<80x128xf32, #tpu.memory_space<vmem>>) target(%dma_start3A_391 : memref<80x128xf32, #tpu.memory_space<hbm>>) target_semaphore(%run_scoped3A : memref<!tpu.dma_semaphore, #tpu.memory_space<semaphore_mem>>)
        %dma_wait3A_392 = arith.constant 0 : i32
        %dma_wait3A_393 = tpu.memref_slice %arg5[%add3A_335, %dma_wait3A_392] : memref<10240x128xf32, #tpu.memory_space<hbm>> -> memref<80x128xf32, #tpu.memory_space<hbm>>
        %dma_wait3A_394 = arith.constant 0 : i32
        %dma_wait3A_395 = tpu.memref_slice %arg5[%add3A_335, %dma_wait3A_394] : memref<10240x128xf32, #tpu.memory_space<hbm>> -> memref<80x128xf32, #tpu.memory_space<hbm>>
        tpu.wait_dma2 semaphore(%run_scoped3A : memref<!tpu.dma_semaphore, #tpu.memory_space<semaphore_mem>>) src(%arg12 : memref<80x128xf32, #tpu.memory_space<vmem>>) dst(%dma_wait3A_395 : memref<80x128xf32, #tpu.memory_space<hbm>>)
        tpu.yield
      }) : () -> ()
    } else {
    }
    %eq3A_341 = arith.constant 1 : i32
    %eq3A_342 = arith.cmpi eq, %arg0, %eq3A_341 : i32
    %convert_element_type3A_343 = arith.extui %eq3A_342 : i1 to i32
    %cond3A_344 = arith.constant 0 : i32
    %cond3A_345 = arith.cmpi ne, %convert_element_type3A_343, %cond3A_344 : i32
    scf.if %cond3A_345 {
      "tpu.region"() ({
        %run_scoped3A = tpu.sem_alloc : memref<!tpu.dma_semaphore, #tpu.memory_space<semaphore_mem>>
        %dma_start3A_388 = arith.constant 0 : i32
        %dma_start3A_389 = tpu.memref_slice %arg6[%add3A_335, %dma_start3A_388] : memref<10240x128xf32, #tpu.memory_space<hbm>> -> memref<80x128xf32, #tpu.memory_space<hbm>>
        %dma_start3A_390 = arith.constant 0 : i32
        %dma_start3A_391 = tpu.memref_slice %arg6[%add3A_335, %dma_start3A_390] : memref<10240x128xf32, #tpu.memory_space<hbm>> -> memref<80x128xf32, #tpu.memory_space<hbm>>
        tpu.enqueue_dma source(%arg12 : memref<80x128xf32, #tpu.memory_space<vmem>>) target(%dma_start3A_391 : memref<80x128xf32, #tpu.memory_space<hbm>>) target_semaphore(%run_scoped3A : memref<!tpu.dma_semaphore, #tpu.memory_space<semaphore_mem>>)
        %dma_wait3A_392 = arith.constant 0 : i32
        %dma_wait3A_393 = tpu.memref_slice %arg6[%add3A_335, %dma_wait3A_392] : memref<10240x128xf32, #tpu.memory_space<hbm>> -> memref<80x128xf32, #tpu.memory_space<hbm>>
        %dma_wait3A_394 = arith.constant 0 : i32
        %dma_wait3A_395 = tpu.memref_slice %arg6[%add3A_335, %dma_wait3A_394] : memref<10240x128xf32, #tpu.memory_space<hbm>> -> memref<80x128xf32, #tpu.memory_space<hbm>>
        tpu.wait_dma2 semaphore(%run_scoped3A : memref<!tpu.dma_semaphore, #tpu.memory_space<semaphore_mem>>) src(%arg12 : memref<80x128xf32, #tpu.memory_space<vmem>>) dst(%dma_wait3A_395 : memref<80x128xf32, #tpu.memory_space<hbm>>)
        tpu.yield
      }) : () -> ()
    } else {
    }
    %mul3A_346 = arith.constant 640 : i32
    %mul3A_347 = arith.muli %arg1, %mul3A_346 : i32
    %add3A_348 = arith.constant 400 : i32
    %add3A_349 = arith.addi %mul3A_347, %add3A_348 : i32
    "tpu.region"() ({
      %run_scoped3A = tpu.sem_alloc : memref<!tpu.dma_semaphore, #tpu.memory_space<semaphore_mem>>
      %dma_start3A_388 = arith.constant 0 : i32
      %dma_start3A_389 = tpu.memref_slice %arg13[%add3A_349, %dma_start3A_388] : memref<10240x128xf32, #tpu.memory_space<vmem_shared>> -> memref<80x128xf32, #tpu.memory_space<vmem_shared>>
      %dma_start3A_390 = arith.constant 0 : i32
      %dma_start3A_391 = tpu.memref_slice %arg13[%add3A_349, %dma_start3A_390] : memref<10240x128xf32, #tpu.memory_space<vmem_shared>> -> memref<80x128xf32, #tpu.memory_space<vmem_shared>>
      tpu.enqueue_dma source(%dma_start3A_391 : memref<80x128xf32, #tpu.memory_space<vmem_shared>>) target(%arg12 : memref<80x128xf32, #tpu.memory_space<vmem>>) target_semaphore(%run_scoped3A : memref<!tpu.dma_semaphore, #tpu.memory_space<semaphore_mem>>)
      %dma_wait3A_392 = arith.constant 0 : i32
      %dma_wait3A_393 = tpu.memref_slice %arg13[%add3A_349, %dma_wait3A_392] : memref<10240x128xf32, #tpu.memory_space<vmem_shared>> -> memref<80x128xf32, #tpu.memory_space<vmem_shared>>
      %dma_wait3A_394 = arith.constant 0 : i32
      %dma_wait3A_395 = tpu.memref_slice %arg13[%add3A_349, %dma_wait3A_394] : memref<10240x128xf32, #tpu.memory_space<vmem_shared>> -> memref<80x128xf32, #tpu.memory_space<vmem_shared>>
      tpu.wait_dma2 semaphore(%run_scoped3A : memref<!tpu.dma_semaphore, #tpu.memory_space<semaphore_mem>>) src(%dma_wait3A_395 : memref<80x128xf32, #tpu.memory_space<vmem_shared>>) dst(%arg12 : memref<80x128xf32, #tpu.memory_space<vmem>>)
      tpu.yield
    }) : () -> ()
    %eq3A_350 = arith.constant 0 : i32
    %eq3A_351 = arith.cmpi eq, %arg0, %eq3A_350 : i32
    %convert_element_type3A_352 = arith.extui %eq3A_351 : i1 to i32
    %cond3A_353 = arith.constant 0 : i32
    %cond3A_354 = arith.cmpi ne, %convert_element_type3A_352, %cond3A_353 : i32
    scf.if %cond3A_354 {
      "tpu.region"() ({
        %run_scoped3A = tpu.sem_alloc : memref<!tpu.dma_semaphore, #tpu.memory_space<semaphore_mem>>
        %dma_start3A_388 = arith.constant 0 : i32
        %dma_start3A_389 = tpu.memref_slice %arg5[%add3A_349, %dma_start3A_388] : memref<10240x128xf32, #tpu.memory_space<hbm>> -> memref<80x128xf32, #tpu.memory_space<hbm>>
        %dma_start3A_390 = arith.constant 0 : i32
        %dma_start3A_391 = tpu.memref_slice %arg5[%add3A_349, %dma_start3A_390] : memref<10240x128xf32, #tpu.memory_space<hbm>> -> memref<80x128xf32, #tpu.memory_space<hbm>>
        tpu.enqueue_dma source(%arg12 : memref<80x128xf32, #tpu.memory_space<vmem>>) target(%dma_start3A_391 : memref<80x128xf32, #tpu.memory_space<hbm>>) target_semaphore(%run_scoped3A : memref<!tpu.dma_semaphore, #tpu.memory_space<semaphore_mem>>)
        %dma_wait3A_392 = arith.constant 0 : i32
        %dma_wait3A_393 = tpu.memref_slice %arg5[%add3A_349, %dma_wait3A_392] : memref<10240x128xf32, #tpu.memory_space<hbm>> -> memref<80x128xf32, #tpu.memory_space<hbm>>
        %dma_wait3A_394 = arith.constant 0 : i32
        %dma_wait3A_395 = tpu.memref_slice %arg5[%add3A_349, %dma_wait3A_394] : memref<10240x128xf32, #tpu.memory_space<hbm>> -> memref<80x128xf32, #tpu.memory_space<hbm>>
        tpu.wait_dma2 semaphore(%run_scoped3A : memref<!tpu.dma_semaphore, #tpu.memory_space<semaphore_mem>>) src(%arg12 : memref<80x128xf32, #tpu.memory_space<vmem>>) dst(%dma_wait3A_395 : memref<80x128xf32, #tpu.memory_space<hbm>>)
        tpu.yield
      }) : () -> ()
    } else {
    }
    %eq3A_355 = arith.constant 1 : i32
    %eq3A_356 = arith.cmpi eq, %arg0, %eq3A_355 : i32
    %convert_element_type3A_357 = arith.extui %eq3A_356 : i1 to i32
    %cond3A_358 = arith.constant 0 : i32
    %cond3A_359 = arith.cmpi ne, %convert_element_type3A_357, %cond3A_358 : i32
    scf.if %cond3A_359 {
      "tpu.region"() ({
        %run_scoped3A = tpu.sem_alloc : memref<!tpu.dma_semaphore, #tpu.memory_space<semaphore_mem>>
        %dma_start3A_388 = arith.constant 0 : i32
        %dma_start3A_389 = tpu.memref_slice %arg6[%add3A_349, %dma_start3A_388] : memref<10240x128xf32, #tpu.memory_space<hbm>> -> memref<80x128xf32, #tpu.memory_space<hbm>>
        %dma_start3A_390 = arith.constant 0 : i32
        %dma_start3A_391 = tpu.memref_slice %arg6[%add3A_349, %dma_start3A_390] : memref<10240x128xf32, #tpu.memory_space<hbm>> -> memref<80x128xf32, #tpu.memory_space<hbm>>
        tpu.enqueue_dma source(%arg12 : memref<80x128xf32, #tpu.memory_space<vmem>>) target(%dma_start3A_391 : memref<80x128xf32, #tpu.memory_space<hbm>>) target_semaphore(%run_scoped3A : memref<!tpu.dma_semaphore, #tpu.memory_space<semaphore_mem>>)
        %dma_wait3A_392 = arith.constant 0 : i32
        %dma_wait3A_393 = tpu.memref_slice %arg6[%add3A_349, %dma_wait3A_392] : memref<10240x128xf32, #tpu.memory_space<hbm>> -> memref<80x128xf32, #tpu.memory_space<hbm>>
        %dma_wait3A_394 = arith.constant 0 : i32
        %dma_wait3A_395 = tpu.memref_slice %arg6[%add3A_349, %dma_wait3A_394] : memref<10240x128xf32, #tpu.memory_space<hbm>> -> memref<80x128xf32, #tpu.memory_space<hbm>>
        tpu.wait_dma2 semaphore(%run_scoped3A : memref<!tpu.dma_semaphore, #tpu.memory_space<semaphore_mem>>) src(%arg12 : memref<80x128xf32, #tpu.memory_space<vmem>>) dst(%dma_wait3A_395 : memref<80x128xf32, #tpu.memory_space<hbm>>)
        tpu.yield
      }) : () -> ()
    } else {
    }
    %mul3A_360 = arith.constant 640 : i32
    %mul3A_361 = arith.muli %arg1, %mul3A_360 : i32
    %add3A_362 = arith.constant 480 : i32
    %add3A_363 = arith.addi %mul3A_361, %add3A_362 : i32
    "tpu.region"() ({
      %run_scoped3A = tpu.sem_alloc : memref<!tpu.dma_semaphore, #tpu.memory_space<semaphore_mem>>
      %dma_start3A_388 = arith.constant 0 : i32
      %dma_start3A_389 = tpu.memref_slice %arg13[%add3A_363, %dma_start3A_388] : memref<10240x128xf32, #tpu.memory_space<vmem_shared>> -> memref<80x128xf32, #tpu.memory_space<vmem_shared>>
      %dma_start3A_390 = arith.constant 0 : i32
      %dma_start3A_391 = tpu.memref_slice %arg13[%add3A_363, %dma_start3A_390] : memref<10240x128xf32, #tpu.memory_space<vmem_shared>> -> memref<80x128xf32, #tpu.memory_space<vmem_shared>>
      tpu.enqueue_dma source(%dma_start3A_391 : memref<80x128xf32, #tpu.memory_space<vmem_shared>>) target(%arg12 : memref<80x128xf32, #tpu.memory_space<vmem>>) target_semaphore(%run_scoped3A : memref<!tpu.dma_semaphore, #tpu.memory_space<semaphore_mem>>)
      %dma_wait3A_392 = arith.constant 0 : i32
      %dma_wait3A_393 = tpu.memref_slice %arg13[%add3A_363, %dma_wait3A_392] : memref<10240x128xf32, #tpu.memory_space<vmem_shared>> -> memref<80x128xf32, #tpu.memory_space<vmem_shared>>
      %dma_wait3A_394 = arith.constant 0 : i32
      %dma_wait3A_395 = tpu.memref_slice %arg13[%add3A_363, %dma_wait3A_394] : memref<10240x128xf32, #tpu.memory_space<vmem_shared>> -> memref<80x128xf32, #tpu.memory_space<vmem_shared>>
      tpu.wait_dma2 semaphore(%run_scoped3A : memref<!tpu.dma_semaphore, #tpu.memory_space<semaphore_mem>>) src(%dma_wait3A_395 : memref<80x128xf32, #tpu.memory_space<vmem_shared>>) dst(%arg12 : memref<80x128xf32, #tpu.memory_space<vmem>>)
      tpu.yield
    }) : () -> ()
    %eq3A_364 = arith.constant 0 : i32
    %eq3A_365 = arith.cmpi eq, %arg0, %eq3A_364 : i32
    %convert_element_type3A_366 = arith.extui %eq3A_365 : i1 to i32
    %cond3A_367 = arith.constant 0 : i32
    %cond3A_368 = arith.cmpi ne, %convert_element_type3A_366, %cond3A_367 : i32
    scf.if %cond3A_368 {
      "tpu.region"() ({
        %run_scoped3A = tpu.sem_alloc : memref<!tpu.dma_semaphore, #tpu.memory_space<semaphore_mem>>
        %dma_start3A_388 = arith.constant 0 : i32
        %dma_start3A_389 = tpu.memref_slice %arg5[%add3A_363, %dma_start3A_388] : memref<10240x128xf32, #tpu.memory_space<hbm>> -> memref<80x128xf32, #tpu.memory_space<hbm>>
        %dma_start3A_390 = arith.constant 0 : i32
        %dma_start3A_391 = tpu.memref_slice %arg5[%add3A_363, %dma_start3A_390] : memref<10240x128xf32, #tpu.memory_space<hbm>> -> memref<80x128xf32, #tpu.memory_space<hbm>>
        tpu.enqueue_dma source(%arg12 : memref<80x128xf32, #tpu.memory_space<vmem>>) target(%dma_start3A_391 : memref<80x128xf32, #tpu.memory_space<hbm>>) target_semaphore(%run_scoped3A : memref<!tpu.dma_semaphore, #tpu.memory_space<semaphore_mem>>)
        %dma_wait3A_392 = arith.constant 0 : i32
        %dma_wait3A_393 = tpu.memref_slice %arg5[%add3A_363, %dma_wait3A_392] : memref<10240x128xf32, #tpu.memory_space<hbm>> -> memref<80x128xf32, #tpu.memory_space<hbm>>
        %dma_wait3A_394 = arith.constant 0 : i32
        %dma_wait3A_395 = tpu.memref_slice %arg5[%add3A_363, %dma_wait3A_394] : memref<10240x128xf32, #tpu.memory_space<hbm>> -> memref<80x128xf32, #tpu.memory_space<hbm>>
        tpu.wait_dma2 semaphore(%run_scoped3A : memref<!tpu.dma_semaphore, #tpu.memory_space<semaphore_mem>>) src(%arg12 : memref<80x128xf32, #tpu.memory_space<vmem>>) dst(%dma_wait3A_395 : memref<80x128xf32, #tpu.memory_space<hbm>>)
        tpu.yield
      }) : () -> ()
    } else {
    }
    %eq3A_369 = arith.constant 1 : i32
    %eq3A_370 = arith.cmpi eq, %arg0, %eq3A_369 : i32
    %convert_element_type3A_371 = arith.extui %eq3A_370 : i1 to i32
    %cond3A_372 = arith.constant 0 : i32
    %cond3A_373 = arith.cmpi ne, %convert_element_type3A_371, %cond3A_372 : i32
    scf.if %cond3A_373 {
      "tpu.region"() ({
        %run_scoped3A = tpu.sem_alloc : memref<!tpu.dma_semaphore, #tpu.memory_space<semaphore_mem>>
        %dma_start3A_388 = arith.constant 0 : i32
        %dma_start3A_389 = tpu.memref_slice %arg6[%add3A_363, %dma_start3A_388] : memref<10240x128xf32, #tpu.memory_space<hbm>> -> memref<80x128xf32, #tpu.memory_space<hbm>>
        %dma_start3A_390 = arith.constant 0 : i32
        %dma_start3A_391 = tpu.memref_slice %arg6[%add3A_363, %dma_start3A_390] : memref<10240x128xf32, #tpu.memory_space<hbm>> -> memref<80x128xf32, #tpu.memory_space<hbm>>
        tpu.enqueue_dma source(%arg12 : memref<80x128xf32, #tpu.memory_space<vmem>>) target(%dma_start3A_391 : memref<80x128xf32, #tpu.memory_space<hbm>>) target_semaphore(%run_scoped3A : memref<!tpu.dma_semaphore, #tpu.memory_space<semaphore_mem>>)
        %dma_wait3A_392 = arith.constant 0 : i32
        %dma_wait3A_393 = tpu.memref_slice %arg6[%add3A_363, %dma_wait3A_392] : memref<10240x128xf32, #tpu.memory_space<hbm>> -> memref<80x128xf32, #tpu.memory_space<hbm>>
        %dma_wait3A_394 = arith.constant 0 : i32
        %dma_wait3A_395 = tpu.memref_slice %arg6[%add3A_363, %dma_wait3A_394] : memref<10240x128xf32, #tpu.memory_space<hbm>> -> memref<80x128xf32, #tpu.memory_space<hbm>>
        tpu.wait_dma2 semaphore(%run_scoped3A : memref<!tpu.dma_semaphore, #tpu.memory_space<semaphore_mem>>) src(%arg12 : memref<80x128xf32, #tpu.memory_space<vmem>>) dst(%dma_wait3A_395 : memref<80x128xf32, #tpu.memory_space<hbm>>)
        tpu.yield
      }) : () -> ()
    } else {
    }
    %mul3A_374 = arith.constant 640 : i32
    %mul3A_375 = arith.muli %arg1, %mul3A_374 : i32
    %add3A_376 = arith.constant 560 : i32
    %add3A_377 = arith.addi %mul3A_375, %add3A_376 : i32
    "tpu.region"() ({
      %run_scoped3A = tpu.sem_alloc : memref<!tpu.dma_semaphore, #tpu.memory_space<semaphore_mem>>
      %dma_start3A_388 = arith.constant 0 : i32
      %dma_start3A_389 = tpu.memref_slice %arg13[%add3A_377, %dma_start3A_388] : memref<10240x128xf32, #tpu.memory_space<vmem_shared>> -> memref<80x128xf32, #tpu.memory_space<vmem_shared>>
      %dma_start3A_390 = arith.constant 0 : i32
      %dma_start3A_391 = tpu.memref_slice %arg13[%add3A_377, %dma_start3A_390] : memref<10240x128xf32, #tpu.memory_space<vmem_shared>> -> memref<80x128xf32, #tpu.memory_space<vmem_shared>>
      tpu.enqueue_dma source(%dma_start3A_391 : memref<80x128xf32, #tpu.memory_space<vmem_shared>>) target(%arg12 : memref<80x128xf32, #tpu.memory_space<vmem>>) target_semaphore(%run_scoped3A : memref<!tpu.dma_semaphore, #tpu.memory_space<semaphore_mem>>)
      %dma_wait3A_392 = arith.constant 0 : i32
      %dma_wait3A_393 = tpu.memref_slice %arg13[%add3A_377, %dma_wait3A_392] : memref<10240x128xf32, #tpu.memory_space<vmem_shared>> -> memref<80x128xf32, #tpu.memory_space<vmem_shared>>
      %dma_wait3A_394 = arith.constant 0 : i32
      %dma_wait3A_395 = tpu.memref_slice %arg13[%add3A_377, %dma_wait3A_394] : memref<10240x128xf32, #tpu.memory_space<vmem_shared>> -> memref<80x128xf32, #tpu.memory_space<vmem_shared>>
      tpu.wait_dma2 semaphore(%run_scoped3A : memref<!tpu.dma_semaphore, #tpu.memory_space<semaphore_mem>>) src(%dma_wait3A_395 : memref<80x128xf32, #tpu.memory_space<vmem_shared>>) dst(%arg12 : memref<80x128xf32, #tpu.memory_space<vmem>>)
      tpu.yield
    }) : () -> ()
    %eq3A_378 = arith.constant 0 : i32
    %eq3A_379 = arith.cmpi eq, %arg0, %eq3A_378 : i32
    %convert_element_type3A_380 = arith.extui %eq3A_379 : i1 to i32
    %cond3A_381 = arith.constant 0 : i32
    %cond3A_382 = arith.cmpi ne, %convert_element_type3A_380, %cond3A_381 : i32
    scf.if %cond3A_382 {
      "tpu.region"() ({
        %run_scoped3A = tpu.sem_alloc : memref<!tpu.dma_semaphore, #tpu.memory_space<semaphore_mem>>
        %dma_start3A_388 = arith.constant 0 : i32
        %dma_start3A_389 = tpu.memref_slice %arg5[%add3A_377, %dma_start3A_388] : memref<10240x128xf32, #tpu.memory_space<hbm>> -> memref<80x128xf32, #tpu.memory_space<hbm>>
        %dma_start3A_390 = arith.constant 0 : i32
        %dma_start3A_391 = tpu.memref_slice %arg5[%add3A_377, %dma_start3A_390] : memref<10240x128xf32, #tpu.memory_space<hbm>> -> memref<80x128xf32, #tpu.memory_space<hbm>>
        tpu.enqueue_dma source(%arg12 : memref<80x128xf32, #tpu.memory_space<vmem>>) target(%dma_start3A_391 : memref<80x128xf32, #tpu.memory_space<hbm>>) target_semaphore(%run_scoped3A : memref<!tpu.dma_semaphore, #tpu.memory_space<semaphore_mem>>)
        %dma_wait3A_392 = arith.constant 0 : i32
        %dma_wait3A_393 = tpu.memref_slice %arg5[%add3A_377, %dma_wait3A_392] : memref<10240x128xf32, #tpu.memory_space<hbm>> -> memref<80x128xf32, #tpu.memory_space<hbm>>
        %dma_wait3A_394 = arith.constant 0 : i32
        %dma_wait3A_395 = tpu.memref_slice %arg5[%add3A_377, %dma_wait3A_394] : memref<10240x128xf32, #tpu.memory_space<hbm>> -> memref<80x128xf32, #tpu.memory_space<hbm>>
        tpu.wait_dma2 semaphore(%run_scoped3A : memref<!tpu.dma_semaphore, #tpu.memory_space<semaphore_mem>>) src(%arg12 : memref<80x128xf32, #tpu.memory_space<vmem>>) dst(%dma_wait3A_395 : memref<80x128xf32, #tpu.memory_space<hbm>>)
        tpu.yield
      }) : () -> ()
    } else {
    }
    %eq3A_383 = arith.constant 1 : i32
    %eq3A_384 = arith.cmpi eq, %arg0, %eq3A_383 : i32
    %convert_element_type3A_385 = arith.extui %eq3A_384 : i1 to i32
    %cond3A_386 = arith.constant 0 : i32
    %cond3A_387 = arith.cmpi ne, %convert_element_type3A_385, %cond3A_386 : i32
    scf.if %cond3A_387 {
      "tpu.region"() ({
        %run_scoped3A = tpu.sem_alloc : memref<!tpu.dma_semaphore, #tpu.memory_space<semaphore_mem>>
        %dma_start3A_388 = arith.constant 0 : i32
        %dma_start3A_389 = tpu.memref_slice %arg6[%add3A_377, %dma_start3A_388] : memref<10240x128xf32, #tpu.memory_space<hbm>> -> memref<80x128xf32, #tpu.memory_space<hbm>>
        %dma_start3A_390 = arith.constant 0 : i32
        %dma_start3A_391 = tpu.memref_slice %arg6[%add3A_377, %dma_start3A_390] : memref<10240x128xf32, #tpu.memory_space<hbm>> -> memref<80x128xf32, #tpu.memory_space<hbm>>
        tpu.enqueue_dma source(%arg12 : memref<80x128xf32, #tpu.memory_space<vmem>>) target(%dma_start3A_391 : memref<80x128xf32, #tpu.memory_space<hbm>>) target_semaphore(%run_scoped3A : memref<!tpu.dma_semaphore, #tpu.memory_space<semaphore_mem>>)
        %dma_wait3A_392 = arith.constant 0 : i32
        %dma_wait3A_393 = tpu.memref_slice %arg6[%add3A_377, %dma_wait3A_392] : memref<10240x128xf32, #tpu.memory_space<hbm>> -> memref<80x128xf32, #tpu.memory_space<hbm>>
        %dma_wait3A_394 = arith.constant 0 : i32
        %dma_wait3A_395 = tpu.memref_slice %arg6[%add3A_377, %dma_wait3A_394] : memref<10240x128xf32, #tpu.memory_space<hbm>> -> memref<80x128xf32, #tpu.memory_space<hbm>>
        tpu.wait_dma2 semaphore(%run_scoped3A : memref<!tpu.dma_semaphore, #tpu.memory_space<semaphore_mem>>) src(%arg12 : memref<80x128xf32, #tpu.memory_space<vmem>>) dst(%dma_wait3A_395 : memref<80x128xf32, #tpu.memory_space<hbm>>)
        tpu.yield
      }) : () -> ()
    } else {
    }
    return
  }
}

module attributes {stable_mosaic.version = 14 : i64} {
  func.func @_fc_body(%arg0: i32, %arg1: memref<2048x1792xf32, #tpu.memory_space<vmem>>, %arg2: memref<1792x128xf32, #tpu.memory_space<vmem>>, %arg3: memref<1x128xf32, #tpu.memory_space<vmem>>, %arg4: memref<2048x128xf32, #tpu.memory_space<vmem>>) attributes {dimension_semantics = [#tpu.dimension_semantics<arbitrary>], iteration_bounds = array<i64: 5>, scalar_prefetch = 0 : i64, scratch_operands = 0 : i64, tpu.core_type = #tpu.core_type<tc>, window_params = [{transform_indices = @transform_0, window_bounds = array<i64: 2048, 1792>}, {pipeline_mode = #tpu.pipeline_mode<synchronous>, transform_indices = @transform_1, window_bounds = array<i64: 1792, 128>}, {pipeline_mode = #tpu.pipeline_mode<synchronous>, transform_indices = @transform_2, window_bounds = array<i64: 1, 128>}, {transform_indices = @transform_3, window_bounds = array<i64: 2048, 128>}]} {
    %get3A = arith.constant 0 : index
    %get3A_0 = arith.constant 0 : index
    %get3A_1 = vector.load %arg1[%get3A, %get3A_0] : memref<2048x1792xf32, #tpu.memory_space<vmem>>, vector<2048x1792xf32>
    %get3A_2 = arith.constant 0 : index
    %get3A_3 = arith.constant 0 : index
    %get3A_4 = vector.load %arg2[%get3A_2, %get3A_3] : memref<1792x128xf32, #tpu.memory_space<vmem>>, vector<1792x128xf32>
    %dot_general3A = arith.constant dense<0.000000e+00> : vector<2048x128xf32>
    %dot_general3A_5 = tpu.matmul %get3A_1, %get3A_4, %dot_general3A {dimension_numbers = #tpu.dot_dimension_numbers<[1], [0], [0], [1], [0, 0, 1, 1], [], []>, transpose_lhs_hint = false} : vector<2048x1792xf32>, vector<1792x128xf32>, vector<2048x128xf32> -> vector<2048x128xf32>
    %get3A_6 = arith.constant 0 : index
    %get3A_7 = arith.constant 0 : index
    %get3A_8 = vector.load %arg3[%get3A_6, %get3A_7] : memref<1x128xf32, #tpu.memory_space<vmem>>, vector<1x128xf32>
    %add3A = vector.broadcast %get3A_8 : vector<1x128xf32> to vector<2048x128xf32>
    %add3A_9 = arith.addf %dot_general3A_5, %add3A : vector<2048x128xf32>
    %max3A = arith.constant 0.000000e+00 : f32
    %max3A_10 = vector.broadcast %max3A : f32 to vector<2048x128xf32>
    %max3A_11 = arith.maximumf %add3A_9, %max3A_10 : vector<2048x128xf32>
    %swap3A = arith.constant 0 : index
    %swap3A_12 = arith.constant 0 : index
    %swap3A_13 = vector.load %arg4[%swap3A, %swap3A_12] : memref<2048x128xf32, #tpu.memory_space<vmem>>, vector<2048x128xf32>
    tpu.vector_store %arg4[%swap3A, %swap3A_12], %max3A_11 {strides = array<i32>} : memref<2048x128xf32, #tpu.memory_space<vmem>>, vector<2048x128xf32>,
    return
  }
  func.func @transform_0(%arg0: i32) -> (i32, i32) {
    %c0_i32 = arith.constant 0 : i32
    %c0_i32_0 = arith.constant 0 : i32
    return %arg0, %c0_i32 : i32, i32
  }
  func.func @transform_1(%arg0: i32) -> (i32, i32) {
    %c0_i32 = arith.constant 0 : i32
    %c0_i32_0 = arith.constant 0 : i32
    %c0_i32_1 = arith.constant 0 : i32
    return %c0_i32, %c0_i32_0 : i32, i32
  }
  func.func @transform_2(%arg0: i32) -> (i32, i32) {
    %c0_i32 = arith.constant 0 : i32
    %c0_i32_0 = arith.constant 0 : i32
    %c0_i32_1 = arith.constant 0 : i32
    return %c0_i32, %c0_i32_0 : i32, i32
  }
  func.func @transform_3(%arg0: i32) -> (i32, i32) {
    %c0_i32 = arith.constant 0 : i32
    %c0_i32_0 = arith.constant 0 : i32
    return %arg0, %c0_i32 : i32, i32
  }
}

module attributes {stable_mosaic.version = 14 : i64} {
  func.func @_gin_body(%arg0: i32, %arg1: memref<2048x128xf32, #tpu.memory_space<vmem>>, %arg2: memref<2048x128xf32, #tpu.memory_space<vmem>>, %arg3: memref<2048x128xf32, #tpu.memory_space<vmem>>, %arg4: memref<128x128xf32, #tpu.memory_space<vmem>>, %arg5: memref<1x128xf32, #tpu.memory_space<vmem>>, %arg6: memref<128x128xf32, #tpu.memory_space<vmem>>, %arg7: memref<1x128xf32, #tpu.memory_space<vmem>>, %arg8: memref<2048x128xf32, #tpu.memory_space<vmem>>) attributes {dimension_semantics = [#tpu.dimension_semantics<arbitrary>], iteration_bounds = array<i64: 5>, scalar_prefetch = 0 : i64, scratch_operands = 0 : i64, tpu.core_type = #tpu.core_type<tc>, window_params = [{transform_indices = @transform_0, window_bounds = array<i64: 2048, 128>}, {transform_indices = @transform_1, window_bounds = array<i64: 2048, 128>}, {transform_indices = @transform_2, window_bounds = array<i64: 2048, 128>}, {pipeline_mode = #tpu.pipeline_mode<synchronous>, transform_indices = @transform_3, window_bounds = array<i64: 128, 128>}, {pipeline_mode = #tpu.pipeline_mode<synchronous>, transform_indices = @transform_4, window_bounds = array<i64: 1, 128>}, {pipeline_mode = #tpu.pipeline_mode<synchronous>, transform_indices = @transform_5, window_bounds = array<i64: 128, 128>}, {pipeline_mode = #tpu.pipeline_mode<synchronous>, transform_indices = @transform_6, window_bounds = array<i64: 1, 128>}, {transform_indices = @transform_7, window_bounds = array<i64: 2048, 128>}]} {
    %get3A = arith.constant 0 : index
    %get3A_0 = arith.constant 0 : index
    %get3A_1 = vector.load %arg1[%get3A, %get3A_0] : memref<2048x128xf32, #tpu.memory_space<vmem>>, vector<2048x128xf32>
    %get3A_2 = arith.constant 0 : index
    %get3A_3 = arith.constant 0 : index
    %get3A_4 = vector.load %arg2[%get3A_2, %get3A_3] : memref<2048x128xf32, #tpu.memory_space<vmem>>, vector<2048x128xf32>
    %add3A = arith.addf %get3A_1, %get3A_4 : vector<2048x128xf32>
    %get3A_5 = arith.constant 0 : index
    %get3A_6 = arith.constant 0 : index
    %get3A_7 = vector.load %arg3[%get3A_5, %get3A_6] : memref<2048x128xf32, #tpu.memory_space<vmem>>, vector<2048x128xf32>
    %add3A_8 = arith.addf %add3A, %get3A_7 : vector<2048x128xf32>
    %get3A_9 = arith.constant 0 : index
    %get3A_10 = arith.constant 0 : index
    %get3A_11 = vector.load %arg4[%get3A_9, %get3A_10] : memref<128x128xf32, #tpu.memory_space<vmem>>, vector<128x128xf32>
    %dot_general3A = arith.constant dense<0.000000e+00> : vector<2048x128xf32>
    %dot_general3A_12 = tpu.matmul %add3A_8, %get3A_11, %dot_general3A {dimension_numbers = #tpu.dot_dimension_numbers<[1], [0], [0], [1], [0, 0, 1, 1], [], []>, precision = #tpu.contract_precision<fp32>, transpose_lhs_hint = false} : vector<2048x128xf32>, vector<128x128xf32>, vector<2048x128xf32> -> vector<2048x128xf32>
    %get3A_13 = arith.constant 0 : index
    %get3A_14 = arith.constant 0 : index
    %get3A_15 = vector.load %arg5[%get3A_13, %get3A_14] : memref<1x128xf32, #tpu.memory_space<vmem>>, vector<1x128xf32>
    %add3A_16 = vector.broadcast %get3A_15 : vector<1x128xf32> to vector<2048x128xf32>
    %add3A_17 = arith.addf %dot_general3A_12, %add3A_16 : vector<2048x128xf32>
    %max3A = arith.constant 0.000000e+00 : f32
    %max3A_18 = vector.broadcast %max3A : f32 to vector<2048x128xf32>
    %max3A_19 = arith.maximumf %add3A_17, %max3A_18 : vector<2048x128xf32>
    %get3A_20 = arith.constant 0 : index
    %get3A_21 = arith.constant 0 : index
    %get3A_22 = vector.load %arg6[%get3A_20, %get3A_21] : memref<128x128xf32, #tpu.memory_space<vmem>>, vector<128x128xf32>
    %dot_general3A_23 = arith.constant dense<0.000000e+00> : vector<2048x128xf32>
    %dot_general3A_24 = tpu.matmul %max3A_19, %get3A_22, %dot_general3A_23 {dimension_numbers = #tpu.dot_dimension_numbers<[1], [0], [0], [1], [0, 0, 1, 1], [], []>, precision = #tpu.contract_precision<fp32>, transpose_lhs_hint = false} : vector<2048x128xf32>, vector<128x128xf32>, vector<2048x128xf32> -> vector<2048x128xf32>
    %get3A_25 = arith.constant 0 : index
    %get3A_26 = arith.constant 0 : index
    %get3A_27 = vector.load %arg7[%get3A_25, %get3A_26] : memref<1x128xf32, #tpu.memory_space<vmem>>, vector<1x128xf32>
    %add3A_28 = vector.broadcast %get3A_27 : vector<1x128xf32> to vector<2048x128xf32>
    %add3A_29 = arith.addf %dot_general3A_24, %add3A_28 : vector<2048x128xf32>
    %max3A_30 = arith.constant 0.000000e+00 : f32
    %max3A_31 = vector.broadcast %max3A_30 : f32 to vector<2048x128xf32>
    %max3A_32 = arith.maximumf %add3A_29, %max3A_31 : vector<2048x128xf32>
    %swap3A = arith.constant 0 : index
    %swap3A_33 = arith.constant 0 : index
    %swap3A_34 = vector.load %arg8[%swap3A, %swap3A_33] : memref<2048x128xf32, #tpu.memory_space<vmem>>, vector<2048x128xf32>
    tpu.vector_store %arg8[%swap3A, %swap3A_33], %max3A_32 {strides = array<i32>} : memref<2048x128xf32, #tpu.memory_space<vmem>>, vector<2048x128xf32>,
    return
  }
  func.func @transform_0(%arg0: i32) -> (i32, i32) {
    %c0_i32 = arith.constant 0 : i32
    %c0_i32_0 = arith.constant 0 : i32
    return %arg0, %c0_i32 : i32, i32
  }
  func.func @transform_1(%arg0: i32) -> (i32, i32) {
    %c0_i32 = arith.constant 0 : i32
    %c0_i32_0 = arith.constant 0 : i32
    return %arg0, %c0_i32 : i32, i32
  }
  func.func @transform_2(%arg0: i32) -> (i32, i32) {
    %c0_i32 = arith.constant 0 : i32
    %c0_i32_0 = arith.constant 0 : i32
    return %arg0, %c0_i32 : i32, i32
  }
  func.func @transform_3(%arg0: i32) -> (i32, i32) {
    %c0_i32 = arith.constant 0 : i32
    %c0_i32_0 = arith.constant 0 : i32
    %c0_i32_1 = arith.constant 0 : i32
    return %c0_i32, %c0_i32_0 : i32, i32
  }
  func.func @transform_4(%arg0: i32) -> (i32, i32) {
    %c0_i32 = arith.constant 0 : i32
    %c0_i32_0 = arith.constant 0 : i32
    %c0_i32_1 = arith.constant 0 : i32
    return %c0_i32, %c0_i32_0 : i32, i32
  }
  func.func @transform_5(%arg0: i32) -> (i32, i32) {
    %c0_i32 = arith.constant 0 : i32
    %c0_i32_0 = arith.constant 0 : i32
    %c0_i32_1 = arith.constant 0 : i32
    return %c0_i32, %c0_i32_0 : i32, i32
  }
  func.func @transform_6(%arg0: i32) -> (i32, i32) {
    %c0_i32 = arith.constant 0 : i32
    %c0_i32_0 = arith.constant 0 : i32
    %c0_i32_1 = arith.constant 0 : i32
    return %c0_i32, %c0_i32_0 : i32, i32
  }
  func.func @transform_7(%arg0: i32) -> (i32, i32) {
    %c0_i32 = arith.constant 0 : i32
    %c0_i32_0 = arith.constant 0 : i32
    return %arg0, %c0_i32 : i32, i32
  }
}

module attributes {stable_mosaic.version = 14 : i64} {
  func.func @_att_body(%arg0: i32, %arg1: memref<2048x128xf32, #tpu.memory_space<vmem>>, %arg2: memref<2048x128xf32, #tpu.memory_space<vmem>>, %arg3: memref<2048x128xf32, #tpu.memory_space<vmem>>, %arg4: memref<2048x1xi32, #tpu.memory_space<vmem>>, %arg5: memref<384x384xf32, #tpu.memory_space<vmem>>, %arg6: memref<1x384xf32, #tpu.memory_space<vmem>>, %arg7: memref<384x384xf32, #tpu.memory_space<vmem>>, %arg8: memref<1x384xf32, #tpu.memory_space<vmem>>, %arg9: memref<384x1xf32, #tpu.memory_space<vmem>>, %arg10: memref<1x1xf32, #tpu.memory_space<vmem>>, %arg11: memref<2048x1xf32, #tpu.memory_space<vmem>>, %arg12: memref<1x8xf32, #tpu.memory_space<vmem>>) attributes {dimension_semantics = [#tpu.dimension_semantics<arbitrary>], iteration_bounds = array<i64: 5>, scalar_prefetch = 0 : i64, scratch_operands = 0 : i64, tpu.core_type = #tpu.core_type<tc>, window_params = [{transform_indices = @transform_0, window_bounds = array<i64: 2048, 128>}, {transform_indices = @transform_1, window_bounds = array<i64: 2048, 128>}, {transform_indices = @transform_2, window_bounds = array<i64: 2048, 128>}, {transform_indices = @transform_3, window_bounds = array<i64: 2048, 1>}, {pipeline_mode = #tpu.pipeline_mode<synchronous>, transform_indices = @transform_4, window_bounds = array<i64: 384, 384>}, {pipeline_mode = #tpu.pipeline_mode<synchronous>, transform_indices = @transform_5, window_bounds = array<i64: 1, 384>}, {pipeline_mode = #tpu.pipeline_mode<synchronous>, transform_indices = @transform_6, window_bounds = array<i64: 384, 384>}, {pipeline_mode = #tpu.pipeline_mode<synchronous>, transform_indices = @transform_7, window_bounds = array<i64: 1, 384>}, {pipeline_mode = #tpu.pipeline_mode<synchronous>, transform_indices = @transform_8, window_bounds = array<i64: 384, 1>}, {pipeline_mode = #tpu.pipeline_mode<synchronous>, transform_indices = @transform_9, window_bounds = array<i64: 1, 1>}, {transform_indices = @transform_10, window_bounds = array<i64: 2048, 1>}, {pipeline_mode = #tpu.pipeline_mode<synchronous>, transform_indices = @transform_11, window_bounds = array<i64: 1, 8>}]} {
    %get3A = arith.constant 0 : index
    %get3A_0 = arith.constant 0 : index
    %get3A_1 = vector.load %arg1[%get3A, %get3A_0] : memref<2048x128xf32, #tpu.memory_space<vmem>>, vector<2048x128xf32>
    %get3A_2 = arith.constant 0 : index
    %get3A_3 = arith.constant 0 : index
    %get3A_4 = vector.load %arg2[%get3A_2, %get3A_3] : memref<2048x128xf32, #tpu.memory_space<vmem>>, vector<2048x128xf32>
    %get3A_5 = arith.constant 0 : index
    %get3A_6 = arith.constant 0 : index
    %get3A_7 = vector.load %arg3[%get3A_5, %get3A_6] : memref<2048x128xf32, #tpu.memory_space<vmem>>, vector<2048x128xf32>
    %concatenate3A = tpu.concatenate %get3A_1, %get3A_4, %get3A_7 in 1 : vector<2048x128xf32>, vector<2048x128xf32>, vector<2048x128xf32> -> vector<2048x384xf32>
    %get3A_8 = arith.constant 0 : index
    %get3A_9 = arith.constant 0 : index
    %get3A_10 = vector.load %arg5[%get3A_8, %get3A_9] : memref<384x384xf32, #tpu.memory_space<vmem>>, vector<384x384xf32>
    %dot_general3A = arith.constant dense<0.000000e+00> : vector<2048x384xf32>
    %dot_general3A_11 = tpu.matmul %concatenate3A, %get3A_10, %dot_general3A {dimension_numbers = #tpu.dot_dimension_numbers<[1], [0], [0], [1], [0, 0, 1, 1], [], []>, precision = #tpu.contract_precision<fp32>, transpose_lhs_hint = false} : vector<2048x384xf32>, vector<384x384xf32>, vector<2048x384xf32> -> vector<2048x384xf32>
    %get3A_12 = arith.constant 0 : index
    %get3A_13 = arith.constant 0 : index
    %get3A_14 = vector.load %arg6[%get3A_12, %get3A_13] : memref<1x384xf32, #tpu.memory_space<vmem>>, vector<1x384xf32>
    %add3A = vector.broadcast %get3A_14 : vector<1x384xf32> to vector<2048x384xf32>
    %add3A_15 = arith.addf %dot_general3A_11, %add3A : vector<2048x384xf32>
    %tanh3A = math.tanh %add3A_15 : vector<2048x384xf32>
    %get3A_16 = arith.constant 0 : index
    %get3A_17 = arith.constant 0 : index
    %get3A_18 = vector.load %arg7[%get3A_16, %get3A_17] : memref<384x384xf32, #tpu.memory_space<vmem>>, vector<384x384xf32>
    %dot_general3A_19 = arith.constant dense<0.000000e+00> : vector<2048x384xf32>
    %dot_general3A_20 = tpu.matmul %concatenate3A, %get3A_18, %dot_general3A_19 {dimension_numbers = #tpu.dot_dimension_numbers<[1], [0], [0], [1], [0, 0, 1, 1], [], []>, precision = #tpu.contract_precision<fp32>, transpose_lhs_hint = false} : vector<2048x384xf32>, vector<384x384xf32>, vector<2048x384xf32> -> vector<2048x384xf32>
    %get3A_21 = arith.constant 0 : index
    %get3A_22 = arith.constant 0 : index
    %get3A_23 = vector.load %arg8[%get3A_21, %get3A_22] : memref<1x384xf32, #tpu.memory_space<vmem>>, vector<1x384xf32>
    %add3A_24 = vector.broadcast %get3A_23 : vector<1x384xf32> to vector<2048x384xf32>
    %add3A_25 = arith.addf %dot_general3A_20, %add3A_24 : vector<2048x384xf32>
    %logistic3A = arith.negf %add3A_25 : vector<2048x384xf32>
    %logistic3A_26 = math.exp %logistic3A : vector<2048x384xf32>
    %logistic3A_27 = arith.constant 1.000000e+00 : f32
    %logistic3A_28 = vector.broadcast %logistic3A_27 : f32 to vector<2048x384xf32>
    %logistic3A_29 = arith.addf %logistic3A_28, %logistic3A_26 : vector<2048x384xf32>
    %logistic3A_30 = arith.divf %logistic3A_28, %logistic3A_29 : vector<2048x384xf32>
    %mul3A = arith.mulf %tanh3A, %logistic3A_30 : vector<2048x384xf32>
    %get3A_31 = arith.constant 0 : index
    %get3A_32 = arith.constant 0 : index
    %get3A_33 = vector.load %arg9[%get3A_31, %get3A_32] : memref<384x1xf32, #tpu.memory_space<vmem>>, vector<384x1xf32>
    %dot_general3A_34 = arith.constant dense<0.000000e+00> : vector<2048x1xf32>
    %dot_general3A_35 = tpu.matmul %mul3A, %get3A_33, %dot_general3A_34 {dimension_numbers = #tpu.dot_dimension_numbers<[1], [0], [0], [1], [0, 0, 1, 1], [], []>, precision = #tpu.contract_precision<fp32>, transpose_lhs_hint = false} : vector<2048x384xf32>, vector<384x1xf32>, vector<2048x1xf32> -> vector<2048x1xf32>
    %get3A_36 = arith.constant 0 : index
    %get3A_37 = arith.constant 0 : index
    %get3A_38 = vector.load %arg10[%get3A_36, %get3A_37] : memref<1x1xf32, #tpu.memory_space<vmem>>, vector<1x1xf32>
    %add3A_39 = vector.broadcast %get3A_38 : vector<1x1xf32> to vector<2048x1xf32>
    %add3A_40 = arith.addf %dot_general3A_35, %add3A_39 : vector<2048x1xf32>
    %swap3A = arith.constant 0 : index
    %swap3A_41 = arith.constant 0 : index
    %swap3A_42 = vector.load %arg11[%swap3A, %swap3A_41] : memref<2048x1xf32, #tpu.memory_space<vmem>>, vector<2048x1xf32>
    tpu.vector_store %arg11[%swap3A, %swap3A_41], %add3A_40 {strides = array<i32>} : memref<2048x1xf32, #tpu.memory_space<vmem>>, vector<2048x1xf32>,
    %iota3A = tpu.iota {dimensions = array<i32: 0>} : vector<2048x1xi32>
    %mul3A_43 = arith.constant 2048 : i32
    %mul3A_44 = arith.muli %arg0, %mul3A_43 : i32
    %add3A_45 = vector.broadcast %mul3A_44 : i32 to vector<2048x1xi32>
    %add3A_46 = arith.addi %iota3A, %add3A_45 : vector<2048x1xi32>
    %lt3A = arith.constant 10000 : i32
    %lt3A_47 = vector.broadcast %lt3A : i32 to vector<2048x1xi32>
    %lt3A_48 = arith.cmpi slt, %add3A_46, %lt3A_47 : vector<2048x1xi32>
    %iota3A_49 = tpu.iota {dimensions = array<i32: 1>} : vector<2048x8xi32>
    %get3A_50 = arith.constant 0 : index
    %get3A_51 = arith.constant 0 : index
    %get3A_52 = vector.load %arg4[%get3A_50, %get3A_51] : memref<2048x1xi32, #tpu.memory_space<vmem>>, vector<2048x1xi32>
    %eq3A = vector.broadcast %get3A_52 : vector<2048x1xi32> to vector<2048x8xi32>
    %eq3A_53 = arith.cmpi eq, %eq3A, %iota3A_49 : vector<2048x8xi32>
    %and3A = vector.broadcast %lt3A_48 : vector<2048x1xi1> to vector<2048x8xi1>
    %and3A_54 = arith.andi %eq3A_53, %and3A : vector<2048x8xi1>
    %jit3A = arith.constant 0xFF800000 : f32
    %broadcast_in_dim3A = vector.shape_cast %add3A_40 : vector<2048x1xf32> to vector<2048x1xf32>
    %broadcast_in_dim3A_55 = vector.broadcast %broadcast_in_dim3A : vector<2048x1xf32> to vector<2048x8xf32>
    %broadcast_in_dim3A_56 = vector.broadcast %jit3A : f32 to vector<2048x8xf32>
    %select_n3A = arith.select %and3A_54, %broadcast_in_dim3A_55, %broadcast_in_dim3A_56 : vector<2048x8xi1>, vector<2048x8xf32>
    %reduce_max3A = arith.constant dense<0xFF800000> : vector<8xf32>
    %reduce_max3A_57 = vector.multi_reduction <maximumf>, %select_n3A, %reduce_max3A [0] : vector<2048x8xf32> to vector<8xf32>
    %broadcast_in_dim3A_58 = vector.shape_cast %reduce_max3A_57 : vector<8xf32> to vector<1x8xf32>
    %eq3A_59 = arith.constant 0 : i32
    %eq3A_60 = arith.cmpi eq, %arg0, %eq3A_59 : i32
    %convert_element_type3A = arith.extui %eq3A_60 : i1 to i32
    %cond3A = arith.constant 0 : i32
    %cond3A_61 = arith.cmpi ne, %convert_element_type3A, %cond3A : i32
    scf.if %cond3A_61 {
      %broadcast_in_dim3A_68 = arith.constant 0xFF800000 : f32
      %broadcast_in_dim3A_69 = vector.broadcast %broadcast_in_dim3A_68 : f32 to vector<1x8xf32>
      %swap3A_70 = arith.constant 0 : index
      %swap3A_71 = arith.constant 0 : index
      %swap3A_72 = vector.load %arg12[%swap3A_70, %swap3A_71] : memref<1x8xf32, #tpu.memory_space<vmem>>, vector<1x8xf32>
      tpu.vector_store %arg12[%swap3A_70, %swap3A_71], %broadcast_in_dim3A_69 {strides = array<i32>} : memref<1x8xf32, #tpu.memory_space<vmem>>, vector<1x8xf32>,
    } else {
    }
    %get3A_62 = arith.constant 0 : index
    %get3A_63 = arith.constant 0 : index
    %get3A_64 = vector.load %arg12[%get3A_62, %get3A_63] : memref<1x8xf32, #tpu.memory_space<vmem>>, vector<1x8xf32>
    %max3A = arith.maximumf %get3A_64, %broadcast_in_dim3A_58 : vector<1x8xf32>
    %swap3A_65 = arith.constant 0 : index
    %swap3A_66 = arith.constant 0 : index
    %swap3A_67 = vector.load %arg12[%swap3A_65, %swap3A_66] : memref<1x8xf32, #tpu.memory_space<vmem>>, vector<1x8xf32>
    tpu.vector_store %arg12[%swap3A_65, %swap3A_66], %max3A {strides = array<i32>} : memref<1x8xf32, #tpu.memory_space<vmem>>, vector<1x8xf32>,
    return
  }
  func.func @transform_0(%arg0: i32) -> (i32, i32) {
    %c0_i32 = arith.constant 0 : i32
    %c0_i32_0 = arith.constant 0 : i32
    return %arg0, %c0_i32 : i32, i32
  }
  func.func @transform_1(%arg0: i32) -> (i32, i32) {
    %c0_i32 = arith.constant 0 : i32
    %c0_i32_0 = arith.constant 0 : i32
    return %arg0, %c0_i32 : i32, i32
  }
  func.func @transform_2(%arg0: i32) -> (i32, i32) {
    %c0_i32 = arith.constant 0 : i32
    %c0_i32_0 = arith.constant 0 : i32
    return %arg0, %c0_i32 : i32, i32
  }
  func.func @transform_3(%arg0: i32) -> (i32, i32) {
    %c0_i32 = arith.constant 0 : i32
    %c0_i32_0 = arith.constant 0 : i32
    return %arg0, %c0_i32 : i32, i32
  }
  func.func @transform_4(%arg0: i32) -> (i32, i32) {
    %c0_i32 = arith.constant 0 : i32
    %c0_i32_0 = arith.constant 0 : i32
    %c0_i32_1 = arith.constant 0 : i32
    return %c0_i32, %c0_i32_0 : i32, i32
  }
  func.func @transform_5(%arg0: i32) -> (i32, i32) {
    %c0_i32 = arith.constant 0 : i32
    %c0_i32_0 = arith.constant 0 : i32
    %c0_i32_1 = arith.constant 0 : i32
    return %c0_i32, %c0_i32_0 : i32, i32
  }
  func.func @transform_6(%arg0: i32) -> (i32, i32) {
    %c0_i32 = arith.constant 0 : i32
    %c0_i32_0 = arith.constant 0 : i32
    %c0_i32_1 = arith.constant 0 : i32
    return %c0_i32, %c0_i32_0 : i32, i32
  }
  func.func @transform_7(%arg0: i32) -> (i32, i32) {
    %c0_i32 = arith.constant 0 : i32
    %c0_i32_0 = arith.constant 0 : i32
    %c0_i32_1 = arith.constant 0 : i32
    return %c0_i32, %c0_i32_0 : i32, i32
  }
  func.func @transform_8(%arg0: i32) -> (i32, i32) {
    %c0_i32 = arith.constant 0 : i32
    %c0_i32_0 = arith.constant 0 : i32
    %c0_i32_1 = arith.constant 0 : i32
    return %c0_i32, %c0_i32_0 : i32, i32
  }
  func.func @transform_9(%arg0: i32) -> (i32, i32) {
    %c0_i32 = arith.constant 0 : i32
    %c0_i32_0 = arith.constant 0 : i32
    %c0_i32_1 = arith.constant 0 : i32
    return %c0_i32, %c0_i32_0 : i32, i32
  }
  func.func @transform_10(%arg0: i32) -> (i32, i32) {
    %c0_i32 = arith.constant 0 : i32
    %c0_i32_0 = arith.constant 0 : i32
    return %arg0, %c0_i32 : i32, i32
  }
  func.func @transform_11(%arg0: i32) -> (i32, i32) {
    %c0_i32 = arith.constant 0 : i32
    %c0_i32_0 = arith.constant 0 : i32
    %c0_i32_1 = arith.constant 0 : i32
    return %c0_i32, %c0_i32_0 : i32, i32
  }
}

module attributes {stable_mosaic.version = 14 : i64} {
  func.func @_pool_body(%arg0: i32, %arg1: memref<2048x128xf32, #tpu.memory_space<vmem>>, %arg2: memref<2048x128xf32, #tpu.memory_space<vmem>>, %arg3: memref<2048x128xf32, #tpu.memory_space<vmem>>, %arg4: memref<2048x1xi32, #tpu.memory_space<vmem>>, %arg5: memref<2048x1xf32, #tpu.memory_space<vmem>>, %arg6: memref<1x8xf32, #tpu.memory_space<vmem>>, %arg7: memref<384x384xf32, #tpu.memory_space<vmem>>, %arg8: memref<1x384xf32, #tpu.memory_space<vmem>>, %arg9: memref<384x1xf32, #tpu.memory_space<vmem>>, %arg10: memref<1x1xf32, #tpu.memory_space<vmem>>, %arg11: memref<8x1xf32, #tpu.memory_space<vmem>>, %arg12: memref<8x384xf32, #tpu.memory_space<vmem>>, %arg13: memref<8x1xf32, #tpu.memory_space<vmem>>) attributes {dimension_semantics = [#tpu.dimension_semantics<arbitrary>], iteration_bounds = array<i64: 5>, scalar_prefetch = 0 : i64, scratch_operands = 2 : i64, tpu.core_type = #tpu.core_type<tc>, window_params = [{transform_indices = @transform_0, window_bounds = array<i64: 2048, 128>}, {transform_indices = @transform_1, window_bounds = array<i64: 2048, 128>}, {transform_indices = @transform_2, window_bounds = array<i64: 2048, 128>}, {transform_indices = @transform_3, window_bounds = array<i64: 2048, 1>}, {transform_indices = @transform_4, window_bounds = array<i64: 2048, 1>}, {pipeline_mode = #tpu.pipeline_mode<synchronous>, transform_indices = @transform_5, window_bounds = array<i64: 1, 8>}, {pipeline_mode = #tpu.pipeline_mode<synchronous>, transform_indices = @transform_6, window_bounds = array<i64: 384, 384>}, {pipeline_mode = #tpu.pipeline_mode<synchronous>, transform_indices = @transform_7, window_bounds = array<i64: 1, 384>}, {pipeline_mode = #tpu.pipeline_mode<synchronous>, transform_indices = @transform_8, window_bounds = array<i64: 384, 1>}, {pipeline_mode = #tpu.pipeline_mode<synchronous>, transform_indices = @transform_9, window_bounds = array<i64: 1, 1>}, {pipeline_mode = #tpu.pipeline_mode<synchronous>, transform_indices = @transform_10, window_bounds = array<i64: 8, 1>}]} {
    %eq3A = arith.constant 0 : i32
    %eq3A_0 = arith.cmpi eq, %arg0, %eq3A : i32
    %convert_element_type3A = arith.extui %eq3A_0 : i1 to i32
    %cond3A = arith.constant 0 : i32
    %cond3A_1 = arith.cmpi ne, %convert_element_type3A, %cond3A : i32
    scf.if %cond3A_1 {
      %broadcast_in_dim3A_57 = arith.constant 0.000000e+00 : f32
      %broadcast_in_dim3A_58 = vector.broadcast %broadcast_in_dim3A_57 : f32 to vector<8x384xf32>
      %swap3A_59 = arith.constant 0 : index
      %swap3A_60 = arith.constant 0 : index
      %swap3A_61 = vector.load %arg12[%swap3A_59, %swap3A_60] : memref<8x384xf32, #tpu.memory_space<vmem>>, vector<8x384xf32>
      tpu.vector_store %arg12[%swap3A_59, %swap3A_60], %broadcast_in_dim3A_58 {strides = array<i32>} : memref<8x384xf32, #tpu.memory_space<vmem>>, vector<8x384xf32>,
      %broadcast_in_dim3A_62 = arith.constant 0.000000e+00 : f32
      %broadcast_in_dim3A_63 = vector.broadcast %broadcast_in_dim3A_62 : f32 to vector<8x1xf32>
      %swap3A_64 = arith.constant 0 : index
      %swap3A_65 = arith.constant 0 : index
      %swap3A_66 = vector.load %arg13[%swap3A_64, %swap3A_65] : memref<8x1xf32, #tpu.memory_space<vmem>>, vector<8x1xf32>
      tpu.vector_store %arg13[%swap3A_64, %swap3A_65], %broadcast_in_dim3A_63 {strides = array<i32>} : memref<8x1xf32, #tpu.memory_space<vmem>>, vector<8x1xf32>,
    } else {
    }
    %iota3A = tpu.iota {dimensions = array<i32: 0>} : vector<2048x1xi32>
    %mul3A = arith.constant 2048 : i32
    %mul3A_2 = arith.muli %arg0, %mul3A : i32
    %add3A = vector.broadcast %mul3A_2 : i32 to vector<2048x1xi32>
    %add3A_3 = arith.addi %iota3A, %add3A : vector<2048x1xi32>
    %lt3A = arith.constant 10000 : i32
    %lt3A_4 = vector.broadcast %lt3A : i32 to vector<2048x1xi32>
    %lt3A_5 = arith.cmpi slt, %add3A_3, %lt3A_4 : vector<2048x1xi32>
    %get3A = arith.constant 0 : index
    %get3A_6 = arith.constant 0 : index
    %get3A_7 = vector.load %arg1[%get3A, %get3A_6] : memref<2048x128xf32, #tpu.memory_space<vmem>>, vector<2048x128xf32>
    %get3A_8 = arith.constant 0 : index
    %get3A_9 = arith.constant 0 : index
    %get3A_10 = vector.load %arg2[%get3A_8, %get3A_9] : memref<2048x128xf32, #tpu.memory_space<vmem>>, vector<2048x128xf32>
    %get3A_11 = arith.constant 0 : index
    %get3A_12 = arith.constant 0 : index
    %get3A_13 = vector.load %arg3[%get3A_11, %get3A_12] : memref<2048x128xf32, #tpu.memory_space<vmem>>, vector<2048x128xf32>
    %concatenate3A = tpu.concatenate %get3A_7, %get3A_10, %get3A_13 in 1 : vector<2048x128xf32>, vector<2048x128xf32>, vector<2048x128xf32> -> vector<2048x384xf32>
    %jit3A = arith.constant 0.000000e+00 : f32
    %broadcast_in_dim3A = vector.shape_cast %lt3A_5 : vector<2048x1xi1> to vector<2048x1xi1>
    %broadcast_in_dim3A_14 = vector.broadcast %broadcast_in_dim3A : vector<2048x1xi1> to vector<2048x384xi1>
    %broadcast_in_dim3A_15 = vector.broadcast %jit3A : f32 to vector<2048x384xf32>
    %select_n3A = arith.select %broadcast_in_dim3A_14, %concatenate3A, %broadcast_in_dim3A_15 : vector<2048x384xi1>, vector<2048x384xf32>
    %iota3A_16 = tpu.iota {dimensions = array<i32: 1>} : vector<2048x8xi32>
    %get3A_17 = arith.constant 0 : index
    %get3A_18 = arith.constant 0 : index
    %get3A_19 = vector.load %arg4[%get3A_17, %get3A_18] : memref<2048x1xi32, #tpu.memory_space<vmem>>, vector<2048x1xi32>
    %eq3A_20 = vector.broadcast %get3A_19 : vector<2048x1xi32> to vector<2048x8xi32>
    %eq3A_21 = arith.cmpi eq, %eq3A_20, %iota3A_16 : vector<2048x8xi32>
    %and3A = vector.broadcast %lt3A_5 : vector<2048x1xi1> to vector<2048x8xi1>
    %and3A_22 = arith.andi %eq3A_21, %and3A : vector<2048x8xi1>
    %get3A_23 = arith.constant 0 : index
    %get3A_24 = arith.constant 0 : index
    %get3A_25 = vector.load %arg5[%get3A_23, %get3A_24] : memref<2048x1xf32, #tpu.memory_space<vmem>>, vector<2048x1xf32>
    %get3A_26 = arith.constant 0 : index
    %get3A_27 = arith.constant 0 : index
    %get3A_28 = vector.load %arg6[%get3A_26, %get3A_27] : memref<1x8xf32, #tpu.memory_space<vmem>>, vector<1x8xf32>
    %sub3A = vector.broadcast %get3A_25 : vector<2048x1xf32> to vector<2048x8xf32>
    %sub3A_29 = vector.broadcast %get3A_28 : vector<1x8xf32> to vector<2048x8xf32>
    %sub3A_30 = arith.subf %sub3A, %sub3A_29 : vector<2048x8xf32>
    %exp3A = math.exp %sub3A_30 : vector<2048x8xf32>
    %jit3A_31 = arith.constant 0.000000e+00 : f32
    %broadcast_in_dim3A_32 = vector.broadcast %jit3A_31 : f32 to vector<2048x8xf32>
    %select_n3A_33 = arith.select %and3A_22, %exp3A, %broadcast_in_dim3A_32 : vector<2048x8xi1>, vector<2048x8xf32>
    %get3A_34 = arith.constant 0 : index
    %get3A_35 = arith.constant 0 : index
    %get3A_36 = vector.load %arg12[%get3A_34, %get3A_35] : memref<8x384xf32, #tpu.memory_space<vmem>>, vector<8x384xf32>
    %dot_general3A = arith.constant dense<0.000000e+00> : vector<8x384xf32>
    %dot_general3A_37 = tpu.matmul %select_n3A_33, %select_n3A, %dot_general3A {dimension_numbers = #tpu.dot_dimension_numbers<[0], [0], [1], [1], [0, 1, 1, 1], [], []>, precision = #tpu.contract_precision<fp32>, transpose_lhs_hint = false} : vector<2048x8xf32>, vector<2048x384xf32>, vector<8x384xf32> -> vector<8x384xf32>
    %add3A_38 = arith.addf %get3A_36, %dot_general3A_37 : vector<8x384xf32>
    %swap3A = arith.constant 0 : index
    %swap3A_39 = arith.constant 0 : index
    %swap3A_40 = vector.load %arg12[%swap3A, %swap3A_39] : memref<8x384xf32, #tpu.memory_space<vmem>>, vector<8x384xf32>
    tpu.vector_store %arg12[%swap3A, %swap3A_39], %add3A_38 {strides = array<i32>} : memref<8x384xf32, #tpu.memory_space<vmem>>, vector<8x384xf32>,
    %get3A_41 = arith.constant 0 : index
    %get3A_42 = arith.constant 0 : index
    %get3A_43 = vector.load %arg13[%get3A_41, %get3A_42] : memref<8x1xf32, #tpu.memory_space<vmem>>, vector<8x1xf32>
    %broadcast_in_dim3A_44 = arith.constant 1.000000e+00 : f32
    %broadcast_in_dim3A_45 = vector.broadcast %broadcast_in_dim3A_44 : f32 to vector<2048x1xf32>
    %dot_general3A_46 = arith.constant dense<0.000000e+00> : vector<8x1xf32>
    %dot_general3A_47 = tpu.matmul %select_n3A_33, %broadcast_in_dim3A_45, %dot_general3A_46 {dimension_numbers = #tpu.dot_dimension_numbers<[0], [0], [1], [1], [0, 1, 1, 1], [], []>, precision = #tpu.contract_precision<fp32>, transpose_lhs_hint = false} : vector<2048x8xf32>, vector<2048x1xf32>, vector<8x1xf32> -> vector<8x1xf32>
    %add3A_48 = arith.addf %get3A_43, %dot_general3A_47 : vector<8x1xf32>
    %swap3A_49 = arith.constant 0 : index
    %swap3A_50 = arith.constant 0 : index
    %swap3A_51 = vector.load %arg13[%swap3A_49, %swap3A_50] : memref<8x1xf32, #tpu.memory_space<vmem>>, vector<8x1xf32>
    tpu.vector_store %arg13[%swap3A_49, %swap3A_50], %add3A_48 {strides = array<i32>} : memref<8x1xf32, #tpu.memory_space<vmem>>, vector<8x1xf32>,
    %eq3A_52 = arith.constant 4 : i32
    %eq3A_53 = arith.cmpi eq, %arg0, %eq3A_52 : i32
    %convert_element_type3A_54 = arith.extui %eq3A_53 : i1 to i32
    %cond3A_55 = arith.constant 0 : i32
    %cond3A_56 = arith.cmpi ne, %convert_element_type3A_54, %cond3A_55 : i32
    scf.if %cond3A_56 {
      %get3A_57 = arith.constant 0 : index
      %get3A_58 = arith.constant 0 : index
      %get3A_59 = vector.load %arg13[%get3A_57, %get3A_58] : memref<8x1xf32, #tpu.memory_space<vmem>>, vector<8x1xf32>
      %gt3A = arith.constant 0.000000e+00 : f32
      %gt3A_60 = vector.broadcast %gt3A : f32 to vector<8x1xf32>
      %gt3A_61 = arith.cmpf ogt, %get3A_59, %gt3A_60 : vector<8x1xf32>
      %jit3A_62 = arith.constant 1.000000e+00 : f32
      %broadcast_in_dim3A_63 = vector.broadcast %jit3A_62 : f32 to vector<8x1xf32>
      %select_n3A_64 = arith.select %gt3A_61, %get3A_59, %broadcast_in_dim3A_63 : vector<8x1xi1>, vector<8x1xf32>
      %get3A_65 = arith.constant 0 : index
      %get3A_66 = arith.constant 0 : index
      %get3A_67 = vector.load %arg12[%get3A_65, %get3A_66] : memref<8x384xf32, #tpu.memory_space<vmem>>, vector<8x384xf32>
      %div3A = vector.broadcast %select_n3A_64 : vector<8x1xf32> to vector<8x384xf32>
      %div3A_68 = arith.divf %get3A_67, %div3A : vector<8x384xf32>
      %get3A_69 = arith.constant 0 : index
      %get3A_70 = arith.constant 0 : index
      %get3A_71 = vector.load %arg7[%get3A_69, %get3A_70] : memref<384x384xf32, #tpu.memory_space<vmem>>, vector<384x384xf32>
      %dot_general3A_72 = arith.constant dense<0.000000e+00> : vector<8x384xf32>
      %dot_general3A_73 = tpu.matmul %div3A_68, %get3A_71, %dot_general3A_72 {dimension_numbers = #tpu.dot_dimension_numbers<[1], [0], [0], [1], [0, 0, 1, 1], [], []>, precision = #tpu.contract_precision<fp32>, transpose_lhs_hint = false} : vector<8x384xf32>, vector<384x384xf32>, vector<8x384xf32> -> vector<8x384xf32>
      %get3A_74 = arith.constant 0 : index
      %get3A_75 = arith.constant 0 : index
      %get3A_76 = vector.load %arg8[%get3A_74, %get3A_75] : memref<1x384xf32, #tpu.memory_space<vmem>>, vector<1x384xf32>
      %add3A_77 = vector.broadcast %get3A_76 : vector<1x384xf32> to vector<8x384xf32>
      %add3A_78 = arith.addf %dot_general3A_73, %add3A_77 : vector<8x384xf32>
      %max3A = arith.constant 0.000000e+00 : f32
      %max3A_79 = vector.broadcast %max3A : f32 to vector<8x384xf32>
      %max3A_80 = arith.maximumf %add3A_78, %max3A_79 : vector<8x384xf32>
      %get3A_81 = arith.constant 0 : index
      %get3A_82 = arith.constant 0 : index
      %get3A_83 = vector.load %arg9[%get3A_81, %get3A_82] : memref<384x1xf32, #tpu.memory_space<vmem>>, vector<384x1xf32>
      %dot_general3A_84 = arith.constant dense<0.000000e+00> : vector<8x1xf32>
      %dot_general3A_85 = tpu.matmul %max3A_80, %get3A_83, %dot_general3A_84 {dimension_numbers = #tpu.dot_dimension_numbers<[1], [0], [0], [1], [0, 0, 1, 1], [], []>, precision = #tpu.contract_precision<fp32>, transpose_lhs_hint = false} : vector<8x384xf32>, vector<384x1xf32>, vector<8x1xf32> -> vector<8x1xf32>
      %get3A_86 = arith.constant 0 : index
      %get3A_87 = arith.constant 0 : index
      %get3A_88 = vector.load %arg10[%get3A_86, %get3A_87] : memref<1x1xf32, #tpu.memory_space<vmem>>, vector<1x1xf32>
      %add3A_89 = vector.broadcast %get3A_88 : vector<1x1xf32> to vector<8x1xf32>
      %add3A_90 = arith.addf %dot_general3A_85, %add3A_89 : vector<8x1xf32>
      %swap3A_91 = arith.constant 0 : index
      %swap3A_92 = arith.constant 0 : index
      %swap3A_93 = vector.load %arg11[%swap3A_91, %swap3A_92] : memref<8x1xf32, #tpu.memory_space<vmem>>, vector<8x1xf32>
      tpu.vector_store %arg11[%swap3A_91, %swap3A_92], %add3A_90 {strides = array<i32>} : memref<8x1xf32, #tpu.memory_space<vmem>>, vector<8x1xf32>,
    } else {
    }
    return
  }
  func.func @transform_0(%arg0: i32) -> (i32, i32) {
    %c0_i32 = arith.constant 0 : i32
    %c0_i32_0 = arith.constant 0 : i32
    return %arg0, %c0_i32 : i32, i32
  }
  func.func @transform_1(%arg0: i32) -> (i32, i32) {
    %c0_i32 = arith.constant 0 : i32
    %c0_i32_0 = arith.constant 0 : i32
    return %arg0, %c0_i32 : i32, i32
  }
  func.func @transform_2(%arg0: i32) -> (i32, i32) {
    %c0_i32 = arith.constant 0 : i32
    %c0_i32_0 = arith.constant 0 : i32
    return %arg0, %c0_i32 : i32, i32
  }
  func.func @transform_3(%arg0: i32) -> (i32, i32) {
    %c0_i32 = arith.constant 0 : i32
    %c0_i32_0 = arith.constant 0 : i32
    return %arg0, %c0_i32 : i32, i32
  }
  func.func @transform_4(%arg0: i32) -> (i32, i32) {
    %c0_i32 = arith.constant 0 : i32
    %c0_i32_0 = arith.constant 0 : i32
    return %arg0, %c0_i32 : i32, i32
  }
  func.func @transform_5(%arg0: i32) -> (i32, i32) {
    %c0_i32 = arith.constant 0 : i32
    %c0_i32_0 = arith.constant 0 : i32
    %c0_i32_1 = arith.constant 0 : i32
    return %c0_i32, %c0_i32_0 : i32, i32
  }
  func.func @transform_6(%arg0: i32) -> (i32, i32) {
    %c0_i32 = arith.constant 0 : i32
    %c0_i32_0 = arith.constant 0 : i32
    %c0_i32_1 = arith.constant 0 : i32
    return %c0_i32, %c0_i32_0 : i32, i32
  }
  func.func @transform_7(%arg0: i32) -> (i32, i32) {
    %c0_i32 = arith.constant 0 : i32
    %c0_i32_0 = arith.constant 0 : i32
    %c0_i32_1 = arith.constant 0 : i32
    return %c0_i32, %c0_i32_0 : i32, i32
  }
  func.func @transform_8(%arg0: i32) -> (i32, i32) {
    %c0_i32 = arith.constant 0 : i32
    %c0_i32_0 = arith.constant 0 : i32
    %c0_i32_1 = arith.constant 0 : i32
    return %c0_i32, %c0_i32_0 : i32, i32
  }
  func.func @transform_9(%arg0: i32) -> (i32, i32) {
    %c0_i32 = arith.constant 0 : i32
    %c0_i32_0 = arith.constant 0 : i32
    %c0_i32_1 = arith.constant 0 : i32
    return %c0_i32, %c0_i32_0 : i32, i32
  }
  func.func @transform_10(%arg0: i32) -> (i32, i32) {
    %c0_i32 = arith.constant 0 : i32
    %c0_i32_0 = arith.constant 0 : i32
    %c0_i32_1 = arith.constant 0 : i32
    return %c0_i32, %c0_i32_0 : i32, i32
  }
}

</mosaic_0001>

<sc_bundles>
// kernel: kernel.12.cloned.1.call-start
scs
__scs_entry_jumppad:
0x0: {  	(pc) =	sbr.rel $0x88, $3  }
0x1: {  	(tag) =	ssettag $0x0;
	lr =	simm.s32 $0x1  }
0x2: {  	[smem:$0x3F8A] =	sst lr;
	_ =	strace $0xD0000000  }
0x3: {  	_ = 	snop  }
0x4: {  	_ = 	snop  }
0x5: {  	_ = 	snop  }
0x6: {  	_ = 	snop  }
0x7: {  	_ = 	snop  }
__scs_overlays_trampoline_lowered:
0x8: {  	[smem:$0x3F99] =	sst s0  }
0x9: {  	[smem:$0x3F9A] =	sst s1  }
0xa: {  	[smem:$0x3F9B] =	sst s2  }
0xb: {  	[smem:$0x3F9C] =	sst s3  }
0xc: {  	[smem:$0x3F9D] =	sst s4  }
0xd: {  	[smem:$0x3F9E] =	sst s5  }
0xe: {  	[smem:$0x3F9F] =	sst s6  }
0xf: {  	[smem:$0x3FA0] =	sst s7  }
0x10: {  	[smem:$0x3FA1] =	sst s8  }
0x11: {  	[smem:$0x3FA2] =	sst s9;
	s0 =	simm.s32 @!p0 $0x0  }
0x12: {  	s1 =	sld [smem:$0x3F88];
	s0 =	simm.s32 @p0 $0x1  }
0x13: {  	[smem:$0x3FA3] =	sst s0;
	s0 =	simm.s32 @!p1 $0x0  }
0x14: {  	s2 =	sld [smem:$0x3F87];
	s0 =	simm.s32 @p1 $0x1  }
0x15: {  	[smem:$0x3FA4] =	sst s0;
	s0 =	simm.s32 @!p2 $0x0  }
0x16: {  	s3 =	sld [smem:$0x3FDB];
	s0 =	simm.s32 @p2 $0x1  }
0x17: {  	s4 =	simm.s32 $0x1BF5;
	[smem:$0x3FA6] =	sst s0  }
0x18: {  	s0 =	sld [smem:$0x3F89];
	_ =	swait.ge [sflag:s4], $0x0  }
0x19: {  	s7 =	sld [smem:$0x3F8A]  }
0x1a: {  	s8 =	sadd.s32 $0xFFFFE003, lr  }
0x1b: {  	s9 =	sadd.s32 $0xFFFFFEF7, lr;
	s5 =	simm.s32 $0xFFFFFFFF;
	p2 =	slt.u32 s8, $0xFFFFF086  }
0x1c: {  	p1 =	slt.u32 s9, $0xF7A;
	s5 =	simm.s32 @!p2 $0x0  }
0x1d: {  	s5 =	simm.s32 @p1 $0x1;
	p0 =	seq.s32 s7, s2  }
0x1e: {  	s7 =	smul.u32 @!p0 $0xF7A, s2;
	p2 =	seq.s32 @!p0 s5, $0x0  }
0x1f: {  	s9 =	smul.u32 $0xF7A, s1;
	s8 =	simm.s32 @!p0 $0x1BF5;
	p2 =	por !p2, p0  }
0x20: {  	[sflag:s8] =	ssyncset.s32 @!p0 $0xFFFFF086;
	s6 =	sadd.s32 @!p0 s3, s7;
	s7 =	simm.s32 @!p0 $0x108  }
0x21: {  	s3 =	sadd.s32 s3, s9;
	s6 =	sadd.s32 @!p0 $0x88, s6;
	s7 =	simm.s32 @p2 $0x1082  }
0x22: {  	[simem:s7], [sflag:s8] =	dma.local @!p0 [hbm:s6], $0xF7A  }
0x23: {  	s9 =	sor.u32 $0xD0000000, s2;
	s6 =	simm.s32 $0x108;
	_ =	swait.ge @!p0 [sflag:s8], $0x0  }
0x24: {  	s3 =	sadd.s32 $0x88, s3;
	s6 =	simm.s32 @!p1 $0x1082;
	[sflag:s4] =	ssyncset.s32 $0xFFFFF086  }
0x25: {  	[simem:s6], [sflag:s4] =	dma.local [hbm:s3], $0xF7A  }
0x26: {  	[smem:$0x3F8A] =	sst s1;
	(tag) =	ssettag s2;
	_ =	strace s9  }
0x27: {  	s1 =	sld [smem:$0x3F9A]  }
0x28: {  	s2 =	sld [smem:$0x3F9B]  }
0x29: {  	s4 =	sld [smem:$0x3F9D]  }
0x2a: {  	p0 =	seq.s32 s5, $0x0;
	s5 =	sld [smem:$0x3F9E]  }
0x2b: {  	s6 =	sld [smem:$0x3F9F]  }
0x2c: {  	s7 =	sld [smem:$0x3FA0]  }
0x2d: {  	s3 =	simm.s32 $0x108;
	s8 =	sld [smem:$0x3FA1]  }
0x2e: {  	s3 =	simm.s32 @!p0 $0x1082;
	s9 =	sld [smem:$0x3FA2]  }
0x2f: {  	lr =	sadd.s32 s0, s3;
	s0 =	sld [smem:$0x3F99]  }
0x30: {  	s3 =	sld [smem:$0x3F9C]  }
0x31: {  	[smem:$0x3FA5] =	sst s10  }
0x32: {  	s10 =	sld [smem:$0x3FA3];
	_ =	sdelay $0x3  }
0x33: {  	p0 =	seq.s32 s10, $0x1;
	s10 =	sld [smem:$0x3FA5];
	_ =	sdelay $0x3  }
0x34: {  	[smem:$0x3FA5] =	sst s10  }
0x35: {  	s10 =	sld [smem:$0x3FA4];
	_ =	sdelay $0x3  }
0x36: {  	p1 =	seq.s32 s10, $0x1;
	s10 =	sld [smem:$0x3FA5];
	_ =	sdelay $0x3  }
0x37: {  	[smem:$0x3FA5] =	sst s10  }
0x38: {  	s10 =	sld [smem:$0x3FA6]  }
0x39: {  	_ = 	snop;
	(pc) =	sbr.ind lr, $3  }
0x3a: {  	_ = 	snop  }
0x3b: {  	_ = 	snop  }
0x3c: {  	p2 =	seq.s32 s10, $0x1;
	s10 =	sld [smem:$0x3FA5]  }
0x3d: {  	_ =	shalt  }
0x3e: {  	_ =	shalt  }
0x3f: {  	_ =	shalt  }
0x40: {  	_ =	shalt  }
0x41: {  	_ =	shalt  }
0x42: {  	_ =	shalt  }
0x43: {  	_ =	shalt  }
0x44: {  	_ =	shalt  }
0x45: {  	_ =	shalt  }
0x46: {  	_ =	shalt  }
0x47: {  	_ =	shalt  }
0x48: {  	_ =	shalt  }
0x49: {  	_ =	shalt  }
0x4a: {  	_ =	shalt  }
0x4b: {  	_ =	shalt  }
0x4c: {  	_ =	shalt  }
0x4d: {  	_ =	shalt  }
0x4e: {  	_ =	shalt  }
0x4f: {  	_ =	shalt  }
0x50: {  	_ =	shalt  }
0x51: {  	_ =	shalt  }
0x52: {  	_ =	shalt  }
0x53: {  	_ =	shalt  }
0x54: {  	_ =	shalt  }
0x55: {  	_ =	shalt  }
0x56: {  	_ =	shalt  }
0x57: {  	_ =	shalt  }
0x58: {  	_ =	shalt  }
0x59: {  	_ =	shalt  }
0x5a: {  	_ =	shalt  }
0x5b: {  	_ =	shalt  }
0x5c: {  	_ =	shalt  }
0x5d: {  	_ =	shalt  }
0x5e: {  	_ =	shalt  }
0x5f: {  	_ =	shalt  }
0x60: {  	_ =	shalt  }
0x61: {  	_ =	shalt  }
0x62: {  	_ =	shalt  }
0x63: {  	_ =	shalt  }
0x64: {  	_ =	shalt  }
0x65: {  	_ =	shalt  }
0x66: {  	_ =	shalt  }
0x67: {  	_ =	shalt  }
0x68: {  	_ =	shalt  }
0x69: {  	_ =	shalt  }
0x6a: {  	_ =	shalt  }
0x6b: {  	_ =	shalt  }
0x6c: {  	_ =	shalt  }
0x6d: {  	_ =	shalt  }
0x6e: {  	_ =	shalt  }
0x6f: {  	_ =	shalt  }
0x70: {  	_ =	shalt  }
0x71: {  	_ =	shalt  }
0x72: {  	_ =	shalt  }
0x73: {  	_ =	shalt  }
0x74: {  	_ =	shalt  }
0x75: {  	_ =	shalt  }
0x76: {  	_ =	shalt  }
0x77: {  	_ =	shalt  }
0x78: {  	_ =	shalt  }
0x79: {  	_ =	shalt  }
0x7a: {  	_ =	shalt  }
0x7b: {  	_ =	shalt  }
0x7c: {  	_ =	shalt  }
0x7d: {  	_ =	shalt  }
0x7e: {  	_ =	shalt  }
0x7f: {  	_ =	shalt  }
0x80: {  	_ =	shalt  }
0x81: {  	_ =	shalt  }
0x82: {  	_ =	shalt  }
0x83: {  	_ =	shalt  }
0x84: {  	_ =	shalt  }
0x85: {  	_ =	shalt  }
0x86: {  	_ =	shalt  }
0x87: {  	_ =	shalt  }
.Lfunc_end0:
.L_simem_size_0:
called_computation.1_lowered:
.L_overlay_start_0:
0x88: {  	s2 =	sld [smem:$0x3FD9]  }
0x89: {  	s3 =	sld [smem:$0x3FFE];
	_ =	sdelay $0x1  }
0x8a: {  	s1 =	srdreg.scid  }
0x8b: {  	s0 =	sand.u32 $0x1, s1  }
0x8c: {  	s16 =	sshll.u32 s0, $0xA;
	s2 =	sadd.s32 s3, s2  }
0x8d: {  	s2 =	sadd.s32 s2, s16  }
0x8e: {  	[smem:$0x3FB1] =	sst s2  }
0x8f: {  	_ = 	snop  }
0x90: {  	(tm) =	ssettm $0x1  }
0x91: {  	s17 =	sld [smem:$0x3FFB];
	_ =	sdelay $0x3  }
0x92: {  	_ =	strace s17  }
0x93: {  	s2 =	sld [smem:$0x3FFC];
	_ =	sdelay $0x3  }
0x94: {  	_ =	strace s2  }
0x95: {  	s2 =	sld [smem:$0x3FFD];
	_ =	sdelay $0x3  }
0x96: {  	_ =	strace s2  }
0x97: {  	_ =	strace $0x8FFFFFFF  }
0x98: {  	s18 =	sld [smem:$0x3FDB];
	_ =	sdelay $0x1  }
0x99: {  	s19 =	simm.s32 $_scs_section_size  }
0x9a: {  	s4 =	simm.s32 $_size__tile_overlayer_lowered;
	s5 =	simm.s32 $_tile_overlayer_lowered  }
0x9b: {  	s22 =	simm.s32 $0x1BFF;
	s21 =	sshll.u32 s5, $0x1;
	s2 =	sadd.s32 s19, s18  }
0x9c: {  	s6 =	simm.s32 $0x0;
	s20 =	sshll.u32 s4, $0x1;
	s4 =	sadd.s32 s21, s2  }
0x9d: {  	[timem:s6], [sflag:s22] =	dma.local [hbm:s4], s20  }
0x9e: {  	_ =	swait.ge [sflag:s22], s20  }
0x9f: {  	s3 =	ssub.s32 $0x0, s20;
	[sflag:s22] =	ssyncset.done $0x0  }
0xa0: {  	[sflag:s22] =	ssyncadd.s32 s3;
	_ =	sdelay $0x1  }
0xa1: {  	s23 =	simm.s32 $0x1B8B  }
0xa2: {  	_ =	swait.ge [sflag:s23], $0x1  }
0xa3: {  	[sflag:s23] =	ssyncset.done $0x0  }
0xa4: {  	s25 =	simm.s32 $0x1B8E;
	s24 =	sld [smem:$0x3FFE];
	[sflag:s23] =	ssyncadd.s32 $0xFFFFFFFF  }
0xa5: {  	s26 =	simm.s32 $execute0_lowered;
	[smem:$0x3FD2] =	sst s25  }
0xa6: {  	s4 =	sshll.u32 s26, $0x1;
	_ =	strace $0x80000049;
	[dreg:$0x1] =	wrdreg $0xFFFFFFFF  }
0xa7: {  	s28 =	simm.s32 $_size_execute0_lowered;
	s2 =	sadd.s32 s2, s4;
	[dreg:$0x0] =	wrdreg $0x0  }
0xa8: {  	s4 =	sshll.u32 s28, $0x1;
	[dreg:$0x2] =	wrdreg s2  }
0xa9: {  	[dreg:$0x3] =	wrdreg s4  }
0xaa: {  	[dreg:$0x4] =	wrdreg $0xC0  }
0xab: {  	_ =	task [dreg:s6], $0x5FFFF  }
0xac: {  	[dreg:$0x1] =	wrdreg $0xFFFFFFFF  }
0xad: {  	[dreg:$0x0] =	wrdreg $0x60  }
0xae: {  	[dreg:$0x2] =	wrdreg s24  }
0xaf: {  	[dreg:$0x3] =	wrdreg $0xA4000  }
0xb0: {  	[dreg:$0x4] =	wrdreg $0x9  }
0xb1: {  	_ =	task.clear_ibuf [dreg:s6], $0x5FFFF;
	_ =	strace $0x90000049  }
0xb2: {  	s29 =	simm.s32 $0x9;
	_ =	strace $0x8000004B  }
0xb3: {  	_ =	swait.ge [sflag:s29], $0x1  }
0xb4: {  	[sflag:s29] =	ssyncadd.s32 $0xFFFFFFFF  }
0xb5: {  	_ =	strace $0x9000004B  }
0xb6: {  	_ =	sfence  }
0xb7: {  	s30 =	sld [smem:$0x0];
	_ =	sdelay $0x2  }
0xb8: {  	s31 =	sshll.u32 s1, $0xD;
	s1 =	sshrl.u32 s1, $0x2  }
0xb9: {  	s3 =	sand.u32 $0x4000, s31;
	s1 =	sadd.s32 s1, s30  }
0xba: {  	s0 =	sor.u32 s3, s0;
	s1 =	sshll.u32 s1, $0x11  }
0xbb: {  	s0 =	sor.u32 s1, s0  }
0xbc: {  	s0 =	sadd.s32 $0x8F2B, s0  }
0xbd: {  	[sflag:s0] =	ssyncadd.remote.s32 $0x1  }
0xbe: {  	_ =	sfence.sel $0xFFFF  }
0xbf: {  	[dreg:$0x0] =	wrdreg $0xFFFFFFFF;
	(pc) =	sbr.abs _section_cstart, $3  }
0xc0: {  	[dreg:$0x1] =	wrdreg $0xFFFFFFFF  }
0xc1: {  	_ =	task.clear_ibuf [dreg:s6], $0x2FFFF;
	_ =	strace $0x9FFFFFFF  }
0xc2: {  	(tm) =	ssettm $0x7FFFFFFF  }
0xc3: {  	_ =	shalt  }
tec
execute0_lowered:
.L_overlay_start_1:
0x0: {  	(tag) =	ssettag $0x1  }
0x1: {  	s0 =	rddreg [dreg:$0x0]  }
0x2: {  	s1 =	rddreg [dreg:$0x1];
	s2 =	simm.s32 $0x0  }
0x3: {  	s3 =	srdreg.scid;
	s24 =	stileid.u32;
	s20 =	simm.s32 $0x4BC00  }
0x4: {  	s31 =	simm.s32 $0x5;
	[smem:$0x7FF] =	sst s2;
	s4 =	sadd.s32 $0x24A00, s0  }
0x5: {  	s3 =	sand.u32 $0x1, s3;
	s5 =	sadd.s32 $0x4A00, s0;
	s10 =	smul.u32 $0x280, s24  }
0x6: {  	s9 =	sshll.u32 s24, $0xB;
	s6 =	sadd.s32 $0x14A00, s0;
	s26 =	smul.u32 $0x2800, s24  }
0x7: {  	_ =	strace $0x8000004A;
	s8 =	ssub.s32 $0x2, s3;
	s7 =	sshll.u32 s3, $0xF  }
0x8: {  	p0 =	seq.s32 s3, $0x0;
	s11 =	sshrl.u32 s8, $0x1;
	s7 =	sor.u32 s9, s7  }
0x9: {  	s12 =	sadd.s32 $0xA0, s10;
	s13 =	sadd.s32 $0xF0, s10;
	s14 =	sadd.s32 $0x140, s10  }
0xa: {  	s15 =	sadd.s32 $0x190, s10;
	s16 =	sadd.s32 $0x1E0, s10;
	s20 =	simm.s32 @!p0 $0x73C00  }
0xb: {  	s8 =	ssub.s32 s8, s11;
	s9 =	sor.u32 $0x10, s7;
	s11 =	sor.u32 $0x50, s10  }
0xc: {  	s10 =	sadd.s32 $0x230, s10;
	s18 =	sshll.u32 s12, $0x4;
	s19 =	sshll.u32 s13, $0x4  }
0xd: {  	s21 =	sshll.u32 s14, $0x4;
	s22 =	sshll.u32 s15, $0x4;
	s23 =	sshll.u32 s16, $0x4  }
0xe: {  	s0 =	sadd.s32 s20, s0;
	s12 =	sshll.u32 s12, $0x7;
	s13 =	sshll.u32 s13, $0x7  }
0xf: {  	s14 =	sshll.u32 s14, $0x7;
	s17 =	sshll.u32 s11, $0x4;
	s3 =	sadd.s32 s0, s26  }
0x10: {  	s20 =	sshll.u32 s10, $0x4;
	s18 =	sadd.s32 s0, s18;
	[dreg:$0x3] =	wrdreg s3  }
0x11: {  	s25 =	sadd.s32 s0, s19;
	s26 =	sadd.s32 s0, s21;
	[dreg:$0x5] =	wrdreg s18  }
0x12: {  	s19 =	sadd.s32 s5, s9;
	s21 =	sor.u32 $0x20, s7;
	[dreg:$0x6] =	wrdreg s25  }
0x13: {  	s28 =	sadd.s32 s12, s1;
	s29 =	sadd.s32 s13, s1;
	[dreg:$0x7] =	wrdreg s26  }
0x14: {  	s30 =	sadd.s32 s14, s1;
	s12 =	simm.s32 $0x180;
	[dreg:$0xb] =	wrdreg s19  }
0x15: {  	s13 =	simm.s32 $0x380;
	s14 =	simm.s32 $0x7C00;
	[dreg:$0x13] =	wrdreg s28  }
0x16: {  	s17 =	sadd.s32 s0, s17;
	s18 =	sadd.s32 s0, s23;
	[dreg:$0x14] =	wrdreg s29  }
0x17: {  	s23 =	sadd.s32 s5, s21;
	s25 =	sshll.u32 s11, $0x7;
	[dreg:$0x15] =	wrdreg s30  }
0x18: {  	s11 =	simm.s32 $0x100;
	[dreg:$0x4] =	wrdreg s17;
	s17 =	sadd.s32 s0, s22  }
0x19: {  	[dreg:$0x9] =	wrdreg s18;
	s0 =	sadd.s32 s0, s20;
	s20 =	sadd.s32 s6, s9  }
0x1a: {  	s22 =	smul.u32 $0x50000, s24;
	[dreg:$0xd] =	wrdreg s23;
	s24 =	sor.u32 $0x30, s7  }
0x1b: {  	s18 =	sshll.u32 s16, $0x7;
	s23 =	smax.u32 s8, $0x1;
	[dreg:$0x8] =	wrdreg s17  }
0x1c: {  	s8 =	simm.s32 $0x200;
	s9 =	simm.s32 $0x5400;
	[dreg:$0xa] =	wrdreg s0  }
0x1d: {  	[dreg:$0xc] =	wrdreg s20;
	s0 =	sadd.s32 s6, s21;
	s26 =	sadd.s32 s5, s24  }
0x1e: {  	s17 =	sshll.u32 s15, $0x7;
	s20 =	sshll.u32 s10, $0x7;
	[dreg:$0x19] =	wrdreg s23  }
0x1f: {  	s21 =	sadd.s32 s18, s1;
	s10 =	simm.s32 $0x280;
	[dreg:$0xe] =	wrdreg s0  }
0x20: {  	s15 =	simm.s32 $0x9;
	s18 =	simm.s32 $0x400;
	[dreg:$0xf] =	wrdreg s26  }
0x21: {  	s23 =	simm.s32 $0x0;
	s0 =	sadd.s32 s6, s24;
	[dreg:$0x17] =	wrdreg s21  }
0x22: {  	s3 =	sshrl.u32 s22, $0x2;
	s22 =	sadd.s32 s20, s1;
	[dreg:$0x10] =	wrdreg s0  }
0x23: {  	s26 =	sadd.s32 s25, s1;
	s24 =	sadd.s32 s5, s7;
	[dreg:$0x18] =	wrdreg s22  }
.Ltmp0:
0x24: {  	s25 =	sadd.s32 s6, s7;
	[dreg:$0x1a] =	wrdreg s24;
	(pc) =	sbr.rel .LBB2_1-.Ltmp0, $4  }
0x25: {  	s20 =	simm.s32 $0x2C00;
	s21 =	simm.s32 $0x3;
	[dreg:$0x1b] =	wrdreg s25  }
0x26: {  	s19 =	sadd.s32 s3, s1;
	s0 =	sadd.s32 s17, s1;
	[dreg:$0x12] =	wrdreg s26  }
0x27: {  	s17 =	simm.s32 $0x50;
	s3 =	simm.s32 $0x6;
	[dreg:$0x16] =	wrdreg s0  }
0x28: {  	v0 =	vimm.f32 $0.0e+00;
	s22 =	simm.s32 $0x8;
	s0 =	simm.s32 $0x4;
	[dreg:$0x11] =	wrdreg s19  }
.LBB2_6:
0x29: {  	[bflag:$0x0] =	sbarrier.arrive $0xFFFF  }
0x2a: {  	s19 =	rddreg [dreg:$0x11]  }
0x2b: {  	[tilespmem:s14], [sflag:$0x9] =	stream.linear.gather [spmem:s19], $0x2800, $0x38;
	[tilespmem:$0x1E400] =	vst v63  }
0x2c: {  	_ =	swait.ge [sflag:s15], $0x2800  }
0x2d: {  	[sflag:s15] =	ssyncset.done $0x0  }
0x2e: {  	s16 =	rddreg [dreg:$0x3];
	[sflag:s15] =	ssyncadd.s32 $0xFFFFD800  }
0x2f: {  	[hbm4b:s16+s2] =	stream.linear.scatter [tilespmem:s14], [sflag:$0x9], $0x2800, $0x38;
	[tilespmem:$0x1E400] =	vst v63  }
0x30: {  	_ =	swait.ge [sflag:s15], $0x2800  }
0x31: {  	[sflag:s15] =	ssyncset.done $0x0  }
0x32: {  	s26 =	rddreg [dreg:$0x12];
	[sflag:s15] =	ssyncadd.s32 $0xFFFFD800  }
0x33: {  	[tilespmem:s14], [sflag:$0x9] =	stream.linear.gather [spmem:s26], $0x2800, $0x38;
	[tilespmem:$0x1E400] =	vst v63  }
0x34: {  	_ =	swait.ge [sflag:s15], $0x2800  }
0x35: {  	[sflag:s15] =	ssyncset.done $0x0  }
0x36: {  	s25 =	rddreg [dreg:$0x4];
	[sflag:s15] =	ssyncadd.s32 $0xFFFFD800  }
0x37: {  	[hbm4b:s25+s2] =	stream.linear.scatter [tilespmem:s14], [sflag:$0x9], $0x2800, $0x38;
	[tilespmem:$0x1E400] =	vst v63  }
0x38: {  	_ =	swait.ge [sflag:s15], $0x2800  }
0x39: {  	[sflag:s15] =	ssyncset.done $0x0  }
0x3a: {  	s28 =	rddreg [dreg:$0x13];
	[sflag:s15] =	ssyncadd.s32 $0xFFFFD800  }
0x3b: {  	[tilespmem:s14], [sflag:$0x9] =	stream.linear.gather [spmem:s28], $0x2800, $0x38;
	[tilespmem:$0x1E400] =	vst v63  }
0x3c: {  	_ =	swait.ge [sflag:s15], $0x2800  }
0x3d: {  	[sflag:s15] =	ssyncset.done $0x0  }
0x3e: {  	s24 =	rddreg [dreg:$0x5];
	[sflag:s15] =	ssyncadd.s32 $0xFFFFD800  }
0x3f: {  	[hbm4b:s24+s2] =	stream.linear.scatter [tilespmem:s14], [sflag:$0x9], $0x2800, $0x38;
	[tilespmem:$0x1E400] =	vst v63  }
0x40: {  	_ =	swait.ge [sflag:s15], $0x2800  }
0x41: {  	[sflag:s15] =	ssyncset.done $0x0  }
0x42: {  	s29 =	rddreg [dreg:$0x14];
	[sflag:s15] =	ssyncadd.s32 $0xFFFFD800  }
0x43: {  	[tilespmem:s14], [sflag:$0x9] =	stream.linear.gather [spmem:s29], $0x2800, $0x38;
	[tilespmem:$0x1E400] =	vst v63  }
0x44: {  	_ =	swait.ge [sflag:s15], $0x2800  }
0x45: {  	[sflag:s15] =	ssyncset.done $0x0  }
0x46: {  	s25 =	rddreg [dreg:$0x6];
	[sflag:s15] =	ssyncadd.s32 $0xFFFFD800  }
0x47: {  	[hbm4b:s25+s2] =	stream.linear.scatter [tilespmem:s14], [sflag:$0x9], $0x2800, $0x38;
	[tilespmem:$0x1E400] =	vst v63  }
0x48: {  	_ =	swait.ge [sflag:s15], $0x2800  }
0x49: {  	[sflag:s15] =	ssyncset.done $0x0  }
0x4a: {  	s30 =	rddreg [dreg:$0x15];
	[sflag:s15] =	ssyncadd.s32 $0xFFFFD800  }
0x4b: {  	[tilespmem:s14], [sflag:$0x9] =	stream.linear.gather [spmem:s30], $0x2800, $0x38;
	[tilespmem:$0x1E400] =	vst v63  }
0x4c: {  	_ =	swait.ge [sflag:s15], $0x2800  }
0x4d: {  	[sflag:s15] =	ssyncset.done $0x0  }
0x4e: {  	s24 =	rddreg [dreg:$0x7];
	[sflag:s15] =	ssyncadd.s32 $0xFFFFD800  }
0x4f: {  	[hbm4b:s24+s2] =	stream.linear.scatter [tilespmem:s14], [sflag:$0x9], $0x2800, $0x38;
	[tilespmem:$0x1E400] =	vst v63  }
0x50: {  	_ =	swait.ge [sflag:s15], $0x2800  }
0x51: {  	[sflag:s15] =	ssyncset.done $0x0  }
0x52: {  	s25 =	rddreg [dreg:$0x16];
	[sflag:s15] =	ssyncadd.s32 $0xFFFFD800  }
0x53: {  	[tilespmem:s14], [sflag:$0x9] =	stream.linear.gather [spmem:s25], $0x2800, $0x38;
	[tilespmem:$0x1E400] =	vst v63  }
0x54: {  	_ =	swait.ge [sflag:s15], $0x2800  }
0x55: {  	[sflag:s15] =	ssyncset.done $0x0  }
0x56: {  	s24 =	rddreg [dreg:$0x8];
	[sflag:s15] =	ssyncadd.s32 $0xFFFFD800  }
0x57: {  	[hbm4b:s24+s2] =	stream.linear.scatter [tilespmem:s14], [sflag:$0x9], $0x2800, $0x38;
	[tilespmem:$0x1E400] =	vst v63  }
0x58: {  	_ =	swait.ge [sflag:s15], $0x2800  }
0x59: {  	[sflag:s15] =	ssyncset.done $0x0  }
0x5a: {  	s25 =	rddreg [dreg:$0x17];
	[sflag:s15] =	ssyncadd.s32 $0xFFFFD800  }
0x5b: {  	[tilespmem:s14], [sflag:$0x9] =	stream.linear.gather [spmem:s25], $0x2800, $0x38;
	[tilespmem:$0x1E400] =	vst v63  }
0x5c: {  	_ =	swait.ge [sflag:s15], $0x2800  }
0x5d: {  	[sflag:s15] =	ssyncset.done $0x0  }
0x5e: {  	s24 =	rddreg [dreg:$0x9];
	[sflag:s15] =	ssyncadd.s32 $0xFFFFD800  }
0x5f: {  	[hbm4b:s24+s2] =	stream.linear.scatter [tilespmem:s14], [sflag:$0x9], $0x2800, $0x38;
	[tilespmem:$0x1E400] =	vst v63  }
0x60: {  	_ =	swait.ge [sflag:s15], $0x2800  }
0x61: {  	[sflag:s15] =	ssyncset.done $0x0  }
0x62: {  	s25 =	rddreg [dreg:$0x18];
	[sflag:s15] =	ssyncadd.s32 $0xFFFFD800  }
0x63: {  	[tilespmem:s14], [sflag:$0x9] =	stream.linear.gather [spmem:s25], $0x2800, $0x38;
	[tilespmem:$0x1E400] =	vst v63  }
0x64: {  	_ =	swait.ge [sflag:s15], $0x2800  }
0x65: {  	[sflag:s15] =	ssyncset.done $0x0  }
0x66: {  	s24 =	rddreg [dreg:$0xa];
	[sflag:s15] =	ssyncadd.s32 $0xFFFFD800  }
0x67: {  	[hbm4b:s24+s2] =	stream.linear.scatter [tilespmem:s14], [sflag:$0x9], $0x2800, $0x38;
	[tilespmem:$0x1E400] =	vst v63  }
0x68: {  	_ =	swait.ge [sflag:s15], $0x2800  }
0x69: {  	s23 =	sadd.s32 $0x1, s23;
	s25 =	rddreg [dreg:$0x19]  }
0x6a: {  	p0 =	sne.s32 s23, s25  }
.Ltmp1:
0x6b: {  	_ = 	snop;
	(pc) =	sbr.rel @!p0 .LBB2_7-.Ltmp1, $3  }
0x6c: {  	_ =	sdelay $0x1  }
0x6d: {  	[sflag:s15] =	ssyncset.done $0x0  }
0x6e: {  	[sflag:s15] =	ssyncadd.s32 $0xFFFFD800  }
.LBB2_1:
0x6f: {  	s16 =	rddreg [dreg:$0x1a]  }
0x70: {  	[tilespmem:s2], [sflag:$0x1] =	stream.linear.gather [hbm4b:s16+s2], $0x80, $0x38;
	[tilespmem:$0x1E400] =	vst v63  }
0x71: {  	s24 =	rddreg [dreg:$0x1b]  }
0x72: {  	[tilespmem:s8], [sflag:$0x1] =	stream.linear.gather [hbm4b:s24+s2], $0x80, $0x38;
	[tilespmem:$0x1E400] =	vst v63  }
0x73: {  	s25 =	rddreg [dreg:$0xb];
	s24 =	simm.s32 $0x80  }
0x74: {  	[tilespmem:s24], [sflag:$0x2] =	stream.linear.gather [hbm4b:s25+s2], $0x80, $0x38;
	[tilespmem:$0x1E400] =	vst v63  }
0x75: {  	s24 =	rddreg [dreg:$0xc]  }
0x76: {  	[tilespmem:s10], [sflag:$0x2] =	stream.linear.gather [hbm4b:s24+s2], $0x80, $0x38;
	[tilespmem:$0x1E400] =	vst v63  }
0x77: {  	s25 =	rddreg [dreg:$0xd]  }
0x78: {  	[tilespmem:s11], [sflag:$0x3] =	stream.linear.gather [hbm4b:s25+s2], $0x80, $0x38;
	[tilespmem:$0x1E400] =	vst v63  }
0x79: {  	s24 =	rddreg [dreg:$0xe];
	s25 =	simm.s32 $0x300  }
0x7a: {  	[tilespmem:s25], [sflag:$0x3] =	stream.linear.gather [hbm4b:s24+s2], $0x80, $0x38;
	[tilespmem:$0x1E400] =	vst v63  }
0x7b: {  	s24 =	rddreg [dreg:$0xf]  }
0x7c: {  	[tilespmem:s12], [sflag:$0x4] =	stream.linear.gather [hbm4b:s24+s2], $0x80, $0x38;
	[tilespmem:$0x1E400] =	vst v63  }
0x7d: {  	s25 =	rddreg [dreg:$0x10]  }
0x7e: {  	[tilespmem:s13], [sflag:$0x4] =	stream.linear.gather [hbm4b:s25+s2], $0x80, $0x38;
	[tilespmem:$0x1E400] =	vst v63  }
0x7f: {  	s24 =	simm.s32 $0x0;
	s25 =	simm.s32 $0x200  }
.LBB2_2:
0x80: {  	p0 =	sne.s32 s25, $0x9E00;
	[tilespmem:s24+$0x7C70] =	vst v0  }
0x81: {  	[tilespmem:s24+$0x7C00] =	vst v0  }
0x82: {  	[tilespmem:s24+$0x7C10] =	vst v0  }
.Ltmp2:
0x83: {  	[tilespmem:s24+$0x7C20] =	vst v0;
	(pc) =	sbr.rel @p0 .LBB2_2-.Ltmp2, $4  }
0x84: {  	[tilespmem:s24+$0x7C30] =	vst v0  }
0x85: {  	[tilespmem:s24+$0x7C40] =	vst v0  }
0x86: {  	[tilespmem:s24+$0x7C50] =	vst v0  }
0x87: {  	[tilespmem:s24+$0x7C60] =	vst v0;
	s24 =	sshra.s32 s25, $0x2;
	s25 =	sadd.s32 $0x200, s25  }
0x88: {  	[tilespmem:s24+$0x7C70] =	vst v0  }
0x89: {  	[tilespmem:s24+$0x7C00] =	vst v0  }
0x8a: {  	[tilespmem:s24+$0x7C10] =	vst v0  }
0x8b: {  	[tilespmem:s24+$0x7C20] =	vst v0  }
0x8c: {  	[tilespmem:s24+$0x7C30] =	vst v0  }
0x8d: {  	[tilespmem:s24+$0x7C40] =	vst v0  }
0x8e: {  	[tilespmem:s24+$0x7C50] =	vst v0  }
0x8f: {  	[tilespmem:s24+$0x7C60] =	vst v0  }
0x90: {  	[spmem:s19] =	stream.linear.scatter [tilespmem:s14], [sflag:$0x9], $0x2800, $0x38;
	[tilespmem:$0x1E400] =	vst v63  }
0x91: {  	_ =	swait.ge [sflag:s15], $0x2800  }
0x92: {  	[sflag:s15] =	ssyncset.done $0x0  }
0x93: {  	[sflag:s15] =	ssyncadd.s32 $0xFFFFD800  }
0x94: {  	[spmem:s26] =	stream.linear.scatter [tilespmem:s14], [sflag:$0x9], $0x2800, $0x38;
	[tilespmem:$0x1E400] =	vst v63  }
0x95: {  	_ =	swait.ge [sflag:s15], $0x2800  }
0x96: {  	[sflag:s15] =	ssyncset.done $0x0  }
0x97: {  	[sflag:s15] =	ssyncadd.s32 $0xFFFFD800  }
0x98: {  	[spmem:s28] =	stream.linear.scatter [tilespmem:s14], [sflag:$0x9], $0x2800, $0x38;
	[tilespmem:$0x1E400] =	vst v63  }
0x99: {  	_ =	swait.ge [sflag:s15], $0x2800  }
0x9a: {  	[sflag:s15] =	ssyncset.done $0x0  }
0x9b: {  	[sflag:s15] =	ssyncadd.s32 $0xFFFFD800  }
0x9c: {  	[spmem:s29] =	stream.linear.scatter [tilespmem:s14], [sflag:$0x9], $0x2800, $0x38;
	[tilespmem:$0x1E400] =	vst v63  }
0x9d: {  	_ =	swait.ge [sflag:s15], $0x2800  }
0x9e: {  	[sflag:s15] =	ssyncset.done $0x0  }
0x9f: {  	[sflag:s15] =	ssyncadd.s32 $0xFFFFD800  }
0xa0: {  	[spmem:s30] =	stream.linear.scatter [tilespmem:s14], [sflag:$0x9], $0x2800, $0x38;
	[tilespmem:$0x1E400] =	vst v63  }
0xa1: {  	_ =	swait.ge [sflag:s15], $0x2800  }
0xa2: {  	[sflag:s15] =	ssyncset.done $0x0  }
0xa3: {  	s16 =	rddreg [dreg:$0x16];
	[sflag:s15] =	ssyncadd.s32 $0xFFFFD800  }
0xa4: {  	[spmem:s16] =	stream.linear.scatter [tilespmem:s14], [sflag:$0x9], $0x2800, $0x38;
	[tilespmem:$0x1E400] =	vst v63  }
0xa5: {  	_ =	swait.ge [sflag:s15], $0x2800  }
0xa6: {  	[sflag:s15] =	ssyncset.done $0x0  }
0xa7: {  	s25 =	rddreg [dreg:$0x17];
	[sflag:s15] =	ssyncadd.s32 $0xFFFFD800  }
0xa8: {  	[spmem:s25] =	stream.linear.scatter [tilespmem:s14], [sflag:$0x9], $0x2800, $0x38;
	[tilespmem:$0x1E400] =	vst v63  }
0xa9: {  	_ =	swait.ge [sflag:s15], $0x2800  }
0xaa: {  	[sflag:s15] =	ssyncset.done $0x0  }
0xab: {  	s26 =	rddreg [dreg:$0x18];
	[sflag:s15] =	ssyncadd.s32 $0xFFFFD800  }
0xac: {  	[spmem:s26] =	stream.linear.scatter [tilespmem:s14], [sflag:$0x9], $0x2800, $0x38;
	[tilespmem:$0x1E400] =	vst v63  }
0xad: {  	_ =	swait.ge [sflag:s15], $0x2800  }
0xae: {  	[sflag:s15] =	ssyncset.done $0x0  }
0xaf: {  	[sflag:s15] =	ssyncadd.s32 $0xFFFFD800  }
0xb0: {  	s28 =	simm.s32 $0x1;
	[bflag:$0x0] =	sbarrier.arrive $0xFFFF  }
0xb1: {  	_ =	swait.ge [sflag:s28], $0x80  }
0xb2: {  	[sflag:s28] =	ssyncset.done $0x0  }
0xb3: {  	[sflag:s28] =	ssyncadd.s32 $0xFFFFFF80  }
0xb4: {  	_ =	swait.ge [sflag:s28], $0x80  }
0xb5: {  	[sflag:s28] =	ssyncset.done $0x0  }
0xb6: {  	s29 =	simm.s32 $0x2;
	[sflag:s28] =	ssyncadd.s32 $0xFFFFFF80  }
0xb7: {  	[tilespmem:s18], [sflag:$0x5] =	stream.indirect.gather [hbm4b:s4+s17], $0x80, s2, s17, $0xb8;
	[tilespmem:$0x1E400] =	vst v63  }
0xb8: {  	_ =	swait.ge [sflag:s29], $0x80  }
0xb9: {  	[sflag:s29] =	ssyncset.done $0x0  }
0xba: {  	[sflag:s29] =	ssyncadd.s32 $0xFFFFFF80  }
0xbb: {  	_ =	swait.ge [sflag:s29], $0x80  }
0xbc: {  	[sflag:s29] =	ssyncset.done $0x0  }
0xbd: {  	s30 =	simm.s32 $0x80;
	[sflag:s29] =	ssyncadd.s32 $0xFFFFFF80  }
0xbe: {  	[tilespmem:s20], [sflag:$0x6] =	stream.indirect.gather [hbm4b:s4+s17], $0x80, s30, s17, $0xb8;
	[tilespmem:$0x1E400] =	vst v63  }
0xbf: {  	_ =	swait.ge [sflag:s21], $0x80  }
0xc0: {  	[sflag:s21] =	ssyncset.done $0x0  }
0xc1: {  	[sflag:s21] =	ssyncadd.s32 $0xFFFFFF80  }
0xc2: {  	_ =	swait.ge [sflag:s21], $0x80  }
0xc3: {  	[sflag:s21] =	ssyncset.done $0x0  }
0xc4: {  	s24 =	simm.s32 $0x70;
	[sflag:s21] =	ssyncadd.s32 $0xFFFFFF80  }
0xc5: {  	[tilespmem:s9], [sflag:$0x7] =	stream.indirect.gather [hbm4b:s4+s17], $0x80, s11, s17, $0xb8;
	[tilespmem:$0x1E400] =	vst v63  }
.LBB2_4:
0xc6: {  	_ =	swait.ge [sflag:s31], $0x2800;
	p0 =	seq.s32 s24, $0x830  }
0xc7: {  	[sflag:s31] =	ssyncset.done $0x0;
	s25 =	sadd.s32 @!p0 $0xFFFFFFD0, s24  }
0xc8: {  	[sflag:s31] =	ssyncadd.s32 $0xFFFFD800;
	s26 =	sadd.s32 @!p0 s7, s25  }
0xc9: {  	[spmem:s1] =	stream.indirect.scatter.add.f32 [tilespmem:s18], [sflag:$0x9], $0x80, s8, s17, $0xb8;
	[tilespmem:$0x1E400] =	vst v63  }
0xca: {  	s25 =	sand.u32 @!p0 $0x40, s25;
	s26 =	sand.u32 @!p0 $0x1FF80, s26;
	_ =	swait.ge [sflag:s15], $0x2800  }
0xcb: {  	s26 =	sor.u32 @!p0 s25, s26;
	[sflag:s15] =	ssyncset.done $0x0  }
0xcc: {  	s25 =	simm.s32 @!p0 $0x0;
	s28 =	sadd.s32 @!p0 s5, s26;
	[sflag:s15] =	ssyncadd.s32 $0xFFFFD800  }
0xcd: {  	[tilespmem:s25], [sflag:$0x1] =	stream.linear.gather @!p0 [hbm4b:s28+s25], $0x80, $0x38;
	[tilespmem:$0x1E400] =	vst v63  }
0xce: {  	s26 =	sadd.s32 @!p0 s6, s26;
	s28 =	simm.s32 @!p0 $0x200  }
0xcf: {  	[tilespmem:s28], [sflag:$0x1] =	stream.linear.gather @!p0 [hbm4b:s26+s25], $0x80, $0x38;
	[tilespmem:$0x1E400] =	vst v63  }
0xd0: {  	_ =	swait.ge [sflag:s0], $0x80  }
0xd1: {  	[sflag:s0] =	ssyncset.done $0x0  }
0xd2: {  	[sflag:s0] =	ssyncadd.s32 $0xFFFFFF80  }
0xd3: {  	_ =	swait.ge [sflag:s0], $0x80  }
0xd4: {  	[sflag:s0] =	ssyncset.done $0x0  }
0xd5: {  	[sflag:s0] =	ssyncadd.s32 $0xFFFFFF80  }
0xd6: {  	[tilespmem:s14], [sflag:$0x8] =	stream.indirect.gather [hbm4b:s4+s17], $0x80, s12, s17, $0xb8;
	[tilespmem:$0x1E400] =	vst v63  }
0xd7: {  	_ =	swait.ge [sflag:s3], $0x2800  }
0xd8: {  	[sflag:s3] =	ssyncset.done $0x0  }
0xd9: {  	[sflag:s3] =	ssyncadd.s32 $0xFFFFD800  }
0xda: {  	[spmem:s1] =	stream.indirect.scatter.add.f32 [tilespmem:s20], [sflag:$0x9], $0x80, s10, s17, $0xb8;
	[tilespmem:$0x1E400] =	vst v63  }
0xdb: {  	_ =	swait.ge [sflag:s15], $0x2800  }
0xdc: {  	[sflag:s15] =	ssyncset.done $0x0  }
0xdd: {  	s26 =	simm.s32 @p0 $0x7;
	[sflag:s15] =	ssyncadd.s32 $0xFFFFD800  }
0xde: {  	_ =	swait.ge @p0 [sflag:s26], $0x2800  }
0xdf: {  	s29 =	simm.s32 @p0 $0x5400;
	[sflag:s26] =	ssyncset.done @p0 $0x0  }
0xe0: {  	s28 =	simm.s32 @p0 $0x300;
	[sflag:s26] =	ssyncadd.s32 @p0 $0xFFFFD800;
	s26 =	simm.s32 @p0 $0x50  }
0xe1: {  	[spmem:s1] =	stream.indirect.scatter.add.f32 @p0 [tilespmem:s29], [sflag:$0x9], $0x80, s28, s26, $0xb8;
	[tilespmem:$0x1E400] =	vst v63  }
0xe2: {  	s26 =	sadd.s32 @!p0 s24, s7  }
0xe3: {  	s30 =	sadd.s32 @!p0 $0xFFFFFFE0, s24;
	s28 =	simm.s32 @p0 $0x9;
	s29 =	sadd.s32 @!p0 $0xFFFFFFE0, s26  }
0xe4: {  	s30 =	sand.u32 @!p0 $0x50, s30;
	_ =	swait.ge @p0 [sflag:s28], $0x2800;
	s29 =	sand.u32 @!p0 $0x1FF80, s29  }
0xe5: {  	[sflag:s28] =	ssyncset.done @p0 $0x0;
	s29 =	sor.u32 @!p0 s30, s29  }
0xe6: {  	[sflag:s28] =	ssyncadd.s32 @p0 $0xFFFFD800;
	s30 =	simm.s32 @!p0 $0x80;
	s28 =	sadd.s32 @!p0 s5, s29  }
0xe7: {  	[tilespmem:s30], [sflag:$0x2] =	stream.linear.gather @!p0 [hbm4b:s28+s25], $0x80, $0x38;
	[tilespmem:$0x1E400] =	vst v63  }
0xe8: {  	s28 =	sadd.s32 @!p0 s6, s29;
	s29 =	simm.s32 @!p0 $0x280  }
0xe9: {  	[tilespmem:s29], [sflag:$0x2] =	stream.linear.gather @!p0 [hbm4b:s28+s25], $0x80, $0x38;
	[tilespmem:$0x1E400] =	vst v63  }
0xea: {  	s28 =	simm.s32 @!p0 $0x1  }
0xeb: {  	_ =	swait.ge @!p0 [sflag:s28], $0x80  }
0xec: {  	[sflag:s28] =	ssyncset.done @!p0 $0x0  }
0xed: {  	[sflag:s28] =	ssyncadd.s32 @!p0 $0xFFFFFF80  }
0xee: {  	_ =	swait.ge @!p0 [sflag:s28], $0x80  }
0xef: {  	[sflag:s28] =	ssyncset.done @!p0 $0x0  }
0xf0: {  	s29 =	simm.s32 @!p0 $0x400;
	[sflag:s28] =	ssyncadd.s32 @!p0 $0xFFFFFF80;
	s28 =	simm.s32 @!p0 $0x50  }
0xf1: {  	[tilespmem:s29], [sflag:$0x5] =	stream.indirect.gather @!p0 [hbm4b:s4+s28], $0x80, s25, s28, $0xb8;
	[tilespmem:$0x1E400] =	vst v63  }
0xf2: {  	s29 =	simm.s32 @!p0 $0x7  }
0xf3: {  	_ =	swait.ge @!p0 [sflag:s29], $0x2800  }
0xf4: {  	[sflag:s29] =	ssyncset.done @!p0 $0x0  }
0xf5: {  	s16 =	simm.s32 @!p0 $0x5400;
	[sflag:s29] =	ssyncadd.s32 @!p0 $0xFFFFD800;
	s29 =	simm.s32 @!p0 $0x300  }
0xf6: {  	[spmem:s1] =	stream.indirect.scatter.add.f32 @!p0 [tilespmem:s16], [sflag:$0x9], $0x80, s29, s28, $0xb8;
	[tilespmem:$0x1E400] =	vst v63  }
0xf7: {  	s19 =	sadd.s32 @!p0 $0xFFFFFFF0, s24;
	s26 =	sadd.s32 @!p0 $0xFFFFFFF0, s26;
	s16 =	simm.s32 @!p0 $0x9  }
0xf8: {  	s19 =	sand.u32 @!p0 $0x60, s19;
	s26 =	sand.u32 @!p0 $0x1FF80, s26;
	_ =	swait.ge @!p0 [sflag:s16], $0x2800  }
0xf9: {  	s19 =	sor.u32 @!p0 s19, s26;
	[sflag:s16] =	ssyncset.done @!p0 $0x0  }
0xfa: {  	s26 =	simm.s32 @!p0 $0x100;
	[sflag:s16] =	ssyncadd.s32 @!p0 $0xFFFFD800;
	s16 =	sadd.s32 @!p0 s5, s19  }
0xfb: {  	[tilespmem:s26], [sflag:$0x3] =	stream.linear.gather @!p0 [hbm4b:s16+s25], $0x80, $0x38;
	[tilespmem:$0x1E400] =	vst v63  }
0xfc: {  	s16 =	sadd.s32 @!p0 s6, s19  }
0xfd: {  	[tilespmem:s29], [sflag:$0x3] =	stream.linear.gather @!p0 [hbm4b:s16+s25], $0x80, $0x38;
	[tilespmem:$0x1E400] =	vst v63  }
0xfe: {  	s16 =	simm.s32 @!p0 $0x2  }
0xff: {  	_ =	swait.ge @!p0 [sflag:s16], $0x80  }
0x100: {  	[sflag:s16] =	ssyncset.done @!p0 $0x0  }
0x101: {  	[sflag:s16] =	ssyncadd.s32 @!p0 $0xFFFFFF80  }
0x102: {  	_ =	swait.ge @!p0 [sflag:s16], $0x80  }
0x103: {  	[sflag:s16] =	ssyncset.done @!p0 $0x0  }
0x104: {  	[sflag:s16] =	ssyncadd.s32 @!p0 $0xFFFFFF80;
	s16 =	simm.s32 @!p0 $0x2C00  }
0x105: {  	[tilespmem:s16], [sflag:$0x6] =	stream.indirect.gather @!p0 [hbm4b:s4+s28], $0x80, s30, s28, $0xb8;
	[tilespmem:$0x1E400] =	vst v63  }
0x106: {  	_ =	swait.ge [sflag:s22], $0x2800  }
0x107: {  	[sflag:s22] =	ssyncset.done $0x0  }
.Ltmp3:
0x108: {  	[sflag:s22] =	ssyncadd.s32 $0xFFFFD800;
	(pc) =	sbr.rel @p0 .LBB2_6-.Ltmp3, $4  }
0x109: {  	[spmem:s1] =	stream.indirect.scatter.add.f32 [tilespmem:s14], [sflag:$0x9], $0x80, s13, s17, $0xb8;
	[tilespmem:$0x1E400] =	vst v63  }
0x10a: {  	_ =	swait.ge [sflag:s15], $0x2800  }
0x10b: {  	[sflag:s15] =	ssyncset.done $0x0  }
0x10c: {  	[sflag:s15] =	ssyncadd.s32 $0xFFFFD800  }
0x10d: {  	s16 =	sadd.s32 s24, s7  }
0x10e: {  	s19 =	sand.u32 $0x70, s24;
	s16 =	sand.u32 $0x1FF80, s16  }
0x10f: {  	s16 =	sor.u32 s19, s16  }
0x110: {  	s19 =	sadd.s32 s5, s16  }
0x111: {  	[tilespmem:s12], [sflag:$0x4] =	stream.linear.gather [hbm4b:s19+s2], $0x80, $0x38;
	[tilespmem:$0x1E400] =	vst v63  }
0x112: {  	s16 =	sadd.s32 s6, s16  }
0x113: {  	[tilespmem:s13], [sflag:$0x4] =	stream.linear.gather [hbm4b:s16+s2], $0x80, $0x38;
	[tilespmem:$0x1E400] =	vst v63  }
0x114: {  	_ =	swait.ge [sflag:s21], $0x80  }
0x115: {  	[sflag:s21] =	ssyncset.done $0x0  }
.Ltmp4:
0x116: {  	[sflag:s21] =	ssyncadd.s32 $0xFFFFFF80;
	(pc) =	sbr.rel .LBB2_4-.Ltmp4, $4  }
0x117: {  	_ =	swait.ge [sflag:s21], $0x80  }
0x118: {  	[sflag:s21] =	ssyncset.done $0x0  }
0x119: {  	s24 =	sadd.s32 $0x40, s24;
	[sflag:s21] =	ssyncadd.s32 $0xFFFFFF80  }
0x11a: {  	[tilespmem:s9], [sflag:$0x7] =	stream.indirect.gather [hbm4b:s4+s17], $0x80, s11, s17, $0xb8;
	[tilespmem:$0x1E400] =	vst v63  }
.LBB2_7:
0x11b: {  	_ =	sfence.sel $0x180000  }
0x11c: {  	[bflag:$0x0] =	sbarrier.arrive $0xFFFF  }
0x11d: {  	_ =	strace $0x9000004A  }
0x11e: {  	s0 =	stileid.u32;
	[bflag:$0x2] =	sbarrier.arrive $0xFFFF  }
0x11f: {  	p0 =	sne.s32 s0, $0x0;
	s0 =	rddreg [dreg:$0x2]  }
0x120: {  	s0 =	sadd.s32 @!p0 $0x100000, s0  }
0x121: {  	[sflag:s0] =	ssyncadd.tile.s32 @!p0 $0x1;
	_ =	shalt  }
.Lfunc_end2:
_tile_overlayer_lowered:
.L_overlay_start_2:
0x122: {  	(tag) =	ssettag $0x2  }
0x123: {  	s0 =	rddreg [dreg:$0x0];
	s2 =	stileid.u32  }
0x124: {  	s1 =	rddreg [dreg:$0x1];
	p0 =	sne.s32 s2, $0x0  }
0x125: {  	s3 =	rddreg [dreg:$0x2];
	[bflag:$0x3] =	sbarrier.arrive $0xFFFF;
	s2 =	simm.s32 @!p0 $0x1C09  }
0x126: {  	[timem:s3], [sflag:s2] =	dma.local @!p0 [hbm:s0], s1  }
0x127: {  	s0 =	simm.s32 @!p0 $0x9  }
0x128: {  	_ =	swait.ge @!p0 [sflag:s0], s1  }
0x129: {  	s1 =	ssub.s32 @!p0 $0x0, s1;
	[sflag:s0] =	ssyncset.done @!p0 $0x0  }
0x12a: {  	[sflag:s0] =	ssyncadd.s32 @!p0 s1  }
0x12b: {  	[bflag:$0x3] =	sbarrier.arrive $0xFFFF  }
0x12c: {  	_ =	shalt  }

// kernel: kernel.9.cloned.1.call-start
scs
__scs_entry_jumppad:
0x0: {  	(pc) =	sbr.rel $0x88, $3  }
0x1: {  	(tag) =	ssettag $0x0;
	lr =	simm.s32 $0x1  }
0x2: {  	[smem:$0x3F8A] =	sst lr;
	_ =	strace $0xD0000000  }
0x3: {  	_ = 	snop  }
0x4: {  	_ = 	snop  }
0x5: {  	_ = 	snop  }
0x6: {  	_ = 	snop  }
0x7: {  	_ = 	snop  }
__scs_overlays_trampoline_lowered:
0x8: {  	[smem:$0x3F99] =	sst s0  }
0x9: {  	[smem:$0x3F9A] =	sst s1  }
0xa: {  	[smem:$0x3F9B] =	sst s2  }
0xb: {  	[smem:$0x3F9C] =	sst s3  }
0xc: {  	[smem:$0x3F9D] =	sst s4  }
0xd: {  	[smem:$0x3F9E] =	sst s5  }
0xe: {  	[smem:$0x3F9F] =	sst s6  }
0xf: {  	[smem:$0x3FA0] =	sst s7  }
0x10: {  	[smem:$0x3FA1] =	sst s8  }
0x11: {  	[smem:$0x3FA2] =	sst s9;
	s0 =	simm.s32 @!p0 $0x0  }
0x12: {  	s1 =	sld [smem:$0x3F88];
	s0 =	simm.s32 @p0 $0x1  }
0x13: {  	[smem:$0x3FA3] =	sst s0;
	s0 =	simm.s32 @!p1 $0x0  }
0x14: {  	s2 =	sld [smem:$0x3F87];
	s0 =	simm.s32 @p1 $0x1  }
0x15: {  	[smem:$0x3FA4] =	sst s0;
	s0 =	simm.s32 @!p2 $0x0  }
0x16: {  	s3 =	sld [smem:$0x3FDB];
	s0 =	simm.s32 @p2 $0x1  }
0x17: {  	s4 =	simm.s32 $0x1BF5;
	[smem:$0x3FA6] =	sst s0  }
0x18: {  	s0 =	sld [smem:$0x3F89];
	_ =	swait.ge [sflag:s4], $0x0  }
0x19: {  	s7 =	sld [smem:$0x3F8A]  }
0x1a: {  	s8 =	sadd.s32 $0xFFFFE003, lr  }
0x1b: {  	s9 =	sadd.s32 $0xFFFFFEF7, lr;
	s5 =	simm.s32 $0xFFFFFFFF;
	p2 =	slt.u32 s8, $0xFFFFF086  }
0x1c: {  	p1 =	slt.u32 s9, $0xF7A;
	s5 =	simm.s32 @!p2 $0x0  }
0x1d: {  	s5 =	simm.s32 @p1 $0x1;
	p0 =	seq.s32 s7, s2  }
0x1e: {  	s7 =	smul.u32 @!p0 $0xF7A, s2;
	p2 =	seq.s32 @!p0 s5, $0x0  }
0x1f: {  	s9 =	smul.u32 $0xF7A, s1;
	s8 =	simm.s32 @!p0 $0x1BF5;
	p2 =	por !p2, p0  }
0x20: {  	[sflag:s8] =	ssyncset.s32 @!p0 $0xFFFFF086;
	s6 =	sadd.s32 @!p0 s3, s7;
	s7 =	simm.s32 @!p0 $0x108  }
0x21: {  	s3 =	sadd.s32 s3, s9;
	s6 =	sadd.s32 @!p0 $0x88, s6;
	s7 =	simm.s32 @p2 $0x1082  }
0x22: {  	[simem:s7], [sflag:s8] =	dma.local @!p0 [hbm:s6], $0xF7A  }
0x23: {  	s9 =	sor.u32 $0xD0000000, s2;
	s6 =	simm.s32 $0x108;
	_ =	swait.ge @!p0 [sflag:s8], $0x0  }
0x24: {  	s3 =	sadd.s32 $0x88, s3;
	s6 =	simm.s32 @!p1 $0x1082;
	[sflag:s4] =	ssyncset.s32 $0xFFFFF086  }
0x25: {  	[simem:s6], [sflag:s4] =	dma.local [hbm:s3], $0xF7A  }
0x26: {  	[smem:$0x3F8A] =	sst s1;
	(tag) =	ssettag s2;
	_ =	strace s9  }
0x27: {  	s1 =	sld [smem:$0x3F9A]  }
0x28: {  	s2 =	sld [smem:$0x3F9B]  }
0x29: {  	s4 =	sld [smem:$0x3F9D]  }
0x2a: {  	p0 =	seq.s32 s5, $0x0;
	s5 =	sld [smem:$0x3F9E]  }
0x2b: {  	s6 =	sld [smem:$0x3F9F]  }
0x2c: {  	s7 =	sld [smem:$0x3FA0]  }
0x2d: {  	s3 =	simm.s32 $0x108;
	s8 =	sld [smem:$0x3FA1]  }
0x2e: {  	s3 =	simm.s32 @!p0 $0x1082;
	s9 =	sld [smem:$0x3FA2]  }
0x2f: {  	lr =	sadd.s32 s0, s3;
	s0 =	sld [smem:$0x3F99]  }
0x30: {  	s3 =	sld [smem:$0x3F9C]  }
0x31: {  	[smem:$0x3FA5] =	sst s10  }
0x32: {  	s10 =	sld [smem:$0x3FA3];
	_ =	sdelay $0x3  }
0x33: {  	p0 =	seq.s32 s10, $0x1;
	s10 =	sld [smem:$0x3FA5];
	_ =	sdelay $0x3  }
0x34: {  	[smem:$0x3FA5] =	sst s10  }
0x35: {  	s10 =	sld [smem:$0x3FA4];
	_ =	sdelay $0x3  }
0x36: {  	p1 =	seq.s32 s10, $0x1;
	s10 =	sld [smem:$0x3FA5];
	_ =	sdelay $0x3  }
0x37: {  	[smem:$0x3FA5] =	sst s10  }
0x38: {  	s10 =	sld [smem:$0x3FA6]  }
0x39: {  	_ = 	snop;
	(pc) =	sbr.ind lr, $3  }
0x3a: {  	_ = 	snop  }
0x3b: {  	_ = 	snop  }
0x3c: {  	p2 =	seq.s32 s10, $0x1;
	s10 =	sld [smem:$0x3FA5]  }
0x3d: {  	_ =	shalt  }
0x3e: {  	_ =	shalt  }
0x3f: {  	_ =	shalt  }
0x40: {  	_ =	shalt  }
0x41: {  	_ =	shalt  }
0x42: {  	_ =	shalt  }
0x43: {  	_ =	shalt  }
0x44: {  	_ =	shalt  }
0x45: {  	_ =	shalt  }
0x46: {  	_ =	shalt  }
0x47: {  	_ =	shalt  }
0x48: {  	_ =	shalt  }
0x49: {  	_ =	shalt  }
0x4a: {  	_ =	shalt  }
0x4b: {  	_ =	shalt  }
0x4c: {  	_ =	shalt  }
0x4d: {  	_ =	shalt  }
0x4e: {  	_ =	shalt  }
0x4f: {  	_ =	shalt  }
0x50: {  	_ =	shalt  }
0x51: {  	_ =	shalt  }
0x52: {  	_ =	shalt  }
0x53: {  	_ =	shalt  }
0x54: {  	_ =	shalt  }
0x55: {  	_ =	shalt  }
0x56: {  	_ =	shalt  }
0x57: {  	_ =	shalt  }
0x58: {  	_ =	shalt  }
0x59: {  	_ =	shalt  }
0x5a: {  	_ =	shalt  }
0x5b: {  	_ =	shalt  }
0x5c: {  	_ =	shalt  }
0x5d: {  	_ =	shalt  }
0x5e: {  	_ =	shalt  }
0x5f: {  	_ =	shalt  }
0x60: {  	_ =	shalt  }
0x61: {  	_ =	shalt  }
0x62: {  	_ =	shalt  }
0x63: {  	_ =	shalt  }
0x64: {  	_ =	shalt  }
0x65: {  	_ =	shalt  }
0x66: {  	_ =	shalt  }
0x67: {  	_ =	shalt  }
0x68: {  	_ =	shalt  }
0x69: {  	_ =	shalt  }
0x6a: {  	_ =	shalt  }
0x6b: {  	_ =	shalt  }
0x6c: {  	_ =	shalt  }
0x6d: {  	_ =	shalt  }
0x6e: {  	_ =	shalt  }
0x6f: {  	_ =	shalt  }
0x70: {  	_ =	shalt  }
0x71: {  	_ =	shalt  }
0x72: {  	_ =	shalt  }
0x73: {  	_ =	shalt  }
0x74: {  	_ =	shalt  }
0x75: {  	_ =	shalt  }
0x76: {  	_ =	shalt  }
0x77: {  	_ =	shalt  }
0x78: {  	_ =	shalt  }
0x79: {  	_ =	shalt  }
0x7a: {  	_ =	shalt  }
0x7b: {  	_ =	shalt  }
0x7c: {  	_ =	shalt  }
0x7d: {  	_ =	shalt  }
0x7e: {  	_ =	shalt  }
0x7f: {  	_ =	shalt  }
0x80: {  	_ =	shalt  }
0x81: {  	_ =	shalt  }
0x82: {  	_ =	shalt  }
0x83: {  	_ =	shalt  }
0x84: {  	_ =	shalt  }
0x85: {  	_ =	shalt  }
0x86: {  	_ =	shalt  }
0x87: {  	_ =	shalt  }
.Lfunc_end0:
.L_simem_size_0:
called_computation_lowered:
.L_overlay_start_0:
0x88: {  	s2 =	sld [smem:$0x3FD9]  }
0x89: {  	s3 =	sld [smem:$0x3FFE];
	_ =	sdelay $0x1  }
0x8a: {  	s1 =	srdreg.scid  }
0x8b: {  	s0 =	sand.u32 $0x1, s1  }
0x8c: {  	s16 =	sshll.u32 s0, $0xA;
	s2 =	sadd.s32 s3, s2  }
0x8d: {  	s2 =	sadd.s32 s2, s16  }
0x8e: {  	[smem:$0x3FB1] =	sst s2  }
0x8f: {  	_ = 	snop  }
0x90: {  	(tm) =	ssettm $0x1  }
0x91: {  	s17 =	sld [smem:$0x3FFB];
	_ =	sdelay $0x3  }
0x92: {  	_ =	strace s17  }
0x93: {  	s2 =	sld [smem:$0x3FFC];
	_ =	sdelay $0x3  }
0x94: {  	_ =	strace s2  }
0x95: {  	s2 =	sld [smem:$0x3FFD];
	_ =	sdelay $0x3  }
0x96: {  	_ =	strace s2  }
0x97: {  	_ =	strace $0x8FFFFFFF  }
0x98: {  	s18 =	sld [smem:$0x3FDB];
	_ =	sdelay $0x1  }
0x99: {  	s19 =	simm.s32 $_scs_section_size  }
0x9a: {  	s4 =	simm.s32 $_size__tile_overlayer_lowered;
	s5 =	simm.s32 $_tile_overlayer_lowered  }
0x9b: {  	s22 =	simm.s32 $0x1BFF;
	s21 =	sshll.u32 s5, $0x1;
	s2 =	sadd.s32 s19, s18  }
0x9c: {  	s6 =	simm.s32 $0x0;
	s20 =	sshll.u32 s4, $0x1;
	s4 =	sadd.s32 s21, s2  }
0x9d: {  	[timem:s6], [sflag:s22] =	dma.local [hbm:s4], s20  }
0x9e: {  	_ =	swait.ge [sflag:s22], s20  }
0x9f: {  	s3 =	ssub.s32 $0x0, s20;
	[sflag:s22] =	ssyncset.done $0x0  }
0xa0: {  	[sflag:s22] =	ssyncadd.s32 s3;
	_ =	sdelay $0x1  }
0xa1: {  	s23 =	simm.s32 $0x1B8B  }
0xa2: {  	_ =	swait.ge [sflag:s23], $0x1  }
0xa3: {  	[sflag:s23] =	ssyncset.done $0x0  }
0xa4: {  	s25 =	simm.s32 $0x1B8E;
	s24 =	sld [smem:$0x3FFE];
	[sflag:s23] =	ssyncadd.s32 $0xFFFFFFFF  }
0xa5: {  	s26 =	simm.s32 $execute0_lowered;
	[smem:$0x3FD2] =	sst s25  }
0xa6: {  	s4 =	sshll.u32 s26, $0x1;
	_ =	strace $0x80000046;
	[dreg:$0x1] =	wrdreg $0xFFFFFFFF  }
0xa7: {  	s28 =	simm.s32 $_size_execute0_lowered;
	s2 =	sadd.s32 s2, s4;
	[dreg:$0x0] =	wrdreg $0x0  }
0xa8: {  	s4 =	sshll.u32 s28, $0x1;
	[dreg:$0x2] =	wrdreg s2  }
0xa9: {  	[dreg:$0x3] =	wrdreg s4  }
0xaa: {  	[dreg:$0x4] =	wrdreg $0xC0  }
0xab: {  	_ =	task [dreg:s6], $0x5FFFF  }
0xac: {  	[dreg:$0x1] =	wrdreg $0xFFFFFFFF  }
0xad: {  	[dreg:$0x0] =	wrdreg $0x60  }
0xae: {  	[dreg:$0x2] =	wrdreg s24  }
0xaf: {  	[dreg:$0x3] =	wrdreg $0xA4000  }
0xb0: {  	[dreg:$0x4] =	wrdreg $0x9  }
0xb1: {  	_ =	task.clear_ibuf [dreg:s6], $0x5FFFF;
	_ =	strace $0x90000046  }
0xb2: {  	s29 =	simm.s32 $0x9;
	_ =	strace $0x80000048  }
0xb3: {  	_ =	swait.ge [sflag:s29], $0x1  }
0xb4: {  	[sflag:s29] =	ssyncadd.s32 $0xFFFFFFFF  }
0xb5: {  	_ =	strace $0x90000048  }
0xb6: {  	_ =	sfence  }
0xb7: {  	s30 =	sld [smem:$0x0];
	_ =	sdelay $0x2  }
0xb8: {  	s31 =	sshll.u32 s1, $0xD;
	s1 =	sshrl.u32 s1, $0x2  }
0xb9: {  	s3 =	sand.u32 $0x4000, s31;
	s1 =	sadd.s32 s1, s30  }
0xba: {  	s0 =	sor.u32 s3, s0;
	s1 =	sshll.u32 s1, $0x11  }
0xbb: {  	s0 =	sor.u32 s1, s0  }
0xbc: {  	s0 =	sadd.s32 $0x8F2B, s0  }
0xbd: {  	[sflag:s0] =	ssyncadd.remote.s32 $0x1  }
0xbe: {  	_ =	sfence.sel $0xFFFF  }
0xbf: {  	[dreg:$0x0] =	wrdreg $0xFFFFFFFF;
	(pc) =	sbr.abs _section_cstart, $3  }
0xc0: {  	[dreg:$0x1] =	wrdreg $0xFFFFFFFF  }
0xc1: {  	_ =	task.clear_ibuf [dreg:s6], $0x2FFFF;
	_ =	strace $0x9FFFFFFF  }
0xc2: {  	(tm) =	ssettm $0x7FFFFFFF  }
0xc3: {  	_ =	shalt  }
tec
execute0_lowered:
.L_overlay_start_1:
0x0: {  	(tag) =	ssettag $0x1  }
0x1: {  	s0 =	rddreg [dreg:$0x0]  }
0x2: {  	s1 =	rddreg [dreg:$0x1];
	s2 =	simm.s32 $0x0  }
0x3: {  	s3 =	srdreg.scid;
	s24 =	stileid.u32;
	s20 =	simm.s32 $0x4BC00  }
0x4: {  	s31 =	simm.s32 $0x5;
	[smem:$0x7FF] =	sst s2;
	s4 =	sadd.s32 $0x24A00, s0  }
0x5: {  	s3 =	sand.u32 $0x1, s3;
	s5 =	sadd.s32 $0x4A00, s0;
	s10 =	smul.u32 $0x280, s24  }
0x6: {  	s9 =	sshll.u32 s24, $0xB;
	s6 =	sadd.s32 $0x14A00, s0;
	s26 =	smul.u32 $0x2800, s24  }
0x7: {  	_ =	strace $0x80000047;
	s8 =	ssub.s32 $0x2, s3;
	s7 =	sshll.u32 s3, $0xF  }
0x8: {  	p0 =	seq.s32 s3, $0x0;
	s11 =	sshrl.u32 s8, $0x1;
	s7 =	sor.u32 s9, s7  }
0x9: {  	s12 =	sadd.s32 $0xA0, s10;
	s13 =	sadd.s32 $0xF0, s10;
	s14 =	sadd.s32 $0x140, s10  }
0xa: {  	s15 =	sadd.s32 $0x190, s10;
	s16 =	sadd.s32 $0x1E0, s10;
	s20 =	simm.s32 @!p0 $0x73C00  }
0xb: {  	s8 =	ssub.s32 s8, s11;
	s9 =	sor.u32 $0x10, s7;
	s11 =	sor.u32 $0x50, s10  }
0xc: {  	s10 =	sadd.s32 $0x230, s10;
	s18 =	sshll.u32 s12, $0x4;
	s19 =	sshll.u32 s13, $0x4  }
0xd: {  	s21 =	sshll.u32 s14, $0x4;
	s22 =	sshll.u32 s15, $0x4;
	s23 =	sshll.u32 s16, $0x4  }
0xe: {  	s0 =	sadd.s32 s20, s0;
	s12 =	sshll.u32 s12, $0x7;
	s13 =	sshll.u32 s13, $0x7  }
0xf: {  	s14 =	sshll.u32 s14, $0x7;
	s17 =	sshll.u32 s11, $0x4;
	s3 =	sadd.s32 s0, s26  }
0x10: {  	s20 =	sshll.u32 s10, $0x4;
	s18 =	sadd.s32 s0, s18;
	[dreg:$0x3] =	wrdreg s3  }
0x11: {  	s25 =	sadd.s32 s0, s19;
	s26 =	sadd.s32 s0, s21;
	[dreg:$0x5] =	wrdreg s18  }
0x12: {  	s19 =	sadd.s32 s5, s9;
	s21 =	sor.u32 $0x20, s7;
	[dreg:$0x6] =	wrdreg s25  }
0x13: {  	s28 =	sadd.s32 s12, s1;
	s29 =	sadd.s32 s13, s1;
	[dreg:$0x7] =	wrdreg s26  }
0x14: {  	s30 =	sadd.s32 s14, s1;
	s12 =	simm.s32 $0x180;
	[dreg:$0xb] =	wrdreg s19  }
0x15: {  	s13 =	simm.s32 $0x380;
	s14 =	simm.s32 $0x7C00;
	[dreg:$0x13] =	wrdreg s28  }
0x16: {  	s17 =	sadd.s32 s0, s17;
	s18 =	sadd.s32 s0, s23;
	[dreg:$0x14] =	wrdreg s29  }
0x17: {  	s23 =	sadd.s32 s5, s21;
	s25 =	sshll.u32 s11, $0x7;
	[dreg:$0x15] =	wrdreg s30  }
0x18: {  	s11 =	simm.s32 $0x100;
	[dreg:$0x4] =	wrdreg s17;
	s17 =	sadd.s32 s0, s22  }
0x19: {  	[dreg:$0x9] =	wrdreg s18;
	s0 =	sadd.s32 s0, s20;
	s20 =	sadd.s32 s6, s9  }
0x1a: {  	s22 =	smul.u32 $0x50000, s24;
	[dreg:$0xd] =	wrdreg s23;
	s24 =	sor.u32 $0x30, s7  }
0x1b: {  	s18 =	sshll.u32 s16, $0x7;
	s23 =	smax.u32 s8, $0x1;
	[dreg:$0x8] =	wrdreg s17  }
0x1c: {  	s8 =	simm.s32 $0x200;
	s9 =	simm.s32 $0x5400;
	[dreg:$0xa] =	wrdreg s0  }
0x1d: {  	[dreg:$0xc] =	wrdreg s20;
	s0 =	sadd.s32 s6, s21;
	s26 =	sadd.s32 s5, s24  }
0x1e: {  	s17 =	sshll.u32 s15, $0x7;
	s20 =	sshll.u32 s10, $0x7;
	[dreg:$0x19] =	wrdreg s23  }
0x1f: {  	s21 =	sadd.s32 s18, s1;
	s10 =	simm.s32 $0x280;
	[dreg:$0xe] =	wrdreg s0  }
0x20: {  	s15 =	simm.s32 $0x9;
	s18 =	simm.s32 $0x400;
	[dreg:$0xf] =	wrdreg s26  }
0x21: {  	s23 =	simm.s32 $0x0;
	s0 =	sadd.s32 s6, s24;
	[dreg:$0x17] =	wrdreg s21  }
0x22: {  	s3 =	sshrl.u32 s22, $0x2;
	s22 =	sadd.s32 s20, s1;
	[dreg:$0x10] =	wrdreg s0  }
0x23: {  	s26 =	sadd.s32 s25, s1;
	s24 =	sadd.s32 s5, s7;
	[dreg:$0x18] =	wrdreg s22  }
.Ltmp0:
0x24: {  	s25 =	sadd.s32 s6, s7;
	[dreg:$0x1a] =	wrdreg s24;
	(pc) =	sbr.rel .LBB2_1-.Ltmp0, $4  }
0x25: {  	s20 =	simm.s32 $0x2C00;
	s21 =	simm.s32 $0x3;
	[dreg:$0x1b] =	wrdreg s25  }
0x26: {  	s19 =	sadd.s32 s3, s1;
	s0 =	sadd.s32 s17, s1;
	[dreg:$0x12] =	wrdreg s26  }
0x27: {  	s17 =	simm.s32 $0x50;
	s3 =	simm.s32 $0x6;
	[dreg:$0x16] =	wrdreg s0  }
0x28: {  	v0 =	vimm.f32 $0.0e+00;
	s22 =	simm.s32 $0x8;
	s0 =	simm.s32 $0x4;
	[dreg:$0x11] =	wrdreg s19  }
.LBB2_6:
0x29: {  	[bflag:$0x0] =	sbarrier.arrive $0xFFFF  }
0x2a: {  	s19 =	rddreg [dreg:$0x11]  }
0x2b: {  	[tilespmem:s14], [sflag:$0x9] =	stream.linear.gather [spmem:s19], $0x2800, $0x38;
	[tilespmem:$0x1E400] =	vst v63  }
0x2c: {  	_ =	swait.ge [sflag:s15], $0x2800  }
0x2d: {  	[sflag:s15] =	ssyncset.done $0x0  }
0x2e: {  	s16 =	rddreg [dreg:$0x3];
	[sflag:s15] =	ssyncadd.s32 $0xFFFFD800  }
0x2f: {  	[hbm4b:s16+s2] =	stream.linear.scatter [tilespmem:s14], [sflag:$0x9], $0x2800, $0x38;
	[tilespmem:$0x1E400] =	vst v63  }
0x30: {  	_ =	swait.ge [sflag:s15], $0x2800  }
0x31: {  	[sflag:s15] =	ssyncset.done $0x0  }
0x32: {  	s26 =	rddreg [dreg:$0x12];
	[sflag:s15] =	ssyncadd.s32 $0xFFFFD800  }
0x33: {  	[tilespmem:s14], [sflag:$0x9] =	stream.linear.gather [spmem:s26], $0x2800, $0x38;
	[tilespmem:$0x1E400] =	vst v63  }
0x34: {  	_ =	swait.ge [sflag:s15], $0x2800  }
0x35: {  	[sflag:s15] =	ssyncset.done $0x0  }
0x36: {  	s25 =	rddreg [dreg:$0x4];
	[sflag:s15] =	ssyncadd.s32 $0xFFFFD800  }
0x37: {  	[hbm4b:s25+s2] =	stream.linear.scatter [tilespmem:s14], [sflag:$0x9], $0x2800, $0x38;
	[tilespmem:$0x1E400] =	vst v63  }
0x38: {  	_ =	swait.ge [sflag:s15], $0x2800  }
0x39: {  	[sflag:s15] =	ssyncset.done $0x0  }
0x3a: {  	s28 =	rddreg [dreg:$0x13];
	[sflag:s15] =	ssyncadd.s32 $0xFFFFD800  }
0x3b: {  	[tilespmem:s14], [sflag:$0x9] =	stream.linear.gather [spmem:s28], $0x2800, $0x38;
	[tilespmem:$0x1E400] =	vst v63  }
0x3c: {  	_ =	swait.ge [sflag:s15], $0x2800  }
0x3d: {  	[sflag:s15] =	ssyncset.done $0x0  }
0x3e: {  	s24 =	rddreg [dreg:$0x5];
	[sflag:s15] =	ssyncadd.s32 $0xFFFFD800  }
0x3f: {  	[hbm4b:s24+s2] =	stream.linear.scatter [tilespmem:s14], [sflag:$0x9], $0x2800, $0x38;
	[tilespmem:$0x1E400] =	vst v63  }
0x40: {  	_ =	swait.ge [sflag:s15], $0x2800  }
0x41: {  	[sflag:s15] =	ssyncset.done $0x0  }
0x42: {  	s29 =	rddreg [dreg:$0x14];
	[sflag:s15] =	ssyncadd.s32 $0xFFFFD800  }
0x43: {  	[tilespmem:s14], [sflag:$0x9] =	stream.linear.gather [spmem:s29], $0x2800, $0x38;
	[tilespmem:$0x1E400] =	vst v63  }
0x44: {  	_ =	swait.ge [sflag:s15], $0x2800  }
0x45: {  	[sflag:s15] =	ssyncset.done $0x0  }
0x46: {  	s25 =	rddreg [dreg:$0x6];
	[sflag:s15] =	ssyncadd.s32 $0xFFFFD800  }
0x47: {  	[hbm4b:s25+s2] =	stream.linear.scatter [tilespmem:s14], [sflag:$0x9], $0x2800, $0x38;
	[tilespmem:$0x1E400] =	vst v63  }
0x48: {  	_ =	swait.ge [sflag:s15], $0x2800  }
0x49: {  	[sflag:s15] =	ssyncset.done $0x0  }
0x4a: {  	s30 =	rddreg [dreg:$0x15];
	[sflag:s15] =	ssyncadd.s32 $0xFFFFD800  }
0x4b: {  	[tilespmem:s14], [sflag:$0x9] =	stream.linear.gather [spmem:s30], $0x2800, $0x38;
	[tilespmem:$0x1E400] =	vst v63  }
0x4c: {  	_ =	swait.ge [sflag:s15], $0x2800  }
0x4d: {  	[sflag:s15] =	ssyncset.done $0x0  }
0x4e: {  	s24 =	rddreg [dreg:$0x7];
	[sflag:s15] =	ssyncadd.s32 $0xFFFFD800  }
0x4f: {  	[hbm4b:s24+s2] =	stream.linear.scatter [tilespmem:s14], [sflag:$0x9], $0x2800, $0x38;
	[tilespmem:$0x1E400] =	vst v63  }
0x50: {  	_ =	swait.ge [sflag:s15], $0x2800  }
0x51: {  	[sflag:s15] =	ssyncset.done $0x0  }
0x52: {  	s25 =	rddreg [dreg:$0x16];
	[sflag:s15] =	ssyncadd.s32 $0xFFFFD800  }
0x53: {  	[tilespmem:s14], [sflag:$0x9] =	stream.linear.gather [spmem:s25], $0x2800, $0x38;
	[tilespmem:$0x1E400] =	vst v63  }
0x54: {  	_ =	swait.ge [sflag:s15], $0x2800  }
0x55: {  	[sflag:s15] =	ssyncset.done $0x0  }
0x56: {  	s24 =	rddreg [dreg:$0x8];
	[sflag:s15] =	ssyncadd.s32 $0xFFFFD800  }
0x57: {  	[hbm4b:s24+s2] =	stream.linear.scatter [tilespmem:s14], [sflag:$0x9], $0x2800, $0x38;
	[tilespmem:$0x1E400] =	vst v63  }
0x58: {  	_ =	swait.ge [sflag:s15], $0x2800  }
0x59: {  	[sflag:s15] =	ssyncset.done $0x0  }
0x5a: {  	s25 =	rddreg [dreg:$0x17];
	[sflag:s15] =	ssyncadd.s32 $0xFFFFD800  }
0x5b: {  	[tilespmem:s14], [sflag:$0x9] =	stream.linear.gather [spmem:s25], $0x2800, $0x38;
	[tilespmem:$0x1E400] =	vst v63  }
0x5c: {  	_ =	swait.ge [sflag:s15], $0x2800  }
0x5d: {  	[sflag:s15] =	ssyncset.done $0x0  }
0x5e: {  	s24 =	rddreg [dreg:$0x9];
	[sflag:s15] =	ssyncadd.s32 $0xFFFFD800  }
0x5f: {  	[hbm4b:s24+s2] =	stream.linear.scatter [tilespmem:s14], [sflag:$0x9], $0x2800, $0x38;
	[tilespmem:$0x1E400] =	vst v63  }
0x60: {  	_ =	swait.ge [sflag:s15], $0x2800  }
0x61: {  	[sflag:s15] =	ssyncset.done $0x0  }
0x62: {  	s25 =	rddreg [dreg:$0x18];
	[sflag:s15] =	ssyncadd.s32 $0xFFFFD800  }
0x63: {  	[tilespmem:s14], [sflag:$0x9] =	stream.linear.gather [spmem:s25], $0x2800, $0x38;
	[tilespmem:$0x1E400] =	vst v63  }
0x64: {  	_ =	swait.ge [sflag:s15], $0x2800  }
0x65: {  	[sflag:s15] =	ssyncset.done $0x0  }
0x66: {  	s24 =	rddreg [dreg:$0xa];
	[sflag:s15] =	ssyncadd.s32 $0xFFFFD800  }
0x67: {  	[hbm4b:s24+s2] =	stream.linear.scatter [tilespmem:s14], [sflag:$0x9], $0x2800, $0x38;
	[tilespmem:$0x1E400] =	vst v63  }
0x68: {  	_ =	swait.ge [sflag:s15], $0x2800  }
0x69: {  	s23 =	sadd.s32 $0x1, s23;
	s25 =	rddreg [dreg:$0x19]  }
0x6a: {  	p0 =	sne.s32 s23, s25  }
.Ltmp1:
0x6b: {  	_ = 	snop;
	(pc) =	sbr.rel @!p0 .LBB2_7-.Ltmp1, $3  }
0x6c: {  	_ =	sdelay $0x1  }
0x6d: {  	[sflag:s15] =	ssyncset.done $0x0  }
0x6e: {  	[sflag:s15] =	ssyncadd.s32 $0xFFFFD800  }
.LBB2_1:
0x6f: {  	s16 =	rddreg [dreg:$0x1a]  }
0x70: {  	[tilespmem:s2], [sflag:$0x1] =	stream.linear.gather [hbm4b:s16+s2], $0x80, $0x38;
	[tilespmem:$0x1E400] =	vst v63  }
0x71: {  	s24 =	rddreg [dreg:$0x1b]  }
0x72: {  	[tilespmem:s8], [sflag:$0x1] =	stream.linear.gather [hbm4b:s24+s2], $0x80, $0x38;
	[tilespmem:$0x1E400] =	vst v63  }
0x73: {  	s25 =	rddreg [dreg:$0xb];
	s24 =	simm.s32 $0x80  }
0x74: {  	[tilespmem:s24], [sflag:$0x2] =	stream.linear.gather [hbm4b:s25+s2], $0x80, $0x38;
	[tilespmem:$0x1E400] =	vst v63  }
0x75: {  	s24 =	rddreg [dreg:$0xc]  }
0x76: {  	[tilespmem:s10], [sflag:$0x2] =	stream.linear.gather [hbm4b:s24+s2], $0x80, $0x38;
	[tilespmem:$0x1E400] =	vst v63  }
0x77: {  	s25 =	rddreg [dreg:$0xd]  }
0x78: {  	[tilespmem:s11], [sflag:$0x3] =	stream.linear.gather [hbm4b:s25+s2], $0x80, $0x38;
	[tilespmem:$0x1E400] =	vst v63  }
0x79: {  	s24 =	rddreg [dreg:$0xe];
	s25 =	simm.s32 $0x300  }
0x7a: {  	[tilespmem:s25], [sflag:$0x3] =	stream.linear.gather [hbm4b:s24+s2], $0x80, $0x38;
	[tilespmem:$0x1E400] =	vst v63  }
0x7b: {  	s24 =	rddreg [dreg:$0xf]  }
0x7c: {  	[tilespmem:s12], [sflag:$0x4] =	stream.linear.gather [hbm4b:s24+s2], $0x80, $0x38;
	[tilespmem:$0x1E400] =	vst v63  }
0x7d: {  	s25 =	rddreg [dreg:$0x10]  }
0x7e: {  	[tilespmem:s13], [sflag:$0x4] =	stream.linear.gather [hbm4b:s25+s2], $0x80, $0x38;
	[tilespmem:$0x1E400] =	vst v63  }
0x7f: {  	s24 =	simm.s32 $0x0;
	s25 =	simm.s32 $0x200  }
.LBB2_2:
0x80: {  	p0 =	sne.s32 s25, $0x9E00;
	[tilespmem:s24+$0x7C70] =	vst v0  }
0x81: {  	[tilespmem:s24+$0x7C00] =	vst v0  }
0x82: {  	[tilespmem:s24+$0x7C10] =	vst v0  }
.Ltmp2:
0x83: {  	[tilespmem:s24+$0x7C20] =	vst v0;
	(pc) =	sbr.rel @p0 .LBB2_2-.Ltmp2, $4  }
0x84: {  	[tilespmem:s24+$0x7C30] =	vst v0  }
0x85: {  	[tilespmem:s24+$0x7C40] =	vst v0  }
0x86: {  	[tilespmem:s24+$0x7C50] =	vst v0  }
0x87: {  	[tilespmem:s24+$0x7C60] =	vst v0;
	s24 =	sshra.s32 s25, $0x2;
	s25 =	sadd.s32 $0x200, s25  }
0x88: {  	[tilespmem:s24+$0x7C70] =	vst v0  }
0x89: {  	[tilespmem:s24+$0x7C00] =	vst v0  }
0x8a: {  	[tilespmem:s24+$0x7C10] =	vst v0  }
0x8b: {  	[tilespmem:s24+$0x7C20] =	vst v0  }
0x8c: {  	[tilespmem:s24+$0x7C30] =	vst v0  }
0x8d: {  	[tilespmem:s24+$0x7C40] =	vst v0  }
0x8e: {  	[tilespmem:s24+$0x7C50] =	vst v0  }
0x8f: {  	[tilespmem:s24+$0x7C60] =	vst v0  }
0x90: {  	[spmem:s19] =	stream.linear.scatter [tilespmem:s14], [sflag:$0x9], $0x2800, $0x38;
	[tilespmem:$0x1E400] =	vst v63  }
0x91: {  	_ =	swait.ge [sflag:s15], $0x2800  }
0x92: {  	[sflag:s15] =	ssyncset.done $0x0  }
0x93: {  	[sflag:s15] =	ssyncadd.s32 $0xFFFFD800  }
0x94: {  	[spmem:s26] =	stream.linear.scatter [tilespmem:s14], [sflag:$0x9], $0x2800, $0x38;
	[tilespmem:$0x1E400] =	vst v63  }
0x95: {  	_ =	swait.ge [sflag:s15], $0x2800  }
0x96: {  	[sflag:s15] =	ssyncset.done $0x0  }
0x97: {  	[sflag:s15] =	ssyncadd.s32 $0xFFFFD800  }
0x98: {  	[spmem:s28] =	stream.linear.scatter [tilespmem:s14], [sflag:$0x9], $0x2800, $0x38;
	[tilespmem:$0x1E400] =	vst v63  }
0x99: {  	_ =	swait.ge [sflag:s15], $0x2800  }
0x9a: {  	[sflag:s15] =	ssyncset.done $0x0  }
0x9b: {  	[sflag:s15] =	ssyncadd.s32 $0xFFFFD800  }
0x9c: {  	[spmem:s29] =	stream.linear.scatter [tilespmem:s14], [sflag:$0x9], $0x2800, $0x38;
	[tilespmem:$0x1E400] =	vst v63  }
0x9d: {  	_ =	swait.ge [sflag:s15], $0x2800  }
0x9e: {  	[sflag:s15] =	ssyncset.done $0x0  }
0x9f: {  	[sflag:s15] =	ssyncadd.s32 $0xFFFFD800  }
0xa0: {  	[spmem:s30] =	stream.linear.scatter [tilespmem:s14], [sflag:$0x9], $0x2800, $0x38;
	[tilespmem:$0x1E400] =	vst v63  }
0xa1: {  	_ =	swait.ge [sflag:s15], $0x2800  }
0xa2: {  	[sflag:s15] =	ssyncset.done $0x0  }
0xa3: {  	s16 =	rddreg [dreg:$0x16];
	[sflag:s15] =	ssyncadd.s32 $0xFFFFD800  }
0xa4: {  	[spmem:s16] =	stream.linear.scatter [tilespmem:s14], [sflag:$0x9], $0x2800, $0x38;
	[tilespmem:$0x1E400] =	vst v63  }
0xa5: {  	_ =	swait.ge [sflag:s15], $0x2800  }
0xa6: {  	[sflag:s15] =	ssyncset.done $0x0  }
0xa7: {  	s25 =	rddreg [dreg:$0x17];
	[sflag:s15] =	ssyncadd.s32 $0xFFFFD800  }
0xa8: {  	[spmem:s25] =	stream.linear.scatter [tilespmem:s14], [sflag:$0x9], $0x2800, $0x38;
	[tilespmem:$0x1E400] =	vst v63  }
0xa9: {  	_ =	swait.ge [sflag:s15], $0x2800  }
0xaa: {  	[sflag:s15] =	ssyncset.done $0x0  }
0xab: {  	s26 =	rddreg [dreg:$0x18];
	[sflag:s15] =	ssyncadd.s32 $0xFFFFD800  }
0xac: {  	[spmem:s26] =	stream.linear.scatter [tilespmem:s14], [sflag:$0x9], $0x2800, $0x38;
	[tilespmem:$0x1E400] =	vst v63  }
0xad: {  	_ =	swait.ge [sflag:s15], $0x2800  }
0xae: {  	[sflag:s15] =	ssyncset.done $0x0  }
0xaf: {  	[sflag:s15] =	ssyncadd.s32 $0xFFFFD800  }
0xb0: {  	s28 =	simm.s32 $0x1;
	[bflag:$0x0] =	sbarrier.arrive $0xFFFF  }
0xb1: {  	_ =	swait.ge [sflag:s28], $0x80  }
0xb2: {  	[sflag:s28] =	ssyncset.done $0x0  }
0xb3: {  	[sflag:s28] =	ssyncadd.s32 $0xFFFFFF80  }
0xb4: {  	_ =	swait.ge [sflag:s28], $0x80  }
0xb5: {  	[sflag:s28] =	ssyncset.done $0x0  }
0xb6: {  	s29 =	simm.s32 $0x2;
	[sflag:s28] =	ssyncadd.s32 $0xFFFFFF80  }
0xb7: {  	[tilespmem:s18], [sflag:$0x5] =	stream.indirect.gather [hbm4b:s4+s17], $0x80, s2, s17, $0xb8;
	[tilespmem:$0x1E400] =	vst v63  }
0xb8: {  	_ =	swait.ge [sflag:s29], $0x80  }
0xb9: {  	[sflag:s29] =	ssyncset.done $0x0  }
0xba: {  	[sflag:s29] =	ssyncadd.s32 $0xFFFFFF80  }
0xbb: {  	_ =	swait.ge [sflag:s29], $0x80  }
0xbc: {  	[sflag:s29] =	ssyncset.done $0x0  }
0xbd: {  	s30 =	simm.s32 $0x80;
	[sflag:s29] =	ssyncadd.s32 $0xFFFFFF80  }
0xbe: {  	[tilespmem:s20], [sflag:$0x6] =	stream.indirect.gather [hbm4b:s4+s17], $0x80, s30, s17, $0xb8;
	[tilespmem:$0x1E400] =	vst v63  }
0xbf: {  	_ =	swait.ge [sflag:s21], $0x80  }
0xc0: {  	[sflag:s21] =	ssyncset.done $0x0  }
0xc1: {  	[sflag:s21] =	ssyncadd.s32 $0xFFFFFF80  }
0xc2: {  	_ =	swait.ge [sflag:s21], $0x80  }
0xc3: {  	[sflag:s21] =	ssyncset.done $0x0  }
0xc4: {  	s24 =	simm.s32 $0x70;
	[sflag:s21] =	ssyncadd.s32 $0xFFFFFF80  }
0xc5: {  	[tilespmem:s9], [sflag:$0x7] =	stream.indirect.gather [hbm4b:s4+s17], $0x80, s11, s17, $0xb8;
	[tilespmem:$0x1E400] =	vst v63  }
.LBB2_4:
0xc6: {  	_ =	swait.ge [sflag:s31], $0x2800;
	p0 =	seq.s32 s24, $0x830  }
0xc7: {  	[sflag:s31] =	ssyncset.done $0x0;
	s25 =	sadd.s32 @!p0 $0xFFFFFFD0, s24  }
0xc8: {  	[sflag:s31] =	ssyncadd.s32 $0xFFFFD800;
	s26 =	sadd.s32 @!p0 s7, s25  }
0xc9: {  	[spmem:s1] =	stream.indirect.scatter.add.f32 [tilespmem:s18], [sflag:$0x9], $0x80, s8, s17, $0xb8;
	[tilespmem:$0x1E400] =	vst v63  }
0xca: {  	s25 =	sand.u32 @!p0 $0x40, s25;
	s26 =	sand.u32 @!p0 $0x1FF80, s26;
	_ =	swait.ge [sflag:s15], $0x2800  }
0xcb: {  	s26 =	sor.u32 @!p0 s25, s26;
	[sflag:s15] =	ssyncset.done $0x0  }
0xcc: {  	s25 =	simm.s32 @!p0 $0x0;
	s28 =	sadd.s32 @!p0 s5, s26;
	[sflag:s15] =	ssyncadd.s32 $0xFFFFD800  }
0xcd: {  	[tilespmem:s25], [sflag:$0x1] =	stream.linear.gather @!p0 [hbm4b:s28+s25], $0x80, $0x38;
	[tilespmem:$0x1E400] =	vst v63  }
0xce: {  	s26 =	sadd.s32 @!p0 s6, s26;
	s28 =	simm.s32 @!p0 $0x200  }
0xcf: {  	[tilespmem:s28], [sflag:$0x1] =	stream.linear.gather @!p0 [hbm4b:s26+s25], $0x80, $0x38;
	[tilespmem:$0x1E400] =	vst v63  }
0xd0: {  	_ =	swait.ge [sflag:s0], $0x80  }
0xd1: {  	[sflag:s0] =	ssyncset.done $0x0  }
0xd2: {  	[sflag:s0] =	ssyncadd.s32 $0xFFFFFF80  }
0xd3: {  	_ =	swait.ge [sflag:s0], $0x80  }
0xd4: {  	[sflag:s0] =	ssyncset.done $0x0  }
0xd5: {  	[sflag:s0] =	ssyncadd.s32 $0xFFFFFF80  }
0xd6: {  	[tilespmem:s14], [sflag:$0x8] =	stream.indirect.gather [hbm4b:s4+s17], $0x80, s12, s17, $0xb8;
	[tilespmem:$0x1E400] =	vst v63  }
0xd7: {  	_ =	swait.ge [sflag:s3], $0x2800  }
0xd8: {  	[sflag:s3] =	ssyncset.done $0x0  }
0xd9: {  	[sflag:s3] =	ssyncadd.s32 $0xFFFFD800  }
0xda: {  	[spmem:s1] =	stream.indirect.scatter.add.f32 [tilespmem:s20], [sflag:$0x9], $0x80, s10, s17, $0xb8;
	[tilespmem:$0x1E400] =	vst v63  }
0xdb: {  	_ =	swait.ge [sflag:s15], $0x2800  }
0xdc: {  	[sflag:s15] =	ssyncset.done $0x0  }
0xdd: {  	s26 =	simm.s32 @p0 $0x7;
	[sflag:s15] =	ssyncadd.s32 $0xFFFFD800  }
0xde: {  	_ =	swait.ge @p0 [sflag:s26], $0x2800  }
0xdf: {  	s29 =	simm.s32 @p0 $0x5400;
	[sflag:s26] =	ssyncset.done @p0 $0x0  }
0xe0: {  	s28 =	simm.s32 @p0 $0x300;
	[sflag:s26] =	ssyncadd.s32 @p0 $0xFFFFD800;
	s26 =	simm.s32 @p0 $0x50  }
0xe1: {  	[spmem:s1] =	stream.indirect.scatter.add.f32 @p0 [tilespmem:s29], [sflag:$0x9], $0x80, s28, s26, $0xb8;
	[tilespmem:$0x1E400] =	vst v63  }
0xe2: {  	s26 =	sadd.s32 @!p0 s24, s7  }
0xe3: {  	s30 =	sadd.s32 @!p0 $0xFFFFFFE0, s24;
	s28 =	simm.s32 @p0 $0x9;
	s29 =	sadd.s32 @!p0 $0xFFFFFFE0, s26  }
0xe4: {  	s30 =	sand.u32 @!p0 $0x50, s30;
	_ =	swait.ge @p0 [sflag:s28], $0x2800;
	s29 =	sand.u32 @!p0 $0x1FF80, s29  }
0xe5: {  	[sflag:s28] =	ssyncset.done @p0 $0x0;
	s29 =	sor.u32 @!p0 s30, s29  }
0xe6: {  	[sflag:s28] =	ssyncadd.s32 @p0 $0xFFFFD800;
	s30 =	simm.s32 @!p0 $0x80;
	s28 =	sadd.s32 @!p0 s5, s29  }
0xe7: {  	[tilespmem:s30], [sflag:$0x2] =	stream.linear.gather @!p0 [hbm4b:s28+s25], $0x80, $0x38;
	[tilespmem:$0x1E400] =	vst v63  }
0xe8: {  	s28 =	sadd.s32 @!p0 s6, s29;
	s29 =	simm.s32 @!p0 $0x280  }
0xe9: {  	[tilespmem:s29], [sflag:$0x2] =	stream.linear.gather @!p0 [hbm4b:s28+s25], $0x80, $0x38;
	[tilespmem:$0x1E400] =	vst v63  }
0xea: {  	s28 =	simm.s32 @!p0 $0x1  }
0xeb: {  	_ =	swait.ge @!p0 [sflag:s28], $0x80  }
0xec: {  	[sflag:s28] =	ssyncset.done @!p0 $0x0  }
0xed: {  	[sflag:s28] =	ssyncadd.s32 @!p0 $0xFFFFFF80  }
0xee: {  	_ =	swait.ge @!p0 [sflag:s28], $0x80  }
0xef: {  	[sflag:s28] =	ssyncset.done @!p0 $0x0  }
0xf0: {  	s29 =	simm.s32 @!p0 $0x400;
	[sflag:s28] =	ssyncadd.s32 @!p0 $0xFFFFFF80;
	s28 =	simm.s32 @!p0 $0x50  }
0xf1: {  	[tilespmem:s29], [sflag:$0x5] =	stream.indirect.gather @!p0 [hbm4b:s4+s28], $0x80, s25, s28, $0xb8;
	[tilespmem:$0x1E400] =	vst v63  }
0xf2: {  	s29 =	simm.s32 @!p0 $0x7  }
0xf3: {  	_ =	swait.ge @!p0 [sflag:s29], $0x2800  }
0xf4: {  	[sflag:s29] =	ssyncset.done @!p0 $0x0  }
0xf5: {  	s16 =	simm.s32 @!p0 $0x5400;
	[sflag:s29] =	ssyncadd.s32 @!p0 $0xFFFFD800;
	s29 =	simm.s32 @!p0 $0x300  }
0xf6: {  	[spmem:s1] =	stream.indirect.scatter.add.f32 @!p0 [tilespmem:s16], [sflag:$0x9], $0x80, s29, s28, $0xb8;
	[tilespmem:$0x1E400] =	vst v63  }
0xf7: {  	s19 =	sadd.s32 @!p0 $0xFFFFFFF0, s24;
	s26 =	sadd.s32 @!p0 $0xFFFFFFF0, s26;
	s16 =	simm.s32 @!p0 $0x9  }
0xf8: {  	s19 =	sand.u32 @!p0 $0x60, s19;
	s26 =	sand.u32 @!p0 $0x1FF80, s26;
	_ =	swait.ge @!p0 [sflag:s16], $0x2800  }
0xf9: {  	s19 =	sor.u32 @!p0 s19, s26;
	[sflag:s16] =	ssyncset.done @!p0 $0x0  }
0xfa: {  	s26 =	simm.s32 @!p0 $0x100;
	[sflag:s16] =	ssyncadd.s32 @!p0 $0xFFFFD800;
	s16 =	sadd.s32 @!p0 s5, s19  }
0xfb: {  	[tilespmem:s26], [sflag:$0x3] =	stream.linear.gather @!p0 [hbm4b:s16+s25], $0x80, $0x38;
	[tilespmem:$0x1E400] =	vst v63  }
0xfc: {  	s16 =	sadd.s32 @!p0 s6, s19  }
0xfd: {  	[tilespmem:s29], [sflag:$0x3] =	stream.linear.gather @!p0 [hbm4b:s16+s25], $0x80, $0x38;
	[tilespmem:$0x1E400] =	vst v63  }
0xfe: {  	s16 =	simm.s32 @!p0 $0x2  }
0xff: {  	_ =	swait.ge @!p0 [sflag:s16], $0x80  }
0x100: {  	[sflag:s16] =	ssyncset.done @!p0 $0x0  }
0x101: {  	[sflag:s16] =	ssyncadd.s32 @!p0 $0xFFFFFF80  }
0x102: {  	_ =	swait.ge @!p0 [sflag:s16], $0x80  }
0x103: {  	[sflag:s16] =	ssyncset.done @!p0 $0x0  }
0x104: {  	[sflag:s16] =	ssyncadd.s32 @!p0 $0xFFFFFF80;
	s16 =	simm.s32 @!p0 $0x2C00  }
0x105: {  	[tilespmem:s16], [sflag:$0x6] =	stream.indirect.gather @!p0 [hbm4b:s4+s28], $0x80, s30, s28, $0xb8;
	[tilespmem:$0x1E400] =	vst v63  }
0x106: {  	_ =	swait.ge [sflag:s22], $0x2800  }
0x107: {  	[sflag:s22] =	ssyncset.done $0x0  }
.Ltmp3:
0x108: {  	[sflag:s22] =	ssyncadd.s32 $0xFFFFD800;
	(pc) =	sbr.rel @p0 .LBB2_6-.Ltmp3, $4  }
0x109: {  	[spmem:s1] =	stream.indirect.scatter.add.f32 [tilespmem:s14], [sflag:$0x9], $0x80, s13, s17, $0xb8;
	[tilespmem:$0x1E400] =	vst v63  }
0x10a: {  	_ =	swait.ge [sflag:s15], $0x2800  }
0x10b: {  	[sflag:s15] =	ssyncset.done $0x0  }
0x10c: {  	[sflag:s15] =	ssyncadd.s32 $0xFFFFD800  }
0x10d: {  	s16 =	sadd.s32 s24, s7  }
0x10e: {  	s19 =	sand.u32 $0x70, s24;
	s16 =	sand.u32 $0x1FF80, s16  }
0x10f: {  	s16 =	sor.u32 s19, s16  }
0x110: {  	s19 =	sadd.s32 s5, s16  }
0x111: {  	[tilespmem:s12], [sflag:$0x4] =	stream.linear.gather [hbm4b:s19+s2], $0x80, $0x38;
	[tilespmem:$0x1E400] =	vst v63  }
0x112: {  	s16 =	sadd.s32 s6, s16  }
0x113: {  	[tilespmem:s13], [sflag:$0x4] =	stream.linear.gather [hbm4b:s16+s2], $0x80, $0x38;
	[tilespmem:$0x1E400] =	vst v63  }
0x114: {  	_ =	swait.ge [sflag:s21], $0x80  }
0x115: {  	[sflag:s21] =	ssyncset.done $0x0  }
.Ltmp4:
0x116: {  	[sflag:s21] =	ssyncadd.s32 $0xFFFFFF80;
	(pc) =	sbr.rel .LBB2_4-.Ltmp4, $4  }
0x117: {  	_ =	swait.ge [sflag:s21], $0x80  }
0x118: {  	[sflag:s21] =	ssyncset.done $0x0  }
0x119: {  	s24 =	sadd.s32 $0x40, s24;
	[sflag:s21] =	ssyncadd.s32 $0xFFFFFF80  }
0x11a: {  	[tilespmem:s9], [sflag:$0x7] =	stream.indirect.gather [hbm4b:s4+s17], $0x80, s11, s17, $0xb8;
	[tilespmem:$0x1E400] =	vst v63  }
.LBB2_7:
0x11b: {  	_ =	sfence.sel $0x180000  }
0x11c: {  	[bflag:$0x0] =	sbarrier.arrive $0xFFFF  }
0x11d: {  	_ =	strace $0x90000047  }
0x11e: {  	s0 =	stileid.u32;
	[bflag:$0x2] =	sbarrier.arrive $0xFFFF  }
0x11f: {  	p0 =	sne.s32 s0, $0x0;
	s0 =	rddreg [dreg:$0x2]  }
0x120: {  	s0 =	sadd.s32 @!p0 $0x100000, s0  }
0x121: {  	[sflag:s0] =	ssyncadd.tile.s32 @!p0 $0x1;
	_ =	shalt  }
.Lfunc_end2:
_tile_overlayer_lowered:
.L_overlay_start_2:
0x122: {  	(tag) =	ssettag $0x2  }
0x123: {  	s0 =	rddreg [dreg:$0x0];
	s2 =	stileid.u32  }
0x124: {  	s1 =	rddreg [dreg:$0x1];
	p0 =	sne.s32 s2, $0x0  }
0x125: {  	s3 =	rddreg [dreg:$0x2];
	[bflag:$0x3] =	sbarrier.arrive $0xFFFF;
	s2 =	simm.s32 @!p0 $0x1C09  }
0x126: {  	[timem:s3], [sflag:s2] =	dma.local @!p0 [hbm:s0], s1  }
0x127: {  	s0 =	simm.s32 @!p0 $0x9  }
0x128: {  	_ =	swait.ge @!p0 [sflag:s0], s1  }
0x129: {  	s1 =	ssub.s32 @!p0 $0x0, s1;
	[sflag:s0] =	ssyncset.done @!p0 $0x0  }
0x12a: {  	[sflag:s0] =	ssyncadd.s32 @!p0 s1  }
0x12b: {  	[bflag:$0x3] =	sbarrier.arrive $0xFFFF  }
0x12c: {  	_ =	shalt  }

</sc_bundles>
